<compile_context>
chip_gen: v7x
topology: tpu7x:2x2x1
jax: 0.10.2.dev20260603
libtpu: 0.0.44.dev20260713+nightly
codegen_flags: <defaults>
</compile_context>

<pallas_src>
import functools

import jax
import jax.numpy as jnp
from jax import lax
from jax.experimental import pallas as pl
from jax.experimental.pallas import tpu as pltpu
from jax.experimental.pallas import tpu_sc as plsc

_TIME_SCALE = 288.0
_DAY_SCALE = 7.0


@functools.lru_cache(maxsize=None)
def _build_sc_lookup(B, N, D, Vt, Vd):
    info = plsc.get_sparse_core_info()
    NC, NS, L = info.num_cores, info.num_subcores, info.num_lanes
    NW = NC * NS
    assert B % NW == 0 and N % L == 0 and D % L == 0
    RPW = B // NW
    G = N // L

    mesh = plsc.VectorSubcoreMesh(core_axis_name="c", subcore_axis_name="s")

    @functools.partial(
        pl.kernel,
        out_type=(
            jax.ShapeDtypeStruct((B, N * D), jnp.float32),
            jax.ShapeDtypeStruct((B, N * D), jnp.float32),
        ),
        mesh=mesh,
        compiler_params=pltpu.CompilerParams(
            use_tc_tiling_on_sc=False, needs_layout_passes=False),
        scratch_types=[
            pltpu.VMEM((Vt * D,), jnp.float32),
            pltpu.VMEM((Vd * D,), jnp.float32),
            pltpu.VMEM((RPW, 2 * N), jnp.float32),
            pltpu.VMEM((2, N * D), jnp.float32),
            pltpu.VMEM((2, N * D), jnp.float32),
            pltpu.SemaphoreType.DMA,
            pltpu.SemaphoreType.DMA,
        ],
    )
    def k(ch_hbm, ttab_hbm, dtab_hbm, out_t_hbm, out_d_hbm,
          ttab_v, dtab_v, c_v, slab_t, slab_d, osem0, osem1):
        cid = lax.axis_index("c")
        sid = lax.axis_index("s")
        wid = sid * NC + cid
        base = wid * RPW
        lane = lax.iota(jnp.int32, L)
        laneD = lane * D

        pltpu.sync_copy(ttab_hbm, ttab_v)
        pltpu.sync_copy(dtab_hbm, dtab_v)
        pltpu.sync_copy(ch_hbm.at[pl.ds(base, RPW)], c_v)

        def wait_out(buf, row):
            def mk(sem):
                pltpu.make_async_copy(
                    slab_t.at[0], out_t_hbm.at[row], sem).wait()
                pltpu.make_async_copy(
                    slab_d.at[0], out_d_hbm.at[row], sem).wait()

            @pl.when(buf == 0)
            def _():
                mk(osem0)

            @pl.when(buf == 1)
            def _():
                mk(osem1)

        def issue_out(buf, row):
            def issue(sem):
                pltpu.async_copy(slab_t.at[buf], out_t_hbm.at[row], sem)
                pltpu.async_copy(slab_d.at[buf], out_d_hbm.at[row], sem)

            @pl.when(buf == 0)
            def _():
                issue(osem0)

            @pl.when(buf == 1)
            def _():
                issue(osem1)

        def body(i, carry):
            buf = lax.rem(i, 2)
            b = base + i

            @pl.when(i >= 2)
            def _():
                wait_out(buf, b - 2)

            st = slab_t.at[buf]
            sd = slab_d.at[buf]

            @plsc.parallel_loop(0, G)
            def group_body(g):
                off = g * L
                v1 = c_v[i, pl.ds(off, L)]
                v2 = c_v[i, pl.ds(N + off, L)]
                ti = (v1 * _TIME_SCALE).astype(jnp.int32) * D
                di = (v2 * _DAY_SCALE).astype(jnp.int32) * D
                n32 = laneD + off * D
                for d in range(D):
                    dd = (lane + d) & (D - 1)
                    tv = plsc.load_gather(ttab_v, [ti + dd])
                    plsc.store_scatter(st, [n32 + dd], tv)
                    dv = plsc.load_gather(dtab_v, [di + dd])
                    plsc.store_scatter(sd, [n32 + dd], dv)

            issue_out(buf, b)
            return carry

        lax.fori_loop(0, RPW, body, 0)
        wait_out(jnp.int32(0), base + RPW - 2)
        wait_out(jnp.int32(1), base + RPW - 1)

    return k


def kernel(history_data, time_in_day_emb, day_in_week_emb):
    B, T, N, C = history_data.shape
    Vt, D = time_in_day_emb.shape
    Vd, _ = day_in_week_emb.shape
    ch = jnp.concatenate(
        [history_data[:, -1, :, 1], history_data[:, -1, :, 2]], axis=1)
    k = _build_sc_lookup(B, N, D, Vt, Vd)
    out_t, out_d = k(ch, time_in_day_emb.reshape(-1),
                     day_in_week_emb.reshape(-1))
    return (out_t.reshape(B, N, D), out_d.reshape(B, N, D))

# --- scband reference (transcript-rebuilt; emitter-appended) ---
"""Pipeline reference for scband-time-embedding-8409545966125 (READ-ONLY COPY).

The authoritative reference and input builder live on the scoring server;
editing this copy changes nothing except your own understanding.
"""

import jax, jax.numpy as jnp
import numpy as np

TIME_OF_DAY_SIZE = 288
DAY_OF_WEEK_SIZE = 7
TEMP_DIM_TID = 32
TEMP_DIM_DIW = 32


def _xavier_uniform(key, shape):
    fan_in, fan_out = shape[0], shape[1]
    bound = float(np.sqrt(6.0 / (fan_in + fan_out)))
    return jax.random.uniform(key, shape, dtype=jnp.float32, minval=-bound, maxval=bound)


def setup_inputs(seed: int = 0) -> dict:
    key = jax.random.key(seed)
    k1, k2, k3 = jax.random.split(key, 3)
    history_data = jax.random.uniform(k1, (1024, 12, 512, 3), dtype=jnp.float32)
    time_in_day_emb = _xavier_uniform(k2, (TIME_OF_DAY_SIZE, TEMP_DIM_TID))
    day_in_week_emb = _xavier_uniform(k3, (DAY_OF_WEEK_SIZE, TEMP_DIM_DIW))
    return {
        "history_data": history_data,
        "time_in_day_emb": time_in_day_emb,
        "day_in_week_emb": day_in_week_emb,
    }


def reference(history_data, time_in_day_emb, day_in_week_emb):
    # time-in-day lookup: scale normalized channel 1 by table size, take last timestep
    t_i_d_data = history_data[..., 1] * TIME_OF_DAY_SIZE
    tid_idx = t_i_d_data[:, -1, :].astype(jnp.int32)  # [B, N]
    tid_emb = jnp.take(time_in_day_emb, tid_idx, axis=0)  # [B, N, temp_dim_tid]

    # day-in-week lookup: scale normalized channel 2 by table size, take last timestep
    d_i_w_data = history_data[..., 2] * DAY_OF_WEEK_SIZE
    diw_idx = d_i_w_data[:, -1, :].astype(jnp.int32)  # [B, N]
    diw_emb = jnp.take(day_in_week_emb, diw_idx, axis=0)  # [B, N, temp_dim_diw]

    return (tid_emb, diw_emb)

if __name__ == "__main__":
    import jax
    _d = setup_inputs()
    print(jax.jit(kernel)(*tuple(_d.values())))

</pallas_src>

<mosaic_0001>
#map = affine_map<(d0, d1) -> (0, 0)>
#map1 = affine_map<(d0, d1) -> (0)>
module attributes {stable_mosaic.version = 14 : i64} {
  func.func @k(%arg0: i32, %arg1: i32, %arg2: memref<1024x1024xf32, #tpu.memory_space<hbm>>, %arg3: memref<9216xf32, #tpu.memory_space<hbm>>, %arg4: memref<224xf32, #tpu.memory_space<hbm>>, %arg5: memref<1024x16384xf32, #tpu.memory_space<hbm>>, %arg6: memref<1024x16384xf32, #tpu.memory_space<hbm>>, %arg7: memref<9216xf32, #tpu.memory_space<vmem>>, %arg8: memref<224xf32, #tpu.memory_space<vmem>>, %arg9: memref<32x1024xf32, #tpu.memory_space<vmem>>, %arg10: memref<2x16384xf32, #tpu.memory_space<vmem>>, %arg11: memref<2x16384xf32, #tpu.memory_space<vmem>>, %arg12: memref<!tpu.dma_semaphore, #tpu.memory_space<semaphore_mem>>, %arg13: memref<!tpu.dma_semaphore, #tpu.memory_space<semaphore_mem>>) attributes {dimension_semantics = [#tpu.dimension_semantics<core_parallel>, #tpu.dimension_semantics<subcore_parallel>], iteration_bounds = array<i64: 2, 16>, scalar_prefetch = 0 : i64, scratch_operands = 7 : i64, tpu.core_type = #tpu.core_type<sc_vector_subcore>, window_params = [{transform_indices = #map}, {transform_indices = #map1}, {transform_indices = #map1}, {transform_indices = #map}, {transform_indices = #map}]} {
    %mul3A = arith.constant 2 : i32
    %mul3A_0 = arith.muli %arg1, %mul3A : i32
    %add3A = arith.addi %mul3A_0, %arg0 : i32
    %mul3A_1 = arith.constant 32 : i32
    %mul3A_2 = arith.muli %add3A, %mul3A_1 : i32
    %iota3A = tpu.iota {dimensions = array<i32: 0>} : vector<16xi32>
    %mul3A_3 = arith.constant 32 : i32
    %mul3A_4 = vector.broadcast %mul3A_3 : i32 to vector<16xi32>
    %mul3A_5 = arith.muli %iota3A, %mul3A_4 : vector<16xi32>
    "tpu.region"() ({
      %run_scoped3A = tpu.sem_alloc : memref<!tpu.dma_semaphore, #tpu.memory_space<semaphore_mem>>
      tpu.enqueue_dma source(%arg3 : memref<9216xf32, #tpu.memory_space<hbm>>) target(%arg7 : memref<9216xf32, #tpu.memory_space<vmem>>) target_semaphore(%run_scoped3A : memref<!tpu.dma_semaphore, #tpu.memory_space<semaphore_mem>>)
      tpu.wait_dma2 semaphore(%run_scoped3A : memref<!tpu.dma_semaphore, #tpu.memory_space<semaphore_mem>>) src(%arg3 : memref<9216xf32, #tpu.memory_space<hbm>>) dst(%arg7 : memref<9216xf32, #tpu.memory_space<vmem>>)
      tpu.yield
    }) : () -> ()
    "tpu.region"() ({
      %run_scoped3A = tpu.sem_alloc : memref<!tpu.dma_semaphore, #tpu.memory_space<semaphore_mem>>
      tpu.enqueue_dma source(%arg4 : memref<224xf32, #tpu.memory_space<hbm>>) target(%arg8 : memref<224xf32, #tpu.memory_space<vmem>>) target_semaphore(%run_scoped3A : memref<!tpu.dma_semaphore, #tpu.memory_space<semaphore_mem>>)
      tpu.wait_dma2 semaphore(%run_scoped3A : memref<!tpu.dma_semaphore, #tpu.memory_space<semaphore_mem>>) src(%arg4 : memref<224xf32, #tpu.memory_space<hbm>>) dst(%arg8 : memref<224xf32, #tpu.memory_space<vmem>>)
      tpu.yield
    }) : () -> ()
    "tpu.region"() ({
      %run_scoped3A = tpu.sem_alloc : memref<!tpu.dma_semaphore, #tpu.memory_space<semaphore_mem>>
      %dma_start3A = arith.constant 0 : i32
      %dma_start3A_39 = tpu.memref_slice %arg2[%mul3A_2, %dma_start3A] : memref<1024x1024xf32, #tpu.memory_space<hbm>> -> memref<32x1024xf32, #tpu.memory_space<hbm>>
      %dma_start3A_40 = arith.constant 0 : i32
      %dma_start3A_41 = tpu.memref_slice %arg2[%mul3A_2, %dma_start3A_40] : memref<1024x1024xf32, #tpu.memory_space<hbm>> -> memref<32x1024xf32, #tpu.memory_space<hbm>>
      tpu.enqueue_dma source(%dma_start3A_41 : memref<32x1024xf32, #tpu.memory_space<hbm>>) target(%arg9 : memref<32x1024xf32, #tpu.memory_space<vmem>>) target_semaphore(%run_scoped3A : memref<!tpu.dma_semaphore, #tpu.memory_space<semaphore_mem>>)
      %dma_wait3A = arith.constant 0 : i32
      %dma_wait3A_42 = tpu.memref_slice %arg2[%mul3A_2, %dma_wait3A] : memref<1024x1024xf32, #tpu.memory_space<hbm>> -> memref<32x1024xf32, #tpu.memory_space<hbm>>
      %dma_wait3A_43 = arith.constant 0 : i32
      %dma_wait3A_44 = tpu.memref_slice %arg2[%mul3A_2, %dma_wait3A_43] : memref<1024x1024xf32, #tpu.memory_space<hbm>> -> memref<32x1024xf32, #tpu.memory_space<hbm>>
      tpu.wait_dma2 semaphore(%run_scoped3A : memref<!tpu.dma_semaphore, #tpu.memory_space<semaphore_mem>>) src(%dma_wait3A_44 : memref<32x1024xf32, #tpu.memory_space<hbm>>) dst(%arg9 : memref<32x1024xf32, #tpu.memory_space<vmem>>)
      tpu.yield
    }) : () -> ()
    %scan3A = arith.constant 0 : i32
    %scan3A_6 = arith.constant 0 : i32
    %scan3A_7 = arith.constant 32 : i32
    %scan3A_8 = arith.addi %scan3A_6, %scan3A_7 : i32
    %scan3A_9 = arith.constant 1 : i32
    scf.for %scan3A_39 = %scan3A_6 to %scan3A_8 step %scan3A_9  : i32 {
      %rem3A = arith.constant 2 : i32
      %rem3A_40 = arith.remsi %scan3A_39, %rem3A : i32
      %add3A_41 = arith.addi %mul3A_2, %scan3A_39 : i32
      %ge3A = arith.constant 2 : i32
      %ge3A_42 = arith.cmpi sge, %scan3A_39, %ge3A : i32
      %convert_element_type3A_43 = arith.extui %ge3A_42 : i1 to i32
      %cond3A_44 = arith.constant 0 : i32
      %cond3A_45 = arith.cmpi ne, %convert_element_type3A_43, %cond3A_44 : i32
      scf.if %cond3A_45 {
        %sub3A_58 = arith.constant 2 : i32
        %sub3A_59 = arith.subi %add3A_41, %sub3A_58 : i32
        %eq3A_60 = arith.constant 0 : i32
        %eq3A_61 = arith.cmpi eq, %rem3A_40, %eq3A_60 : i32
        %convert_element_type3A_62 = arith.extui %eq3A_61 : i1 to i32
        %cond3A_63 = arith.constant 0 : i32
        %cond3A_64 = arith.cmpi ne, %convert_element_type3A_62, %cond3A_63 : i32
        scf.if %cond3A_64 {
          %dma_wait3A = arith.constant 0 : i32
          %dma_wait3A_70 = arith.constant 0 : i32
          %dma_wait3A_71 = tpu.memref_slice %arg10[%dma_wait3A, %dma_wait3A_70] : memref<2x16384xf32, #tpu.memory_space<vmem>> -> memref<1x16384xf32, #tpu.memory_space<vmem>>
          %dma_wait3A_72 = tpu.memref_squeeze %dma_wait3A_71 : memref<1x16384xf32, #tpu.memory_space<vmem>> -> memref<16384xf32, #tpu.memory_space<vmem>>
          %dma_wait3A_73 = arith.constant 0 : i32
          %dma_wait3A_74 = tpu.memref_slice %arg5[%sub3A_59, %dma_wait3A_73] : memref<1024x16384xf32, #tpu.memory_space<hbm>> -> memref<1x16384xf32, #tpu.memory_space<hbm>>
          %dma_wait3A_75 = tpu.memref_squeeze %dma_wait3A_74 : memref<1x16384xf32, #tpu.memory_space<hbm>> -> memref<16384xf32, #tpu.memory_space<hbm>>
          %dma_wait3A_76 = arith.constant 0 : i32
          %dma_wait3A_77 = tpu.memref_slice %arg5[%sub3A_59, %dma_wait3A_76] : memref<1024x16384xf32, #tpu.memory_space<hbm>> -> memref<1x16384xf32, #tpu.memory_space<hbm>>
          %dma_wait3A_78 = tpu.memref_squeeze %dma_wait3A_77 : memref<1x16384xf32, #tpu.memory_space<hbm>> -> memref<16384xf32, #tpu.memory_space<hbm>>
          %dma_wait3A_79 = arith.constant 0 : i32
          %dma_wait3A_80 = tpu.memref_slice %arg10[%dma_wait3A, %dma_wait3A_79] : memref<2x16384xf32, #tpu.memory_space<vmem>> -> memref<1x16384xf32, #tpu.memory_space<vmem>>
          %dma_wait3A_81 = tpu.memref_squeeze %dma_wait3A_80 : memref<1x16384xf32, #tpu.memory_space<vmem>> -> memref<16384xf32, #tpu.memory_space<vmem>>
          tpu.wait_dma2 semaphore(%arg12 : memref<!tpu.dma_semaphore, #tpu.memory_space<semaphore_mem>>) src(%dma_wait3A_81 : memref<16384xf32, #tpu.memory_space<vmem>>) dst(%dma_wait3A_78 : memref<16384xf32, #tpu.memory_space<hbm>>)
          %dma_wait3A_82 = arith.constant 0 : i32
          %dma_wait3A_83 = arith.constant 0 : i32
          %dma_wait3A_84 = tpu.memref_slice %arg11[%dma_wait3A_82, %dma_wait3A_83] : memref<2x16384xf32, #tpu.memory_space<vmem>> -> memref<1x16384xf32, #tpu.memory_space<vmem>>
          %dma_wait3A_85 = tpu.memref_squeeze %dma_wait3A_84 : memref<1x16384xf32, #tpu.memory_space<vmem>> -> memref<16384xf32, #tpu.memory_space<vmem>>
          %dma_wait3A_86 = arith.constant 0 : i32
          %dma_wait3A_87 = tpu.memref_slice %arg6[%sub3A_59, %dma_wait3A_86] : memref<1024x16384xf32, #tpu.memory_space<hbm>> -> memref<1x16384xf32, #tpu.memory_space<hbm>>
          %dma_wait3A_88 = tpu.memref_squeeze %dma_wait3A_87 : memref<1x16384xf32, #tpu.memory_space<hbm>> -> memref<16384xf32, #tpu.memory_space<hbm>>
          %dma_wait3A_89 = arith.constant 0 : i32
          %dma_wait3A_90 = tpu.memref_slice %arg6[%sub3A_59, %dma_wait3A_89] : memref<1024x16384xf32, #tpu.memory_space<hbm>> -> memref<1x16384xf32, #tpu.memory_space<hbm>>
          %dma_wait3A_91 = tpu.memref_squeeze %dma_wait3A_90 : memref<1x16384xf32, #tpu.memory_space<hbm>> -> memref<16384xf32, #tpu.memory_space<hbm>>
          %dma_wait3A_92 = arith.constant 0 : i32
          %dma_wait3A_93 = tpu.memref_slice %arg11[%dma_wait3A_82, %dma_wait3A_92] : memref<2x16384xf32, #tpu.memory_space<vmem>> -> memref<1x16384xf32, #tpu.memory_space<vmem>>
          %dma_wait3A_94 = tpu.memref_squeeze %dma_wait3A_93 : memref<1x16384xf32, #tpu.memory_space<vmem>> -> memref<16384xf32, #tpu.memory_space<vmem>>
          tpu.wait_dma2 semaphore(%arg12 : memref<!tpu.dma_semaphore, #tpu.memory_space<semaphore_mem>>) src(%dma_wait3A_94 : memref<16384xf32, #tpu.memory_space<vmem>>) dst(%dma_wait3A_91 : memref<16384xf32, #tpu.memory_space<hbm>>)
        } else {
        }
        %eq3A_65 = arith.constant 1 : i32
        %eq3A_66 = arith.cmpi eq, %rem3A_40, %eq3A_65 : i32
        %convert_element_type3A_67 = arith.extui %eq3A_66 : i1 to i32
        %cond3A_68 = arith.constant 0 : i32
        %cond3A_69 = arith.cmpi ne, %convert_element_type3A_67, %cond3A_68 : i32
        scf.if %cond3A_69 {
          %dma_wait3A = arith.constant 0 : i32
          %dma_wait3A_70 = arith.constant 0 : i32
          %dma_wait3A_71 = tpu.memref_slice %arg10[%dma_wait3A, %dma_wait3A_70] : memref<2x16384xf32, #tpu.memory_space<vmem>> -> memref<1x16384xf32, #tpu.memory_space<vmem>>
          %dma_wait3A_72 = tpu.memref_squeeze %dma_wait3A_71 : memref<1x16384xf32, #tpu.memory_space<vmem>> -> memref<16384xf32, #tpu.memory_space<vmem>>
          %dma_wait3A_73 = arith.constant 0 : i32
          %dma_wait3A_74 = tpu.memref_slice %arg5[%sub3A_59, %dma_wait3A_73] : memref<1024x16384xf32, #tpu.memory_space<hbm>> -> memref<1x16384xf32, #tpu.memory_space<hbm>>
          %dma_wait3A_75 = tpu.memref_squeeze %dma_wait3A_74 : memref<1x16384xf32, #tpu.memory_space<hbm>> -> memref<16384xf32, #tpu.memory_space<hbm>>
          %dma_wait3A_76 = arith.constant 0 : i32
          %dma_wait3A_77 = tpu.memref_slice %arg5[%sub3A_59, %dma_wait3A_76] : memref<1024x16384xf32, #tpu.memory_space<hbm>> -> memref<1x16384xf32, #tpu.memory_space<hbm>>
          %dma_wait3A_78 = tpu.memref_squeeze %dma_wait3A_77 : memref<1x16384xf32, #tpu.memory_space<hbm>> -> memref<16384xf32, #tpu.memory_space<hbm>>
          %dma_wait3A_79 = arith.constant 0 : i32
          %dma_wait3A_80 = tpu.memref_slice %arg10[%dma_wait3A, %dma_wait3A_79] : memref<2x16384xf32, #tpu.memory_space<vmem>> -> memref<1x16384xf32, #tpu.memory_space<vmem>>
          %dma_wait3A_81 = tpu.memref_squeeze %dma_wait3A_80 : memref<1x16384xf32, #tpu.memory_space<vmem>> -> memref<16384xf32, #tpu.memory_space<vmem>>
          tpu.wait_dma2 semaphore(%arg13 : memref<!tpu.dma_semaphore, #tpu.memory_space<semaphore_mem>>) src(%dma_wait3A_81 : memref<16384xf32, #tpu.memory_space<vmem>>) dst(%dma_wait3A_78 : memref<16384xf32, #tpu.memory_space<hbm>>)
          %dma_wait3A_82 = arith.constant 0 : i32
          %dma_wait3A_83 = arith.constant 0 : i32
          %dma_wait3A_84 = tpu.memref_slice %arg11[%dma_wait3A_82, %dma_wait3A_83] : memref<2x16384xf32, #tpu.memory_space<vmem>> -> memref<1x16384xf32, #tpu.memory_space<vmem>>
          %dma_wait3A_85 = tpu.memref_squeeze %dma_wait3A_84 : memref<1x16384xf32, #tpu.memory_space<vmem>> -> memref<16384xf32, #tpu.memory_space<vmem>>
          %dma_wait3A_86 = arith.constant 0 : i32
          %dma_wait3A_87 = tpu.memref_slice %arg6[%sub3A_59, %dma_wait3A_86] : memref<1024x16384xf32, #tpu.memory_space<hbm>> -> memref<1x16384xf32, #tpu.memory_space<hbm>>
          %dma_wait3A_88 = tpu.memref_squeeze %dma_wait3A_87 : memref<1x16384xf32, #tpu.memory_space<hbm>> -> memref<16384xf32, #tpu.memory_space<hbm>>
          %dma_wait3A_89 = arith.constant 0 : i32
          %dma_wait3A_90 = tpu.memref_slice %arg6[%sub3A_59, %dma_wait3A_89] : memref<1024x16384xf32, #tpu.memory_space<hbm>> -> memref<1x16384xf32, #tpu.memory_space<hbm>>
          %dma_wait3A_91 = tpu.memref_squeeze %dma_wait3A_90 : memref<1x16384xf32, #tpu.memory_space<hbm>> -> memref<16384xf32, #tpu.memory_space<hbm>>
          %dma_wait3A_92 = arith.constant 0 : i32
          %dma_wait3A_93 = tpu.memref_slice %arg11[%dma_wait3A_82, %dma_wait3A_92] : memref<2x16384xf32, #tpu.memory_space<vmem>> -> memref<1x16384xf32, #tpu.memory_space<vmem>>
          %dma_wait3A_94 = tpu.memref_squeeze %dma_wait3A_93 : memref<1x16384xf32, #tpu.memory_space<vmem>> -> memref<16384xf32, #tpu.memory_space<vmem>>
          tpu.wait_dma2 semaphore(%arg13 : memref<!tpu.dma_semaphore, #tpu.memory_space<semaphore_mem>>) src(%dma_wait3A_94 : memref<16384xf32, #tpu.memory_space<vmem>>) dst(%dma_wait3A_91 : memref<16384xf32, #tpu.memory_space<hbm>>)
        } else {
        }
      } else {
      }
      %parallel_loop3A = arith.constant 0 : i32
      %parallel_loop3A_46 = arith.constant 32 : i32
      %parallel_loop3A_47 = arith.constant 1 : i32
      scf.for %parallel_loop3A_58 = %parallel_loop3A to %parallel_loop3A_46 step %parallel_loop3A_47  : i32 {
        %parallel_loop3A_59 = arith.constant 16 : i32
        %parallel_loop3A_60 = arith.muli %parallel_loop3A_58, %parallel_loop3A_59 : i32
        %parallel_loop3A_61 = arith.index_cast %scan3A_39 : i32 to index
        %parallel_loop3A_62 = arith.index_cast %parallel_loop3A_60 : i32 to index
        %parallel_loop3A_63 = tpu.vector_load %arg9[%parallel_loop3A_61, %parallel_loop3A_62] {strides = array<i32>} : memref<32x1024xf32, #tpu.memory_space<vmem>>, vector<16xf32>,
        %parallel_loop3A_64 = arith.constant 512 : i32
        %parallel_loop3A_65 = arith.addi %parallel_loop3A_64, %parallel_loop3A_60 : i32
        %parallel_loop3A_66 = arith.index_cast %scan3A_39 : i32 to index
        %parallel_loop3A_67 = arith.index_cast %parallel_loop3A_65 : i32 to index
        %parallel_loop3A_68 = tpu.vector_load %arg9[%parallel_loop3A_66, %parallel_loop3A_67] {strides = array<i32>} : memref<32x1024xf32, #tpu.memory_space<vmem>>, vector<16xf32>,
        %parallel_loop3A_69 = arith.constant 2.880000e+02 : f32
        %parallel_loop3A_70 = vector.broadcast %parallel_loop3A_69 : f32 to vector<16xf32>
        %parallel_loop3A_71 = arith.mulf %parallel_loop3A_63, %parallel_loop3A_70 : vector<16xf32>
        %parallel_loop3A_72 = arith.fptosi %parallel_loop3A_71 : vector<16xf32> to vector<16xi32>
        %parallel_loop3A_73 = arith.constant 32 : i32
        %parallel_loop3A_74 = vector.broadcast %parallel_loop3A_73 : i32 to vector<16xi32>
        %parallel_loop3A_75 = arith.muli %parallel_loop3A_72, %parallel_loop3A_74 : vector<16xi32>
        %parallel_loop3A_76 = arith.constant 7.000000e+00 : f32
        %parallel_loop3A_77 = vector.broadcast %parallel_loop3A_76 : f32 to vector<16xf32>
        %parallel_loop3A_78 = arith.mulf %parallel_loop3A_68, %parallel_loop3A_77 : vector<16xf32>
        %parallel_loop3A_79 = arith.fptosi %parallel_loop3A_78 : vector<16xf32> to vector<16xi32>
        %parallel_loop3A_80 = arith.constant 32 : i32
        %parallel_loop3A_81 = vector.broadcast %parallel_loop3A_80 : i32 to vector<16xi32>
        %parallel_loop3A_82 = arith.muli %parallel_loop3A_79, %parallel_loop3A_81 : vector<16xi32>
        %parallel_loop3A_83 = arith.constant 32 : i32
        %parallel_loop3A_84 = arith.muli %parallel_loop3A_60, %parallel_loop3A_83 : i32
        %parallel_loop3A_85 = vector.broadcast %parallel_loop3A_84 : i32 to vector<16xi32>
        %parallel_loop3A_86 = arith.addi %mul3A_5, %parallel_loop3A_85 : vector<16xi32>
        %parallel_loop3A_87 = arith.constant 0 : i32
        %parallel_loop3A_88 = vector.broadcast %parallel_loop3A_87 : i32 to vector<16xi32>
        %parallel_loop3A_89 = arith.addi %iota3A, %parallel_loop3A_88 : vector<16xi32>
        %parallel_loop3A_90 = arith.constant 31 : i32
        %parallel_loop3A_91 = vector.broadcast %parallel_loop3A_90 : i32 to vector<16xi32>
        %parallel_loop3A_92 = arith.andi %parallel_loop3A_89, %parallel_loop3A_91 : vector<16xi32>
        %parallel_loop3A_93 = arith.addi %parallel_loop3A_75, %parallel_loop3A_92 : vector<16xi32>
        %parallel_loop3A_94 = tpu.vector_load_idx %arg7[%parallel_loop3A_93] : memref<9216xf32, #tpu.memory_space<vmem>>[vector<16xi32>], vector<16xf32>,
        %parallel_loop3A_95 = arith.addi %parallel_loop3A_86, %parallel_loop3A_92 : vector<16xi32>
        %parallel_loop3A_96 = arith.constant 0 : i32
        %parallel_loop3A_97 = tpu.memref_slice %arg10[%rem3A_40, %parallel_loop3A_96] : memref<2x16384xf32, #tpu.memory_space<vmem>> -> memref<1x16384xf32, #tpu.memory_space<vmem>>
        %parallel_loop3A_98 = tpu.memref_squeeze %parallel_loop3A_97 : memref<1x16384xf32, #tpu.memory_space<vmem>> -> memref<16384xf32, #tpu.memory_space<vmem>>
        tpu.vector_store_idx %parallel_loop3A_98[%parallel_loop3A_95], %parallel_loop3A_94 : memref<16384xf32, #tpu.memory_space<vmem>>[vector<16xi32>], vector<16xf32>,
        %parallel_loop3A_99 = arith.addi %parallel_loop3A_82, %parallel_loop3A_92 : vector<16xi32>
        %parallel_loop3A_100 = tpu.vector_load_idx %arg8[%parallel_loop3A_99] : memref<224xf32, #tpu.memory_space<vmem>>[vector<16xi32>], vector<16xf32>,
        %parallel_loop3A_101 = arith.addi %parallel_loop3A_86, %parallel_loop3A_92 : vector<16xi32>
        %parallel_loop3A_102 = arith.constant 0 : i32
        %parallel_loop3A_103 = tpu.memref_slice %arg11[%rem3A_40, %parallel_loop3A_102] : memref<2x16384xf32, #tpu.memory_space<vmem>> -> memref<1x16384xf32, #tpu.memory_space<vmem>>
        %parallel_loop3A_104 = tpu.memref_squeeze %parallel_loop3A_103 : memref<1x16384xf32, #tpu.memory_space<vmem>> -> memref<16384xf32, #tpu.memory_space<vmem>>
        tpu.vector_store_idx %parallel_loop3A_104[%parallel_loop3A_101], %parallel_loop3A_100 : memref<16384xf32, #tpu.memory_space<vmem>>[vector<16xi32>], vector<16xf32>,
        %parallel_loop3A_105 = arith.constant 1 : i32
        %parallel_loop3A_106 = vector.broadcast %parallel_loop3A_105 : i32 to vector<16xi32>
        %parallel_loop3A_107 = arith.addi %iota3A, %parallel_loop3A_106 : vector<16xi32>
        %parallel_loop3A_108 = arith.constant 31 : i32
        %parallel_loop3A_109 = vector.broadcast %parallel_loop3A_108 : i32 to vector<16xi32>
        %parallel_loop3A_110 = arith.andi %parallel_loop3A_107, %parallel_loop3A_109 : vector<16xi32>
        %parallel_loop3A_111 = arith.addi %parallel_loop3A_75, %parallel_loop3A_110 : vector<16xi32>
        %parallel_loop3A_112 = tpu.vector_load_idx %arg7[%parallel_loop3A_111] : memref<9216xf32, #tpu.memory_space<vmem>>[vector<16xi32>], vector<16xf32>,
        %parallel_loop3A_113 = arith.addi %parallel_loop3A_86, %parallel_loop3A_110 : vector<16xi32>
        %parallel_loop3A_114 = arith.constant 0 : i32
        %parallel_loop3A_115 = tpu.memref_slice %arg10[%rem3A_40, %parallel_loop3A_114] : memref<2x16384xf32, #tpu.memory_space<vmem>> -> memref<1x16384xf32, #tpu.memory_space<vmem>>
        %parallel_loop3A_116 = tpu.memref_squeeze %parallel_loop3A_115 : memref<1x16384xf32, #tpu.memory_space<vmem>> -> memref<16384xf32, #tpu.memory_space<vmem>>
        tpu.vector_store_idx %parallel_loop3A_116[%parallel_loop3A_113], %parallel_loop3A_112 : memref<16384xf32, #tpu.memory_space<vmem>>[vector<16xi32>], vector<16xf32>,
        %parallel_loop3A_117 = arith.addi %parallel_loop3A_82, %parallel_loop3A_110 : vector<16xi32>
        %parallel_loop3A_118 = tpu.vector_load_idx %arg8[%parallel_loop3A_117] : memref<224xf32, #tpu.memory_space<vmem>>[vector<16xi32>], vector<16xf32>,
        %parallel_loop3A_119 = arith.addi %parallel_loop3A_86, %parallel_loop3A_110 : vector<16xi32>
        %parallel_loop3A_120 = arith.constant 0 : i32
        %parallel_loop3A_121 = tpu.memref_slice %arg11[%rem3A_40, %parallel_loop3A_120] : memref<2x16384xf32, #tpu.memory_space<vmem>> -> memref<1x16384xf32, #tpu.memory_space<vmem>>
        %parallel_loop3A_122 = tpu.memref_squeeze %parallel_loop3A_121 : memref<1x16384xf32, #tpu.memory_space<vmem>> -> memref<16384xf32, #tpu.memory_space<vmem>>
        tpu.vector_store_idx %parallel_loop3A_122[%parallel_loop3A_119], %parallel_loop3A_118 : memref<16384xf32, #tpu.memory_space<vmem>>[vector<16xi32>], vector<16xf32>,
        %parallel_loop3A_123 = arith.constant 2 : i32
        %parallel_loop3A_124 = vector.broadcast %parallel_loop3A_123 : i32 to vector<16xi32>
        %parallel_loop3A_125 = arith.addi %iota3A, %parallel_loop3A_124 : vector<16xi32>
        %parallel_loop3A_126 = arith.constant 31 : i32
        %parallel_loop3A_127 = vector.broadcast %parallel_loop3A_126 : i32 to vector<16xi32>
        %parallel_loop3A_128 = arith.andi %parallel_loop3A_125, %parallel_loop3A_127 : vector<16xi32>
        %parallel_loop3A_129 = arith.addi %parallel_loop3A_75, %parallel_loop3A_128 : vector<16xi32>
        %parallel_loop3A_130 = tpu.vector_load_idx %arg7[%parallel_loop3A_129] : memref<9216xf32, #tpu.memory_space<vmem>>[vector<16xi32>], vector<16xf32>,
        %parallel_loop3A_131 = arith.addi %parallel_loop3A_86, %parallel_loop3A_128 : vector<16xi32>
        %parallel_loop3A_132 = arith.constant 0 : i32
        %parallel_loop3A_133 = tpu.memref_slice %arg10[%rem3A_40, %parallel_loop3A_132] : memref<2x16384xf32, #tpu.memory_space<vmem>> -> memref<1x16384xf32, #tpu.memory_space<vmem>>
        %parallel_loop3A_134 = tpu.memref_squeeze %parallel_loop3A_133 : memref<1x16384xf32, #tpu.memory_space<vmem>> -> memref<16384xf32, #tpu.memory_space<vmem>>
        tpu.vector_store_idx %parallel_loop3A_134[%parallel_loop3A_131], %parallel_loop3A_130 : memref<16384xf32, #tpu.memory_space<vmem>>[vector<16xi32>], vector<16xf32>,
        %parallel_loop3A_135 = arith.addi %parallel_loop3A_82, %parallel_loop3A_128 : vector<16xi32>
        %parallel_loop3A_136 = tpu.vector_load_idx %arg8[%parallel_loop3A_135] : memref<224xf32, #tpu.memory_space<vmem>>[vector<16xi32>], vector<16xf32>,
        %parallel_loop3A_137 = arith.addi %parallel_loop3A_86, %parallel_loop3A_128 : vector<16xi32>
        %parallel_loop3A_138 = arith.constant 0 : i32
        %parallel_loop3A_139 = tpu.memref_slice %arg11[%rem3A_40, %parallel_loop3A_138] : memref<2x16384xf32, #tpu.memory_space<vmem>> -> memref<1x16384xf32, #tpu.memory_space<vmem>>
        %parallel_loop3A_140 = tpu.memref_squeeze %parallel_loop3A_139 : memref<1x16384xf32, #tpu.memory_space<vmem>> -> memref<16384xf32, #tpu.memory_space<vmem>>
        tpu.vector_store_idx %parallel_loop3A_140[%parallel_loop3A_137], %parallel_loop3A_136 : memref<16384xf32, #tpu.memory_space<vmem>>[vector<16xi32>], vector<16xf32>,
        %parallel_loop3A_141 = arith.constant 3 : i32
        %parallel_loop3A_142 = vector.broadcast %parallel_loop3A_141 : i32 to vector<16xi32>
        %parallel_loop3A_143 = arith.addi %iota3A, %parallel_loop3A_142 : vector<16xi32>
        %parallel_loop3A_144 = arith.constant 31 : i32
        %parallel_loop3A_145 = vector.broadcast %parallel_loop3A_144 : i32 to vector<16xi32>
        %parallel_loop3A_146 = arith.andi %parallel_loop3A_143, %parallel_loop3A_145 : vector<16xi32>
        %parallel_loop3A_147 = arith.addi %parallel_loop3A_75, %parallel_loop3A_146 : vector<16xi32>
        %parallel_loop3A_148 = tpu.vector_load_idx %arg7[%parallel_loop3A_147] : memref<9216xf32, #tpu.memory_space<vmem>>[vector<16xi32>], vector<16xf32>,
        %parallel_loop3A_149 = arith.addi %parallel_loop3A_86, %parallel_loop3A_146 : vector<16xi32>
        %parallel_loop3A_150 = arith.constant 0 : i32
        %parallel_loop3A_151 = tpu.memref_slice %arg10[%rem3A_40, %parallel_loop3A_150] : memref<2x16384xf32, #tpu.memory_space<vmem>> -> memref<1x16384xf32, #tpu.memory_space<vmem>>
        %parallel_loop3A_152 = tpu.memref_squeeze %parallel_loop3A_151 : memref<1x16384xf32, #tpu.memory_space<vmem>> -> memref<16384xf32, #tpu.memory_space<vmem>>
        tpu.vector_store_idx %parallel_loop3A_152[%parallel_loop3A_149], %parallel_loop3A_148 : memref<16384xf32, #tpu.memory_space<vmem>>[vector<16xi32>], vector<16xf32>,
        %parallel_loop3A_153 = arith.addi %parallel_loop3A_82, %parallel_loop3A_146 : vector<16xi32>
        %parallel_loop3A_154 = tpu.vector_load_idx %arg8[%parallel_loop3A_153] : memref<224xf32, #tpu.memory_space<vmem>>[vector<16xi32>], vector<16xf32>,
        %parallel_loop3A_155 = arith.addi %parallel_loop3A_86, %parallel_loop3A_146 : vector<16xi32>
        %parallel_loop3A_156 = arith.constant 0 : i32
        %parallel_loop3A_157 = tpu.memref_slice %arg11[%rem3A_40, %parallel_loop3A_156] : memref<2x16384xf32, #tpu.memory_space<vmem>> -> memref<1x16384xf32, #tpu.memory_space<vmem>>
        %parallel_loop3A_158 = tpu.memref_squeeze %parallel_loop3A_157 : memref<1x16384xf32, #tpu.memory_space<vmem>> -> memref<16384xf32, #tpu.memory_space<vmem>>
        tpu.vector_store_idx %parallel_loop3A_158[%parallel_loop3A_155], %parallel_loop3A_154 : memref<16384xf32, #tpu.memory_space<vmem>>[vector<16xi32>], vector<16xf32>,
        %parallel_loop3A_159 = arith.constant 4 : i32
        %parallel_loop3A_160 = vector.broadcast %parallel_loop3A_159 : i32 to vector<16xi32>
        %parallel_loop3A_161 = arith.addi %iota3A, %parallel_loop3A_160 : vector<16xi32>
        %parallel_loop3A_162 = arith.constant 31 : i32
        %parallel_loop3A_163 = vector.broadcast %parallel_loop3A_162 : i32 to vector<16xi32>
        %parallel_loop3A_164 = arith.andi %parallel_loop3A_161, %parallel_loop3A_163 : vector<16xi32>
        %parallel_loop3A_165 = arith.addi %parallel_loop3A_75, %parallel_loop3A_164 : vector<16xi32>
        %parallel_loop3A_166 = tpu.vector_load_idx %arg7[%parallel_loop3A_165] : memref<9216xf32, #tpu.memory_space<vmem>>[vector<16xi32>], vector<16xf32>,
        %parallel_loop3A_167 = arith.addi %parallel_loop3A_86, %parallel_loop3A_164 : vector<16xi32>
        %parallel_loop3A_168 = arith.constant 0 : i32
        %parallel_loop3A_169 = tpu.memref_slice %arg10[%rem3A_40, %parallel_loop3A_168] : memref<2x16384xf32, #tpu.memory_space<vmem>> -> memref<1x16384xf32, #tpu.memory_space<vmem>>
        %parallel_loop3A_170 = tpu.memref_squeeze %parallel_loop3A_169 : memref<1x16384xf32, #tpu.memory_space<vmem>> -> memref<16384xf32, #tpu.memory_space<vmem>>
        tpu.vector_store_idx %parallel_loop3A_170[%parallel_loop3A_167], %parallel_loop3A_166 : memref<16384xf32, #tpu.memory_space<vmem>>[vector<16xi32>], vector<16xf32>,
        %parallel_loop3A_171 = arith.addi %parallel_loop3A_82, %parallel_loop3A_164 : vector<16xi32>
        %parallel_loop3A_172 = tpu.vector_load_idx %arg8[%parallel_loop3A_171] : memref<224xf32, #tpu.memory_space<vmem>>[vector<16xi32>], vector<16xf32>,
        %parallel_loop3A_173 = arith.addi %parallel_loop3A_86, %parallel_loop3A_164 : vector<16xi32>
        %parallel_loop3A_174 = arith.constant 0 : i32
        %parallel_loop3A_175 = tpu.memref_slice %arg11[%rem3A_40, %parallel_loop3A_174] : memref<2x16384xf32, #tpu.memory_space<vmem>> -> memref<1x16384xf32, #tpu.memory_space<vmem>>
        %parallel_loop3A_176 = tpu.memref_squeeze %parallel_loop3A_175 : memref<1x16384xf32, #tpu.memory_space<vmem>> -> memref<16384xf32, #tpu.memory_space<vmem>>
        tpu.vector_store_idx %parallel_loop3A_176[%parallel_loop3A_173], %parallel_loop3A_172 : memref<16384xf32, #tpu.memory_space<vmem>>[vector<16xi32>], vector<16xf32>,
        %parallel_loop3A_177 = arith.constant 5 : i32
        %parallel_loop3A_178 = vector.broadcast %parallel_loop3A_177 : i32 to vector<16xi32>
        %parallel_loop3A_179 = arith.addi %iota3A, %parallel_loop3A_178 : vector<16xi32>
        %parallel_loop3A_180 = arith.constant 31 : i32
        %parallel_loop3A_181 = vector.broadcast %parallel_loop3A_180 : i32 to vector<16xi32>
        %parallel_loop3A_182 = arith.andi %parallel_loop3A_179, %parallel_loop3A_181 : vector<16xi32>
        %parallel_loop3A_183 = arith.addi %parallel_loop3A_75, %parallel_loop3A_182 : vector<16xi32>
        %parallel_loop3A_184 = tpu.vector_load_idx %arg7[%parallel_loop3A_183] : memref<9216xf32, #tpu.memory_space<vmem>>[vector<16xi32>], vector<16xf32>,
        %parallel_loop3A_185 = arith.addi %parallel_loop3A_86, %parallel_loop3A_182 : vector<16xi32>
        %parallel_loop3A_186 = arith.constant 0 : i32
        %parallel_loop3A_187 = tpu.memref_slice %arg10[%rem3A_40, %parallel_loop3A_186] : memref<2x16384xf32, #tpu.memory_space<vmem>> -> memref<1x16384xf32, #tpu.memory_space<vmem>>
        %parallel_loop3A_188 = tpu.memref_squeeze %parallel_loop3A_187 : memref<1x16384xf32, #tpu.memory_space<vmem>> -> memref<16384xf32, #tpu.memory_space<vmem>>
        tpu.vector_store_idx %parallel_loop3A_188[%parallel_loop3A_185], %parallel_loop3A_184 : memref<16384xf32, #tpu.memory_space<vmem>>[vector<16xi32>], vector<16xf32>,
        %parallel_loop3A_189 = arith.addi %parallel_loop3A_82, %parallel_loop3A_182 : vector<16xi32>
        %parallel_loop3A_190 = tpu.vector_load_idx %arg8[%parallel_loop3A_189] : memref<224xf32, #tpu.memory_space<vmem>>[vector<16xi32>], vector<16xf32>,
        %parallel_loop3A_191 = arith.addi %parallel_loop3A_86, %parallel_loop3A_182 : vector<16xi32>
        %parallel_loop3A_192 = arith.constant 0 : i32
        %parallel_loop3A_193 = tpu.memref_slice %arg11[%rem3A_40, %parallel_loop3A_192] : memref<2x16384xf32, #tpu.memory_space<vmem>> -> memref<1x16384xf32, #tpu.memory_space<vmem>>
        %parallel_loop3A_194 = tpu.memref_squeeze %parallel_loop3A_193 : memref<1x16384xf32, #tpu.memory_space<vmem>> -> memref<16384xf32, #tpu.memory_space<vmem>>
        tpu.vector_store_idx %parallel_loop3A_194[%parallel_loop3A_191], %parallel_loop3A_190 : memref<16384xf32, #tpu.memory_space<vmem>>[vector<16xi32>], vector<16xf32>,
        %parallel_loop3A_195 = arith.constant 6 : i32
        %parallel_loop3A_196 = vector.broadcast %parallel_loop3A_195 : i32 to vector<16xi32>
        %parallel_loop3A_197 = arith.addi %iota3A, %parallel_loop3A_196 : vector<16xi32>
        %parallel_loop3A_198 = arith.constant 31 : i32
        %parallel_loop3A_199 = vector.broadcast %parallel_loop3A_198 : i32 to vector<16xi32>
        %parallel_loop3A_200 = arith.andi %parallel_loop3A_197, %parallel_loop3A_199 : vector<16xi32>
        %parallel_loop3A_201 = arith.addi %parallel_loop3A_75, %parallel_loop3A_200 : vector<16xi32>
        %parallel_loop3A_202 = tpu.vector_load_idx %arg7[%parallel_loop3A_201] : memref<9216xf32, #tpu.memory_space<vmem>>[vector<16xi32>], vector<16xf32>,
        %parallel_loop3A_203 = arith.addi %parallel_loop3A_86, %parallel_loop3A_200 : vector<16xi32>
        %parallel_loop3A_204 = arith.constant 0 : i32
        %parallel_loop3A_205 = tpu.memref_slice %arg10[%rem3A_40, %parallel_loop3A_204] : memref<2x16384xf32, #tpu.memory_space<vmem>> -> memref<1x16384xf32, #tpu.memory_space<vmem>>
        %parallel_loop3A_206 = tpu.memref_squeeze %parallel_loop3A_205 : memref<1x16384xf32, #tpu.memory_space<vmem>> -> memref<16384xf32, #tpu.memory_space<vmem>>
        tpu.vector_store_idx %parallel_loop3A_206[%parallel_loop3A_203], %parallel_loop3A_202 : memref<16384xf32, #tpu.memory_space<vmem>>[vector<16xi32>], vector<16xf32>,
        %parallel_loop3A_207 = arith.addi %parallel_loop3A_82, %parallel_loop3A_200 : vector<16xi32>
        %parallel_loop3A_208 = tpu.vector_load_idx %arg8[%parallel_loop3A_207] : memref<224xf32, #tpu.memory_space<vmem>>[vector<16xi32>], vector<16xf32>,
        %parallel_loop3A_209 = arith.addi %parallel_loop3A_86, %parallel_loop3A_200 : vector<16xi32>
        %parallel_loop3A_210 = arith.constant 0 : i32
        %parallel_loop3A_211 = tpu.memref_slice %arg11[%rem3A_40, %parallel_loop3A_210] : memref<2x16384xf32, #tpu.memory_space<vmem>> -> memref<1x16384xf32, #tpu.memory_space<vmem>>
        %parallel_loop3A_212 = tpu.memref_squeeze %parallel_loop3A_211 : memref<1x16384xf32, #tpu.memory_space<vmem>> -> memref<16384xf32, #tpu.memory_space<vmem>>
        tpu.vector_store_idx %parallel_loop3A_212[%parallel_loop3A_209], %parallel_loop3A_208 : memref<16384xf32, #tpu.memory_space<vmem>>[vector<16xi32>], vector<16xf32>,
        %parallel_loop3A_213 = arith.constant 7 : i32
        %parallel_loop3A_214 = vector.broadcast %parallel_loop3A_213 : i32 to vector<16xi32>
        %parallel_loop3A_215 = arith.addi %iota3A, %parallel_loop3A_214 : vector<16xi32>
        %parallel_loop3A_216 = arith.constant 31 : i32
        %parallel_loop3A_217 = vector.broadcast %parallel_loop3A_216 : i32 to vector<16xi32>
        %parallel_loop3A_218 = arith.andi %parallel_loop3A_215, %parallel_loop3A_217 : vector<16xi32>
        %parallel_loop3A_219 = arith.addi %parallel_loop3A_75, %parallel_loop3A_218 : vector<16xi32>
        %parallel_loop3A_220 = tpu.vector_load_idx %arg7[%parallel_loop3A_219] : memref<9216xf32, #tpu.memory_space<vmem>>[vector<16xi32>], vector<16xf32>,
        %parallel_loop3A_221 = arith.addi %parallel_loop3A_86, %parallel_loop3A_218 : vector<16xi32>
        %parallel_loop3A_222 = arith.constant 0 : i32
        %parallel_loop3A_223 = tpu.memref_slice %arg10[%rem3A_40, %parallel_loop3A_222] : memref<2x16384xf32, #tpu.memory_space<vmem>> -> memref<1x16384xf32, #tpu.memory_space<vmem>>
        %parallel_loop3A_224 = tpu.memref_squeeze %parallel_loop3A_223 : memref<1x16384xf32, #tpu.memory_space<vmem>> -> memref<16384xf32, #tpu.memory_space<vmem>>
        tpu.vector_store_idx %parallel_loop3A_224[%parallel_loop3A_221], %parallel_loop3A_220 : memref<16384xf32, #tpu.memory_space<vmem>>[vector<16xi32>], vector<16xf32>,
        %parallel_loop3A_225 = arith.addi %parallel_loop3A_82, %parallel_loop3A_218 : vector<16xi32>
        %parallel_loop3A_226 = tpu.vector_load_idx %arg8[%parallel_loop3A_225] : memref<224xf32, #tpu.memory_space<vmem>>[vector<16xi32>], vector<16xf32>,
        %parallel_loop3A_227 = arith.addi %parallel_loop3A_86, %parallel_loop3A_218 : vector<16xi32>
        %parallel_loop3A_228 = arith.constant 0 : i32
        %parallel_loop3A_229 = tpu.memref_slice %arg11[%rem3A_40, %parallel_loop3A_228] : memref<2x16384xf32, #tpu.memory_space<vmem>> -> memref<1x16384xf32, #tpu.memory_space<vmem>>
        %parallel_loop3A_230 = tpu.memref_squeeze %parallel_loop3A_229 : memref<1x16384xf32, #tpu.memory_space<vmem>> -> memref<16384xf32, #tpu.memory_space<vmem>>
        tpu.vector_store_idx %parallel_loop3A_230[%parallel_loop3A_227], %parallel_loop3A_226 : memref<16384xf32, #tpu.memory_space<vmem>>[vector<16xi32>], vector<16xf32>,
        %parallel_loop3A_231 = arith.constant 8 : i32
        %parallel_loop3A_232 = vector.broadcast %parallel_loop3A_231 : i32 to vector<16xi32>
        %parallel_loop3A_233 = arith.addi %iota3A, %parallel_loop3A_232 : vector<16xi32>
        %parallel_loop3A_234 = arith.constant 31 : i32
        %parallel_loop3A_235 = vector.broadcast %parallel_loop3A_234 : i32 to vector<16xi32>
        %parallel_loop3A_236 = arith.andi %parallel_loop3A_233, %parallel_loop3A_235 : vector<16xi32>
        %parallel_loop3A_237 = arith.addi %parallel_loop3A_75, %parallel_loop3A_236 : vector<16xi32>
        %parallel_loop3A_238 = tpu.vector_load_idx %arg7[%parallel_loop3A_237] : memref<9216xf32, #tpu.memory_space<vmem>>[vector<16xi32>], vector<16xf32>,
        %parallel_loop3A_239 = arith.addi %parallel_loop3A_86, %parallel_loop3A_236 : vector<16xi32>
        %parallel_loop3A_240 = arith.constant 0 : i32
        %parallel_loop3A_241 = tpu.memref_slice %arg10[%rem3A_40, %parallel_loop3A_240] : memref<2x16384xf32, #tpu.memory_space<vmem>> -> memref<1x16384xf32, #tpu.memory_space<vmem>>
        %parallel_loop3A_242 = tpu.memref_squeeze %parallel_loop3A_241 : memref<1x16384xf32, #tpu.memory_space<vmem>> -> memref<16384xf32, #tpu.memory_space<vmem>>
        tpu.vector_store_idx %parallel_loop3A_242[%parallel_loop3A_239], %parallel_loop3A_238 : memref<16384xf32, #tpu.memory_space<vmem>>[vector<16xi32>], vector<16xf32>,
        %parallel_loop3A_243 = arith.addi %parallel_loop3A_82, %parallel_loop3A_236 : vector<16xi32>
        %parallel_loop3A_244 = tpu.vector_load_idx %arg8[%parallel_loop3A_243] : memref<224xf32, #tpu.memory_space<vmem>>[vector<16xi32>], vector<16xf32>,
        %parallel_loop3A_245 = arith.addi %parallel_loop3A_86, %parallel_loop3A_236 : vector<16xi32>
        %parallel_loop3A_246 = arith.constant 0 : i32
        %parallel_loop3A_247 = tpu.memref_slice %arg11[%rem3A_40, %parallel_loop3A_246] : memref<2x16384xf32, #tpu.memory_space<vmem>> -> memref<1x16384xf32, #tpu.memory_space<vmem>>
        %parallel_loop3A_248 = tpu.memref_squeeze %parallel_loop3A_247 : memref<1x16384xf32, #tpu.memory_space<vmem>> -> memref<16384xf32, #tpu.memory_space<vmem>>
        tpu.vector_store_idx %parallel_loop3A_248[%parallel_loop3A_245], %parallel_loop3A_244 : memref<16384xf32, #tpu.memory_space<vmem>>[vector<16xi32>], vector<16xf32>,
        %parallel_loop3A_249 = arith.constant 9 : i32
        %parallel_loop3A_250 = vector.broadcast %parallel_loop3A_249 : i32 to vector<16xi32>
        %parallel_loop3A_251 = arith.addi %iota3A, %parallel_loop3A_250 : vector<16xi32>
        %parallel_loop3A_252 = arith.constant 31 : i32
        %parallel_loop3A_253 = vector.broadcast %parallel_loop3A_252 : i32 to vector<16xi32>
        %parallel_loop3A_254 = arith.andi %parallel_loop3A_251, %parallel_loop3A_253 : vector<16xi32>
        %parallel_loop3A_255 = arith.addi %parallel_loop3A_75, %parallel_loop3A_254 : vector<16xi32>
        %parallel_loop3A_256 = tpu.vector_load_idx %arg7[%parallel_loop3A_255] : memref<9216xf32, #tpu.memory_space<vmem>>[vector<16xi32>], vector<16xf32>,
        %parallel_loop3A_257 = arith.addi %parallel_loop3A_86, %parallel_loop3A_254 : vector<16xi32>
        %parallel_loop3A_258 = arith.constant 0 : i32
        %parallel_loop3A_259 = tpu.memref_slice %arg10[%rem3A_40, %parallel_loop3A_258] : memref<2x16384xf32, #tpu.memory_space<vmem>> -> memref<1x16384xf32, #tpu.memory_space<vmem>>
        %parallel_loop3A_260 = tpu.memref_squeeze %parallel_loop3A_259 : memref<1x16384xf32, #tpu.memory_space<vmem>> -> memref<16384xf32, #tpu.memory_space<vmem>>
        tpu.vector_store_idx %parallel_loop3A_260[%parallel_loop3A_257], %parallel_loop3A_256 : memref<16384xf32, #tpu.memory_space<vmem>>[vector<16xi32>], vector<16xf32>,
        %parallel_loop3A_261 = arith.addi %parallel_loop3A_82, %parallel_loop3A_254 : vector<16xi32>
        %parallel_loop3A_262 = tpu.vector_load_idx %arg8[%parallel_loop3A_261] : memref<224xf32, #tpu.memory_space<vmem>>[vector<16xi32>], vector<16xf32>,
        %parallel_loop3A_263 = arith.addi %parallel_loop3A_86, %parallel_loop3A_254 : vector<16xi32>
        %parallel_loop3A_264 = arith.constant 0 : i32
        %parallel_loop3A_265 = tpu.memref_slice %arg11[%rem3A_40, %parallel_loop3A_264] : memref<2x16384xf32, #tpu.memory_space<vmem>> -> memref<1x16384xf32, #tpu.memory_space<vmem>>
        %parallel_loop3A_266 = tpu.memref_squeeze %parallel_loop3A_265 : memref<1x16384xf32, #tpu.memory_space<vmem>> -> memref<16384xf32, #tpu.memory_space<vmem>>
        tpu.vector_store_idx %parallel_loop3A_266[%parallel_loop3A_263], %parallel_loop3A_262 : memref<16384xf32, #tpu.memory_space<vmem>>[vector<16xi32>], vector<16xf32>,
        %parallel_loop3A_267 = arith.constant 10 : i32
        %parallel_loop3A_268 = vector.broadcast %parallel_loop3A_267 : i32 to vector<16xi32>
        %parallel_loop3A_269 = arith.addi %iota3A, %parallel_loop3A_268 : vector<16xi32>
        %parallel_loop3A_270 = arith.constant 31 : i32
        %parallel_loop3A_271 = vector.broadcast %parallel_loop3A_270 : i32 to vector<16xi32>
        %parallel_loop3A_272 = arith.andi %parallel_loop3A_269, %parallel_loop3A_271 : vector<16xi32>
        %parallel_loop3A_273 = arith.addi %parallel_loop3A_75, %parallel_loop3A_272 : vector<16xi32>
        %parallel_loop3A_274 = tpu.vector_load_idx %arg7[%parallel_loop3A_273] : memref<9216xf32, #tpu.memory_space<vmem>>[vector<16xi32>], vector<16xf32>,
        %parallel_loop3A_275 = arith.addi %parallel_loop3A_86, %parallel_loop3A_272 : vector<16xi32>
        %parallel_loop3A_276 = arith.constant 0 : i32
        %parallel_loop3A_277 = tpu.memref_slice %arg10[%rem3A_40, %parallel_loop3A_276] : memref<2x16384xf32, #tpu.memory_space<vmem>> -> memref<1x16384xf32, #tpu.memory_space<vmem>>
        %parallel_loop3A_278 = tpu.memref_squeeze %parallel_loop3A_277 : memref<1x16384xf32, #tpu.memory_space<vmem>> -> memref<16384xf32, #tpu.memory_space<vmem>>
        tpu.vector_store_idx %parallel_loop3A_278[%parallel_loop3A_275], %parallel_loop3A_274 : memref<16384xf32, #tpu.memory_space<vmem>>[vector<16xi32>], vector<16xf32>,
        %parallel_loop3A_279 = arith.addi %parallel_loop3A_82, %parallel_loop3A_272 : vector<16xi32>
        %parallel_loop3A_280 = tpu.vector_load_idx %arg8[%parallel_loop3A_279] : memref<224xf32, #tpu.memory_space<vmem>>[vector<16xi32>], vector<16xf32>,
        %parallel_loop3A_281 = arith.addi %parallel_loop3A_86, %parallel_loop3A_272 : vector<16xi32>
        %parallel_loop3A_282 = arith.constant 0 : i32
        %parallel_loop3A_283 = tpu.memref_slice %arg11[%rem3A_40, %parallel_loop3A_282] : memref<2x16384xf32, #tpu.memory_space<vmem>> -> memref<1x16384xf32, #tpu.memory_space<vmem>>
        %parallel_loop3A_284 = tpu.memref_squeeze %parallel_loop3A_283 : memref<1x16384xf32, #tpu.memory_space<vmem>> -> memref<16384xf32, #tpu.memory_space<vmem>>
        tpu.vector_store_idx %parallel_loop3A_284[%parallel_loop3A_281], %parallel_loop3A_280 : memref<16384xf32, #tpu.memory_space<vmem>>[vector<16xi32>], vector<16xf32>,
        %parallel_loop3A_285 = arith.constant 11 : i32
        %parallel_loop3A_286 = vector.broadcast %parallel_loop3A_285 : i32 to vector<16xi32>
        %parallel_loop3A_287 = arith.addi %iota3A, %parallel_loop3A_286 : vector<16xi32>
        %parallel_loop3A_288 = arith.constant 31 : i32
        %parallel_loop3A_289 = vector.broadcast %parallel_loop3A_288 : i32 to vector<16xi32>
        %parallel_loop3A_290 = arith.andi %parallel_loop3A_287, %parallel_loop3A_289 : vector<16xi32>
        %parallel_loop3A_291 = arith.addi %parallel_loop3A_75, %parallel_loop3A_290 : vector<16xi32>
        %parallel_loop3A_292 = tpu.vector_load_idx %arg7[%parallel_loop3A_291] : memref<9216xf32, #tpu.memory_space<vmem>>[vector<16xi32>], vector<16xf32>,
        %parallel_loop3A_293 = arith.addi %parallel_loop3A_86, %parallel_loop3A_290 : vector<16xi32>
        %parallel_loop3A_294 = arith.constant 0 : i32
        %parallel_loop3A_295 = tpu.memref_slice %arg10[%rem3A_40, %parallel_loop3A_294] : memref<2x16384xf32, #tpu.memory_space<vmem>> -> memref<1x16384xf32, #tpu.memory_space<vmem>>
        %parallel_loop3A_296 = tpu.memref_squeeze %parallel_loop3A_295 : memref<1x16384xf32, #tpu.memory_space<vmem>> -> memref<16384xf32, #tpu.memory_space<vmem>>
        tpu.vector_store_idx %parallel_loop3A_296[%parallel_loop3A_293], %parallel_loop3A_292 : memref<16384xf32, #tpu.memory_space<vmem>>[vector<16xi32>], vector<16xf32>,
        %parallel_loop3A_297 = arith.addi %parallel_loop3A_82, %parallel_loop3A_290 : vector<16xi32>
        %parallel_loop3A_298 = tpu.vector_load_idx %arg8[%parallel_loop3A_297] : memref<224xf32, #tpu.memory_space<vmem>>[vector<16xi32>], vector<16xf32>,
        %parallel_loop3A_299 = arith.addi %parallel_loop3A_86, %parallel_loop3A_290 : vector<16xi32>
        %parallel_loop3A_300 = arith.constant 0 : i32
        %parallel_loop3A_301 = tpu.memref_slice %arg11[%rem3A_40, %parallel_loop3A_300] : memref<2x16384xf32, #tpu.memory_space<vmem>> -> memref<1x16384xf32, #tpu.memory_space<vmem>>
        %parallel_loop3A_302 = tpu.memref_squeeze %parallel_loop3A_301 : memref<1x16384xf32, #tpu.memory_space<vmem>> -> memref<16384xf32, #tpu.memory_space<vmem>>
        tpu.vector_store_idx %parallel_loop3A_302[%parallel_loop3A_299], %parallel_loop3A_298 : memref<16384xf32, #tpu.memory_space<vmem>>[vector<16xi32>], vector<16xf32>,
        %parallel_loop3A_303 = arith.constant 12 : i32
        %parallel_loop3A_304 = vector.broadcast %parallel_loop3A_303 : i32 to vector<16xi32>
        %parallel_loop3A_305 = arith.addi %iota3A, %parallel_loop3A_304 : vector<16xi32>
        %parallel_loop3A_306 = arith.constant 31 : i32
        %parallel_loop3A_307 = vector.broadcast %parallel_loop3A_306 : i32 to vector<16xi32>
        %parallel_loop3A_308 = arith.andi %parallel_loop3A_305, %parallel_loop3A_307 : vector<16xi32>
        %parallel_loop3A_309 = arith.addi %parallel_loop3A_75, %parallel_loop3A_308 : vector<16xi32>
        %parallel_loop3A_310 = tpu.vector_load_idx %arg7[%parallel_loop3A_309] : memref<9216xf32, #tpu.memory_space<vmem>>[vector<16xi32>], vector<16xf32>,
        %parallel_loop3A_311 = arith.addi %parallel_loop3A_86, %parallel_loop3A_308 : vector<16xi32>
        %parallel_loop3A_312 = arith.constant 0 : i32
        %parallel_loop3A_313 = tpu.memref_slice %arg10[%rem3A_40, %parallel_loop3A_312] : memref<2x16384xf32, #tpu.memory_space<vmem>> -> memref<1x16384xf32, #tpu.memory_space<vmem>>
        %parallel_loop3A_314 = tpu.memref_squeeze %parallel_loop3A_313 : memref<1x16384xf32, #tpu.memory_space<vmem>> -> memref<16384xf32, #tpu.memory_space<vmem>>
        tpu.vector_store_idx %parallel_loop3A_314[%parallel_loop3A_311], %parallel_loop3A_310 : memref<16384xf32, #tpu.memory_space<vmem>>[vector<16xi32>], vector<16xf32>,
        %parallel_loop3A_315 = arith.addi %parallel_loop3A_82, %parallel_loop3A_308 : vector<16xi32>
        %parallel_loop3A_316 = tpu.vector_load_idx %arg8[%parallel_loop3A_315] : memref<224xf32, #tpu.memory_space<vmem>>[vector<16xi32>], vector<16xf32>,
        %parallel_loop3A_317 = arith.addi %parallel_loop3A_86, %parallel_loop3A_308 : vector<16xi32>
        %parallel_loop3A_318 = arith.constant 0 : i32
        %parallel_loop3A_319 = tpu.memref_slice %arg11[%rem3A_40, %parallel_loop3A_318] : memref<2x16384xf32, #tpu.memory_space<vmem>> -> memref<1x16384xf32, #tpu.memory_space<vmem>>
        %parallel_loop3A_320 = tpu.memref_squeeze %parallel_loop3A_319 : memref<1x16384xf32, #tpu.memory_space<vmem>> -> memref<16384xf32, #tpu.memory_space<vmem>>
        tpu.vector_store_idx %parallel_loop3A_320[%parallel_loop3A_317], %parallel_loop3A_316 : memref<16384xf32, #tpu.memory_space<vmem>>[vector<16xi32>], vector<16xf32>,
        %parallel_loop3A_321 = arith.constant 13 : i32
        %parallel_loop3A_322 = vector.broadcast %parallel_loop3A_321 : i32 to vector<16xi32>
        %parallel_loop3A_323 = arith.addi %iota3A, %parallel_loop3A_322 : vector<16xi32>
        %parallel_loop3A_324 = arith.constant 31 : i32
        %parallel_loop3A_325 = vector.broadcast %parallel_loop3A_324 : i32 to vector<16xi32>
        %parallel_loop3A_326 = arith.andi %parallel_loop3A_323, %parallel_loop3A_325 : vector<16xi32>
        %parallel_loop3A_327 = arith.addi %parallel_loop3A_75, %parallel_loop3A_326 : vector<16xi32>
        %parallel_loop3A_328 = tpu.vector_load_idx %arg7[%parallel_loop3A_327] : memref<9216xf32, #tpu.memory_space<vmem>>[vector<16xi32>], vector<16xf32>,
        %parallel_loop3A_329 = arith.addi %parallel_loop3A_86, %parallel_loop3A_326 : vector<16xi32>
        %parallel_loop3A_330 = arith.constant 0 : i32
        %parallel_loop3A_331 = tpu.memref_slice %arg10[%rem3A_40, %parallel_loop3A_330] : memref<2x16384xf32, #tpu.memory_space<vmem>> -> memref<1x16384xf32, #tpu.memory_space<vmem>>
        %parallel_loop3A_332 = tpu.memref_squeeze %parallel_loop3A_331 : memref<1x16384xf32, #tpu.memory_space<vmem>> -> memref<16384xf32, #tpu.memory_space<vmem>>
        tpu.vector_store_idx %parallel_loop3A_332[%parallel_loop3A_329], %parallel_loop3A_328 : memref<16384xf32, #tpu.memory_space<vmem>>[vector<16xi32>], vector<16xf32>,
        %parallel_loop3A_333 = arith.addi %parallel_loop3A_82, %parallel_loop3A_326 : vector<16xi32>
        %parallel_loop3A_334 = tpu.vector_load_idx %arg8[%parallel_loop3A_333] : memref<224xf32, #tpu.memory_space<vmem>>[vector<16xi32>], vector<16xf32>,
        %parallel_loop3A_335 = arith.addi %parallel_loop3A_86, %parallel_loop3A_326 : vector<16xi32>
        %parallel_loop3A_336 = arith.constant 0 : i32
        %parallel_loop3A_337 = tpu.memref_slice %arg11[%rem3A_40, %parallel_loop3A_336] : memref<2x16384xf32, #tpu.memory_space<vmem>> -> memref<1x16384xf32, #tpu.memory_space<vmem>>
        %parallel_loop3A_338 = tpu.memref_squeeze %parallel_loop3A_337 : memref<1x16384xf32, #tpu.memory_space<vmem>> -> memref<16384xf32, #tpu.memory_space<vmem>>
        tpu.vector_store_idx %parallel_loop3A_338[%parallel_loop3A_335], %parallel_loop3A_334 : memref<16384xf32, #tpu.memory_space<vmem>>[vector<16xi32>], vector<16xf32>,
        %parallel_loop3A_339 = arith.constant 14 : i32
        %parallel_loop3A_340 = vector.broadcast %parallel_loop3A_339 : i32 to vector<16xi32>
        %parallel_loop3A_341 = arith.addi %iota3A, %parallel_loop3A_340 : vector<16xi32>
        %parallel_loop3A_342 = arith.constant 31 : i32
        %parallel_loop3A_343 = vector.broadcast %parallel_loop3A_342 : i32 to vector<16xi32>
        %parallel_loop3A_344 = arith.andi %parallel_loop3A_341, %parallel_loop3A_343 : vector<16xi32>
        %parallel_loop3A_345 = arith.addi %parallel_loop3A_75, %parallel_loop3A_344 : vector<16xi32>
        %parallel_loop3A_346 = tpu.vector_load_idx %arg7[%parallel_loop3A_345] : memref<9216xf32, #tpu.memory_space<vmem>>[vector<16xi32>], vector<16xf32>,
        %parallel_loop3A_347 = arith.addi %parallel_loop3A_86, %parallel_loop3A_344 : vector<16xi32>
        %parallel_loop3A_348 = arith.constant 0 : i32
        %parallel_loop3A_349 = tpu.memref_slice %arg10[%rem3A_40, %parallel_loop3A_348] : memref<2x16384xf32, #tpu.memory_space<vmem>> -> memref<1x16384xf32, #tpu.memory_space<vmem>>
        %parallel_loop3A_350 = tpu.memref_squeeze %parallel_loop3A_349 : memref<1x16384xf32, #tpu.memory_space<vmem>> -> memref<16384xf32, #tpu.memory_space<vmem>>
        tpu.vector_store_idx %parallel_loop3A_350[%parallel_loop3A_347], %parallel_loop3A_346 : memref<16384xf32, #tpu.memory_space<vmem>>[vector<16xi32>], vector<16xf32>,
        %parallel_loop3A_351 = arith.addi %parallel_loop3A_82, %parallel_loop3A_344 : vector<16xi32>
        %parallel_loop3A_352 = tpu.vector_load_idx %arg8[%parallel_loop3A_351] : memref<224xf32, #tpu.memory_space<vmem>>[vector<16xi32>], vector<16xf32>,
        %parallel_loop3A_353 = arith.addi %parallel_loop3A_86, %parallel_loop3A_344 : vector<16xi32>
        %parallel_loop3A_354 = arith.constant 0 : i32
        %parallel_loop3A_355 = tpu.memref_slice %arg11[%rem3A_40, %parallel_loop3A_354] : memref<2x16384xf32, #tpu.memory_space<vmem>> -> memref<1x16384xf32, #tpu.memory_space<vmem>>
        %parallel_loop3A_356 = tpu.memref_squeeze %parallel_loop3A_355 : memref<1x16384xf32, #tpu.memory_space<vmem>> -> memref<16384xf32, #tpu.memory_space<vmem>>
        tpu.vector_store_idx %parallel_loop3A_356[%parallel_loop3A_353], %parallel_loop3A_352 : memref<16384xf32, #tpu.memory_space<vmem>>[vector<16xi32>], vector<16xf32>,
        %parallel_loop3A_357 = arith.constant 15 : i32
        %parallel_loop3A_358 = vector.broadcast %parallel_loop3A_357 : i32 to vector<16xi32>
        %parallel_loop3A_359 = arith.addi %iota3A, %parallel_loop3A_358 : vector<16xi32>
        %parallel_loop3A_360 = arith.constant 31 : i32
        %parallel_loop3A_361 = vector.broadcast %parallel_loop3A_360 : i32 to vector<16xi32>
        %parallel_loop3A_362 = arith.andi %parallel_loop3A_359, %parallel_loop3A_361 : vector<16xi32>
        %parallel_loop3A_363 = arith.addi %parallel_loop3A_75, %parallel_loop3A_362 : vector<16xi32>
        %parallel_loop3A_364 = tpu.vector_load_idx %arg7[%parallel_loop3A_363] : memref<9216xf32, #tpu.memory_space<vmem>>[vector<16xi32>], vector<16xf32>,
        %parallel_loop3A_365 = arith.addi %parallel_loop3A_86, %parallel_loop3A_362 : vector<16xi32>
        %parallel_loop3A_366 = arith.constant 0 : i32
        %parallel_loop3A_367 = tpu.memref_slice %arg10[%rem3A_40, %parallel_loop3A_366] : memref<2x16384xf32, #tpu.memory_space<vmem>> -> memref<1x16384xf32, #tpu.memory_space<vmem>>
        %parallel_loop3A_368 = tpu.memref_squeeze %parallel_loop3A_367 : memref<1x16384xf32, #tpu.memory_space<vmem>> -> memref<16384xf32, #tpu.memory_space<vmem>>
        tpu.vector_store_idx %parallel_loop3A_368[%parallel_loop3A_365], %parallel_loop3A_364 : memref<16384xf32, #tpu.memory_space<vmem>>[vector<16xi32>], vector<16xf32>,
        %parallel_loop3A_369 = arith.addi %parallel_loop3A_82, %parallel_loop3A_362 : vector<16xi32>
        %parallel_loop3A_370 = tpu.vector_load_idx %arg8[%parallel_loop3A_369] : memref<224xf32, #tpu.memory_space<vmem>>[vector<16xi32>], vector<16xf32>,
        %parallel_loop3A_371 = arith.addi %parallel_loop3A_86, %parallel_loop3A_362 : vector<16xi32>
        %parallel_loop3A_372 = arith.constant 0 : i32
        %parallel_loop3A_373 = tpu.memref_slice %arg11[%rem3A_40, %parallel_loop3A_372] : memref<2x16384xf32, #tpu.memory_space<vmem>> -> memref<1x16384xf32, #tpu.memory_space<vmem>>
        %parallel_loop3A_374 = tpu.memref_squeeze %parallel_loop3A_373 : memref<1x16384xf32, #tpu.memory_space<vmem>> -> memref<16384xf32, #tpu.memory_space<vmem>>
        tpu.vector_store_idx %parallel_loop3A_374[%parallel_loop3A_371], %parallel_loop3A_370 : memref<16384xf32, #tpu.memory_space<vmem>>[vector<16xi32>], vector<16xf32>,
        %parallel_loop3A_375 = arith.constant 16 : i32
        %parallel_loop3A_376 = vector.broadcast %parallel_loop3A_375 : i32 to vector<16xi32>
        %parallel_loop3A_377 = arith.addi %iota3A, %parallel_loop3A_376 : vector<16xi32>
        %parallel_loop3A_378 = arith.constant 31 : i32
        %parallel_loop3A_379 = vector.broadcast %parallel_loop3A_378 : i32 to vector<16xi32>
        %parallel_loop3A_380 = arith.andi %parallel_loop3A_377, %parallel_loop3A_379 : vector<16xi32>
        %parallel_loop3A_381 = arith.addi %parallel_loop3A_75, %parallel_loop3A_380 : vector<16xi32>
        %parallel_loop3A_382 = tpu.vector_load_idx %arg7[%parallel_loop3A_381] : memref<9216xf32, #tpu.memory_space<vmem>>[vector<16xi32>], vector<16xf32>,
        %parallel_loop3A_383 = arith.addi %parallel_loop3A_86, %parallel_loop3A_380 : vector<16xi32>
        %parallel_loop3A_384 = arith.constant 0 : i32
        %parallel_loop3A_385 = tpu.memref_slice %arg10[%rem3A_40, %parallel_loop3A_384] : memref<2x16384xf32, #tpu.memory_space<vmem>> -> memref<1x16384xf32, #tpu.memory_space<vmem>>
        %parallel_loop3A_386 = tpu.memref_squeeze %parallel_loop3A_385 : memref<1x16384xf32, #tpu.memory_space<vmem>> -> memref<16384xf32, #tpu.memory_space<vmem>>
        tpu.vector_store_idx %parallel_loop3A_386[%parallel_loop3A_383], %parallel_loop3A_382 : memref<16384xf32, #tpu.memory_space<vmem>>[vector<16xi32>], vector<16xf32>,
        %parallel_loop3A_387 = arith.addi %parallel_loop3A_82, %parallel_loop3A_380 : vector<16xi32>
        %parallel_loop3A_388 = tpu.vector_load_idx %arg8[%parallel_loop3A_387] : memref<224xf32, #tpu.memory_space<vmem>>[vector<16xi32>], vector<16xf32>,
        %parallel_loop3A_389 = arith.addi %parallel_loop3A_86, %parallel_loop3A_380 : vector<16xi32>
        %parallel_loop3A_390 = arith.constant 0 : i32
        %parallel_loop3A_391 = tpu.memref_slice %arg11[%rem3A_40, %parallel_loop3A_390] : memref<2x16384xf32, #tpu.memory_space<vmem>> -> memref<1x16384xf32, #tpu.memory_space<vmem>>
        %parallel_loop3A_392 = tpu.memref_squeeze %parallel_loop3A_391 : memref<1x16384xf32, #tpu.memory_space<vmem>> -> memref<16384xf32, #tpu.memory_space<vmem>>
        tpu.vector_store_idx %parallel_loop3A_392[%parallel_loop3A_389], %parallel_loop3A_388 : memref<16384xf32, #tpu.memory_space<vmem>>[vector<16xi32>], vector<16xf32>,
        %parallel_loop3A_393 = arith.constant 17 : i32
        %parallel_loop3A_394 = vector.broadcast %parallel_loop3A_393 : i32 to vector<16xi32>
        %parallel_loop3A_395 = arith.addi %iota3A, %parallel_loop3A_394 : vector<16xi32>
        %parallel_loop3A_396 = arith.constant 31 : i32
        %parallel_loop3A_397 = vector.broadcast %parallel_loop3A_396 : i32 to vector<16xi32>
        %parallel_loop3A_398 = arith.andi %parallel_loop3A_395, %parallel_loop3A_397 : vector<16xi32>
        %parallel_loop3A_399 = arith.addi %parallel_loop3A_75, %parallel_loop3A_398 : vector<16xi32>
        %parallel_loop3A_400 = tpu.vector_load_idx %arg7[%parallel_loop3A_399] : memref<9216xf32, #tpu.memory_space<vmem>>[vector<16xi32>], vector<16xf32>,
        %parallel_loop3A_401 = arith.addi %parallel_loop3A_86, %parallel_loop3A_398 : vector<16xi32>
        %parallel_loop3A_402 = arith.constant 0 : i32
        %parallel_loop3A_403 = tpu.memref_slice %arg10[%rem3A_40, %parallel_loop3A_402] : memref<2x16384xf32, #tpu.memory_space<vmem>> -> memref<1x16384xf32, #tpu.memory_space<vmem>>
        %parallel_loop3A_404 = tpu.memref_squeeze %parallel_loop3A_403 : memref<1x16384xf32, #tpu.memory_space<vmem>> -> memref<16384xf32, #tpu.memory_space<vmem>>
        tpu.vector_store_idx %parallel_loop3A_404[%parallel_loop3A_401], %parallel_loop3A_400 : memref<16384xf32, #tpu.memory_space<vmem>>[vector<16xi32>], vector<16xf32>,
        %parallel_loop3A_405 = arith.addi %parallel_loop3A_82, %parallel_loop3A_398 : vector<16xi32>
        %parallel_loop3A_406 = tpu.vector_load_idx %arg8[%parallel_loop3A_405] : memref<224xf32, #tpu.memory_space<vmem>>[vector<16xi32>], vector<16xf32>,
        %parallel_loop3A_407 = arith.addi %parallel_loop3A_86, %parallel_loop3A_398 : vector<16xi32>
        %parallel_loop3A_408 = arith.constant 0 : i32
        %parallel_loop3A_409 = tpu.memref_slice %arg11[%rem3A_40, %parallel_loop3A_408] : memref<2x16384xf32, #tpu.memory_space<vmem>> -> memref<1x16384xf32, #tpu.memory_space<vmem>>
        %parallel_loop3A_410 = tpu.memref_squeeze %parallel_loop3A_409 : memref<1x16384xf32, #tpu.memory_space<vmem>> -> memref<16384xf32, #tpu.memory_space<vmem>>
        tpu.vector_store_idx %parallel_loop3A_410[%parallel_loop3A_407], %parallel_loop3A_406 : memref<16384xf32, #tpu.memory_space<vmem>>[vector<16xi32>], vector<16xf32>,
        %parallel_loop3A_411 = arith.constant 18 : i32
        %parallel_loop3A_412 = vector.broadcast %parallel_loop3A_411 : i32 to vector<16xi32>
        %parallel_loop3A_413 = arith.addi %iota3A, %parallel_loop3A_412 : vector<16xi32>
        %parallel_loop3A_414 = arith.constant 31 : i32
        %parallel_loop3A_415 = vector.broadcast %parallel_loop3A_414 : i32 to vector<16xi32>
        %parallel_loop3A_416 = arith.andi %parallel_loop3A_413, %parallel_loop3A_415 : vector<16xi32>
        %parallel_loop3A_417 = arith.addi %parallel_loop3A_75, %parallel_loop3A_416 : vector<16xi32>
        %parallel_loop3A_418 = tpu.vector_load_idx %arg7[%parallel_loop3A_417] : memref<9216xf32, #tpu.memory_space<vmem>>[vector<16xi32>], vector<16xf32>,
        %parallel_loop3A_419 = arith.addi %parallel_loop3A_86, %parallel_loop3A_416 : vector<16xi32>
        %parallel_loop3A_420 = arith.constant 0 : i32
        %parallel_loop3A_421 = tpu.memref_slice %arg10[%rem3A_40, %parallel_loop3A_420] : memref<2x16384xf32, #tpu.memory_space<vmem>> -> memref<1x16384xf32, #tpu.memory_space<vmem>>
        %parallel_loop3A_422 = tpu.memref_squeeze %parallel_loop3A_421 : memref<1x16384xf32, #tpu.memory_space<vmem>> -> memref<16384xf32, #tpu.memory_space<vmem>>
        tpu.vector_store_idx %parallel_loop3A_422[%parallel_loop3A_419], %parallel_loop3A_418 : memref<16384xf32, #tpu.memory_space<vmem>>[vector<16xi32>], vector<16xf32>,
        %parallel_loop3A_423 = arith.addi %parallel_loop3A_82, %parallel_loop3A_416 : vector<16xi32>
        %parallel_loop3A_424 = tpu.vector_load_idx %arg8[%parallel_loop3A_423] : memref<224xf32, #tpu.memory_space<vmem>>[vector<16xi32>], vector<16xf32>,
        %parallel_loop3A_425 = arith.addi %parallel_loop3A_86, %parallel_loop3A_416 : vector<16xi32>
        %parallel_loop3A_426 = arith.constant 0 : i32
        %parallel_loop3A_427 = tpu.memref_slice %arg11[%rem3A_40, %parallel_loop3A_426] : memref<2x16384xf32, #tpu.memory_space<vmem>> -> memref<1x16384xf32, #tpu.memory_space<vmem>>
        %parallel_loop3A_428 = tpu.memref_squeeze %parallel_loop3A_427 : memref<1x16384xf32, #tpu.memory_space<vmem>> -> memref<16384xf32, #tpu.memory_space<vmem>>
        tpu.vector_store_idx %parallel_loop3A_428[%parallel_loop3A_425], %parallel_loop3A_424 : memref<16384xf32, #tpu.memory_space<vmem>>[vector<16xi32>], vector<16xf32>,
        %parallel_loop3A_429 = arith.constant 19 : i32
        %parallel_loop3A_430 = vector.broadcast %parallel_loop3A_429 : i32 to vector<16xi32>
        %parallel_loop3A_431 = arith.addi %iota3A, %parallel_loop3A_430 : vector<16xi32>
        %parallel_loop3A_432 = arith.constant 31 : i32
        %parallel_loop3A_433 = vector.broadcast %parallel_loop3A_432 : i32 to vector<16xi32>
        %parallel_loop3A_434 = arith.andi %parallel_loop3A_431, %parallel_loop3A_433 : vector<16xi32>
        %parallel_loop3A_435 = arith.addi %parallel_loop3A_75, %parallel_loop3A_434 : vector<16xi32>
        %parallel_loop3A_436 = tpu.vector_load_idx %arg7[%parallel_loop3A_435] : memref<9216xf32, #tpu.memory_space<vmem>>[vector<16xi32>], vector<16xf32>,
        %parallel_loop3A_437 = arith.addi %parallel_loop3A_86, %parallel_loop3A_434 : vector<16xi32>
        %parallel_loop3A_438 = arith.constant 0 : i32
        %parallel_loop3A_439 = tpu.memref_slice %arg10[%rem3A_40, %parallel_loop3A_438] : memref<2x16384xf32, #tpu.memory_space<vmem>> -> memref<1x16384xf32, #tpu.memory_space<vmem>>
        %parallel_loop3A_440 = tpu.memref_squeeze %parallel_loop3A_439 : memref<1x16384xf32, #tpu.memory_space<vmem>> -> memref<16384xf32, #tpu.memory_space<vmem>>
        tpu.vector_store_idx %parallel_loop3A_440[%parallel_loop3A_437], %parallel_loop3A_436 : memref<16384xf32, #tpu.memory_space<vmem>>[vector<16xi32>], vector<16xf32>,
        %parallel_loop3A_441 = arith.addi %parallel_loop3A_82, %parallel_loop3A_434 : vector<16xi32>
        %parallel_loop3A_442 = tpu.vector_load_idx %arg8[%parallel_loop3A_441] : memref<224xf32, #tpu.memory_space<vmem>>[vector<16xi32>], vector<16xf32>,
        %parallel_loop3A_443 = arith.addi %parallel_loop3A_86, %parallel_loop3A_434 : vector<16xi32>
        %parallel_loop3A_444 = arith.constant 0 : i32
        %parallel_loop3A_445 = tpu.memref_slice %arg11[%rem3A_40, %parallel_loop3A_444] : memref<2x16384xf32, #tpu.memory_space<vmem>> -> memref<1x16384xf32, #tpu.memory_space<vmem>>
        %parallel_loop3A_446 = tpu.memref_squeeze %parallel_loop3A_445 : memref<1x16384xf32, #tpu.memory_space<vmem>> -> memref<16384xf32, #tpu.memory_space<vmem>>
        tpu.vector_store_idx %parallel_loop3A_446[%parallel_loop3A_443], %parallel_loop3A_442 : memref<16384xf32, #tpu.memory_space<vmem>>[vector<16xi32>], vector<16xf32>,
        %parallel_loop3A_447 = arith.constant 20 : i32
        %parallel_loop3A_448 = vector.broadcast %parallel_loop3A_447 : i32 to vector<16xi32>
        %parallel_loop3A_449 = arith.addi %iota3A, %parallel_loop3A_448 : vector<16xi32>
        %parallel_loop3A_450 = arith.constant 31 : i32
        %parallel_loop3A_451 = vector.broadcast %parallel_loop3A_450 : i32 to vector<16xi32>
        %parallel_loop3A_452 = arith.andi %parallel_loop3A_449, %parallel_loop3A_451 : vector<16xi32>
        %parallel_loop3A_453 = arith.addi %parallel_loop3A_75, %parallel_loop3A_452 : vector<16xi32>
        %parallel_loop3A_454 = tpu.vector_load_idx %arg7[%parallel_loop3A_453] : memref<9216xf32, #tpu.memory_space<vmem>>[vector<16xi32>], vector<16xf32>,
        %parallel_loop3A_455 = arith.addi %parallel_loop3A_86, %parallel_loop3A_452 : vector<16xi32>
        %parallel_loop3A_456 = arith.constant 0 : i32
        %parallel_loop3A_457 = tpu.memref_slice %arg10[%rem3A_40, %parallel_loop3A_456] : memref<2x16384xf32, #tpu.memory_space<vmem>> -> memref<1x16384xf32, #tpu.memory_space<vmem>>
        %parallel_loop3A_458 = tpu.memref_squeeze %parallel_loop3A_457 : memref<1x16384xf32, #tpu.memory_space<vmem>> -> memref<16384xf32, #tpu.memory_space<vmem>>
        tpu.vector_store_idx %parallel_loop3A_458[%parallel_loop3A_455], %parallel_loop3A_454 : memref<16384xf32, #tpu.memory_space<vmem>>[vector<16xi32>], vector<16xf32>,
        %parallel_loop3A_459 = arith.addi %parallel_loop3A_82, %parallel_loop3A_452 : vector<16xi32>
        %parallel_loop3A_460 = tpu.vector_load_idx %arg8[%parallel_loop3A_459] : memref<224xf32, #tpu.memory_space<vmem>>[vector<16xi32>], vector<16xf32>,
        %parallel_loop3A_461 = arith.addi %parallel_loop3A_86, %parallel_loop3A_452 : vector<16xi32>
        %parallel_loop3A_462 = arith.constant 0 : i32
        %parallel_loop3A_463 = tpu.memref_slice %arg11[%rem3A_40, %parallel_loop3A_462] : memref<2x16384xf32, #tpu.memory_space<vmem>> -> memref<1x16384xf32, #tpu.memory_space<vmem>>
        %parallel_loop3A_464 = tpu.memref_squeeze %parallel_loop3A_463 : memref<1x16384xf32, #tpu.memory_space<vmem>> -> memref<16384xf32, #tpu.memory_space<vmem>>
        tpu.vector_store_idx %parallel_loop3A_464[%parallel_loop3A_461], %parallel_loop3A_460 : memref<16384xf32, #tpu.memory_space<vmem>>[vector<16xi32>], vector<16xf32>,
        %parallel_loop3A_465 = arith.constant 21 : i32
        %parallel_loop3A_466 = vector.broadcast %parallel_loop3A_465 : i32 to vector<16xi32>
        %parallel_loop3A_467 = arith.addi %iota3A, %parallel_loop3A_466 : vector<16xi32>
        %parallel_loop3A_468 = arith.constant 31 : i32
        %parallel_loop3A_469 = vector.broadcast %parallel_loop3A_468 : i32 to vector<16xi32>
        %parallel_loop3A_470 = arith.andi %parallel_loop3A_467, %parallel_loop3A_469 : vector<16xi32>
        %parallel_loop3A_471 = arith.addi %parallel_loop3A_75, %parallel_loop3A_470 : vector<16xi32>
        %parallel_loop3A_472 = tpu.vector_load_idx %arg7[%parallel_loop3A_471] : memref<9216xf32, #tpu.memory_space<vmem>>[vector<16xi32>], vector<16xf32>,
        %parallel_loop3A_473 = arith.addi %parallel_loop3A_86, %parallel_loop3A_470 : vector<16xi32>
        %parallel_loop3A_474 = arith.constant 0 : i32
        %parallel_loop3A_475 = tpu.memref_slice %arg10[%rem3A_40, %parallel_loop3A_474] : memref<2x16384xf32, #tpu.memory_space<vmem>> -> memref<1x16384xf32, #tpu.memory_space<vmem>>
        %parallel_loop3A_476 = tpu.memref_squeeze %parallel_loop3A_475 : memref<1x16384xf32, #tpu.memory_space<vmem>> -> memref<16384xf32, #tpu.memory_space<vmem>>
        tpu.vector_store_idx %parallel_loop3A_476[%parallel_loop3A_473], %parallel_loop3A_472 : memref<16384xf32, #tpu.memory_space<vmem>>[vector<16xi32>], vector<16xf32>,
        %parallel_loop3A_477 = arith.addi %parallel_loop3A_82, %parallel_loop3A_470 : vector<16xi32>
        %parallel_loop3A_478 = tpu.vector_load_idx %arg8[%parallel_loop3A_477] : memref<224xf32, #tpu.memory_space<vmem>>[vector<16xi32>], vector<16xf32>,
        %parallel_loop3A_479 = arith.addi %parallel_loop3A_86, %parallel_loop3A_470 : vector<16xi32>
        %parallel_loop3A_480 = arith.constant 0 : i32
        %parallel_loop3A_481 = tpu.memref_slice %arg11[%rem3A_40, %parallel_loop3A_480] : memref<2x16384xf32, #tpu.memory_space<vmem>> -> memref<1x16384xf32, #tpu.memory_space<vmem>>
        %parallel_loop3A_482 = tpu.memref_squeeze %parallel_loop3A_481 : memref<1x16384xf32, #tpu.memory_space<vmem>> -> memref<16384xf32, #tpu.memory_space<vmem>>
        tpu.vector_store_idx %parallel_loop3A_482[%parallel_loop3A_479], %parallel_loop3A_478 : memref<16384xf32, #tpu.memory_space<vmem>>[vector<16xi32>], vector<16xf32>,
        %parallel_loop3A_483 = arith.constant 22 : i32
        %parallel_loop3A_484 = vector.broadcast %parallel_loop3A_483 : i32 to vector<16xi32>
        %parallel_loop3A_485 = arith.addi %iota3A, %parallel_loop3A_484 : vector<16xi32>
        %parallel_loop3A_486 = arith.constant 31 : i32
        %parallel_loop3A_487 = vector.broadcast %parallel_loop3A_486 : i32 to vector<16xi32>
        %parallel_loop3A_488 = arith.andi %parallel_loop3A_485, %parallel_loop3A_487 : vector<16xi32>
        %parallel_loop3A_489 = arith.addi %parallel_loop3A_75, %parallel_loop3A_488 : vector<16xi32>
        %parallel_loop3A_490 = tpu.vector_load_idx %arg7[%parallel_loop3A_489] : memref<9216xf32, #tpu.memory_space<vmem>>[vector<16xi32>], vector<16xf32>,
        %parallel_loop3A_491 = arith.addi %parallel_loop3A_86, %parallel_loop3A_488 : vector<16xi32>
        %parallel_loop3A_492 = arith.constant 0 : i32
        %parallel_loop3A_493 = tpu.memref_slice %arg10[%rem3A_40, %parallel_loop3A_492] : memref<2x16384xf32, #tpu.memory_space<vmem>> -> memref<1x16384xf32, #tpu.memory_space<vmem>>
        %parallel_loop3A_494 = tpu.memref_squeeze %parallel_loop3A_493 : memref<1x16384xf32, #tpu.memory_space<vmem>> -> memref<16384xf32, #tpu.memory_space<vmem>>
        tpu.vector_store_idx %parallel_loop3A_494[%parallel_loop3A_491], %parallel_loop3A_490 : memref<16384xf32, #tpu.memory_space<vmem>>[vector<16xi32>], vector<16xf32>,
        %parallel_loop3A_495 = arith.addi %parallel_loop3A_82, %parallel_loop3A_488 : vector<16xi32>
        %parallel_loop3A_496 = tpu.vector_load_idx %arg8[%parallel_loop3A_495] : memref<224xf32, #tpu.memory_space<vmem>>[vector<16xi32>], vector<16xf32>,
        %parallel_loop3A_497 = arith.addi %parallel_loop3A_86, %parallel_loop3A_488 : vector<16xi32>
        %parallel_loop3A_498 = arith.constant 0 : i32
        %parallel_loop3A_499 = tpu.memref_slice %arg11[%rem3A_40, %parallel_loop3A_498] : memref<2x16384xf32, #tpu.memory_space<vmem>> -> memref<1x16384xf32, #tpu.memory_space<vmem>>
        %parallel_loop3A_500 = tpu.memref_squeeze %parallel_loop3A_499 : memref<1x16384xf32, #tpu.memory_space<vmem>> -> memref<16384xf32, #tpu.memory_space<vmem>>
        tpu.vector_store_idx %parallel_loop3A_500[%parallel_loop3A_497], %parallel_loop3A_496 : memref<16384xf32, #tpu.memory_space<vmem>>[vector<16xi32>], vector<16xf32>,
        %parallel_loop3A_501 = arith.constant 23 : i32
        %parallel_loop3A_502 = vector.broadcast %parallel_loop3A_501 : i32 to vector<16xi32>
        %parallel_loop3A_503 = arith.addi %iota3A, %parallel_loop3A_502 : vector<16xi32>
        %parallel_loop3A_504 = arith.constant 31 : i32
        %parallel_loop3A_505 = vector.broadcast %parallel_loop3A_504 : i32 to vector<16xi32>
        %parallel_loop3A_506 = arith.andi %parallel_loop3A_503, %parallel_loop3A_505 : vector<16xi32>
        %parallel_loop3A_507 = arith.addi %parallel_loop3A_75, %parallel_loop3A_506 : vector<16xi32>
        %parallel_loop3A_508 = tpu.vector_load_idx %arg7[%parallel_loop3A_507] : memref<9216xf32, #tpu.memory_space<vmem>>[vector<16xi32>], vector<16xf32>,
        %parallel_loop3A_509 = arith.addi %parallel_loop3A_86, %parallel_loop3A_506 : vector<16xi32>
        %parallel_loop3A_510 = arith.constant 0 : i32
        %parallel_loop3A_511 = tpu.memref_slice %arg10[%rem3A_40, %parallel_loop3A_510] : memref<2x16384xf32, #tpu.memory_space<vmem>> -> memref<1x16384xf32, #tpu.memory_space<vmem>>
        %parallel_loop3A_512 = tpu.memref_squeeze %parallel_loop3A_511 : memref<1x16384xf32, #tpu.memory_space<vmem>> -> memref<16384xf32, #tpu.memory_space<vmem>>
        tpu.vector_store_idx %parallel_loop3A_512[%parallel_loop3A_509], %parallel_loop3A_508 : memref<16384xf32, #tpu.memory_space<vmem>>[vector<16xi32>], vector<16xf32>,
        %parallel_loop3A_513 = arith.addi %parallel_loop3A_82, %parallel_loop3A_506 : vector<16xi32>
        %parallel_loop3A_514 = tpu.vector_load_idx %arg8[%parallel_loop3A_513] : memref<224xf32, #tpu.memory_space<vmem>>[vector<16xi32>], vector<16xf32>,
        %parallel_loop3A_515 = arith.addi %parallel_loop3A_86, %parallel_loop3A_506 : vector<16xi32>
        %parallel_loop3A_516 = arith.constant 0 : i32
        %parallel_loop3A_517 = tpu.memref_slice %arg11[%rem3A_40, %parallel_loop3A_516] : memref<2x16384xf32, #tpu.memory_space<vmem>> -> memref<1x16384xf32, #tpu.memory_space<vmem>>
        %parallel_loop3A_518 = tpu.memref_squeeze %parallel_loop3A_517 : memref<1x16384xf32, #tpu.memory_space<vmem>> -> memref<16384xf32, #tpu.memory_space<vmem>>
        tpu.vector_store_idx %parallel_loop3A_518[%parallel_loop3A_515], %parallel_loop3A_514 : memref<16384xf32, #tpu.memory_space<vmem>>[vector<16xi32>], vector<16xf32>,
        %parallel_loop3A_519 = arith.constant 24 : i32
        %parallel_loop3A_520 = vector.broadcast %parallel_loop3A_519 : i32 to vector<16xi32>
        %parallel_loop3A_521 = arith.addi %iota3A, %parallel_loop3A_520 : vector<16xi32>
        %parallel_loop3A_522 = arith.constant 31 : i32
        %parallel_loop3A_523 = vector.broadcast %parallel_loop3A_522 : i32 to vector<16xi32>
        %parallel_loop3A_524 = arith.andi %parallel_loop3A_521, %parallel_loop3A_523 : vector<16xi32>
        %parallel_loop3A_525 = arith.addi %parallel_loop3A_75, %parallel_loop3A_524 : vector<16xi32>
        %parallel_loop3A_526 = tpu.vector_load_idx %arg7[%parallel_loop3A_525] : memref<9216xf32, #tpu.memory_space<vmem>>[vector<16xi32>], vector<16xf32>,
        %parallel_loop3A_527 = arith.addi %parallel_loop3A_86, %parallel_loop3A_524 : vector<16xi32>
        %parallel_loop3A_528 = arith.constant 0 : i32
        %parallel_loop3A_529 = tpu.memref_slice %arg10[%rem3A_40, %parallel_loop3A_528] : memref<2x16384xf32, #tpu.memory_space<vmem>> -> memref<1x16384xf32, #tpu.memory_space<vmem>>
        %parallel_loop3A_530 = tpu.memref_squeeze %parallel_loop3A_529 : memref<1x16384xf32, #tpu.memory_space<vmem>> -> memref<16384xf32, #tpu.memory_space<vmem>>
        tpu.vector_store_idx %parallel_loop3A_530[%parallel_loop3A_527], %parallel_loop3A_526 : memref<16384xf32, #tpu.memory_space<vmem>>[vector<16xi32>], vector<16xf32>,
        %parallel_loop3A_531 = arith.addi %parallel_loop3A_82, %parallel_loop3A_524 : vector<16xi32>
        %parallel_loop3A_532 = tpu.vector_load_idx %arg8[%parallel_loop3A_531] : memref<224xf32, #tpu.memory_space<vmem>>[vector<16xi32>], vector<16xf32>,
        %parallel_loop3A_533 = arith.addi %parallel_loop3A_86, %parallel_loop3A_524 : vector<16xi32>
        %parallel_loop3A_534 = arith.constant 0 : i32
        %parallel_loop3A_535 = tpu.memref_slice %arg11[%rem3A_40, %parallel_loop3A_534] : memref<2x16384xf32, #tpu.memory_space<vmem>> -> memref<1x16384xf32, #tpu.memory_space<vmem>>
        %parallel_loop3A_536 = tpu.memref_squeeze %parallel_loop3A_535 : memref<1x16384xf32, #tpu.memory_space<vmem>> -> memref<16384xf32, #tpu.memory_space<vmem>>
        tpu.vector_store_idx %parallel_loop3A_536[%parallel_loop3A_533], %parallel_loop3A_532 : memref<16384xf32, #tpu.memory_space<vmem>>[vector<16xi32>], vector<16xf32>,
        %parallel_loop3A_537 = arith.constant 25 : i32
        %parallel_loop3A_538 = vector.broadcast %parallel_loop3A_537 : i32 to vector<16xi32>
        %parallel_loop3A_539 = arith.addi %iota3A, %parallel_loop3A_538 : vector<16xi32>
        %parallel_loop3A_540 = arith.constant 31 : i32
        %parallel_loop3A_541 = vector.broadcast %parallel_loop3A_540 : i32 to vector<16xi32>
        %parallel_loop3A_542 = arith.andi %parallel_loop3A_539, %parallel_loop3A_541 : vector<16xi32>
        %parallel_loop3A_543 = arith.addi %parallel_loop3A_75, %parallel_loop3A_542 : vector<16xi32>
        %parallel_loop3A_544 = tpu.vector_load_idx %arg7[%parallel_loop3A_543] : memref<9216xf32, #tpu.memory_space<vmem>>[vector<16xi32>], vector<16xf32>,
        %parallel_loop3A_545 = arith.addi %parallel_loop3A_86, %parallel_loop3A_542 : vector<16xi32>
        %parallel_loop3A_546 = arith.constant 0 : i32
        %parallel_loop3A_547 = tpu.memref_slice %arg10[%rem3A_40, %parallel_loop3A_546] : memref<2x16384xf32, #tpu.memory_space<vmem>> -> memref<1x16384xf32, #tpu.memory_space<vmem>>
        %parallel_loop3A_548 = tpu.memref_squeeze %parallel_loop3A_547 : memref<1x16384xf32, #tpu.memory_space<vmem>> -> memref<16384xf32, #tpu.memory_space<vmem>>
        tpu.vector_store_idx %parallel_loop3A_548[%parallel_loop3A_545], %parallel_loop3A_544 : memref<16384xf32, #tpu.memory_space<vmem>>[vector<16xi32>], vector<16xf32>,
        %parallel_loop3A_549 = arith.addi %parallel_loop3A_82, %parallel_loop3A_542 : vector<16xi32>
        %parallel_loop3A_550 = tpu.vector_load_idx %arg8[%parallel_loop3A_549] : memref<224xf32, #tpu.memory_space<vmem>>[vector<16xi32>], vector<16xf32>,
        %parallel_loop3A_551 = arith.addi %parallel_loop3A_86, %parallel_loop3A_542 : vector<16xi32>
        %parallel_loop3A_552 = arith.constant 0 : i32
        %parallel_loop3A_553 = tpu.memref_slice %arg11[%rem3A_40, %parallel_loop3A_552] : memref<2x16384xf32, #tpu.memory_space<vmem>> -> memref<1x16384xf32, #tpu.memory_space<vmem>>
        %parallel_loop3A_554 = tpu.memref_squeeze %parallel_loop3A_553 : memref<1x16384xf32, #tpu.memory_space<vmem>> -> memref<16384xf32, #tpu.memory_space<vmem>>
        tpu.vector_store_idx %parallel_loop3A_554[%parallel_loop3A_551], %parallel_loop3A_550 : memref<16384xf32, #tpu.memory_space<vmem>>[vector<16xi32>], vector<16xf32>,
        %parallel_loop3A_555 = arith.constant 26 : i32
        %parallel_loop3A_556 = vector.broadcast %parallel_loop3A_555 : i32 to vector<16xi32>
        %parallel_loop3A_557 = arith.addi %iota3A, %parallel_loop3A_556 : vector<16xi32>
        %parallel_loop3A_558 = arith.constant 31 : i32
        %parallel_loop3A_559 = vector.broadcast %parallel_loop3A_558 : i32 to vector<16xi32>
        %parallel_loop3A_560 = arith.andi %parallel_loop3A_557, %parallel_loop3A_559 : vector<16xi32>
        %parallel_loop3A_561 = arith.addi %parallel_loop3A_75, %parallel_loop3A_560 : vector<16xi32>
        %parallel_loop3A_562 = tpu.vector_load_idx %arg7[%parallel_loop3A_561] : memref<9216xf32, #tpu.memory_space<vmem>>[vector<16xi32>], vector<16xf32>,
        %parallel_loop3A_563 = arith.addi %parallel_loop3A_86, %parallel_loop3A_560 : vector<16xi32>
        %parallel_loop3A_564 = arith.constant 0 : i32
        %parallel_loop3A_565 = tpu.memref_slice %arg10[%rem3A_40, %parallel_loop3A_564] : memref<2x16384xf32, #tpu.memory_space<vmem>> -> memref<1x16384xf32, #tpu.memory_space<vmem>>
        %parallel_loop3A_566 = tpu.memref_squeeze %parallel_loop3A_565 : memref<1x16384xf32, #tpu.memory_space<vmem>> -> memref<16384xf32, #tpu.memory_space<vmem>>
        tpu.vector_store_idx %parallel_loop3A_566[%parallel_loop3A_563], %parallel_loop3A_562 : memref<16384xf32, #tpu.memory_space<vmem>>[vector<16xi32>], vector<16xf32>,
        %parallel_loop3A_567 = arith.addi %parallel_loop3A_82, %parallel_loop3A_560 : vector<16xi32>
        %parallel_loop3A_568 = tpu.vector_load_idx %arg8[%parallel_loop3A_567] : memref<224xf32, #tpu.memory_space<vmem>>[vector<16xi32>], vector<16xf32>,
        %parallel_loop3A_569 = arith.addi %parallel_loop3A_86, %parallel_loop3A_560 : vector<16xi32>
        %parallel_loop3A_570 = arith.constant 0 : i32
        %parallel_loop3A_571 = tpu.memref_slice %arg11[%rem3A_40, %parallel_loop3A_570] : memref<2x16384xf32, #tpu.memory_space<vmem>> -> memref<1x16384xf32, #tpu.memory_space<vmem>>
        %parallel_loop3A_572 = tpu.memref_squeeze %parallel_loop3A_571 : memref<1x16384xf32, #tpu.memory_space<vmem>> -> memref<16384xf32, #tpu.memory_space<vmem>>
        tpu.vector_store_idx %parallel_loop3A_572[%parallel_loop3A_569], %parallel_loop3A_568 : memref<16384xf32, #tpu.memory_space<vmem>>[vector<16xi32>], vector<16xf32>,
        %parallel_loop3A_573 = arith.constant 27 : i32
        %parallel_loop3A_574 = vector.broadcast %parallel_loop3A_573 : i32 to vector<16xi32>
        %parallel_loop3A_575 = arith.addi %iota3A, %parallel_loop3A_574 : vector<16xi32>
        %parallel_loop3A_576 = arith.constant 31 : i32
        %parallel_loop3A_577 = vector.broadcast %parallel_loop3A_576 : i32 to vector<16xi32>
        %parallel_loop3A_578 = arith.andi %parallel_loop3A_575, %parallel_loop3A_577 : vector<16xi32>
        %parallel_loop3A_579 = arith.addi %parallel_loop3A_75, %parallel_loop3A_578 : vector<16xi32>
        %parallel_loop3A_580 = tpu.vector_load_idx %arg7[%parallel_loop3A_579] : memref<9216xf32, #tpu.memory_space<vmem>>[vector<16xi32>], vector<16xf32>,
        %parallel_loop3A_581 = arith.addi %parallel_loop3A_86, %parallel_loop3A_578 : vector<16xi32>
        %parallel_loop3A_582 = arith.constant 0 : i32
        %parallel_loop3A_583 = tpu.memref_slice %arg10[%rem3A_40, %parallel_loop3A_582] : memref<2x16384xf32, #tpu.memory_space<vmem>> -> memref<1x16384xf32, #tpu.memory_space<vmem>>
        %parallel_loop3A_584 = tpu.memref_squeeze %parallel_loop3A_583 : memref<1x16384xf32, #tpu.memory_space<vmem>> -> memref<16384xf32, #tpu.memory_space<vmem>>
        tpu.vector_store_idx %parallel_loop3A_584[%parallel_loop3A_581], %parallel_loop3A_580 : memref<16384xf32, #tpu.memory_space<vmem>>[vector<16xi32>], vector<16xf32>,
        %parallel_loop3A_585 = arith.addi %parallel_loop3A_82, %parallel_loop3A_578 : vector<16xi32>
        %parallel_loop3A_586 = tpu.vector_load_idx %arg8[%parallel_loop3A_585] : memref<224xf32, #tpu.memory_space<vmem>>[vector<16xi32>], vector<16xf32>,
        %parallel_loop3A_587 = arith.addi %parallel_loop3A_86, %parallel_loop3A_578 : vector<16xi32>
        %parallel_loop3A_588 = arith.constant 0 : i32
        %parallel_loop3A_589 = tpu.memref_slice %arg11[%rem3A_40, %parallel_loop3A_588] : memref<2x16384xf32, #tpu.memory_space<vmem>> -> memref<1x16384xf32, #tpu.memory_space<vmem>>
        %parallel_loop3A_590 = tpu.memref_squeeze %parallel_loop3A_589 : memref<1x16384xf32, #tpu.memory_space<vmem>> -> memref<16384xf32, #tpu.memory_space<vmem>>
        tpu.vector_store_idx %parallel_loop3A_590[%parallel_loop3A_587], %parallel_loop3A_586 : memref<16384xf32, #tpu.memory_space<vmem>>[vector<16xi32>], vector<16xf32>,
        %parallel_loop3A_591 = arith.constant 28 : i32
        %parallel_loop3A_592 = vector.broadcast %parallel_loop3A_591 : i32 to vector<16xi32>
        %parallel_loop3A_593 = arith.addi %iota3A, %parallel_loop3A_592 : vector<16xi32>
        %parallel_loop3A_594 = arith.constant 31 : i32
        %parallel_loop3A_595 = vector.broadcast %parallel_loop3A_594 : i32 to vector<16xi32>
        %parallel_loop3A_596 = arith.andi %parallel_loop3A_593, %parallel_loop3A_595 : vector<16xi32>
        %parallel_loop3A_597 = arith.addi %parallel_loop3A_75, %parallel_loop3A_596 : vector<16xi32>
        %parallel_loop3A_598 = tpu.vector_load_idx %arg7[%parallel_loop3A_597] : memref<9216xf32, #tpu.memory_space<vmem>>[vector<16xi32>], vector<16xf32>,
        %parallel_loop3A_599 = arith.addi %parallel_loop3A_86, %parallel_loop3A_596 : vector<16xi32>
        %parallel_loop3A_600 = arith.constant 0 : i32
        %parallel_loop3A_601 = tpu.memref_slice %arg10[%rem3A_40, %parallel_loop3A_600] : memref<2x16384xf32, #tpu.memory_space<vmem>> -> memref<1x16384xf32, #tpu.memory_space<vmem>>
        %parallel_loop3A_602 = tpu.memref_squeeze %parallel_loop3A_601 : memref<1x16384xf32, #tpu.memory_space<vmem>> -> memref<16384xf32, #tpu.memory_space<vmem>>
        tpu.vector_store_idx %parallel_loop3A_602[%parallel_loop3A_599], %parallel_loop3A_598 : memref<16384xf32, #tpu.memory_space<vmem>>[vector<16xi32>], vector<16xf32>,
        %parallel_loop3A_603 = arith.addi %parallel_loop3A_82, %parallel_loop3A_596 : vector<16xi32>
        %parallel_loop3A_604 = tpu.vector_load_idx %arg8[%parallel_loop3A_603] : memref<224xf32, #tpu.memory_space<vmem>>[vector<16xi32>], vector<16xf32>,
        %parallel_loop3A_605 = arith.addi %parallel_loop3A_86, %parallel_loop3A_596 : vector<16xi32>
        %parallel_loop3A_606 = arith.constant 0 : i32
        %parallel_loop3A_607 = tpu.memref_slice %arg11[%rem3A_40, %parallel_loop3A_606] : memref<2x16384xf32, #tpu.memory_space<vmem>> -> memref<1x16384xf32, #tpu.memory_space<vmem>>
        %parallel_loop3A_608 = tpu.memref_squeeze %parallel_loop3A_607 : memref<1x16384xf32, #tpu.memory_space<vmem>> -> memref<16384xf32, #tpu.memory_space<vmem>>
        tpu.vector_store_idx %parallel_loop3A_608[%parallel_loop3A_605], %parallel_loop3A_604 : memref<16384xf32, #tpu.memory_space<vmem>>[vector<16xi32>], vector<16xf32>,
        %parallel_loop3A_609 = arith.constant 29 : i32
        %parallel_loop3A_610 = vector.broadcast %parallel_loop3A_609 : i32 to vector<16xi32>
        %parallel_loop3A_611 = arith.addi %iota3A, %parallel_loop3A_610 : vector<16xi32>
        %parallel_loop3A_612 = arith.constant 31 : i32
        %parallel_loop3A_613 = vector.broadcast %parallel_loop3A_612 : i32 to vector<16xi32>
        %parallel_loop3A_614 = arith.andi %parallel_loop3A_611, %parallel_loop3A_613 : vector<16xi32>
        %parallel_loop3A_615 = arith.addi %parallel_loop3A_75, %parallel_loop3A_614 : vector<16xi32>
        %parallel_loop3A_616 = tpu.vector_load_idx %arg7[%parallel_loop3A_615] : memref<9216xf32, #tpu.memory_space<vmem>>[vector<16xi32>], vector<16xf32>,
        %parallel_loop3A_617 = arith.addi %parallel_loop3A_86, %parallel_loop3A_614 : vector<16xi32>
        %parallel_loop3A_618 = arith.constant 0 : i32
        %parallel_loop3A_619 = tpu.memref_slice %arg10[%rem3A_40, %parallel_loop3A_618] : memref<2x16384xf32, #tpu.memory_space<vmem>> -> memref<1x16384xf32, #tpu.memory_space<vmem>>
        %parallel_loop3A_620 = tpu.memref_squeeze %parallel_loop3A_619 : memref<1x16384xf32, #tpu.memory_space<vmem>> -> memref<16384xf32, #tpu.memory_space<vmem>>
        tpu.vector_store_idx %parallel_loop3A_620[%parallel_loop3A_617], %parallel_loop3A_616 : memref<16384xf32, #tpu.memory_space<vmem>>[vector<16xi32>], vector<16xf32>,
        %parallel_loop3A_621 = arith.addi %parallel_loop3A_82, %parallel_loop3A_614 : vector<16xi32>
        %parallel_loop3A_622 = tpu.vector_load_idx %arg8[%parallel_loop3A_621] : memref<224xf32, #tpu.memory_space<vmem>>[vector<16xi32>], vector<16xf32>,
        %parallel_loop3A_623 = arith.addi %parallel_loop3A_86, %parallel_loop3A_614 : vector<16xi32>
        %parallel_loop3A_624 = arith.constant 0 : i32
        %parallel_loop3A_625 = tpu.memref_slice %arg11[%rem3A_40, %parallel_loop3A_624] : memref<2x16384xf32, #tpu.memory_space<vmem>> -> memref<1x16384xf32, #tpu.memory_space<vmem>>
        %parallel_loop3A_626 = tpu.memref_squeeze %parallel_loop3A_625 : memref<1x16384xf32, #tpu.memory_space<vmem>> -> memref<16384xf32, #tpu.memory_space<vmem>>
        tpu.vector_store_idx %parallel_loop3A_626[%parallel_loop3A_623], %parallel_loop3A_622 : memref<16384xf32, #tpu.memory_space<vmem>>[vector<16xi32>], vector<16xf32>,
        %parallel_loop3A_627 = arith.constant 30 : i32
        %parallel_loop3A_628 = vector.broadcast %parallel_loop3A_627 : i32 to vector<16xi32>
        %parallel_loop3A_629 = arith.addi %iota3A, %parallel_loop3A_628 : vector<16xi32>
        %parallel_loop3A_630 = arith.constant 31 : i32
        %parallel_loop3A_631 = vector.broadcast %parallel_loop3A_630 : i32 to vector<16xi32>
        %parallel_loop3A_632 = arith.andi %parallel_loop3A_629, %parallel_loop3A_631 : vector<16xi32>
        %parallel_loop3A_633 = arith.addi %parallel_loop3A_75, %parallel_loop3A_632 : vector<16xi32>
        %parallel_loop3A_634 = tpu.vector_load_idx %arg7[%parallel_loop3A_633] : memref<9216xf32, #tpu.memory_space<vmem>>[vector<16xi32>], vector<16xf32>,
        %parallel_loop3A_635 = arith.addi %parallel_loop3A_86, %parallel_loop3A_632 : vector<16xi32>
        %parallel_loop3A_636 = arith.constant 0 : i32
        %parallel_loop3A_637 = tpu.memref_slice %arg10[%rem3A_40, %parallel_loop3A_636] : memref<2x16384xf32, #tpu.memory_space<vmem>> -> memref<1x16384xf32, #tpu.memory_space<vmem>>
        %parallel_loop3A_638 = tpu.memref_squeeze %parallel_loop3A_637 : memref<1x16384xf32, #tpu.memory_space<vmem>> -> memref<16384xf32, #tpu.memory_space<vmem>>
        tpu.vector_store_idx %parallel_loop3A_638[%parallel_loop3A_635], %parallel_loop3A_634 : memref<16384xf32, #tpu.memory_space<vmem>>[vector<16xi32>], vector<16xf32>,
        %parallel_loop3A_639 = arith.addi %parallel_loop3A_82, %parallel_loop3A_632 : vector<16xi32>
        %parallel_loop3A_640 = tpu.vector_load_idx %arg8[%parallel_loop3A_639] : memref<224xf32, #tpu.memory_space<vmem>>[vector<16xi32>], vector<16xf32>,
        %parallel_loop3A_641 = arith.addi %parallel_loop3A_86, %parallel_loop3A_632 : vector<16xi32>
        %parallel_loop3A_642 = arith.constant 0 : i32
        %parallel_loop3A_643 = tpu.memref_slice %arg11[%rem3A_40, %parallel_loop3A_642] : memref<2x16384xf32, #tpu.memory_space<vmem>> -> memref<1x16384xf32, #tpu.memory_space<vmem>>
        %parallel_loop3A_644 = tpu.memref_squeeze %parallel_loop3A_643 : memref<1x16384xf32, #tpu.memory_space<vmem>> -> memref<16384xf32, #tpu.memory_space<vmem>>
        tpu.vector_store_idx %parallel_loop3A_644[%parallel_loop3A_641], %parallel_loop3A_640 : memref<16384xf32, #tpu.memory_space<vmem>>[vector<16xi32>], vector<16xf32>,
        %parallel_loop3A_645 = arith.constant 31 : i32
        %parallel_loop3A_646 = vector.broadcast %parallel_loop3A_645 : i32 to vector<16xi32>
        %parallel_loop3A_647 = arith.addi %iota3A, %parallel_loop3A_646 : vector<16xi32>
        %parallel_loop3A_648 = arith.constant 31 : i32
        %parallel_loop3A_649 = vector.broadcast %parallel_loop3A_648 : i32 to vector<16xi32>
        %parallel_loop3A_650 = arith.andi %parallel_loop3A_647, %parallel_loop3A_649 : vector<16xi32>
        %parallel_loop3A_651 = arith.addi %parallel_loop3A_75, %parallel_loop3A_650 : vector<16xi32>
        %parallel_loop3A_652 = tpu.vector_load_idx %arg7[%parallel_loop3A_651] : memref<9216xf32, #tpu.memory_space<vmem>>[vector<16xi32>], vector<16xf32>,
        %parallel_loop3A_653 = arith.addi %parallel_loop3A_86, %parallel_loop3A_650 : vector<16xi32>
        %parallel_loop3A_654 = arith.constant 0 : i32
        %parallel_loop3A_655 = tpu.memref_slice %arg10[%rem3A_40, %parallel_loop3A_654] : memref<2x16384xf32, #tpu.memory_space<vmem>> -> memref<1x16384xf32, #tpu.memory_space<vmem>>
        %parallel_loop3A_656 = tpu.memref_squeeze %parallel_loop3A_655 : memref<1x16384xf32, #tpu.memory_space<vmem>> -> memref<16384xf32, #tpu.memory_space<vmem>>
        tpu.vector_store_idx %parallel_loop3A_656[%parallel_loop3A_653], %parallel_loop3A_652 : memref<16384xf32, #tpu.memory_space<vmem>>[vector<16xi32>], vector<16xf32>,
        %parallel_loop3A_657 = arith.addi %parallel_loop3A_82, %parallel_loop3A_650 : vector<16xi32>
        %parallel_loop3A_658 = tpu.vector_load_idx %arg8[%parallel_loop3A_657] : memref<224xf32, #tpu.memory_space<vmem>>[vector<16xi32>], vector<16xf32>,
        %parallel_loop3A_659 = arith.addi %parallel_loop3A_86, %parallel_loop3A_650 : vector<16xi32>
        %parallel_loop3A_660 = arith.constant 0 : i32
        %parallel_loop3A_661 = tpu.memref_slice %arg11[%rem3A_40, %parallel_loop3A_660] : memref<2x16384xf32, #tpu.memory_space<vmem>> -> memref<1x16384xf32, #tpu.memory_space<vmem>>
        %parallel_loop3A_662 = tpu.memref_squeeze %parallel_loop3A_661 : memref<1x16384xf32, #tpu.memory_space<vmem>> -> memref<16384xf32, #tpu.memory_space<vmem>>
        tpu.vector_store_idx %parallel_loop3A_662[%parallel_loop3A_659], %parallel_loop3A_658 : memref<16384xf32, #tpu.memory_space<vmem>>[vector<16xi32>], vector<16xf32>,
      } {sc.loop_unroll_factor = 1 : i64, sc.parallel_access}
      %eq3A_48 = arith.constant 0 : i32
      %eq3A_49 = arith.cmpi eq, %rem3A_40, %eq3A_48 : i32
      %convert_element_type3A_50 = arith.extui %eq3A_49 : i1 to i32
      %cond3A_51 = arith.constant 0 : i32
      %cond3A_52 = arith.cmpi ne, %convert_element_type3A_50, %cond3A_51 : i32
      scf.if %cond3A_52 {
        %dma_start3A = arith.constant 0 : i32
        %dma_start3A_58 = tpu.memref_slice %arg10[%rem3A_40, %dma_start3A] : memref<2x16384xf32, #tpu.memory_space<vmem>> -> memref<1x16384xf32, #tpu.memory_space<vmem>>
        %dma_start3A_59 = tpu.memref_squeeze %dma_start3A_58 : memref<1x16384xf32, #tpu.memory_space<vmem>> -> memref<16384xf32, #tpu.memory_space<vmem>>
        %dma_start3A_60 = arith.constant 0 : i32
        %dma_start3A_61 = tpu.memref_slice %arg5[%add3A_41, %dma_start3A_60] : memref<1024x16384xf32, #tpu.memory_space<hbm>> -> memref<1x16384xf32, #tpu.memory_space<hbm>>
        %dma_start3A_62 = tpu.memref_squeeze %dma_start3A_61 : memref<1x16384xf32, #tpu.memory_space<hbm>> -> memref<16384xf32, #tpu.memory_space<hbm>>
        %dma_start3A_63 = arith.constant 0 : i32
        %dma_start3A_64 = tpu.memref_slice %arg5[%add3A_41, %dma_start3A_63] : memref<1024x16384xf32, #tpu.memory_space<hbm>> -> memref<1x16384xf32, #tpu.memory_space<hbm>>
        %dma_start3A_65 = tpu.memref_squeeze %dma_start3A_64 : memref<1x16384xf32, #tpu.memory_space<hbm>> -> memref<16384xf32, #tpu.memory_space<hbm>>
        %dma_start3A_66 = arith.constant 0 : i32
        %dma_start3A_67 = tpu.memref_slice %arg10[%rem3A_40, %dma_start3A_66] : memref<2x16384xf32, #tpu.memory_space<vmem>> -> memref<1x16384xf32, #tpu.memory_space<vmem>>
        %dma_start3A_68 = tpu.memref_squeeze %dma_start3A_67 : memref<1x16384xf32, #tpu.memory_space<vmem>> -> memref<16384xf32, #tpu.memory_space<vmem>>
        tpu.enqueue_dma source(%dma_start3A_68 : memref<16384xf32, #tpu.memory_space<vmem>>) target(%dma_start3A_65 : memref<16384xf32, #tpu.memory_space<hbm>>) target_semaphore(%arg12 : memref<!tpu.dma_semaphore, #tpu.memory_space<semaphore_mem>>)
        %dma_start3A_69 = arith.constant 0 : i32
        %dma_start3A_70 = tpu.memref_slice %arg11[%rem3A_40, %dma_start3A_69] : memref<2x16384xf32, #tpu.memory_space<vmem>> -> memref<1x16384xf32, #tpu.memory_space<vmem>>
        %dma_start3A_71 = tpu.memref_squeeze %dma_start3A_70 : memref<1x16384xf32, #tpu.memory_space<vmem>> -> memref<16384xf32, #tpu.memory_space<vmem>>
        %dma_start3A_72 = arith.constant 0 : i32
        %dma_start3A_73 = tpu.memref_slice %arg6[%add3A_41, %dma_start3A_72] : memref<1024x16384xf32, #tpu.memory_space<hbm>> -> memref<1x16384xf32, #tpu.memory_space<hbm>>
        %dma_start3A_74 = tpu.memref_squeeze %dma_start3A_73 : memref<1x16384xf32, #tpu.memory_space<hbm>> -> memref<16384xf32, #tpu.memory_space<hbm>>
        %dma_start3A_75 = arith.constant 0 : i32
        %dma_start3A_76 = tpu.memref_slice %arg6[%add3A_41, %dma_start3A_75] : memref<1024x16384xf32, #tpu.memory_space<hbm>> -> memref<1x16384xf32, #tpu.memory_space<hbm>>
        %dma_start3A_77 = tpu.memref_squeeze %dma_start3A_76 : memref<1x16384xf32, #tpu.memory_space<hbm>> -> memref<16384xf32, #tpu.memory_space<hbm>>
        %dma_start3A_78 = arith.constant 0 : i32
        %dma_start3A_79 = tpu.memref_slice %arg11[%rem3A_40, %dma_start3A_78] : memref<2x16384xf32, #tpu.memory_space<vmem>> -> memref<1x16384xf32, #tpu.memory_space<vmem>>
        %dma_start3A_80 = tpu.memref_squeeze %dma_start3A_79 : memref<1x16384xf32, #tpu.memory_space<vmem>> -> memref<16384xf32, #tpu.memory_space<vmem>>
        tpu.enqueue_dma source(%dma_start3A_80 : memref<16384xf32, #tpu.memory_space<vmem>>) target(%dma_start3A_77 : memref<16384xf32, #tpu.memory_space<hbm>>) target_semaphore(%arg12 : memref<!tpu.dma_semaphore, #tpu.memory_space<semaphore_mem>>)
      } else {
      }
      %eq3A_53 = arith.constant 1 : i32
      %eq3A_54 = arith.cmpi eq, %rem3A_40, %eq3A_53 : i32
      %convert_element_type3A_55 = arith.extui %eq3A_54 : i1 to i32
      %cond3A_56 = arith.constant 0 : i32
      %cond3A_57 = arith.cmpi ne, %convert_element_type3A_55, %cond3A_56 : i32
      scf.if %cond3A_57 {
        %dma_start3A = arith.constant 0 : i32
        %dma_start3A_58 = tpu.memref_slice %arg10[%rem3A_40, %dma_start3A] : memref<2x16384xf32, #tpu.memory_space<vmem>> -> memref<1x16384xf32, #tpu.memory_space<vmem>>
        %dma_start3A_59 = tpu.memref_squeeze %dma_start3A_58 : memref<1x16384xf32, #tpu.memory_space<vmem>> -> memref<16384xf32, #tpu.memory_space<vmem>>
        %dma_start3A_60 = arith.constant 0 : i32
        %dma_start3A_61 = tpu.memref_slice %arg5[%add3A_41, %dma_start3A_60] : memref<1024x16384xf32, #tpu.memory_space<hbm>> -> memref<1x16384xf32, #tpu.memory_space<hbm>>
        %dma_start3A_62 = tpu.memref_squeeze %dma_start3A_61 : memref<1x16384xf32, #tpu.memory_space<hbm>> -> memref<16384xf32, #tpu.memory_space<hbm>>
        %dma_start3A_63 = arith.constant 0 : i32
        %dma_start3A_64 = tpu.memref_slice %arg5[%add3A_41, %dma_start3A_63] : memref<1024x16384xf32, #tpu.memory_space<hbm>> -> memref<1x16384xf32, #tpu.memory_space<hbm>>
        %dma_start3A_65 = tpu.memref_squeeze %dma_start3A_64 : memref<1x16384xf32, #tpu.memory_space<hbm>> -> memref<16384xf32, #tpu.memory_space<hbm>>
        %dma_start3A_66 = arith.constant 0 : i32
        %dma_start3A_67 = tpu.memref_slice %arg10[%rem3A_40, %dma_start3A_66] : memref<2x16384xf32, #tpu.memory_space<vmem>> -> memref<1x16384xf32, #tpu.memory_space<vmem>>
        %dma_start3A_68 = tpu.memref_squeeze %dma_start3A_67 : memref<1x16384xf32, #tpu.memory_space<vmem>> -> memref<16384xf32, #tpu.memory_space<vmem>>
        tpu.enqueue_dma source(%dma_start3A_68 : memref<16384xf32, #tpu.memory_space<vmem>>) target(%dma_start3A_65 : memref<16384xf32, #tpu.memory_space<hbm>>) target_semaphore(%arg13 : memref<!tpu.dma_semaphore, #tpu.memory_space<semaphore_mem>>)
        %dma_start3A_69 = arith.constant 0 : i32
        %dma_start3A_70 = tpu.memref_slice %arg11[%rem3A_40, %dma_start3A_69] : memref<2x16384xf32, #tpu.memory_space<vmem>> -> memref<1x16384xf32, #tpu.memory_space<vmem>>
        %dma_start3A_71 = tpu.memref_squeeze %dma_start3A_70 : memref<1x16384xf32, #tpu.memory_space<vmem>> -> memref<16384xf32, #tpu.memory_space<vmem>>
        %dma_start3A_72 = arith.constant 0 : i32
        %dma_start3A_73 = tpu.memref_slice %arg6[%add3A_41, %dma_start3A_72] : memref<1024x16384xf32, #tpu.memory_space<hbm>> -> memref<1x16384xf32, #tpu.memory_space<hbm>>
        %dma_start3A_74 = tpu.memref_squeeze %dma_start3A_73 : memref<1x16384xf32, #tpu.memory_space<hbm>> -> memref<16384xf32, #tpu.memory_space<hbm>>
        %dma_start3A_75 = arith.constant 0 : i32
        %dma_start3A_76 = tpu.memref_slice %arg6[%add3A_41, %dma_start3A_75] : memref<1024x16384xf32, #tpu.memory_space<hbm>> -> memref<1x16384xf32, #tpu.memory_space<hbm>>
        %dma_start3A_77 = tpu.memref_squeeze %dma_start3A_76 : memref<1x16384xf32, #tpu.memory_space<hbm>> -> memref<16384xf32, #tpu.memory_space<hbm>>
        %dma_start3A_78 = arith.constant 0 : i32
        %dma_start3A_79 = tpu.memref_slice %arg11[%rem3A_40, %dma_start3A_78] : memref<2x16384xf32, #tpu.memory_space<vmem>> -> memref<1x16384xf32, #tpu.memory_space<vmem>>
        %dma_start3A_80 = tpu.memref_squeeze %dma_start3A_79 : memref<1x16384xf32, #tpu.memory_space<vmem>> -> memref<16384xf32, #tpu.memory_space<vmem>>
        tpu.enqueue_dma source(%dma_start3A_80 : memref<16384xf32, #tpu.memory_space<vmem>>) target(%dma_start3A_77 : memref<16384xf32, #tpu.memory_space<hbm>>) target_semaphore(%arg13 : memref<!tpu.dma_semaphore, #tpu.memory_space<semaphore_mem>>)
      } else {
      }
    }
    %scan3A_10 = arith.constant 32 : i32
    %add3A_11 = arith.constant 32 : i32
    %add3A_12 = arith.addi %mul3A_2, %add3A_11 : i32
    %sub3A = arith.constant 2 : i32
    %sub3A_13 = arith.subi %add3A_12, %sub3A : i32
    %eq3A = arith.constant 0 : i32
    %eq3A_14 = arith.constant 0 : i32
    %eq3A_15 = arith.cmpi eq, %eq3A, %eq3A_14 : i32
    %convert_element_type3A = arith.extui %eq3A_15 : i1 to i32
    %cond3A = arith.constant 0 : i32
    %cond3A_16 = arith.cmpi ne, %convert_element_type3A, %cond3A : i32
    scf.if %cond3A_16 {
      %dma_wait3A = arith.constant 0 : i32
      %dma_wait3A_39 = arith.constant 0 : i32
      %dma_wait3A_40 = tpu.memref_slice %arg10[%dma_wait3A, %dma_wait3A_39] : memref<2x16384xf32, #tpu.memory_space<vmem>> -> memref<1x16384xf32, #tpu.memory_space<vmem>>
      %dma_wait3A_41 = tpu.memref_squeeze %dma_wait3A_40 : memref<1x16384xf32, #tpu.memory_space<vmem>> -> memref<16384xf32, #tpu.memory_space<vmem>>
      %dma_wait3A_42 = arith.constant 0 : i32
      %dma_wait3A_43 = tpu.memref_slice %arg5[%sub3A_13, %dma_wait3A_42] : memref<1024x16384xf32, #tpu.memory_space<hbm>> -> memref<1x16384xf32, #tpu.memory_space<hbm>>
      %dma_wait3A_44 = tpu.memref_squeeze %dma_wait3A_43 : memref<1x16384xf32, #tpu.memory_space<hbm>> -> memref<16384xf32, #tpu.memory_space<hbm>>
      %dma_wait3A_45 = arith.constant 0 : i32
      %dma_wait3A_46 = tpu.memref_slice %arg5[%sub3A_13, %dma_wait3A_45] : memref<1024x16384xf32, #tpu.memory_space<hbm>> -> memref<1x16384xf32, #tpu.memory_space<hbm>>
      %dma_wait3A_47 = tpu.memref_squeeze %dma_wait3A_46 : memref<1x16384xf32, #tpu.memory_space<hbm>> -> memref<16384xf32, #tpu.memory_space<hbm>>
      %dma_wait3A_48 = arith.constant 0 : i32
      %dma_wait3A_49 = tpu.memref_slice %arg10[%dma_wait3A, %dma_wait3A_48] : memref<2x16384xf32, #tpu.memory_space<vmem>> -> memref<1x16384xf32, #tpu.memory_space<vmem>>
      %dma_wait3A_50 = tpu.memref_squeeze %dma_wait3A_49 : memref<1x16384xf32, #tpu.memory_space<vmem>> -> memref<16384xf32, #tpu.memory_space<vmem>>
      tpu.wait_dma2 semaphore(%arg12 : memref<!tpu.dma_semaphore, #tpu.memory_space<semaphore_mem>>) src(%dma_wait3A_50 : memref<16384xf32, #tpu.memory_space<vmem>>) dst(%dma_wait3A_47 : memref<16384xf32, #tpu.memory_space<hbm>>)
      %dma_wait3A_51 = arith.constant 0 : i32
      %dma_wait3A_52 = arith.constant 0 : i32
      %dma_wait3A_53 = tpu.memref_slice %arg11[%dma_wait3A_51, %dma_wait3A_52] : memref<2x16384xf32, #tpu.memory_space<vmem>> -> memref<1x16384xf32, #tpu.memory_space<vmem>>
      %dma_wait3A_54 = tpu.memref_squeeze %dma_wait3A_53 : memref<1x16384xf32, #tpu.memory_space<vmem>> -> memref<16384xf32, #tpu.memory_space<vmem>>
      %dma_wait3A_55 = arith.constant 0 : i32
      %dma_wait3A_56 = tpu.memref_slice %arg6[%sub3A_13, %dma_wait3A_55] : memref<1024x16384xf32, #tpu.memory_space<hbm>> -> memref<1x16384xf32, #tpu.memory_space<hbm>>
      %dma_wait3A_57 = tpu.memref_squeeze %dma_wait3A_56 : memref<1x16384xf32, #tpu.memory_space<hbm>> -> memref<16384xf32, #tpu.memory_space<hbm>>
      %dma_wait3A_58 = arith.constant 0 : i32
      %dma_wait3A_59 = tpu.memref_slice %arg6[%sub3A_13, %dma_wait3A_58] : memref<1024x16384xf32, #tpu.memory_space<hbm>> -> memref<1x16384xf32, #tpu.memory_space<hbm>>
      %dma_wait3A_60 = tpu.memref_squeeze %dma_wait3A_59 : memref<1x16384xf32, #tpu.memory_space<hbm>> -> memref<16384xf32, #tpu.memory_space<hbm>>
      %dma_wait3A_61 = arith.constant 0 : i32
      %dma_wait3A_62 = tpu.memref_slice %arg11[%dma_wait3A_51, %dma_wait3A_61] : memref<2x16384xf32, #tpu.memory_space<vmem>> -> memref<1x16384xf32, #tpu.memory_space<vmem>>
      %dma_wait3A_63 = tpu.memref_squeeze %dma_wait3A_62 : memref<1x16384xf32, #tpu.memory_space<vmem>> -> memref<16384xf32, #tpu.memory_space<vmem>>
      tpu.wait_dma2 semaphore(%arg12 : memref<!tpu.dma_semaphore, #tpu.memory_space<semaphore_mem>>) src(%dma_wait3A_63 : memref<16384xf32, #tpu.memory_space<vmem>>) dst(%dma_wait3A_60 : memref<16384xf32, #tpu.memory_space<hbm>>)
    } else {
    }
    %eq3A_17 = arith.constant 0 : i32
    %eq3A_18 = arith.constant 1 : i32
    %eq3A_19 = arith.cmpi eq, %eq3A_17, %eq3A_18 : i32
    %convert_element_type3A_20 = arith.extui %eq3A_19 : i1 to i32
    %cond3A_21 = arith.constant 0 : i32
    %cond3A_22 = arith.cmpi ne, %convert_element_type3A_20, %cond3A_21 : i32
    scf.if %cond3A_22 {
      %dma_wait3A = arith.constant 0 : i32
      %dma_wait3A_39 = arith.constant 0 : i32
      %dma_wait3A_40 = tpu.memref_slice %arg10[%dma_wait3A, %dma_wait3A_39] : memref<2x16384xf32, #tpu.memory_space<vmem>> -> memref<1x16384xf32, #tpu.memory_space<vmem>>
      %dma_wait3A_41 = tpu.memref_squeeze %dma_wait3A_40 : memref<1x16384xf32, #tpu.memory_space<vmem>> -> memref<16384xf32, #tpu.memory_space<vmem>>
      %dma_wait3A_42 = arith.constant 0 : i32
      %dma_wait3A_43 = tpu.memref_slice %arg5[%sub3A_13, %dma_wait3A_42] : memref<1024x16384xf32, #tpu.memory_space<hbm>> -> memref<1x16384xf32, #tpu.memory_space<hbm>>
      %dma_wait3A_44 = tpu.memref_squeeze %dma_wait3A_43 : memref<1x16384xf32, #tpu.memory_space<hbm>> -> memref<16384xf32, #tpu.memory_space<hbm>>
      %dma_wait3A_45 = arith.constant 0 : i32
      %dma_wait3A_46 = tpu.memref_slice %arg5[%sub3A_13, %dma_wait3A_45] : memref<1024x16384xf32, #tpu.memory_space<hbm>> -> memref<1x16384xf32, #tpu.memory_space<hbm>>
      %dma_wait3A_47 = tpu.memref_squeeze %dma_wait3A_46 : memref<1x16384xf32, #tpu.memory_space<hbm>> -> memref<16384xf32, #tpu.memory_space<hbm>>
      %dma_wait3A_48 = arith.constant 0 : i32
      %dma_wait3A_49 = tpu.memref_slice %arg10[%dma_wait3A, %dma_wait3A_48] : memref<2x16384xf32, #tpu.memory_space<vmem>> -> memref<1x16384xf32, #tpu.memory_space<vmem>>
      %dma_wait3A_50 = tpu.memref_squeeze %dma_wait3A_49 : memref<1x16384xf32, #tpu.memory_space<vmem>> -> memref<16384xf32, #tpu.memory_space<vmem>>
      tpu.wait_dma2 semaphore(%arg13 : memref<!tpu.dma_semaphore, #tpu.memory_space<semaphore_mem>>) src(%dma_wait3A_50 : memref<16384xf32, #tpu.memory_space<vmem>>) dst(%dma_wait3A_47 : memref<16384xf32, #tpu.memory_space<hbm>>)
      %dma_wait3A_51 = arith.constant 0 : i32
      %dma_wait3A_52 = arith.constant 0 : i32
      %dma_wait3A_53 = tpu.memref_slice %arg11[%dma_wait3A_51, %dma_wait3A_52] : memref<2x16384xf32, #tpu.memory_space<vmem>> -> memref<1x16384xf32, #tpu.memory_space<vmem>>
      %dma_wait3A_54 = tpu.memref_squeeze %dma_wait3A_53 : memref<1x16384xf32, #tpu.memory_space<vmem>> -> memref<16384xf32, #tpu.memory_space<vmem>>
      %dma_wait3A_55 = arith.constant 0 : i32
      %dma_wait3A_56 = tpu.memref_slice %arg6[%sub3A_13, %dma_wait3A_55] : memref<1024x16384xf32, #tpu.memory_space<hbm>> -> memref<1x16384xf32, #tpu.memory_space<hbm>>
      %dma_wait3A_57 = tpu.memref_squeeze %dma_wait3A_56 : memref<1x16384xf32, #tpu.memory_space<hbm>> -> memref<16384xf32, #tpu.memory_space<hbm>>
      %dma_wait3A_58 = arith.constant 0 : i32
      %dma_wait3A_59 = tpu.memref_slice %arg6[%sub3A_13, %dma_wait3A_58] : memref<1024x16384xf32, #tpu.memory_space<hbm>> -> memref<1x16384xf32, #tpu.memory_space<hbm>>
      %dma_wait3A_60 = tpu.memref_squeeze %dma_wait3A_59 : memref<1x16384xf32, #tpu.memory_space<hbm>> -> memref<16384xf32, #tpu.memory_space<hbm>>
      %dma_wait3A_61 = arith.constant 0 : i32
      %dma_wait3A_62 = tpu.memref_slice %arg11[%dma_wait3A_51, %dma_wait3A_61] : memref<2x16384xf32, #tpu.memory_space<vmem>> -> memref<1x16384xf32, #tpu.memory_space<vmem>>
      %dma_wait3A_63 = tpu.memref_squeeze %dma_wait3A_62 : memref<1x16384xf32, #tpu.memory_space<vmem>> -> memref<16384xf32, #tpu.memory_space<vmem>>
      tpu.wait_dma2 semaphore(%arg13 : memref<!tpu.dma_semaphore, #tpu.memory_space<semaphore_mem>>) src(%dma_wait3A_63 : memref<16384xf32, #tpu.memory_space<vmem>>) dst(%dma_wait3A_60 : memref<16384xf32, #tpu.memory_space<hbm>>)
    } else {
    }
    %add3A_23 = arith.constant 32 : i32
    %add3A_24 = arith.addi %mul3A_2, %add3A_23 : i32
    %sub3A_25 = arith.constant 1 : i32
    %sub3A_26 = arith.subi %add3A_24, %sub3A_25 : i32
    %eq3A_27 = arith.constant 1 : i32
    %eq3A_28 = arith.constant 0 : i32
    %eq3A_29 = arith.cmpi eq, %eq3A_27, %eq3A_28 : i32
    %convert_element_type3A_30 = arith.extui %eq3A_29 : i1 to i32
    %cond3A_31 = arith.constant 0 : i32
    %cond3A_32 = arith.cmpi ne, %convert_element_type3A_30, %cond3A_31 : i32
    scf.if %cond3A_32 {
      %dma_wait3A = arith.constant 0 : i32
      %dma_wait3A_39 = arith.constant 0 : i32
      %dma_wait3A_40 = tpu.memref_slice %arg10[%dma_wait3A, %dma_wait3A_39] : memref<2x16384xf32, #tpu.memory_space<vmem>> -> memref<1x16384xf32, #tpu.memory_space<vmem>>
      %dma_wait3A_41 = tpu.memref_squeeze %dma_wait3A_40 : memref<1x16384xf32, #tpu.memory_space<vmem>> -> memref<16384xf32, #tpu.memory_space<vmem>>
      %dma_wait3A_42 = arith.constant 0 : i32
      %dma_wait3A_43 = tpu.memref_slice %arg5[%sub3A_26, %dma_wait3A_42] : memref<1024x16384xf32, #tpu.memory_space<hbm>> -> memref<1x16384xf32, #tpu.memory_space<hbm>>
      %dma_wait3A_44 = tpu.memref_squeeze %dma_wait3A_43 : memref<1x16384xf32, #tpu.memory_space<hbm>> -> memref<16384xf32, #tpu.memory_space<hbm>>
      %dma_wait3A_45 = arith.constant 0 : i32
      %dma_wait3A_46 = tpu.memref_slice %arg5[%sub3A_26, %dma_wait3A_45] : memref<1024x16384xf32, #tpu.memory_space<hbm>> -> memref<1x16384xf32, #tpu.memory_space<hbm>>
      %dma_wait3A_47 = tpu.memref_squeeze %dma_wait3A_46 : memref<1x16384xf32, #tpu.memory_space<hbm>> -> memref<16384xf32, #tpu.memory_space<hbm>>
      %dma_wait3A_48 = arith.constant 0 : i32
      %dma_wait3A_49 = tpu.memref_slice %arg10[%dma_wait3A, %dma_wait3A_48] : memref<2x16384xf32, #tpu.memory_space<vmem>> -> memref<1x16384xf32, #tpu.memory_space<vmem>>
      %dma_wait3A_50 = tpu.memref_squeeze %dma_wait3A_49 : memref<1x16384xf32, #tpu.memory_space<vmem>> -> memref<16384xf32, #tpu.memory_space<vmem>>
      tpu.wait_dma2 semaphore(%arg12 : memref<!tpu.dma_semaphore, #tpu.memory_space<semaphore_mem>>) src(%dma_wait3A_50 : memref<16384xf32, #tpu.memory_space<vmem>>) dst(%dma_wait3A_47 : memref<16384xf32, #tpu.memory_space<hbm>>)
      %dma_wait3A_51 = arith.constant 0 : i32
      %dma_wait3A_52 = arith.constant 0 : i32
      %dma_wait3A_53 = tpu.memref_slice %arg11[%dma_wait3A_51, %dma_wait3A_52] : memref<2x16384xf32, #tpu.memory_space<vmem>> -> memref<1x16384xf32, #tpu.memory_space<vmem>>
      %dma_wait3A_54 = tpu.memref_squeeze %dma_wait3A_53 : memref<1x16384xf32, #tpu.memory_space<vmem>> -> memref<16384xf32, #tpu.memory_space<vmem>>
      %dma_wait3A_55 = arith.constant 0 : i32
      %dma_wait3A_56 = tpu.memref_slice %arg6[%sub3A_26, %dma_wait3A_55] : memref<1024x16384xf32, #tpu.memory_space<hbm>> -> memref<1x16384xf32, #tpu.memory_space<hbm>>
      %dma_wait3A_57 = tpu.memref_squeeze %dma_wait3A_56 : memref<1x16384xf32, #tpu.memory_space<hbm>> -> memref<16384xf32, #tpu.memory_space<hbm>>
      %dma_wait3A_58 = arith.constant 0 : i32
      %dma_wait3A_59 = tpu.memref_slice %arg6[%sub3A_26, %dma_wait3A_58] : memref<1024x16384xf32, #tpu.memory_space<hbm>> -> memref<1x16384xf32, #tpu.memory_space<hbm>>
      %dma_wait3A_60 = tpu.memref_squeeze %dma_wait3A_59 : memref<1x16384xf32, #tpu.memory_space<hbm>> -> memref<16384xf32, #tpu.memory_space<hbm>>
      %dma_wait3A_61 = arith.constant 0 : i32
      %dma_wait3A_62 = tpu.memref_slice %arg11[%dma_wait3A_51, %dma_wait3A_61] : memref<2x16384xf32, #tpu.memory_space<vmem>> -> memref<1x16384xf32, #tpu.memory_space<vmem>>
      %dma_wait3A_63 = tpu.memref_squeeze %dma_wait3A_62 : memref<1x16384xf32, #tpu.memory_space<vmem>> -> memref<16384xf32, #tpu.memory_space<vmem>>
      tpu.wait_dma2 semaphore(%arg12 : memref<!tpu.dma_semaphore, #tpu.memory_space<semaphore_mem>>) src(%dma_wait3A_63 : memref<16384xf32, #tpu.memory_space<vmem>>) dst(%dma_wait3A_60 : memref<16384xf32, #tpu.memory_space<hbm>>)
    } else {
    }
    %eq3A_33 = arith.constant 1 : i32
    %eq3A_34 = arith.constant 1 : i32
    %eq3A_35 = arith.cmpi eq, %eq3A_33, %eq3A_34 : i32
    %convert_element_type3A_36 = arith.extui %eq3A_35 : i1 to i32
    %cond3A_37 = arith.constant 0 : i32
    %cond3A_38 = arith.cmpi ne, %convert_element_type3A_36, %cond3A_37 : i32
    scf.if %cond3A_38 {
      %dma_wait3A = arith.constant 0 : i32
      %dma_wait3A_39 = arith.constant 0 : i32
      %dma_wait3A_40 = tpu.memref_slice %arg10[%dma_wait3A, %dma_wait3A_39] : memref<2x16384xf32, #tpu.memory_space<vmem>> -> memref<1x16384xf32, #tpu.memory_space<vmem>>
      %dma_wait3A_41 = tpu.memref_squeeze %dma_wait3A_40 : memref<1x16384xf32, #tpu.memory_space<vmem>> -> memref<16384xf32, #tpu.memory_space<vmem>>
      %dma_wait3A_42 = arith.constant 0 : i32
      %dma_wait3A_43 = tpu.memref_slice %arg5[%sub3A_26, %dma_wait3A_42] : memref<1024x16384xf32, #tpu.memory_space<hbm>> -> memref<1x16384xf32, #tpu.memory_space<hbm>>
      %dma_wait3A_44 = tpu.memref_squeeze %dma_wait3A_43 : memref<1x16384xf32, #tpu.memory_space<hbm>> -> memref<16384xf32, #tpu.memory_space<hbm>>
      %dma_wait3A_45 = arith.constant 0 : i32
      %dma_wait3A_46 = tpu.memref_slice %arg5[%sub3A_26, %dma_wait3A_45] : memref<1024x16384xf32, #tpu.memory_space<hbm>> -> memref<1x16384xf32, #tpu.memory_space<hbm>>
      %dma_wait3A_47 = tpu.memref_squeeze %dma_wait3A_46 : memref<1x16384xf32, #tpu.memory_space<hbm>> -> memref<16384xf32, #tpu.memory_space<hbm>>
      %dma_wait3A_48 = arith.constant 0 : i32
      %dma_wait3A_49 = tpu.memref_slice %arg10[%dma_wait3A, %dma_wait3A_48] : memref<2x16384xf32, #tpu.memory_space<vmem>> -> memref<1x16384xf32, #tpu.memory_space<vmem>>
      %dma_wait3A_50 = tpu.memref_squeeze %dma_wait3A_49 : memref<1x16384xf32, #tpu.memory_space<vmem>> -> memref<16384xf32, #tpu.memory_space<vmem>>
      tpu.wait_dma2 semaphore(%arg13 : memref<!tpu.dma_semaphore, #tpu.memory_space<semaphore_mem>>) src(%dma_wait3A_50 : memref<16384xf32, #tpu.memory_space<vmem>>) dst(%dma_wait3A_47 : memref<16384xf32, #tpu.memory_space<hbm>>)
      %dma_wait3A_51 = arith.constant 0 : i32
      %dma_wait3A_52 = arith.constant 0 : i32
      %dma_wait3A_53 = tpu.memref_slice %arg11[%dma_wait3A_51, %dma_wait3A_52] : memref<2x16384xf32, #tpu.memory_space<vmem>> -> memref<1x16384xf32, #tpu.memory_space<vmem>>
      %dma_wait3A_54 = tpu.memref_squeeze %dma_wait3A_53 : memref<1x16384xf32, #tpu.memory_space<vmem>> -> memref<16384xf32, #tpu.memory_space<vmem>>
      %dma_wait3A_55 = arith.constant 0 : i32
      %dma_wait3A_56 = tpu.memref_slice %arg6[%sub3A_26, %dma_wait3A_55] : memref<1024x16384xf32, #tpu.memory_space<hbm>> -> memref<1x16384xf32, #tpu.memory_space<hbm>>
      %dma_wait3A_57 = tpu.memref_squeeze %dma_wait3A_56 : memref<1x16384xf32, #tpu.memory_space<hbm>> -> memref<16384xf32, #tpu.memory_space<hbm>>
      %dma_wait3A_58 = arith.constant 0 : i32
      %dma_wait3A_59 = tpu.memref_slice %arg6[%sub3A_26, %dma_wait3A_58] : memref<1024x16384xf32, #tpu.memory_space<hbm>> -> memref<1x16384xf32, #tpu.memory_space<hbm>>
      %dma_wait3A_60 = tpu.memref_squeeze %dma_wait3A_59 : memref<1x16384xf32, #tpu.memory_space<hbm>> -> memref<16384xf32, #tpu.memory_space<hbm>>
      %dma_wait3A_61 = arith.constant 0 : i32
      %dma_wait3A_62 = tpu.memref_slice %arg11[%dma_wait3A_51, %dma_wait3A_61] : memref<2x16384xf32, #tpu.memory_space<vmem>> -> memref<1x16384xf32, #tpu.memory_space<vmem>>
      %dma_wait3A_63 = tpu.memref_squeeze %dma_wait3A_62 : memref<1x16384xf32, #tpu.memory_space<vmem>> -> memref<16384xf32, #tpu.memory_space<vmem>>
      tpu.wait_dma2 semaphore(%arg13 : memref<!tpu.dma_semaphore, #tpu.memory_space<semaphore_mem>>) src(%dma_wait3A_63 : memref<16384xf32, #tpu.memory_space<vmem>>) dst(%dma_wait3A_60 : memref<16384xf32, #tpu.memory_space<hbm>>)
    } else {
    }
    return
  }
}

</mosaic_0001>

<sc_bundles>
// kernel: kernel.3.cloned.1.call-start
scs
__scs_entry_jumppad:
0x0: {  	(pc) =	sbr.rel $0x88, $3  }
0x1: {  	(tag) =	ssettag $0x0;
	lr =	simm.s32 $0x1  }
0x2: {  	[smem:$0x3F9E] =	sst lr;
	_ =	strace $0xD0000000  }
0x3: {  	_ = 	snop  }
0x4: {  	_ = 	snop  }
0x5: {  	_ = 	snop  }
0x6: {  	_ = 	snop  }
0x7: {  	_ = 	snop  }
__scs_overlays_trampoline_lowered:
0x8: {  	[smem:$0x3FAD] =	sst s0  }
0x9: {  	[smem:$0x3FAE] =	sst s1  }
0xa: {  	[smem:$0x3FAF] =	sst s2  }
0xb: {  	[smem:$0x3FB0] =	sst s3  }
0xc: {  	[smem:$0x3FB1] =	sst s4  }
0xd: {  	[smem:$0x3FB2] =	sst s5  }
0xe: {  	[smem:$0x3FB3] =	sst s6  }
0xf: {  	[smem:$0x3FB4] =	sst s7  }
0x10: {  	[smem:$0x3FB5] =	sst s8  }
0x11: {  	[smem:$0x3FB6] =	sst s9;
	s0 =	simm.s32 @!p0 $0x0  }
0x12: {  	s1 =	sld [smem:$0x3F9C];
	s0 =	simm.s32 @p0 $0x1  }
0x13: {  	[smem:$0x3FB7] =	sst s0;
	s0 =	simm.s32 @!p1 $0x0  }
0x14: {  	s2 =	sld [smem:$0x3F9B];
	s0 =	simm.s32 @p1 $0x1  }
0x15: {  	[smem:$0x3FB8] =	sst s0;
	s0 =	simm.s32 @!p2 $0x0  }
0x16: {  	s3 =	sld [smem:$0x3FDB];
	s0 =	simm.s32 @p2 $0x1  }
0x17: {  	s4 =	simm.s32 $0x1BF5;
	[smem:$0x3FBA] =	sst s0  }
0x18: {  	s0 =	sld [smem:$0x3F9D];
	_ =	swait.ge [sflag:s4], $0x0  }
0x19: {  	s7 =	sld [smem:$0x3F9E]  }
0x1a: {  	s8 =	sadd.s32 $0xFFFFE003, lr  }
0x1b: {  	s9 =	sadd.s32 $0xFFFFFEF7, lr;
	s5 =	simm.s32 $0xFFFFFFFF;
	p2 =	slt.u32 s8, $0xFFFFF086  }
0x1c: {  	p1 =	slt.u32 s9, $0xF7A;
	s5 =	simm.s32 @!p2 $0x0  }
0x1d: {  	s5 =	simm.s32 @p1 $0x1;
	p0 =	seq.s32 s7, s2  }
0x1e: {  	s7 =	smul.u32 @!p0 $0xF7A, s2;
	p2 =	seq.s32 @!p0 s5, $0x0  }
0x1f: {  	s9 =	smul.u32 $0xF7A, s1;
	s8 =	simm.s32 @!p0 $0x1BF5;
	p2 =	por !p2, p0  }
0x20: {  	[sflag:s8] =	ssyncset.s32 @!p0 $0xFFFFF086;
	s6 =	sadd.s32 @!p0 s3, s7;
	s7 =	simm.s32 @!p0 $0x108  }
0x21: {  	s3 =	sadd.s32 s3, s9;
	s6 =	sadd.s32 @!p0 $0x88, s6;
	s7 =	simm.s32 @p2 $0x1082  }
0x22: {  	[simem:s7], [sflag:s8] =	dma.local @!p0 [hbm:s6], $0xF7A  }
0x23: {  	s9 =	sor.u32 $0xD0000000, s2;
	s6 =	simm.s32 $0x108;
	_ =	swait.ge @!p0 [sflag:s8], $0x0  }
0x24: {  	s3 =	sadd.s32 $0x88, s3;
	s6 =	simm.s32 @!p1 $0x1082;
	[sflag:s4] =	ssyncset.s32 $0xFFFFF086  }
0x25: {  	[simem:s6], [sflag:s4] =	dma.local [hbm:s3], $0xF7A  }
0x26: {  	[smem:$0x3F9E] =	sst s1;
	(tag) =	ssettag s2;
	_ =	strace s9  }
0x27: {  	s1 =	sld [smem:$0x3FAE]  }
0x28: {  	s2 =	sld [smem:$0x3FAF]  }
0x29: {  	s4 =	sld [smem:$0x3FB1]  }
0x2a: {  	p0 =	seq.s32 s5, $0x0;
	s5 =	sld [smem:$0x3FB2]  }
0x2b: {  	s6 =	sld [smem:$0x3FB3]  }
0x2c: {  	s7 =	sld [smem:$0x3FB4]  }
0x2d: {  	s3 =	simm.s32 $0x108;
	s8 =	sld [smem:$0x3FB5]  }
0x2e: {  	s3 =	simm.s32 @!p0 $0x1082;
	s9 =	sld [smem:$0x3FB6]  }
0x2f: {  	lr =	sadd.s32 s0, s3;
	s0 =	sld [smem:$0x3FAD]  }
0x30: {  	s3 =	sld [smem:$0x3FB0]  }
0x31: {  	[smem:$0x3FB9] =	sst s10  }
0x32: {  	s10 =	sld [smem:$0x3FB7];
	_ =	sdelay $0x3  }
0x33: {  	p0 =	seq.s32 s10, $0x1;
	s10 =	sld [smem:$0x3FB9];
	_ =	sdelay $0x3  }
0x34: {  	[smem:$0x3FB9] =	sst s10  }
0x35: {  	s10 =	sld [smem:$0x3FB8];
	_ =	sdelay $0x3  }
0x36: {  	p1 =	seq.s32 s10, $0x1;
	s10 =	sld [smem:$0x3FB9];
	_ =	sdelay $0x3  }
0x37: {  	[smem:$0x3FB9] =	sst s10  }
0x38: {  	s10 =	sld [smem:$0x3FBA]  }
0x39: {  	_ = 	snop;
	(pc) =	sbr.ind lr, $3  }
0x3a: {  	_ = 	snop  }
0x3b: {  	_ = 	snop  }
0x3c: {  	p2 =	seq.s32 s10, $0x1;
	s10 =	sld [smem:$0x3FB9]  }
0x3d: {  	_ =	shalt  }
0x3e: {  	_ =	shalt  }
0x3f: {  	_ =	shalt  }
0x40: {  	_ =	shalt  }
0x41: {  	_ =	shalt  }
0x42: {  	_ =	shalt  }
0x43: {  	_ =	shalt  }
0x44: {  	_ =	shalt  }
0x45: {  	_ =	shalt  }
0x46: {  	_ =	shalt  }
0x47: {  	_ =	shalt  }
0x48: {  	_ =	shalt  }
0x49: {  	_ =	shalt  }
0x4a: {  	_ =	shalt  }
0x4b: {  	_ =	shalt  }
0x4c: {  	_ =	shalt  }
0x4d: {  	_ =	shalt  }
0x4e: {  	_ =	shalt  }
0x4f: {  	_ =	shalt  }
0x50: {  	_ =	shalt  }
0x51: {  	_ =	shalt  }
0x52: {  	_ =	shalt  }
0x53: {  	_ =	shalt  }
0x54: {  	_ =	shalt  }
0x55: {  	_ =	shalt  }
0x56: {  	_ =	shalt  }
0x57: {  	_ =	shalt  }
0x58: {  	_ =	shalt  }
0x59: {  	_ =	shalt  }
0x5a: {  	_ =	shalt  }
0x5b: {  	_ =	shalt  }
0x5c: {  	_ =	shalt  }
0x5d: {  	_ =	shalt  }
0x5e: {  	_ =	shalt  }
0x5f: {  	_ =	shalt  }
0x60: {  	_ =	shalt  }
0x61: {  	_ =	shalt  }
0x62: {  	_ =	shalt  }
0x63: {  	_ =	shalt  }
0x64: {  	_ =	shalt  }
0x65: {  	_ =	shalt  }
0x66: {  	_ =	shalt  }
0x67: {  	_ =	shalt  }
0x68: {  	_ =	shalt  }
0x69: {  	_ =	shalt  }
0x6a: {  	_ =	shalt  }
0x6b: {  	_ =	shalt  }
0x6c: {  	_ =	shalt  }
0x6d: {  	_ =	shalt  }
0x6e: {  	_ =	shalt  }
0x6f: {  	_ =	shalt  }
0x70: {  	_ =	shalt  }
0x71: {  	_ =	shalt  }
0x72: {  	_ =	shalt  }
0x73: {  	_ =	shalt  }
0x74: {  	_ =	shalt  }
0x75: {  	_ =	shalt  }
0x76: {  	_ =	shalt  }
0x77: {  	_ =	shalt  }
0x78: {  	_ =	shalt  }
0x79: {  	_ =	shalt  }
0x7a: {  	_ =	shalt  }
0x7b: {  	_ =	shalt  }
0x7c: {  	_ =	shalt  }
0x7d: {  	_ =	shalt  }
0x7e: {  	_ =	shalt  }
0x7f: {  	_ =	shalt  }
0x80: {  	_ =	shalt  }
0x81: {  	_ =	shalt  }
0x82: {  	_ =	shalt  }
0x83: {  	_ =	shalt  }
0x84: {  	_ =	shalt  }
0x85: {  	_ =	shalt  }
0x86: {  	_ =	shalt  }
0x87: {  	_ =	shalt  }
.Lfunc_end0:
.L_simem_size_0:
called_computation.4_lowered:
.L_overlay_start_0:
0x88: {  	s2 =	sld [smem:$0x3FD9]  }
0x89: {  	s3 =	sld [smem:$0x3FFE];
	_ =	sdelay $0x1  }
0x8a: {  	s1 =	srdreg.scid  }
0x8b: {  	s0 =	sand.u32 $0x1, s1  }
0x8c: {  	s14 =	sshll.u32 s0, $0xA;
	s2 =	sadd.s32 s3, s2  }
0x8d: {  	s2 =	sadd.s32 s2, s14  }
0x8e: {  	[smem:$0x3FC5] =	sst s2  }
0x8f: {  	_ = 	snop  }
0x90: {  	s2 =	sld [smem:$0x3FD0];
	_ =	sdelay $0x2  }
0x91: {  	s15 =	simm.s32 $0xB;
	s4 =	simm.s32 $0x10  }
0x92: {  	[smem:s4], [sflag:s15] =	dma.local [hbm:s2], $0x1  }
0x93: {  	_ =	swait.eq [sflag:s15], $0x1  }
0x94: {  	[sflag:s15] =	ssyncset.done $0x0  }
0x95: {  	s16 =	sld [smem:$0x10];
	[sflag:s15] =	ssyncadd.s32 $0xFFFFFFFF  }
0x96: {  	s17 =	sld [smem:$0x11];
	(tm) =	ssettm $0x1  }
0x97: {  	s18 =	sld [smem:$0x3FFB];
	_ =	sdelay $0x3  }
0x98: {  	_ =	strace s18  }
0x99: {  	s4 =	sld [smem:$0x3FFC];
	_ =	sdelay $0x3  }
0x9a: {  	_ =	strace s4  }
0x9b: {  	s4 =	sld [smem:$0x3FFD];
	_ =	sdelay $0x3  }
0x9c: {  	_ =	strace s4  }
0x9d: {  	_ =	strace $0x8FFFFFFF  }
0x9e: {  	s19 =	sld [smem:$0x3FDB];
	_ =	sdelay $0x1  }
0x9f: {  	s5 =	simm.s32 $_scs_section_size  }
0xa0: {  	s6 =	simm.s32 $_size__tile_overlayer_lowered;
	s7 =	simm.s32 $_tile_overlayer_lowered  }
0xa1: {  	s22 =	simm.s32 $0x1BFF;
	s21 =	sshll.u32 s7, $0x1;
	s4 =	sadd.s32 s5, s19  }
0xa2: {  	s8 =	simm.s32 $0x0;
	s20 =	sshll.u32 s6, $0x1;
	s6 =	sadd.s32 s21, s4  }
0xa3: {  	[timem:s8], [sflag:s22] =	dma.local [hbm:s6], s20  }
0xa4: {  	_ =	swait.ge [sflag:s22], s20  }
0xa5: {  	s5 =	ssub.s32 $0x0, s20;
	[sflag:s22] =	ssyncset.done $0x0  }
0xa6: {  	[sflag:s22] =	ssyncadd.s32 s5;
	_ =	sdelay $0x1  }
0xa7: {  	s23 =	simm.s32 $0x1B8B  }
0xa8: {  	_ =	swait.ge [sflag:s23], $0x1  }
0xa9: {  	[sflag:s23] =	ssyncset.done $0x0  }
0xaa: {  	s25 =	simm.s32 $0x1B8E;
	s24 =	sld [smem:$0x3FFE];
	[sflag:s23] =	ssyncadd.s32 $0xFFFFFFFF  }
0xab: {  	s26 =	simm.s32 $execute0_lowered;
	[smem:$0x3FD2] =	sst s25  }
0xac: {  	s6 =	sshll.u32 s26, $0x1;
	_ =	strace $0x80000046;
	[dreg:$0x1] =	wrdreg $0xFFFFFFFF  }
0xad: {  	s28 =	simm.s32 $_size_execute0_lowered;
	s4 =	sadd.s32 s4, s6;
	[dreg:$0x0] =	wrdreg $0x0  }
0xae: {  	s6 =	sshll.u32 s28, $0x1;
	[dreg:$0x2] =	wrdreg s4  }
0xaf: {  	[dreg:$0x3] =	wrdreg s6  }
0xb0: {  	[dreg:$0x4] =	wrdreg $0xC0  }
0xb1: {  	_ =	task [dreg:s8], $0x5FFFF  }
0xb2: {  	[dreg:$0x1] =	wrdreg $0xFFFFFFFF  }
0xb3: {  	[dreg:$0x0] =	wrdreg $0x60  }
0xb4: {  	[dreg:$0x2] =	wrdreg s17  }
0xb5: {  	[dreg:$0x3] =	wrdreg s24  }
0xb6: {  	[dreg:$0x4] =	wrdreg s16  }
0xb7: {  	[dreg:$0x5] =	wrdreg $0x9  }
0xb8: {  	_ =	task.clear_ibuf [dreg:s8], $0x6FFFF;
	_ =	strace $0x90000046  }
0xb9: {  	s29 =	simm.s32 $0x9;
	_ =	strace $0x80000048  }
0xba: {  	_ =	swait.ge [sflag:s29], $0x1  }
0xbb: {  	[sflag:s29] =	ssyncadd.s32 $0xFFFFFFFF  }
0xbc: {  	_ =	strace $0x90000048  }
0xbd: {  	_ =	sfence  }
0xbe: {  	s30 =	sld [smem:$0x0];
	_ =	sdelay $0x2  }
0xbf: {  	s31 =	sshll.u32 s1, $0xD;
	s1 =	sshrl.u32 s1, $0x2  }
0xc0: {  	s3 =	sand.u32 $0x4000, s31;
	s1 =	sadd.s32 s1, s30  }
0xc1: {  	s0 =	sor.u32 s3, s0;
	s1 =	sshll.u32 s1, $0x11  }
0xc2: {  	s0 =	sor.u32 s1, s0  }
0xc3: {  	s0 =	sadd.s32 $0x8F2B, s0  }
0xc4: {  	[sflag:s0] =	ssyncadd.remote.s32 $0x1  }
0xc5: {  	_ =	sfence.sel $0xFFFF  }
0xc6: {  	[dreg:$0x0] =	wrdreg $0xFFFFFFFF;
	(pc) =	sbr.abs _section_cstart, $3  }
0xc7: {  	[dreg:$0x1] =	wrdreg $0xFFFFFFFF  }
0xc8: {  	_ =	task.clear_ibuf [dreg:s8], $0x2FFFF;
	_ =	strace $0x9FFFFFFF  }
0xc9: {  	(tm) =	ssettm $0x7FFFFFFF  }
tec
execute0_lowered:
.L_overlay_start_1:
0x0: {  	(tag) =	ssettag $0x1  }
0x1: {  	v2 =	vlaneseq.u32  }
0x2: {  	v62 =	vimm.s32 $0x14131211;
	v1 =	vimm.s32 $0x18171615;
	v34 =	vimm.s32 $0x1C1B1A19  }
0x3: {  	v3 =	vimm.s32 $0x1F1E1D;
	v5 =	vimm.s32 $0x74533211;
	vm0 =	vcmask $0x1F10  }
0x4: {  	vm1 =	vcmask $0xF00;
	v7 =	vimm.s32 $0x15141312;
	v17 =	vimm.s32 $0x1001F1E  }
0x5: {  	v27 =	vimm.s32 $0x201001F;
	v39 =	vimm.s32 $0xFAD9B897;
	v40 =	vimm.s32 $0x17161514  }
0x6: {  	v42 =	vimm.s32 $0x1B1A1918;
	v43 =	vimm.s32 $0x77563514;
	v45 =	vimm.s32 $0x78573615  }
0x7: {  	v46 =	vimm.s32 $0x5040302;
	v47 =	vimm.s32 $0x79583716;
	v59 =	vimm.s32 $0xFDDCBB9A  }
0x8: {  	v12 =	vimm.s32 $0x87654321;
	vm2 =	vcmask $0x2F10;
	vm3 =	vcmask $0x3F30  }
0x9: {  	vm5 =	vcmask $0x2320;
	vm6 =	vcmask $0x2724;
	vm4 =	vcmask $0x2B28  }
0xa: {  	vm12 =	vcmask $0x2F2C;
	vm13 =	vcmask $0x3330;
	vm14 =	vcmask $0x3734  }
0xb: {  	vm15 =	vcmask $0x3B38;
	v63 =	vmul.u32 $0x21, v2;
	v22 =	vadd.s32 $0x1, v2  }
0xc: {  	v60 =	vadd.s32 $0x2, v2;
	v6 =	vadd.s32 $0x3, v2;
	v14 =	vadd.s32 $0x4, v2  }
0xd: {  	v31 =	vadd.s32 $0x5, v2;
	v54 =	vadd.s32 $0x6, v2;
	v57 =	vadd.s32 $0x7, v2  }
0xe: {  	v24 =	vadd.s32 $0x9, v2;
	v58 =	vadd.s32 $0xA, v2;
	v4 =	vadd.s32 $0xB, v2  }
0xf: {  	v48 =	vadd.s32 $0xC, v2;
	v50 =	vadd.s32 $0xD, v2;
	v52 =	vadd.s32 $0xE, v2  }
0x10: {  	v9 =	vunpack.c.0.s8.s32 v1;
	v13 =	vunpack.c.0.s8.s32 v34;
	v3 =	vunpack.c.0.s8.s32 v3  }
0x11: {  	v36 =	vunpack.c.0.s8.s32 v5;
	v55 =	vadd.s32 $0xF, v2;
	v5 =	vimm.s32 $0xF8D7B695  }
0x12: {  	v11 =	vunpack.c.0.s8.s32 v7;
	v7 =	vimm.s32 $0x19181716;
	v34 =	vunpack.c.0.s8.s32 v39  }
0x13: {  	v28 =	vunpack.c.0.s8.s32 v42;
	v42 =	vimm.s32 $0xFEDDBC9B;
	v39 =	vimm.s32 $0xE1C0BF9E  }
0x14: {  	v5 =	vunpack.c.0.s8.s32 v5;
	v15 =	vunpack.c.0.s8.s32 v7;
	v7 =	vimm.s32 $0x1D1C1B1A  }
0x15: {  	v0 =	vadd.s32 $0x3, v63;
	v61 =	vadd.s32 $0x4, v63;
	v56 =	vadd.s32 $0x6, v63  }
0x16: {  	v21 =	vsel vm0, v3, v13;
	v1 =	vand.u32 $0xFF, v36;
	v19 =	vunpack.c.0.s8.s32 v7  }
0x17: {  	v7 =	vunpack.c.0.s8.s32 v17;
	v17 =	vimm.s32 $0x75543312;
	v36 =	vimm.s32 $0xFBDAB998;
	[tilespmem:$0x1FD70] =	vst v0  }
0x18: {  	v13 =	vsel vm0, v13, v9;
	[tilespmem:$0x1FD80] =	vst v61;
	v61 =	vadd.s32 $0x8, v2;
	v0 =	vunpack.c.0.s8.s32 v62  }
0x19: {  	v37 =	vnsel vm1, $0x1E0, v1;
	v38 =	vunpack.c.0.s8.s32 v17;
	v5 =	vand.u32 $0xFF, v5  }
0x1a: {  	v11 =	vsel vm0, v15, v11;
	v2 =	vunpack.c.0.s8.s32 v43;
	v36 =	vunpack.c.0.s8.s32 v36  }
0x1b: {  	v43 =	vimm.s32 $0x76543210;
	v23 =	vsel vm0, v7, v19;
	v15 =	vsel vm0, v19, v15  }
0x1c: {  	v0 =	vsel vm0, v9, v0;
	v1 =	vand.u32 $0xFF, v38;
	v36 =	vand.u32 $0xFF, v36  }
0x1d: {  	v62 =	vcombine.low v0, v21;
	v0 =	vsel vm0, v5, v37;
	v5 =	vcombine.low v11, v23  }
0x1e: {  	v1 =	vnsel vm1, $0x1E1, v1;
	v11 =	vimm.s32 $0x16151413;
	v37 =	vimm.s32 $0x4030201  }
0x1f: {  	v17 =	vunpack.c.0.s8.s32 v11;
	v11 =	vimm.s32 $0x1A191817;
	v44 =	vunpack.c.0.s8.s32 v37  }
0x20: {  	v37 =	vunpack.c.0.s8.s32 v45;
	v45 =	vunpack.c.l.s4.s8 v12;
	v12 =	vimm.s32 $0xE0DFBE9D  }
0x21: {  	v0 =	vsel vm5, $0x119, v0;
	[tilespmem:$0x1FC60] =	vst v5;
	v5 =	vimm.s32 $0xF9D8B796;
	v25 =	vunpack.c.0.s8.s32 v11  }
0x22: {  	v11 =	vimm.s32 $0x1E1D1C1B;
	v0 =	vsel vm6, $0x13A, v0;
	v5 =	vunpack.c.0.s8.s32 v5  }
0x23: {  	v29 =	vunpack.c.0.s8.s32 v11;
	v11 =	vunpack.c.0.s8.s32 v27;
	v27 =	vimm.s32 $0x76553413  }
0x24: {  	v0 =	vsel vm4, $0x15B, v0;
	v27 =	vunpack.c.0.s8.s32 v27;
	v17 =	vsel vm0, v25, v17  }
0x25: {  	v0 =	vsel vm12, $0x17C, v0;
	v5 =	vand.u32 $0xFF, v5;
	v10 =	vsel vm0, v11, v29  }
0x26: {  	v25 =	vsel vm0, v29, v25;
	v29 =	vunpack.c.0.s8.s32 v42;
	v42 =	vimm.s32 $0xFFDEBD9C  }
0x27: {  	v0 =	vsel vm13, $0x19D, v0;
	v1 =	vsel vm0, v5, v1;
	v38 =	vcombine.low v17, v10  }
0x28: {  	v5 =	vand.u32 $0xFF, v27;
	v17 =	vand.u32 $0xFF, v34;
	v27 =	vimm.s32 $0x3020100  }
0x29: {  	v34 =	vunpack.c.0.s8.s32 v40;
	v40 =	vimm.s32 $0x6050403;
	v5 =	vnsel vm1, $0x1E2, v5  }
0x2a: {  	v0 =	vsel vm14, $0x1BE, v0;
	v1 =	vsel vm5, $0x11A, v1;
	v5 =	vsel vm0, v17, v5  }
0x2b: {  	v17 =	vunpack.c.0.s8.s32 v27;
	v27 =	vimm.s32 $0x1F1E1D1C;
	v1 =	vsel vm6, $0x13B, v1  }
0x2c: {  	v27 =	vunpack.c.0.s8.s32 v27;
	v5 =	vsel vm5, $0x11B, v5;
	v1 =	vsel vm4, $0x15C, v1  }
0x2d: {  	v34 =	vsel vm0, v28, v34;
	v5 =	vsel vm6, $0x13C, v5;
	v1 =	vsel vm12, $0x17D, v1  }
0x2e: {  	v17 =	vsel vm0, v17, v27;
	v5 =	vsel vm4, $0x15D, v5;
	v1 =	vsel vm13, $0x19E, v1  }
0x2f: {  	v8 =	vcombine.low v34, v17;
	v17 =	vand.u32 $0xFF, v2;
	v2 =	vsel vm0, v44, v3  }
0x30: {  	v34 =	vunpack.c.0.s8.s32 v59;
	v44 =	vimm.s32 $0x7B5A3918;
	v59 =	vunpack.c.0.s8.s32 v12  }
0x31: {  	v5 =	vsel vm12, $0x17E, v5;
	v1 =	vsel vm14, $0x1BF, v1;
	v17 =	vnsel vm1, $0x1E3, v17  }
0x32: {  	v2 =	vcombine.low v13, v2;
	v13 =	vimm.s32 $0xFCDBBA99;
	v5 =	vsel vm13, $0x19F, v5  }
0x33: {  	v9 =	vsel vm0, v36, v17;
	v17 =	vand.u32 $0xFF, v37;
	v13 =	vunpack.c.0.s8.s32 v13  }
0x34: {  	v36 =	vunpack.c.0.s8.s32 v46;
	v37 =	vunpack.c.0.s8.s32 v47;
	v46 =	vimm.s32 $0x7C5B3A19  }
0x35: {  	v47 =	vimm.s32 $0x98765432;
	v5 =	vsel vm14, $0x1A0, v5;
	v17 =	vnsel vm1, $0x1E4, v17  }
0x36: {  	[tilespmem:$0x1FC80] =	vst v2;
	v2 =	vand.u32 $0xFF, v34;
	v34 =	vimm.s32 $0x7D5C3B1A;
	v13 =	vand.u32 $0xFF, v13  }
0x37: {  	v19 =	vand.u32 $0xFF, v37;
	v37 =	vunpack.c.0.s8.s32 v40;
	v40 =	vimm.s32 $0x54329876  }
0x38: {  	v13 =	vsel vm0, v13, v17;
	v17 =	vsel vm0, v36, v7;
	v19 =	vnsel vm1, $0x1E5, v19  }
0x39: {  	[tilespmem:$0x1FC70] =	vst v8;
	v36 =	vimm.s32 $0xA9876543;
	v8 =	vcombine.low v15, v17;
	v15 =	vsel vm0, v2, v19  }
0x3a: {  	v17 =	vimm.s32 $0x7A593817;
	v19 =	vsel vm0, v37, v11;
	v2 =	vunpack.c.0.s8.s32 v46  }
0x3b: {  	v46 =	vimm.s32 $0x7E5D3C1B;
	v17 =	vunpack.c.0.s8.s32 v17;
	v37 =	vcombine.low v25, v19  }
0x3c: {  	v19 =	vunpack.c.l.s4.s8 v43;
	v25 =	vand.u32 $0xFF, v29;
	v29 =	vsel vm0, v27, v28  }
0x3d: {  	v28 =	vunpack.c.0.s8.s32 v44;
	v44 =	vimm.s32 $0xE2C1A09F;
	v17 =	vand.u32 $0xFF, v17  }
0x3e: {  	v43 =	vand.u32 $0xFF, v2;
	v19 =	vunpack.c.0.s8.s32 v19;
	v17 =	vnsel vm1, $0x1E6, v17  }
0x3f: {  	v44 =	vunpack.c.0.s8.s32 v44;
	v2 =	vimm.s32 $0x7F5E3D1C;
	v17 =	vsel vm0, v25, v17  }
0x40: {  	v19 =	vcombine.low v29, v19;
	v25 =	vand.u32 $0xFF, v28;
	v29 =	vunpack.c.0.s8.s32 v45  }
0x41: {  	v45 =	vunpack.c.l.s4.s8 v36;
	v36 =	vimm.s32 $0xB0A0908;
	v28 =	vsel vm15, $0x1C0, v1  }
0x42: {  	[tilespmem:$0x1FC90] =	vst v19;
	v19 =	vunpack.c.0.s8.s32 v42;
	v29 =	vand.u32 $0xF, v29;
	v42 =	vunpack.c.l.s4.s8 v47  }
0x43: {  	v25 =	vnsel vm1, $0x1E7, v25;
	v47 =	vimm.s32 $0x32107654;
	v21 =	vcombine.low v21, v29  }
0x44: {  	v19 =	vand.u32 $0xFF, v19;
	v29 =	vunpack.c.0.s8.s32 v42;
	v42 =	vunpack.c.0.s8.s32 v46  }
0x45: {  	v19 =	vsel vm0, v19, v25;
	[tilespmem:$0x1FCA0] =	vst v21;
	v21 =	vnsel vm1, $0x1E8, v43;
	v25 =	vand.u32 $0xFF, v59  }
0x46: {  	v43 =	vunpack.c.l.s4.s8 v47;
	v47 =	vimm.s32 $0xE4C3A281;
	v21 =	vsel vm0, v25, v21  }
0x47: {  	v25 =	vunpack.c.0.s8.s32 v34;
	v29 =	vand.u32 $0xF, v29;
	v42 =	vand.u32 $0xFF, v42  }
0x48: {  	v34 =	vimm.s32 $0x43218765;
	v47 =	vunpack.c.0.s8.s32 v47;
	v12 =	vcombine.low v23, v29  }
0x49: {  	v29 =	vunpack.c.0.s8.s32 v45;
	v43 =	vunpack.c.0.s8.s32 v43;
	v45 =	vimm.s32 $0xE3C2A180  }
0x4a: {  	v23 =	vand.u32 $0xFF, v25;
	v25 =	vunpack.c.0.s8.s32 v39;
	v45 =	vunpack.c.0.s8.s32 v45  }
0x4b: {  	v23 =	vnsel vm1, $0x1E9, v23;
	v29 =	vand.u32 $0xF, v29;
	v59 =	vand.u32 $0xF, v43  }
0x4c: {  	v43 =	vunpack.c.l.s4.s8 v34;
	v34 =	vimm.s32 $0x605F3E1D;
	v25 =	vand.u32 $0xFF, v25  }
0x4d: {  	v10 =	vcombine.low v10, v29;
	v29 =	vand.u32 $0xFF, v44;
	v27 =	vsel vm2, v59, v27  }
0x4e: {  	v44 =	vunpack.c.0.s8.s32 v36;
	v59 =	vimm.s32 $0xC0B0A09;
	v36 =	vimm.s32 $0xE5C4A382  }
0x4f: {  	v23 =	vsel vm0, v25, v23;
	v25 =	vnsel vm1, $0x1EA, v42;
	v42 =	vunpack.c.0.s8.s32 v2  }
0x50: {  	v43 =	vunpack.c.0.s8.s32 v43;
	v2 =	vunpack.c.0.s8.s32 v34;
	v25 =	vsel vm0, v29, v25  }
0x51: {  	v27 =	vsel vm3, v44, v27;
	v29 =	vand.u32 $0xFF, v45;
	v44 =	vunpack.c.l.s4.s8 v40  }
0x52: {  	v45 =	vunpack.c.0.s8.s32 v59;
	v39 =	vand.u32 $0xFF, v42;
	v43 =	vand.u32 $0xF, v43  }
0x53: {  	v40 =	vimm.s32 $0xD0C0B0A;
	[tilespmem:$0x1FCB0] =	vst v27;
	v27 =	vnsel vm1, $0x1EB, v39;
	v3 =	vsel vm2, v43, v3  }
0x54: {  	v44 =	vunpack.c.0.s8.s32 v44;
	v39 =	vimm.s32 $0x6543A987;
	v43 =	vimm.s32 $0xE6C5A483  }
0x55: {  	v27 =	vsel vm0, v29, v27;
	v3 =	vsel vm3, v45, v3;
	v29 =	vand.u32 $0xFF, v47  }
0x56: {  	v45 =	vunpack.c.l.s4.s8 v39;
	[tilespmem:$0x1FCC0] =	vst v3;
	v3 =	vand.u32 $0xFF, v2;
	v44 =	vand.u32 $0xF, v44  }
0x57: {  	v2 =	vunpack.c.0.s8.s32 v40;
	v3 =	vnsel vm1, $0x1EC, v3;
	v7 =	vsel vm2, v44, v7  }
0x58: {  	v44 =	vunpack.c.0.s8.s32 v36;
	v59 =	vunpack.c.0.s8.s32 v45;
	v36 =	vimm.s32 $0x6241201F  }
0x59: {  	v45 =	vsel vm15, $0x1C1, v5;
	v5 =	vsel vm5, $0x11E, v15;
	v15 =	vmovc v56;
	v56 =	vsel vm5, $0x11F, v17  }
0x5a: {  	v3 =	vsel vm0, v29, v3;
	v29 =	vimm.s32 $0x61403F1E;
	v7 =	vsel vm3, v2, v7  }
0x5b: {  	v39 =	vunpack.c.0.s8.s32 v36;
	v36 =	vsel vm5, $0x11D, v13;
	v5 =	vsel vm6, $0x13F, v5  }
0x5c: {  	v29 =	vunpack.c.0.s8.s32 v29;
	v44 =	vand.u32 $0xFF, v44;
	v34 =	vand.u32 $0xF, v59  }
0x5d: {  	v59 =	vsel vm5, $0x11C, v9;
	v1 =	vsel vm6, $0x13E, v36;
	v5 =	vsel vm4, $0x140, v5  }
0x5e: {  	v11 =	vsel vm2, v34, v11;
	v34 =	vsel vm15, $0x1DF, v0;
	v0 =	vsel vm6, $0x13D, v59  }
0x5f: {  	v1 =	vsel vm4, $0x15F, v1;
	v5 =	vsel vm12, $0x161, v5;
	v59 =	vsel vm5, $0x100, v19  }
0x60: {  	v29 =	vand.u32 $0xFF, v29;
	v0 =	vsel vm4, $0x15E, v0;
	v1 =	vsel vm12, $0x160, v1  }
0x61: {  	v5 =	vsel vm13, $0x182, v5;
	v29 =	vnsel vm1, $0x1ED, v29;
	v0 =	vsel vm12, $0x17F, v0  }
0x62: {  	[tilespmem:$0x1FCD0] =	vst v7;
	v1 =	vsel vm13, $0x181, v1;
	v5 =	vsel vm14, $0x1A3, v5;
	v7 =	vsel vm0, v44, v29  }
0x63: {  	v29 =	vimm.s32 $0xE0D0C0B;
	v0 =	vsel vm13, $0x180, v0;
	v1 =	vsel vm14, $0x1A2, v1  }
0x64: {  	[tilespmem:$0x1FCF0] =	vst v45;
	v29 =	vunpack.c.0.s8.s32 v29;
	v45 =	vsel vm15, $0x1C3, v1;
	v1 =	vsel vm6, $0x121, v59  }
0x65: {  	v0 =	vsel vm14, $0x1A1, v0;
	v59 =	vsel vm5, $0x103, v25;
	v1 =	vsel vm4, $0x142, v1  }
0x66: {  	v11 =	vsel vm3, v29, v11;
	v29 =	vand.u32 $0xFF, v39;
	v39 =	vsel vm15, $0x1C4, v5  }
0x67: {  	v5 =	vsel vm5, $0x101, v21;
	v1 =	vsel vm12, $0x163, v1;
	[tilespmem:$0x1FCE0] =	vst v11;
	v11 =	vunpack.c.0.s8.s32 v43  }
0x68: {  	v29 =	vnsel vm1, $0x1EE, v29;
	v43 =	vsel vm15, $0x1C2, v0;
	v0 =	vsel vm6, $0x120, v56  }
0x69: {  	v5 =	vsel vm6, $0x122, v5;
	v1 =	vsel vm13, $0x184, v1;
	v56 =	vsel vm5, $0x102, v23  }
0x6a: {  	v0 =	vsel vm4, $0x141, v0;
	v5 =	vsel vm4, $0x143, v5;
	v1 =	vsel vm14, $0x1A5, v1  }
0x6b: {  	v11 =	vand.u32 $0xFF, v11;
	v0 =	vsel vm12, $0x162, v0;
	v5 =	vsel vm12, $0x164, v5  }
0x6c: {  	v36 =	vsel vm15, $0x1C6, v1;
	v1 =	vsel vm6, $0x124, v59;
	v59 =	vsel vm5, $0x106, v7  }
0x6d: {  	v11 =	vsel vm0, v11, v29;
	v0 =	vsel vm13, $0x183, v0;
	v5 =	vsel vm13, $0x185, v5  }
0x6e: {  	v1 =	vsel vm4, $0x145, v1;
	v0 =	vsel vm14, $0x1A4, v0;
	v5 =	vsel vm14, $0x1A6, v5  }
0x6f: {  	[tilespmem:$0x1FD00] =	vst v39;
	v1 =	vsel vm12, $0x166, v1;
	v0 =	vsel vm15, $0x1C5, v0;
	v39 =	vsel vm15, $0x1C7, v5  }
0x70: {  	v5 =	vsel vm5, $0x104, v27;
	v1 =	vsel vm13, $0x187, v1;
	[tilespmem:$0x1FD10] =	vst v0;
	v0 =	vsel vm6, $0x123, v56  }
0x71: {  	v5 =	vsel vm6, $0x125, v5;
	v1 =	vsel vm14, $0x1A8, v1;
	v56 =	vsel vm5, $0x105, v3  }
0x72: {  	v3 =	vsel vm5, $0x107, v11;
	v0 =	vsel vm4, $0x144, v0;
	v5 =	vsel vm4, $0x146, v5  }
0x73: {  	[tilespmem:$0x1FD20] =	vst v36;
	v36 =	vsel vm15, $0x1C9, v1;
	v1 =	vsel vm6, $0x127, v59;
	v3 =	vsel vm6, $0x128, v3  }
0x74: {  	v0 =	vsel vm12, $0x165, v0;
	v5 =	vsel vm12, $0x167, v5;
	v1 =	vsel vm4, $0x148, v1  }
0x75: {  	v3 =	vsel vm4, $0x149, v3;
	v0 =	vsel vm13, $0x186, v0;
	v5 =	vsel vm13, $0x188, v5  }
0x76: {  	s8 =	rddreg [dreg:$0x0];
	[tilespmem:$0x1FD30] =	vst v39;
	v1 =	vsel vm12, $0x169, v1;
	v3 =	vsel vm12, $0x16A, v3;
	v0 =	vsel vm14, $0x1A7, v0  }
0x77: {  	s7 =	rddreg [dreg:$0x1];
	[tilespmem:$0x1FD50] =	vst v36;
	v5 =	vsel vm14, $0x1A9, v5;
	v1 =	vsel vm13, $0x18A, v1;
	v0 =	vsel vm15, $0x1C8, v0  }
0x78: {  	s1 =	rddreg [dreg:$0x2];
	s2 =	simm.s32 $0x0;
	v3 =	vsel vm13, $0x18B, v3;
	v39 =	vsel vm15, $0x1CA, v5;
	v1 =	vsel vm14, $0x1AB, v1;
	[tilespmem:$0x1FD40] =	vst v0  }
0x79: {  	[smem:$0x7FF] =	sst s2;
	v3 =	vsel vm14, $0x1AC, v3;
	[tilespmem:$0x1FD60] =	vst v39;
	v36 =	vsel vm15, $0x1CC, v1  }
0x7a: {  	s0 =	rddreg [dreg:$0x3];
	v39 =	vsel vm15, $0x1CD, v3;
	_ =	strace $0x80000047;
	[tilespmem:$0x1FDA0] =	vst v36  }
0x7b: {  	[tilespmem:$0x1FDB0] =	vst v39  }
0x7c: {  	[tilespmem:$0x1FDC0] =	vst v43  }
0x7d: {  	[tilespmem:$0x1FDD0] =	vst v45  }
0x7e: {  	[tilespmem:$0x1FDE0] =	vst v12  }
0x7f: {  	[tilespmem:$0x1FDF0] =	vst v10  }
0x80: {  	v53 =	vadd.s32 $0xE, v63;
	[tilespmem:$0x1FE00] =	vst v8  }
0x81: {  	v46 =	vadd.s32 $0xF, v63;
	[tilespmem:$0x1FE10] =	vst v53  }
0x82: {  	[tilespmem:$0x1FE20] =	vst v46  }
0x83: {  	v47 =	vlaneseq.u32;
	v40 =	vadd.s32 $0x10, v63;
	[tilespmem:$0x1FE30] =	vst v55  }
0x84: {  	v42 =	vor.u32 $0x10, v47;
	[tilespmem:$0x1FE40] =	vst v40  }
0x85: {  	[tilespmem:$0x1FE50] =	vst v42  }
0x86: {  	v35 =	vadd.s32 $0xA, v63;
	[tilespmem:$0x1FE60] =	vst v34  }
0x87: {  	v25 =	vmov v35;
	[tilespmem:$0x1FE70] =	vst v62  }
0x88: {  	[tilespmem:$0x1FE80] =	vst v25  }
0x89: {  	v32 =	vadd.s32 $0xB, v63;
	[tilespmem:$0x1FE90] =	vst v58  }
0x8a: {  	[tilespmem:$0x1FEA0] =	vst v32  }
0x8b: {  	v33 =	vadd.s32 $0x5, v63;
	[tilespmem:$0x1FEB0] =	vst v4  }
0x8c: {  	v49 =	vadd.s32 $0xC, v63;
	[tilespmem:$0x1FEC0] =	vst v33  }
0x8d: {  	[tilespmem:$0x1FED0] =	vst v49  }
0x8e: {  	[tilespmem:$0x1FEE0] =	vst v31  }
0x8f: {  	v51 =	vadd.s32 $0xD, v63;
	[tilespmem:$0x1FEF0] =	vst v48  }
0x90: {  	[tilespmem:$0x1FF00] =	vst v51  }
0x91: {  	v18 =	vadd.s32 $0x1, v63;
	[tilespmem:$0x1FF10] =	vst v28  }
0x92: {  	v9 =	vmov v14;
	[tilespmem:$0x1FF20] =	vst v18  }
0x93: {  	[tilespmem:$0x1FF30] =	vst v9  }
0x94: {  	[tilespmem:$0x1FF40] =	vst v15  }
0x95: {  	v26 =	vadd.s32 $0x7, v63;
	[tilespmem:$0x1FF50] =	vst v54  }
0x96: {  	[tilespmem:$0x1FF60] =	vst v26  }
0x97: {  	v41 =	vadd.s32 $0x8, v63;
	[tilespmem:$0x1FF70] =	vst v57  }
0x98: {  	[tilespmem:$0x1FF80] =	vst v41  }
0x99: {  	v30 =	vadd.s32 $0x9, v63;
	[tilespmem:$0x1FF90] =	vst v61  }
0x9a: {  	s4 =	srdreg.scid;
	s3 =	stileid.u32;
	s11 =	simm.s32 $0x2400;
	v0 =	vsel vm6, $0x126, v56;
	[tilespmem:$0x1FFA0] =	vst v30  }
0x9b: {  	s12 =	simm.s32 $0x24E0;
	s13 =	simm.s32 $0x1;
	s14 =	simm.s32 $0x2;
	v20 =	vadd.s32 $0x2, v63;
	v0 =	vsel vm4, $0x147, v0;
	[tilespmem:$0x1FFB0] =	vst v24  }
0x9c: {  	s15 =	simm.s32 $0x0;
	s4 =	sand.u32 $0x1, s4;
	s5 =	sshll.u32 s3, $0x6;
	[tilespmem:$0x1FFC0] =	vst v20;
	v0 =	vsel vm12, $0x168, v0  }
0x9d: {  	s9 =	ssub.s32 $0x2, s4;
	s6 =	sshll.u32 s4, $0x5;
	s4 =	sadd.s32 $0x1C00, s7;
	[tilespmem:$0x1FFD0] =	vst v50;
	v0 =	vsel vm13, $0x189, v0  }
0x9e: {  	s10 =	sshrl.u32 s9, $0x1;
	s5 =	sor.u32 s6, s5;
	s6 =	sadd.s32 $0x1A00, s7;
	[tilespmem:$0x1FFE0] =	vst v60;
	v0 =	vsel vm14, $0x1AA, v0  }
0x9f: {  	s7 =	sadd.s32 $0x2200, s7;
	s9 =	ssub.s32 s9, s10;
	s31 =	sshll.u32 s5, $0x7;
	v17 =	vmovc v24;
	v14 =	vmov v4;
	v19 =	vmov v30;
	[tilespmem:$0x1FFF0] =	vst v37;
	v7 =	vld [tilespmem:$0x1FD70];
	v0 =	vsel vm15, $0x1CB, v0  }
0xa0: {  	s10 =	simm.s32 $0x3;
	s8 =	sadd.s32 s8, s31;
	s9 =	smax.u32 s9, $0x1;
	v44 =	vmovc v53;
	v35 =	vmovc v41;
	v21 =	vmov v26;
	v29 =	vmov v32;
	v5 =	vmov v20;
	v11 =	vld [tilespmem:$0x1FD80];
	[tilespmem:$0x1FD90] =	vst v0  }
.LBB2_1:
0xa1: {  	[tilespmem:s2], [sflag:$0x3] =	stream.linear.gather [hbm4b:s4+s2], $0x2400, $0x38;
	[tilespmem:$0x1A4E0] =	vst v63  }
0xa2: {  	_ =	swait.ge [sflag:s10], $0x2400  }
0xa3: {  	[sflag:s10] =	ssyncset.done $0x0  }
0xa4: {  	[sflag:s10] =	ssyncadd.s32 $0xFFFFDC00  }
0xa5: {  	[tilespmem:s11], [sflag:$0x3] =	stream.linear.gather [hbm4b:s6+s2], $0xE0, $0x38;
	[tilespmem:$0x1A4E0] =	vst v63  }
0xa6: {  	_ =	swait.ge [sflag:s10], $0xE0  }
0xa7: {  	[sflag:s10] =	ssyncset.done $0x0  }
0xa8: {  	[sflag:s10] =	ssyncadd.s32 $0xFFFFFF20  }
0xa9: {  	[tilespmem:s12], [sflag:$0x3] =	stream.linear.gather [hbm4b:s8+s2], $0x8000, $0x38;
	[tilespmem:$0x1A4E0] =	vst v63  }
0xaa: {  	_ =	swait.ge [sflag:s10], $0x8000  }
0xab: {  	[sflag:s10] =	ssyncset.done $0x0  }
0xac: {  	s16 =	simm.s32 $0x26E0;
	s17 =	simm.s32 $0x0;
	v53 =	vld [tilespmem:$0x1FC60];
	[sflag:s10] =	ssyncadd.s32 $0xFFFF8000  }
.LBB2_2:
0xad: {  	p0 =	slt.u32 s17, $0x2  }
0xae: {  	s18 =	sand.u32 @!p0 $0x1, s17  }
0xaf: {  	p1 =	seq.s32 @!p0 s18, $0x1  }
0xb0: {  	s18 =	simm.s32 @!p0 $0x2;
	p1 =	por !p1, p0  }
0xb1: {  	s18 =	simm.s32 @p1 $0x1  }
0xb2: {  	_ =	swait.ge @!p0 [sflag:s18], $0x4000  }
0xb3: {  	[sflag:s18] =	ssyncset.done @!p0 $0x0  }
0xb4: {  	[sflag:s18] =	ssyncadd.s32 @!p0 $0xFFFFC000  }
0xb5: {  	_ =	swait.ge @!p0 [sflag:s18], $0x4000  }
0xb6: {  	[sflag:s18] =	ssyncset.done @!p0 $0x0  }
0xb7: {  	[sflag:s18] =	ssyncadd.s32 @!p0 $0xFFFFC000  }
0xb8: {  	v0 =	vld [tilespmem:s16+$0xFFFFFE00];
	_ =	sdelay $0x4  }
0xb9: {  	v0 =	vmul.f32 $2.880000000e+02, v0  }
0xba: {  	v1 =	vld [tilespmem:s16+$0x0]  }
0xbb: {  	v0 =	vtrunc.f32 v0  }
0xbc: {  	v0 =	vcvt.f32.s32 v0;
	_ =	sdelay $0x1  }
0xbd: {  	v4 =	vshll.u32 v0, $0x5  }
0xbe: {  	v1 =	vmul.f32 $7.000000000e+00, v1;
	v0 =	vor.u32 v47, v4;
	_ =	sdelay $0x1  }
0xbf: {  	v1 =	vtrunc.f32 v1  }
0xc0: {  	v1 =	vcvt.f32.s32 v1  }
0xc1: {  	s26 =	simm.s32 $0x0  }
0xc2: {  	v41 =	vshll.u32 v1, $0x5;
	v1 =	vor.u32 s26, v63;
	v0 =	vld.idx.msk [tilespmem:v0+s2+$0x0], $0xffff  }
0xc3: {  	v3 =	vor.u32 v47, v41  }
0xc4: {  	s31 =	sshll.u32 s17, $0xE  }
0xc5: {  	s18 =	sand.u32 $0x4000, s31  }
0xc6: {  	s19 =	sor.u32 $0xA4E0, s18  }
0xc7: {  	[tilespmem:v1+s19+$0x0] =	vst.idx.msk $0xffff, v0  }
0xc8: {  	v0 =	vld.idx.msk [tilespmem:v3+s11+$0x0], $0xffff  }
0xc9: {  	v3 =	vor.u32 v22, v4;
	_ =	sdelay $0x2  }
0xca: {  	s18 =	sor.u32 $0x124E0, s18  }
0xcb: {  	[tilespmem:v1+s18+$0x0] =	vst.idx.msk $0xffff, v0  }
0xcc: {  	v1 =	vor.u32 s26, v18;
	v0 =	vld.idx.msk [tilespmem:v3+s2+$0x0], $0xffff  }
0xcd: {  	v3 =	vor.u32 v22, v41;
	_ =	sdelay $0x3  }
0xce: {  	[tilespmem:v1+s19+$0x0] =	vst.idx.msk $0xffff, v0  }
0xcf: {  	v0 =	vld.idx.msk [tilespmem:v3+s11+$0x0], $0xffff  }
0xd0: {  	v3 =	vor.u32 v60, v4;
	_ =	sdelay $0x3  }
0xd1: {  	[tilespmem:v1+s18+$0x0] =	vst.idx.msk $0xffff, v0  }
0xd2: {  	v1 =	vor.u32 s26, v5;
	v0 =	vld.idx.msk [tilespmem:v3+s2+$0x0], $0xffff  }
0xd3: {  	v3 =	vor.u32 v60, v41;
	_ =	sdelay $0x3  }
0xd4: {  	[tilespmem:v1+s19+$0x0] =	vst.idx.msk $0xffff, v0  }
0xd5: {  	v0 =	vld.idx.msk [tilespmem:v3+s11+$0x0], $0xffff  }
0xd6: {  	v3 =	vor.u32 v6, v4;
	_ =	sdelay $0x3  }
0xd7: {  	[tilespmem:v1+s18+$0x0] =	vst.idx.msk $0xffff, v0  }
0xd8: {  	v1 =	vor.u32 s26, v7;
	v0 =	vld.idx.msk [tilespmem:v3+s2+$0x0], $0xffff  }
0xd9: {  	v3 =	vor.u32 v6, v41;
	_ =	sdelay $0x2  }
0xda: {  	s20 =	sadd.s32 $0x10, s16  }
0xdb: {  	v10 =	vmov v5;
	v5 =	vld [tilespmem:s20+$0xFFFFFE00];
	[tilespmem:v1+s19+$0x0] =	vst.idx.msk $0xffff, v0  }
0xdc: {  	v0 =	vld.idx.msk [tilespmem:v3+s11+$0x0], $0xffff  }
0xdd: {  	v3 =	vor.u32 v9, v4;
	_ =	sdelay $0x2  }
0xde: {  	v5 =	vmul.f32 $2.880000000e+02, v5  }
0xdf: {  	v56 =	vmov v7;
	v7 =	vld [tilespmem:s20+$0x0];
	[tilespmem:v1+s18+$0x0] =	vst.idx.msk $0xffff, v0  }
0xe0: {  	v1 =	vtrunc.f32 v5;
	v0 =	vld.idx.msk [tilespmem:v3+s2+$0x0], $0xffff;
	v3 =	vor.u32 s26, v11  }
0xe1: {  	v5 =	vor.u32 v9, v41;
	v1 =	vcvt.f32.s32 v1;
	_ =	sdelay $0x1  }
0xe2: {  	v20 =	vmov v9;
	v9 =	vshll.u32 v1, $0x5  }
0xe3: {  	v7 =	vmul.f32 $7.000000000e+00, v7;
	v1 =	vor.u32 v47, v9  }
0xe4: {  	[tilespmem:v3+s19+$0x0] =	vst.idx.msk $0xffff, v0  }
0xe5: {  	v0 =	vld.idx.msk [tilespmem:v5+s11+$0x0], $0xffff;
	v5 =	vtrunc.f32 v7  }
0xe6: {  	v23 =	vmov v11;
	v11 =	vor.u32 v31, v4;
	v5 =	vcvt.f32.s32 v5  }
0xe7: {  	s22 =	simm.s32 $0x200  }
0xe8: {  	v1 =	vld.idx.msk [tilespmem:v1+s2+$0x0], $0xffff;
	v7 =	vshll.u32 v5, $0x5;
	v5 =	vor.u32 s22, v63  }
0xe9: {  	v13 =	vor.u32 v47, v7  }
0xea: {  	[tilespmem:v3+s18+$0x0] =	vst.idx.msk $0xffff, v0  }
0xeb: {  	v3 =	vor.u32 s26, v33;
	v0 =	vld.idx.msk [tilespmem:v11+s2+$0x0], $0xffff  }
0xec: {  	v11 =	vor.u32 v31, v41  }
0xed: {  	[tilespmem:v5+s19+$0x0] =	vst.idx.msk $0xffff, v1  }
0xee: {  	v1 =	vld.idx.msk [tilespmem:v13+s11+$0x0], $0xffff  }
0xef: {  	v13 =	vor.u32 v22, v9  }
0xf0: {  	[tilespmem:v3+s19+$0x0] =	vst.idx.msk $0xffff, v0  }
0xf1: {  	v0 =	vld.idx.msk [tilespmem:v11+s11+$0x0], $0xffff  }
0xf2: {  	v11 =	vor.u32 v54, v4  }
0xf3: {  	[tilespmem:v5+s18+$0x0] =	vst.idx.msk $0xffff, v1  }
0xf4: {  	v5 =	vor.u32 s22, v18;
	v1 =	vld.idx.msk [tilespmem:v13+s2+$0x0], $0xffff  }
0xf5: {  	v13 =	vor.u32 v22, v7  }
0xf6: {  	[tilespmem:v3+s18+$0x0] =	vst.idx.msk $0xffff, v0  }
0xf7: {  	v3 =	vor.u32 s26, v15;
	v0 =	vld.idx.msk [tilespmem:v11+s2+$0x0], $0xffff  }
0xf8: {  	v11 =	vor.u32 v54, v41  }
0xf9: {  	[tilespmem:v5+s19+$0x0] =	vst.idx.msk $0xffff, v1  }
0xfa: {  	v1 =	vld.idx.msk [tilespmem:v13+s11+$0x0], $0xffff  }
0xfb: {  	v13 =	vor.u32 v60, v9  }
0xfc: {  	[tilespmem:v3+s19+$0x0] =	vst.idx.msk $0xffff, v0  }
0xfd: {  	v0 =	vld.idx.msk [tilespmem:v11+s11+$0x0], $0xffff  }
0xfe: {  	v11 =	vor.u32 v57, v4  }
0xff: {  	[tilespmem:v5+s18+$0x0] =	vst.idx.msk $0xffff, v1  }
0x100: {  	v5 =	vor.u32 s22, v10;
	v1 =	vld.idx.msk [tilespmem:v13+s2+$0x0], $0xffff  }
0x101: {  	v13 =	vor.u32 v60, v7  }
0x102: {  	[tilespmem:v3+s18+$0x0] =	vst.idx.msk $0xffff, v0  }
0x103: {  	v3 =	vor.u32 s26, v21;
	v0 =	vld.idx.msk [tilespmem:v11+s2+$0x0], $0xffff  }
0x104: {  	v11 =	vor.u32 v57, v41  }
0x105: {  	[tilespmem:v5+s19+$0x0] =	vst.idx.msk $0xffff, v1  }
0x106: {  	v1 =	vld.idx.msk [tilespmem:v13+s11+$0x0], $0xffff  }
0x107: {  	v13 =	vor.u32 v6, v9  }
0x108: {  	[tilespmem:v3+s19+$0x0] =	vst.idx.msk $0xffff, v0  }
0x109: {  	v0 =	vld.idx.msk [tilespmem:v11+s11+$0x0], $0xffff  }
0x10a: {  	v11 =	vor.u32 v61, v4  }
0x10b: {  	[tilespmem:v5+s18+$0x0] =	vst.idx.msk $0xffff, v1  }
0x10c: {  	v5 =	vor.u32 s22, v56;
	v1 =	vld.idx.msk [tilespmem:v13+s2+$0x0], $0xffff  }
0x10d: {  	v13 =	vor.u32 v6, v7  }
0x10e: {  	[tilespmem:v3+s18+$0x0] =	vst.idx.msk $0xffff, v0  }
0x10f: {  	s21 =	sadd.s32 $0x10, s20;
	v3 =	vor.u32 s26, v35;
	v0 =	vld.idx.msk [tilespmem:v11+s2+$0x0], $0xffff  }
0x110: {  	v12 =	vmov v15;
	v15 =	vor.u32 v61, v41;
	v11 =	vld [tilespmem:s21+$0xFFFFFE00]  }
0x111: {  	[tilespmem:v5+s19+$0x0] =	vst.idx.msk $0xffff, v1  }
0x112: {  	v1 =	vld.idx.msk [tilespmem:v13+s11+$0x0], $0xffff  }
0x113: {  	v13 =	vor.u32 v20, v9  }
0x114: {  	[tilespmem:v3+s19+$0x0] =	vst.idx.msk $0xffff, v0  }
0x115: {  	v11 =	vmul.f32 $2.880000000e+02, v11;
	v0 =	vld.idx.msk [tilespmem:v15+s11+$0x0], $0xffff  }
0x116: {  	v45 =	vmov v17;
	v17 =	vor.u32 v17, v4;
	v15 =	vld [tilespmem:s21+$0x0]  }
0x117: {  	[tilespmem:v5+s18+$0x0] =	vst.idx.msk $0xffff, v1;
	v1 =	vtrunc.f32 v11  }
0x118: {  	v11 =	vor.u32 s22, v23;
	v5 =	vld.idx.msk [tilespmem:v13+s2+$0x0], $0xffff;
	v1 =	vcvt.f32.s32 v1  }
0x119: {  	v13 =	vor.u32 v20, v7  }
0x11a: {  	[tilespmem:v3+s18+$0x0] =	vst.idx.msk $0xffff, v0;
	v1 =	vshll.u32 v1, $0x5  }
0x11b: {  	v15 =	vmul.f32 $7.000000000e+00, v15;
	v0 =	vld.idx.msk [tilespmem:v17+s2+$0x0], $0xffff;
	v3 =	vor.u32 v47, v1;
	v17 =	vor.u32 s26, v19  }
0x11c: {  	v24 =	vmov v19;
	v19 =	vor.u32 v45, v41  }
0x11d: {  	[tilespmem:v11+s19+$0x0] =	vst.idx.msk $0xffff, v5;
	v5 =	vtrunc.f32 v15  }
0x11e: {  	v13 =	vld.idx.msk [tilespmem:v13+s11+$0x0], $0xffff;
	v5 =	vcvt.f32.s32 v5  }
0x11f: {  	s20 =	simm.s32 $0x400;
	v15 =	vor.u32 v31, v9  }
0x120: {  	v3 =	vld.idx.msk [tilespmem:v3+s2+$0x0], $0xffff;
	[tilespmem:v17+s19+$0x0] =	vst.idx.msk $0xffff, v0;
	v0 =	vshll.u32 v5, $0x5;
	v5 =	vor.u32 s20, v63  }
0x121: {  	v2 =	vmov v21;
	v19 =	vld.idx.msk [tilespmem:v19+s11+$0x0], $0xffff;
	v21 =	vor.u32 v47, v0  }
0x122: {  	v16 =	vmov v23;
	v23 =	vor.u32 v58, v4  }
0x123: {  	v36 =	vmov v33;
	[tilespmem:v11+s18+$0x0] =	vst.idx.msk $0xffff, v13  }
0x124: {  	v13 =	vor.u32 s22, v36;
	v11 =	vld.idx.msk [tilespmem:v15+s2+$0x0], $0xffff  }
0x125: {  	[tilespmem:v5+s19+$0x0] =	vst.idx.msk $0xffff, v3;
	v3 =	vor.u32 v31, v7  }
0x126: {  	v15 =	vld.idx.msk [tilespmem:v21+s11+$0x0], $0xffff;
	[tilespmem:v17+s18+$0x0] =	vst.idx.msk $0xffff, v19  }
0x127: {  	v19 =	vor.u32 v22, v1;
	v21 =	vor.u32 s26, v25;
	v17 =	vld.idx.msk [tilespmem:v23+s2+$0x0], $0xffff  }
0x128: {  	v23 =	vor.u32 v58, v41  }
0x129: {  	[tilespmem:v13+s19+$0x0] =	vst.idx.msk $0xffff, v11  }
0x12a: {  	v3 =	vld.idx.msk [tilespmem:v3+s11+$0x0], $0xffff  }
0x12b: {  	[tilespmem:v5+s18+$0x0] =	vst.idx.msk $0xffff, v15;
	v5 =	vor.u32 v54, v9  }
0x12c: {  	v15 =	vor.u32 s20, v18;
	v11 =	vld.idx.msk [tilespmem:v19+s2+$0x0], $0xffff;
	[tilespmem:v21+s19+$0x0] =	vst.idx.msk $0xffff, v17  }
0x12d: {  	v19 =	vor.u32 v22, v0;
	v17 =	vld.idx.msk [tilespmem:v23+s11+$0x0], $0xffff  }
0x12e: {  	v23 =	vor.u32 v14, v4  }
0x12f: {  	[tilespmem:v13+s18+$0x0] =	vst.idx.msk $0xffff, v3  }
0x130: {  	v3 =	vld.idx.msk [tilespmem:v5+s2+$0x0], $0xffff;
	v5 =	vor.u32 s22, v12  }
0x131: {  	[tilespmem:v15+s19+$0x0] =	vst.idx.msk $0xffff, v11;
	v11 =	vor.u32 v54, v7  }
0x132: {  	v13 =	vld.idx.msk [tilespmem:v19+s11+$0x0], $0xffff;
	[tilespmem:v21+s18+$0x0] =	vst.idx.msk $0xffff, v17  }
0x133: {  	v19 =	vor.u32 v60, v1;
	v21 =	vor.u32 s26, v29;
	v17 =	vld.idx.msk [tilespmem:v23+s2+$0x0], $0xffff  }
0x134: {  	v23 =	vor.u32 v14, v41  }
0x135: {  	[tilespmem:v5+s19+$0x0] =	vst.idx.msk $0xffff, v3  }
0x136: {  	v3 =	vld.idx.msk [tilespmem:v11+s11+$0x0], $0xffff  }
0x137: {  	v11 =	vor.u32 v57, v9;
	[tilespmem:v15+s18+$0x0] =	vst.idx.msk $0xffff, v13  }
0x138: {  	v15 =	vor.u32 s20, v10;
	v13 =	vld.idx.msk [tilespmem:v19+s2+$0x0], $0xffff;
	[tilespmem:v21+s19+$0x0] =	vst.idx.msk $0xffff, v17  }
0x139: {  	v19 =	vor.u32 v60, v0;
	v17 =	vld.idx.msk [tilespmem:v23+s11+$0x0], $0xffff  }
0x13a: {  	v23 =	vor.u32 v48, v4  }
0x13b: {  	[tilespmem:v5+s18+$0x0] =	vst.idx.msk $0xffff, v3  }
0x13c: {  	v5 =	vor.u32 s22, v2;
	v3 =	vld.idx.msk [tilespmem:v11+s2+$0x0], $0xffff  }
0x13d: {  	v11 =	vor.u32 v57, v7;
	[tilespmem:v15+s19+$0x0] =	vst.idx.msk $0xffff, v13  }
0x13e: {  	v13 =	vld.idx.msk [tilespmem:v19+s11+$0x0], $0xffff;
	[tilespmem:v21+s18+$0x0] =	vst.idx.msk $0xffff, v17  }
0x13f: {  	v19 =	vor.u32 v6, v1;
	v21 =	vor.u32 s26, v49;
	v17 =	vld.idx.msk [tilespmem:v23+s2+$0x0], $0xffff  }
0x140: {  	v23 =	vor.u32 v48, v41  }
0x141: {  	[tilespmem:v5+s19+$0x0] =	vst.idx.msk $0xffff, v3  }
0x142: {  	v3 =	vld.idx.msk [tilespmem:v11+s11+$0x0], $0xffff  }
0x143: {  	v11 =	vor.u32 v61, v9;
	[tilespmem:v15+s18+$0x0] =	vst.idx.msk $0xffff, v13  }
0x144: {  	v15 =	vor.u32 s20, v56;
	v13 =	vld.idx.msk [tilespmem:v19+s2+$0x0], $0xffff;
	[tilespmem:v21+s19+$0x0] =	vst.idx.msk $0xffff, v17  }
0x145: {  	v19 =	vor.u32 v6, v0;
	v17 =	vld.idx.msk [tilespmem:v23+s11+$0x0], $0xffff  }
0x146: {  	v23 =	vor.u32 v50, v4  }
0x147: {  	[tilespmem:v5+s18+$0x0] =	vst.idx.msk $0xffff, v3  }
0x148: {  	s23 =	sadd.s32 $0x10, s21;
	v5 =	vor.u32 s22, v35;
	v3 =	vld.idx.msk [tilespmem:v11+s2+$0x0], $0xffff  }
0x149: {  	v11 =	vld [tilespmem:s23+$0xFFFFFE00];
	[tilespmem:v15+s19+$0x0] =	vst.idx.msk $0xffff, v13;
	v13 =	vor.u32 v61, v7  }
0x14a: {  	v19 =	vld.idx.msk [tilespmem:v19+s11+$0x0], $0xffff;
	[tilespmem:v21+s18+$0x0] =	vst.idx.msk $0xffff, v17  }
0x14b: {  	v21 =	vor.u32 v20, v1;
	v17 =	vld.idx.msk [tilespmem:v23+s2+$0x0], $0xffff;
	v23 =	vor.u32 s26, v51  }
0x14c: {  	v39 =	vmov v25;
	v25 =	vor.u32 v50, v41  }
0x14d: {  	[tilespmem:v5+s19+$0x0] =	vst.idx.msk $0xffff, v3  }
0x14e: {  	v11 =	vmul.f32 $2.880000000e+02, v11;
	v3 =	vld.idx.msk [tilespmem:v13+s11+$0x0], $0xffff  }
0x14f: {  	v13 =	vld [tilespmem:s23+$0x0];
	[tilespmem:v15+s18+$0x0] =	vst.idx.msk $0xffff, v19;
	v15 =	vor.u32 v45, v9  }
0x150: {  	v11 =	vtrunc.f32 v11;
	v19 =	vld.idx.msk [tilespmem:v21+s2+$0x0], $0xffff;
	[tilespmem:v23+s19+$0x0] =	vst.idx.msk $0xffff, v17;
	v17 =	vor.u32 s20, v16  }
0x151: {  	v11 =	vcvt.f32.s32 v11;
	v21 =	vld.idx.msk [tilespmem:v25+s11+$0x0], $0xffff;
	v25 =	vor.u32 v20, v0  }
0x152: {  	v27 =	vor.u32 v52, v4  }
0x153: {  	[tilespmem:v5+s18+$0x0] =	vst.idx.msk $0xffff, v3;
	v3 =	vshll.u32 v11, $0x5  }
0x154: {  	v13 =	vmul.f32 $7.000000000e+00, v13;
	v5 =	vld.idx.msk [tilespmem:v15+s2+$0x0], $0xffff;
	v11 =	vor.u32 v47, v3;
	v15 =	vor.u32 s22, v24  }
0x155: {  	[tilespmem:v17+s19+$0x0] =	vst.idx.msk $0xffff, v19;
	v19 =	vor.u32 v45, v7  }
0x156: {  	v37 =	vmov v14;
	v14 =	vmov v31;
	v13 =	vtrunc.f32 v13;
	v25 =	vld.idx.msk [tilespmem:v25+s11+$0x0], $0xffff;
	[tilespmem:v23+s18+$0x0] =	vst.idx.msk $0xffff, v21  }
0x157: {  	v13 =	vcvt.f32.s32 v13;
	v23 =	vor.u32 v14, v1;
	v21 =	vld.idx.msk [tilespmem:v27+s2+$0x0], $0xffff;
	v27 =	vor.u32 s26, v44  }
0x158: {  	v32 =	vmov v29;
	s21 =	simm.s32 $0x600;
	v29 =	vor.u32 v52, v41  }
0x159: {  	v11 =	vld.idx.msk [tilespmem:v11+s2+$0x0], $0xffff;
	[tilespmem:v15+s19+$0x0] =	vst.idx.msk $0xffff, v5;
	v5 =	vshll.u32 v13, $0x5;
	v13 =	vor.u32 s21, v63  }
0x15a: {  	v19 =	vld.idx.msk [tilespmem:v19+s11+$0x0], $0xffff;
	v59 =	vor.u32 v47, v5  }
0x15b: {  	[tilespmem:v17+s18+$0x0] =	vst.idx.msk $0xffff, v25;
	v17 =	vor.u32 v58, v9  }
0x15c: {  	v23 =	vld.idx.msk [tilespmem:v23+s2+$0x0], $0xffff;
	[tilespmem:v27+s19+$0x0] =	vst.idx.msk $0xffff, v21;
	v21 =	vor.u32 s20, v36  }
0x15d: {  	v25 =	vld.idx.msk [tilespmem:v29+s11+$0x0], $0xffff;
	v29 =	vor.u32 v14, v0  }
0x15e: {  	[tilespmem:v13+s19+$0x0] =	vst.idx.msk $0xffff, v11;
	v11 =	vor.u32 v55, v4  }
0x15f: {  	v33 =	vmov v10;
	v10 =	vmov v44;
	v44 =	vld.idx.msk [tilespmem:v59+s11+$0x0], $0xffff;
	[tilespmem:v15+s18+$0x0] =	vst.idx.msk $0xffff, v19  }
0x160: {  	v19 =	vor.u32 s22, v39;
	v15 =	vld.idx.msk [tilespmem:v17+s2+$0x0], $0xffff;
	v17 =	vor.u32 v22, v3  }
0x161: {  	[tilespmem:v21+s19+$0x0] =	vst.idx.msk $0xffff, v23;
	v23 =	vor.u32 v58, v7  }
0x162: {  	v29 =	vld.idx.msk [tilespmem:v29+s11+$0x0], $0xffff;
	[tilespmem:v27+s18+$0x0] =	vst.idx.msk $0xffff, v25  }
0x163: {  	v25 =	vor.u32 v54, v1;
	v27 =	vor.u32 s26, v46;
	v11 =	vld.idx.msk [tilespmem:v11+s2+$0x0], $0xffff  }
0x164: {  	[tilespmem:v13+s18+$0x0] =	vst.idx.msk $0xffff, v44;
	v13 =	vor.u32 v55, v41  }
0x165: {  	v17 =	vld.idx.msk [tilespmem:v17+s2+$0x0], $0xffff;
	[tilespmem:v19+s19+$0x0] =	vst.idx.msk $0xffff, v15;
	v15 =	vor.u32 s21, v18  }
0x166: {  	v59 =	vor.u32 v22, v5;
	v23 =	vld.idx.msk [tilespmem:v23+s11+$0x0], $0xffff  }
0x167: {  	[tilespmem:v21+s18+$0x0] =	vst.idx.msk $0xffff, v29;
	v21 =	vor.u32 v37, v9  }
0x168: {  	v25 =	vld.idx.msk [tilespmem:v25+s2+$0x0], $0xffff;
	[tilespmem:v27+s19+$0x0] =	vst.idx.msk $0xffff, v11;
	v11 =	vor.u32 s20, v12  }
0x169: {  	v29 =	vor.u32 v54, v0;
	v13 =	vld.idx.msk [tilespmem:v13+s11+$0x0], $0xffff  }
0x16a: {  	[tilespmem:v15+s19+$0x0] =	vst.idx.msk $0xffff, v17;
	v17 =	vor.u32 v42, v4  }
0x16b: {  	v44 =	vld.idx.msk [tilespmem:v59+s11+$0x0], $0xffff;
	[tilespmem:v19+s18+$0x0] =	vst.idx.msk $0xffff, v23  }
0x16c: {  	v23 =	vor.u32 s22, v32;
	v19 =	vld.idx.msk [tilespmem:v21+s2+$0x0], $0xffff;
	v21 =	vor.u32 v60, v3  }
0x16d: {  	[tilespmem:v11+s19+$0x0] =	vst.idx.msk $0xffff, v25;
	v25 =	vor.u32 v37, v7  }
0x16e: {  	v29 =	vld.idx.msk [tilespmem:v29+s11+$0x0], $0xffff;
	[tilespmem:v27+s18+$0x0] =	vst.idx.msk $0xffff, v13  }
0x16f: {  	v27 =	vor.u32 s26, v40;
	v13 =	vld.idx.msk [tilespmem:v17+s2+$0x0], $0xffff;
	v17 =	vor.u32 v57, v1  }
0x170: {  	[tilespmem:v15+s18+$0x0] =	vst.idx.msk $0xffff, v44;
	v15 =	vor.u32 v42, v41  }
0x171: {  	v21 =	vld.idx.msk [tilespmem:v21+s2+$0x0], $0xffff;
	[tilespmem:v23+s19+$0x0] =	vst.idx.msk $0xffff, v19;
	v19 =	vor.u32 s21, v33  }
0x172: {  	v59 =	vor.u32 v60, v5;
	v25 =	vld.idx.msk [tilespmem:v25+s11+$0x0], $0xffff  }
0x173: {  	[tilespmem:v11+s18+$0x0] =	vst.idx.msk $0xffff, v29;
	v11 =	vor.u32 v48, v9  }
0x174: {  	v17 =	vld.idx.msk [tilespmem:v17+s2+$0x0], $0xffff;
	[tilespmem:v27+s19+$0x0] =	vst.idx.msk $0xffff, v13;
	v13 =	vor.u32 s20, v2  }
0x175: {  	v29 =	vor.u32 v57, v0;
	v15 =	vld.idx.msk [tilespmem:v15+s11+$0x0], $0xffff  }
0x176: {  	[tilespmem:v19+s19+$0x0] =	vst.idx.msk $0xffff, v21;
	v21 =	vor.u32 v62, v4  }
0x177: {  	v44 =	vld.idx.msk [tilespmem:v59+s11+$0x0], $0xffff;
	[tilespmem:v23+s18+$0x0] =	vst.idx.msk $0xffff, v25  }
0x178: {  	v23 =	vor.u32 v6, v3;
	v25 =	vor.u32 s22, v49;
	v11 =	vld.idx.msk [tilespmem:v11+s2+$0x0], $0xffff  }
0x179: {  	[tilespmem:v13+s19+$0x0] =	vst.idx.msk $0xffff, v17  }
0x17a: {  	v17 =	vor.u32 v48, v7;
	v29 =	vld.idx.msk [tilespmem:v29+s11+$0x0], $0xffff;
	[tilespmem:v27+s18+$0x0] =	vst.idx.msk $0xffff, v15  }
0x17b: {  	v27 =	vor.u32 s26, v34;
	v15 =	vld.idx.msk [tilespmem:v21+s2+$0x0], $0xffff;
	v21 =	vor.u32 v61, v1  }
0x17c: {  	[tilespmem:v19+s18+$0x0] =	vst.idx.msk $0xffff, v44;
	v19 =	vor.u32 v62, v41  }
0x17d: {  	v23 =	vld.idx.msk [tilespmem:v23+s2+$0x0], $0xffff;
	[tilespmem:v25+s19+$0x0] =	vst.idx.msk $0xffff, v11;
	v11 =	vor.u32 s21, v56  }
0x17e: {  	v31 =	vmov v54;
	v54 =	vor.u32 v6, v5  }
0x17f: {  	v17 =	vld.idx.msk [tilespmem:v17+s11+$0x0], $0xffff;
	[tilespmem:v13+s18+$0x0] =	vst.idx.msk $0xffff, v29  }
0x180: {  	v13 =	vor.u32 v50, v9;
	v21 =	vld.idx.msk [tilespmem:v21+s2+$0x0], $0xffff;
	[tilespmem:v27+s19+$0x0] =	vst.idx.msk $0xffff, v15;
	v15 =	vor.u32 s20, v35  }
0x181: {  	s24 =	sadd.s32 $0x10, s23;
	v29 =	vor.u32 v61, v0;
	v19 =	vld.idx.msk [tilespmem:v19+s11+$0x0], $0xffff  }
0x182: {  	v2 =	vmov v40;
	v40 =	vld [tilespmem:s24+$0xFFFFFE00];
	[tilespmem:v11+s19+$0x0] =	vst.idx.msk $0xffff, v23;
	v23 =	vor.u32 v53, v4  }
0x183: {  	v44 =	vld.idx.msk [tilespmem:v54+s11+$0x0], $0xffff  }
0x184: {  	[tilespmem:v25+s18+$0x0] =	vst.idx.msk $0xffff, v17  }
0x185: {  	v17 =	vor.u32 v20, v3;
	v25 =	vor.u32 s22, v51;
	v13 =	vld.idx.msk [tilespmem:v13+s2+$0x0], $0xffff;
	[tilespmem:v15+s19+$0x0] =	vst.idx.msk $0xffff, v21  }
0x186: {  	v21 =	vor.u32 v50, v7;
	v29 =	vld.idx.msk [tilespmem:v29+s11+$0x0], $0xffff;
	[tilespmem:v27+s18+$0x0] =	vst.idx.msk $0xffff, v19  }
0x187: {  	v43 =	vmov v48;
	v48 =	vor.u32 s26, v28;
	v27 =	vor.u32 v45, v1;
	v23 =	vld.idx.msk [tilespmem:v23+s2+$0x0], $0xffff  }
0x188: {  	v54 =	vmov v49;
	v49 =	vld [tilespmem:s24+$0x0];
	v19 =	vmul.f32 $2.880000000e+02, v40;
	[tilespmem:v11+s18+$0x0] =	vst.idx.msk $0xffff, v44;
	v11 =	vor.u32 v53, v41;
	_ =	sdelay $0x1  }
0x189: {  	v19 =	vtrunc.f32 v19;
	v44 =	vor.u32 s21, v16;
	v17 =	vld.idx.msk [tilespmem:v17+s2+$0x0], $0xffff;
	[tilespmem:v25+s19+$0x0] =	vst.idx.msk $0xffff, v13  }
0x18a: {  	v13 =	vcvt.f32.s32 v19;
	v19 =	vld.idx.msk [tilespmem:v21+s11+$0x0], $0xffff;
	[tilespmem:v15+s18+$0x0] =	vst.idx.msk $0xffff, v29  }
0x18b: {  	v29 =	vor.u32 s20, v24;
	v27 =	vld.idx.msk [tilespmem:v27+s2+$0x0], $0xffff;
	[tilespmem:v48+s19+$0x0] =	vst.idx.msk $0xffff, v23  }
0x18c: {  	v30 =	vmovc v28;
	v28 =	vmov v50;
	v49 =	vmul.f32 $7.000000000e+00, v49;
	v21 =	vor.u32 v20, v5;
	v50 =	vld.idx.msk [tilespmem:v11+s11+$0x0], $0xffff;
	_ =	sdelay $0x1  }
0x18d: {  	v15 =	vor.u32 v52, v9;
	v11 =	vtrunc.f32 v49;
	[tilespmem:v44+s19+$0x0] =	vst.idx.msk $0xffff, v17  }
0x18e: {  	v13 =	vshll.u32 v13, $0x5;
	v11 =	vcvt.f32.s32 v11;
	[tilespmem:v25+s18+$0x0] =	vst.idx.msk $0xffff, v19  }
0x18f: {  	v23 =	vor.u32 v47, v13;
	[tilespmem:v29+s19+$0x0] =	vst.idx.msk $0xffff, v27  }
0x190: {  	v8 =	vmov v51;
	v51 =	vor.u32 v45, v0;
	v21 =	vld.idx.msk [tilespmem:v21+s11+$0x0], $0xffff;
	v11 =	vshll.u32 v11, $0x5;
	[tilespmem:v48+s18+$0x0] =	vst.idx.msk $0xffff, v50  }
0x191: {  	v17 =	vor.u32 v38, v4;
	v48 =	vor.u32 v47, v11;
	v47 =	vld [tilespmem:$0x1FCF0]  }
0x192: {  	v19 =	vor.u32 v14, v3;
	v25 =	vor.u32 s22, v10;
	v15 =	vld.idx.msk [tilespmem:v15+s2+$0x0], $0xffff  }
0x193: {  	s23 =	simm.s32 $0x800  }
0x194: {  	v49 =	vor.u32 s23, v63;
	v23 =	vld.idx.msk [tilespmem:v23+s2+$0x0], $0xffff;
	v27 =	vor.u32 v52, v7  }
0x195: {  	v26 =	vmov v46;
	v51 =	vld.idx.msk [tilespmem:v51+s11+$0x0], $0xffff  }
0x196: {  	v46 =	vmov v52;
	v50 =	vor.u32 v58, v1;
	v17 =	vld.idx.msk [tilespmem:v17+s2+$0x0], $0xffff;
	[tilespmem:v44+s18+$0x0] =	vst.idx.msk $0xffff, v21;
	v52 =	vor.u32 s26, v47  }
0x197: {  	v21 =	vor.u32 v38, v41;
	v19 =	vld.idx.msk [tilespmem:v19+s2+$0x0], $0xffff;
	[tilespmem:v25+s19+$0x0] =	vst.idx.msk $0xffff, v15;
	v15 =	vor.u32 s21, v36;
	_ =	sdelay $0x1  }
0x198: {  	v27 =	vld.idx.msk [tilespmem:v27+s11+$0x0], $0xffff;
	[tilespmem:v49+s19+$0x0] =	vst.idx.msk $0xffff, v23  }
0x199: {  	v23 =	vor.u32 v14, v5;
	v44 =	vld.idx.msk [tilespmem:v48+s11+$0x0], $0xffff;
	[tilespmem:v29+s18+$0x0] =	vst.idx.msk $0xffff, v51  }
0x19a: {  	v29 =	vor.u32 v55, v9;
	v48 =	vld.idx.msk [tilespmem:v50+s2+$0x0], $0xffff;
	v50 =	vor.u32 s20, v39;
	[tilespmem:v52+s19+$0x0] =	vst.idx.msk $0xffff, v17  }
0x19b: {  	[tilespmem:v15+s19+$0x0] =	vst.idx.msk $0xffff, v19;
	v17 =	vor.u32 v22, v13;
	v21 =	vld.idx.msk [tilespmem:v21+s11+$0x0], $0xffff  }
0x19c: {  	v36 =	vld [tilespmem:$0x1FC70]  }
0x19d: {  	[tilespmem:v25+s18+$0x0] =	vst.idx.msk $0xffff, v27  }
0x19e: {  	v58 =	vor.u32 v58, v0;
	v23 =	vld.idx.msk [tilespmem:v23+s11+$0x0], $0xffff;
	[tilespmem:v49+s18+$0x0] =	vst.idx.msk $0xffff, v44  }
0x19f: {  	[tilespmem:v50+s19+$0x0] =	vst.idx.msk $0xffff, v48;
	v25 =	vld.idx.msk [tilespmem:v29+s2+$0x0], $0xffff  }
0x1a0: {  	v27 =	vor.u32 v31, v3;
	v29 =	vor.u32 s22, v26;
	v17 =	vld.idx.msk [tilespmem:v17+s2+$0x0], $0xffff;
	[tilespmem:v52+s18+$0x0] =	vst.idx.msk $0xffff, v21  }
0x1a1: {  	v48 =	vor.u32 s23, v18;
	v19 =	vor.u32 v36, v4;
	v18 =	vld [tilespmem:$0x1FDC0];
	_ =	sdelay $0x1  }
0x1a2: {  	v44 =	vor.u32 v55, v7;
	v58 =	vld.idx.msk [tilespmem:v58+s11+$0x0], $0xffff  }
0x1a3: {  	v39 =	vor.u32 v37, v1;
	[tilespmem:v15+s18+$0x0] =	vst.idx.msk $0xffff, v23  }
0x1a4: {  	v21 =	vor.u32 v22, v11;
	[tilespmem:v29+s19+$0x0] =	vst.idx.msk $0xffff, v25;
	v25 =	vor.u32 s21, v12;
	v23 =	vld.idx.msk [tilespmem:v27+s2+$0x0], $0xffff  }
0x1a5: {  	[tilespmem:v48+s19+$0x0] =	vst.idx.msk $0xffff, v17;
	v17 =	vor.u32 v31, v5;
	v19 =	vld.idx.msk [tilespmem:v19+s2+$0x0], $0xffff;
	v52 =	vor.u32 s26, v18  }
0x1a6: {  	v15 =	vor.u32 v36, v41  }
0x1a7: {  	v59 =	vmov v42;
	[tilespmem:v50+s18+$0x0] =	vst.idx.msk $0xffff, v58;
	v27 =	vld.idx.msk [tilespmem:v44+s11+$0x0], $0xffff  }
0x1a8: {  	v44 =	vor.u32 v59, v9;
	v49 =	vld.idx.msk [tilespmem:v39+s2+$0x0], $0xffff  }
0x1a9: {  	v21 =	vld.idx.msk [tilespmem:v21+s11+$0x0], $0xffff;
	[tilespmem:v25+s19+$0x0] =	vst.idx.msk $0xffff, v23  }
0x1aa: {  	v50 =	vor.u32 s20, v32;
	v17 =	vld.idx.msk [tilespmem:v17+s11+$0x0], $0xffff;
	[tilespmem:v52+s19+$0x0] =	vst.idx.msk $0xffff, v19  }
0x1ab: {  	v15 =	vld.idx.msk [tilespmem:v15+s11+$0x0], $0xffff  }
0x1ac: {  	v39 =	vld [tilespmem:$0x1FC80];
	[tilespmem:v29+s18+$0x0] =	vst.idx.msk $0xffff, v27  }
0x1ad: {  	v29 =	vor.u32 s22, v2;
	v27 =	vld.idx.msk [tilespmem:v44+s2+$0x0], $0xffff  }
0x1ae: {  	[tilespmem:v48+s18+$0x0] =	vst.idx.msk $0xffff, v21  }
0x1af: {  	[tilespmem:v50+s19+$0x0] =	vst.idx.msk $0xffff, v49  }
0x1b0: {  	v40 =	vmov v10;
	v19 =	vor.u32 v60, v13;
	[tilespmem:v52+s18+$0x0] =	vst.idx.msk $0xffff, v15  }
0x1b1: {  	v10 =	vmovc v59;
	v51 =	vor.u32 v37, v0;
	v59 =	vmov v32;
	v32 =	vmov v2;
	v2 =	vld [tilespmem:$0x1FDD0];
	[tilespmem:v25+s18+$0x0] =	vst.idx.msk $0xffff, v17  }
0x1b2: {  	v23 =	vor.u32 v39, v4;
	[tilespmem:v29+s19+$0x0] =	vst.idx.msk $0xffff, v27  }
0x1b3: {  	v58 =	vmovc v33;
	v21 =	vor.u32 v57, v3;
	v48 =	vor.u32 s23, v33;
	v33 =	vmov v47;
	v47 =	vld [tilespmem:$0x1FF60];
	_ =	sdelay $0x1  }
0x1b4: {  	v44 =	vor.u32 v10, v7;
	v19 =	vld.idx.msk [tilespmem:v19+s2+$0x0], $0xffff  }
0x1b5: {  	v49 =	vld.idx.msk [tilespmem:v51+s11+$0x0], $0xffff;
	v15 =	vor.u32 v60, v11  }
0x1b6: {  	v51 =	vor.u32 v43, v1;
	v23 =	vld.idx.msk [tilespmem:v23+s2+$0x0], $0xffff;
	v52 =	vor.u32 s26, v2  }
0x1b7: {  	v17 =	vor.u32 v39, v41;
	v21 =	vld.idx.msk [tilespmem:v21+s2+$0x0], $0xffff;
	v25 =	vor.u32 s21, v47;
	_ =	sdelay $0x1  }
0x1b8: {  	v27 =	vld.idx.msk [tilespmem:v44+s11+$0x0], $0xffff;
	[tilespmem:v48+s19+$0x0] =	vst.idx.msk $0xffff, v19  }
0x1b9: {  	[tilespmem:v50+s18+$0x0] =	vst.idx.msk $0xffff, v49;
	v15 =	vld.idx.msk [tilespmem:v15+s11+$0x0], $0xffff  }
0x1ba: {  	v50 =	vor.u32 s20, v54;
	v49 =	vld.idx.msk [tilespmem:v51+s2+$0x0], $0xffff;
	[tilespmem:v52+s19+$0x0] =	vst.idx.msk $0xffff, v23  }
0x1bb: {  	v17 =	vld.idx.msk [tilespmem:v17+s11+$0x0], $0xffff;
	[tilespmem:v25+s19+$0x0] =	vst.idx.msk $0xffff, v21  }
0x1bc: {  	v54 =	vor.u32 v43, v0;
	v43 =	vld [tilespmem:$0x1FE00]  }
0x1bd: {  	v19 =	vor.u32 v57, v5;
	[tilespmem:v29+s18+$0x0] =	vst.idx.msk $0xffff, v27  }
0x1be: {  	v44 =	vor.u32 v62, v9;
	[tilespmem:v48+s18+$0x0] =	vst.idx.msk $0xffff, v15  }
0x1bf: {  	v23 =	vor.u32 v6, v13;
	[tilespmem:v50+s19+$0x0] =	vst.idx.msk $0xffff, v49  }
0x1c0: {  	[tilespmem:v52+s18+$0x0] =	vst.idx.msk $0xffff, v17  }
0x1c1: {  	v21 =	vor.u32 v43, v4;
	v10 =	vld [tilespmem:$0x1FD00]  }
0x1c2: {  	v19 =	vld.idx.msk [tilespmem:v19+s11+$0x0], $0xffff  }
0x1c3: {  	v15 =	vor.u32 v61, v3;
	v29 =	vor.u32 s22, v34;
	v27 =	vld.idx.msk [tilespmem:v44+s2+$0x0], $0xffff  }
0x1c4: {  	v34 =	vor.u32 v62, v7;
	v48 =	vor.u32 s23, v56;
	v23 =	vld.idx.msk [tilespmem:v23+s2+$0x0], $0xffff  }
0x1c5: {  	v49 =	vld.idx.msk [tilespmem:v54+s11+$0x0], $0xffff;
	v17 =	vor.u32 v6, v11  }
0x1c6: {  	v56 =	vor.u32 v28, v1;
	v21 =	vld.idx.msk [tilespmem:v21+s2+$0x0], $0xffff;
	v52 =	vor.u32 s26, v10  }
0x1c7: {  	[tilespmem:v25+s18+$0x0] =	vst.idx.msk $0xffff, v19;
	v19 =	vor.u32 v43, v41  }
0x1c8: {  	v25 =	vor.u32 s21, v35;
	v15 =	vld.idx.msk [tilespmem:v15+s2+$0x0], $0xffff;
	[tilespmem:v29+s19+$0x0] =	vst.idx.msk $0xffff, v27  }
0x1c9: {  	v27 =	vld.idx.msk [tilespmem:v34+s11+$0x0], $0xffff;
	[tilespmem:v48+s19+$0x0] =	vst.idx.msk $0xffff, v23  }
0x1ca: {  	[tilespmem:v50+s18+$0x0] =	vst.idx.msk $0xffff, v49;
	v17 =	vld.idx.msk [tilespmem:v17+s11+$0x0], $0xffff  }
0x1cb: {  	v50 =	vor.u32 s20, v8;
	v49 =	vld.idx.msk [tilespmem:v56+s2+$0x0], $0xffff;
	[tilespmem:v52+s19+$0x0] =	vst.idx.msk $0xffff, v21  }
0x1cc: {  	v19 =	vld.idx.msk [tilespmem:v19+s11+$0x0], $0xffff  }
0x1cd: {  	[tilespmem:v25+s19+$0x0] =	vst.idx.msk $0xffff, v15  }
0x1ce: {  	v51 =	vor.u32 v28, v0;
	v28 =	vmov v30;
	v30 =	vld [tilespmem:$0x1FFF0];
	[tilespmem:v29+s18+$0x0] =	vst.idx.msk $0xffff, v27  }
0x1cf: {  	[tilespmem:v48+s18+$0x0] =	vst.idx.msk $0xffff, v17  }
0x1d0: {  	[tilespmem:v50+s19+$0x0] =	vst.idx.msk $0xffff, v49  }
0x1d1: {  	v10 =	vmov v53;
	[tilespmem:v52+s18+$0x0] =	vst.idx.msk $0xffff, v19  }
0x1d2: {  	s24 =	sadd.s32 $0x10, s24;
	v62 =	vor.u32 v10, v9;
	v49 =	vor.u32 v10, v7;
	v10 =	vld [tilespmem:$0x1FD10]  }
0x1d3: {  	v23 =	vor.u32 v61, v5;
	v53 =	vld [tilespmem:s24+$0xFFFFFE00];
	_ =	sdelay $0x1  }
0x1d4: {  	v21 =	vor.u32 v20, v13  }
0x1d5: {  	s25 =	sadd.s32 $0x10, s24;
	v54 =	vld [tilespmem:s24+$0x0]  }
0x1d6: {  	v34 =	vmov v55;
	v15 =	vor.u32 v30, v4;
	v55 =	vor.u32 s26, v10;
	v10 =	vld [tilespmem:s25+$0xFFFFFE00]  }
0x1d7: {  	v23 =	vld.idx.msk [tilespmem:v23+s11+$0x0], $0xffff;
	v27 =	vmul.f32 $2.880000000e+02, v53  }
0x1d8: {  	v42 =	vmov v16;
	v48 =	vor.u32 s22, v28;
	v29 =	vld.idx.msk [tilespmem:v62+s2+$0x0], $0xffff;
	v62 =	vor.u32 v45, v3  }
0x1d9: {  	v17 =	vtrunc.f32 v27;
	v27 =	vor.u32 s23, v42;
	v21 =	vld.idx.msk [tilespmem:v21+s2+$0x0], $0xffff  }
0x1da: {  	v51 =	vld.idx.msk [tilespmem:v51+s11+$0x0], $0xffff;
	v52 =	vor.u32 v20, v11  }
0x1db: {  	v8 =	vmov v35;
	v35 =	vor.u32 v46, v1;
	v17 =	vcvt.f32.s32 v17;
	v15 =	vld.idx.msk [tilespmem:v15+s2+$0x0], $0xffff;
	[tilespmem:$0x1FC40] =	vst v10  }
0x1dc: {  	[tilespmem:v25+s18+$0x0] =	vst.idx.msk $0xffff, v23  }
0x1dd: {  	v17 =	vshll.u32 v17, $0x5;
	v23 =	vor.u32 v30, v41;
	[tilespmem:v48+s19+$0x0] =	vst.idx.msk $0xffff, v29;
	v25 =	vld.idx.msk [tilespmem:v62+s2+$0x0], $0xffff;
	v62 =	vlaneseq.u32  }
0x1de: {  	v44 =	vor.u32 s21, v24;
	[tilespmem:v27+s19+$0x0] =	vst.idx.msk $0xffff, v21;
	v49 =	vld.idx.msk [tilespmem:v49+s11+$0x0], $0xffff;
	v29 =	vor.u32 v62, v17  }
0x1df: {  	[tilespmem:v50+s18+$0x0] =	vst.idx.msk $0xffff, v51;
	v52 =	vld.idx.msk [tilespmem:v52+s11+$0x0], $0xffff  }
0x1e0: {  	[tilespmem:v55+s19+$0x0] =	vst.idx.msk $0xffff, v15;
	v53 =	vld.idx.msk [tilespmem:v35+s2+$0x0], $0xffff  }
0x1e1: {  	v24 =	vld [tilespmem:$0x1FDF0]  }
0x1e2: {  	v54 =	vmul.f32 $7.000000000e+00, v54;
	v23 =	vld.idx.msk [tilespmem:v23+s11+$0x0], $0xffff  }
0x1e3: {  	[tilespmem:v44+s19+$0x0] =	vst.idx.msk $0xffff, v25;
	v29 =	vld.idx.msk [tilespmem:v29+s2+$0x0], $0xffff  }
0x1e4: {  	v56 =	vtrunc.f32 v54;
	v54 =	vor.u32 s20, v40;
	v40 =	vld [tilespmem:$0x1FEC0]  }
0x1e5: {  	v19 =	vld [tilespmem:$0x1FF20]  }
0x1e6: {  	s24 =	simm.s32 $0xA00;
	v21 =	vor.u32 v45, v5;
	v35 =	vmov v31;
	v31 =	vld [tilespmem:$0x1FE90]  }
0x1e7: {  	v50 =	vor.u32 v38, v9;
	v25 =	vor.u32 s24, v63;
	v43 =	vld [tilespmem:$0x1FE80]  }
0x1e8: {  	v42 =	vmov v20;
	v15 =	vcvt.f32.s32 v56;
	v20 =	vld [tilespmem:$0x1FC90];
	[tilespmem:v48+s18+$0x0] =	vst.idx.msk $0xffff, v49  }
0x1e9: {  	v56 =	vor.u32 v46, v0;
	[tilespmem:v27+s18+$0x0] =	vst.idx.msk $0xffff, v52  }
0x1ea: {  	v51 =	vor.u32 v14, v13;
	v15 =	vshll.u32 v15, $0x5;
	[tilespmem:v54+s19+$0x0] =	vst.idx.msk $0xffff, v53  }
0x1eb: {  	v62 =	vor.u32 v62, v15;
	v21 =	vld.idx.msk [tilespmem:v21+s11+$0x0], $0xffff;
	[tilespmem:v55+s18+$0x0] =	vst.idx.msk $0xffff, v23  }
0x1ec: {  	v49 =	vld.idx.msk [tilespmem:v50+s2+$0x0], $0xffff;
	v50 =	vor.u32 s22, v33;
	v27 =	vor.u32 v31, v3;
	[tilespmem:v25+s19+$0x0] =	vst.idx.msk $0xffff, v29  }
0x1ed: {  	v16 =	vmov v12;
	v45 =	vmov v57;
	v57 =	vor.u32 v20, v4;
	v12 =	vld [tilespmem:$0x1FD20]  }
0x1ee: {  	v56 =	vld.idx.msk [tilespmem:v56+s11+$0x0], $0xffff  }
0x1ef: {  	v52 =	vor.u32 v38, v7;
	v51 =	vld.idx.msk [tilespmem:v51+s2+$0x0], $0xffff;
	v53 =	vor.u32 s23, v40  }
0x1f0: {  	v23 =	vor.u32 v14, v11;
	v48 =	vld.idx.msk [tilespmem:v62+s11+$0x0], $0xffff;
	[tilespmem:v44+s18+$0x0] =	vst.idx.msk $0xffff, v21  }
0x1f1: {  	v55 =	vor.u32 v34, v1;
	[tilespmem:v50+s19+$0x0] =	vst.idx.msk $0xffff, v49;
	v49 =	vor.u32 s21, v43;
	v27 =	vld.idx.msk [tilespmem:v27+s2+$0x0], $0xffff  }
0x1f2: {  	v62 =	vor.u32 v22, v17;
	v29 =	vld.idx.msk [tilespmem:v57+s2+$0x0], $0xffff;
	v57 =	vor.u32 s26, v12  }
0x1f3: {  	v21 =	vor.u32 v20, v41;
	[tilespmem:v54+s18+$0x0] =	vst.idx.msk $0xffff, v56  }
0x1f4: {  	v52 =	vld.idx.msk [tilespmem:v52+s11+$0x0], $0xffff;
	[tilespmem:v53+s19+$0x0] =	vst.idx.msk $0xffff, v51  }
0x1f5: {  	v23 =	vld.idx.msk [tilespmem:v23+s11+$0x0], $0xffff;
	[tilespmem:v25+s18+$0x0] =	vst.idx.msk $0xffff, v48  }
0x1f6: {  	v56 =	vor.u32 s20, v26;
	v55 =	vld.idx.msk [tilespmem:v55+s2+$0x0], $0xffff;
	[tilespmem:v49+s19+$0x0] =	vst.idx.msk $0xffff, v27  }
0x1f7: {  	v51 =	vor.u32 v31, v5;
	v44 =	vld.idx.msk [tilespmem:v62+s2+$0x0], $0xffff;
	v27 =	vor.u32 s24, v19;
	[tilespmem:v57+s19+$0x0] =	vst.idx.msk $0xffff, v29  }
0x1f8: {  	v54 =	vor.u32 v36, v9;
	v21 =	vld.idx.msk [tilespmem:v21+s11+$0x0], $0xffff  }
0x1f9: {  	v26 =	vld [tilespmem:$0x1FCA0];
	[tilespmem:v50+s18+$0x0] =	vst.idx.msk $0xffff, v52  }
0x1fa: {  	[tilespmem:v53+s18+$0x0] =	vst.idx.msk $0xffff, v23  }
0x1fb: {  	v25 =	vor.u32 v34, v0;
	[tilespmem:v56+s19+$0x0] =	vst.idx.msk $0xffff, v55  }
0x1fc: {  	v29 =	vor.u32 v35, v13;
	v51 =	vld.idx.msk [tilespmem:v51+s11+$0x0], $0xffff;
	[tilespmem:v27+s19+$0x0] =	vst.idx.msk $0xffff, v44  }
0x1fd: {  	v50 =	vor.u32 v22, v15;
	v52 =	vld.idx.msk [tilespmem:v54+s2+$0x0], $0xffff;
	[tilespmem:v57+s18+$0x0] =	vst.idx.msk $0xffff, v21  }
0x1fe: {  	v33 =	vmov v22;
	v23 =	vor.u32 v37, v3;
	v53 =	vor.u32 s22, v18;
	v22 =	vld [tilespmem:$0x1FE50]  }
0x1ff: {  	v62 =	vor.u32 v26, v4;
	v12 =	vld [tilespmem:$0x1FD30]  }
0x200: {  	v25 =	vld.idx.msk [tilespmem:v25+s11+$0x0], $0xffff  }
0x201: {  	v55 =	vor.u32 s23, v16;
	v54 =	vor.u32 v36, v7;
	v29 =	vld.idx.msk [tilespmem:v29+s2+$0x0], $0xffff  }
0x202: {  	v21 =	vor.u32 v35, v11;
	v50 =	vld.idx.msk [tilespmem:v50+s11+$0x0], $0xffff;
	[tilespmem:v49+s18+$0x0] =	vst.idx.msk $0xffff, v51  }
0x203: {  	[tilespmem:v53+s19+$0x0] =	vst.idx.msk $0xffff, v52;
	v51 =	vor.u32 v60, v17;
	v52 =	vor.u32 s21, v59;
	v23 =	vld.idx.msk [tilespmem:v23+s2+$0x0], $0xffff  }
0x204: {  	v44 =	vld.idx.msk [tilespmem:v62+s2+$0x0], $0xffff;
	v62 =	vor.u32 v22, v1;
	v57 =	vor.u32 s26, v12  }
0x205: {  	v10 =	vmov v36;
	v36 =	vor.u32 v26, v41;
	[tilespmem:v56+s18+$0x0] =	vst.idx.msk $0xffff, v25  }
0x206: {  	v54 =	vld.idx.msk [tilespmem:v54+s11+$0x0], $0xffff;
	[tilespmem:v55+s19+$0x0] =	vst.idx.msk $0xffff, v29  }
0x207: {  	v21 =	vld.idx.msk [tilespmem:v21+s11+$0x0], $0xffff;
	[tilespmem:v27+s18+$0x0] =	vst.idx.msk $0xffff, v50  }
0x208: {  	v50 =	vld.idx.msk [tilespmem:v51+s2+$0x0], $0xffff;
	[tilespmem:v52+s19+$0x0] =	vst.idx.msk $0xffff, v23;
	v23 =	vor.u32 s24, v58  }
0x209: {  	v56 =	vor.u32 s20, v32;
	v29 =	vor.u32 v37, v5;
	v48 =	vld.idx.msk [tilespmem:v62+s2+$0x0], $0xffff;
	[tilespmem:v57+s19+$0x0] =	vst.idx.msk $0xffff, v44  }
0x20a: {  	v25 =	vor.u32 v39, v9;
	v27 =	vld.idx.msk [tilespmem:v36+s11+$0x0], $0xffff  }
0x20b: {  	v18 =	vmov v16;
	v16 =	vld [tilespmem:$0x1FDE0];
	[tilespmem:v53+s18+$0x0] =	vst.idx.msk $0xffff, v54  }
0x20c: {  	[tilespmem:v55+s18+$0x0] =	vst.idx.msk $0xffff, v21  }
0x20d: {  	v12 =	vld [tilespmem:$0x1FEF0];
	[tilespmem:v23+s19+$0x0] =	vst.idx.msk $0xffff, v50  }
0x20e: {  	v29 =	vld.idx.msk [tilespmem:v29+s11+$0x0], $0xffff;
	[tilespmem:v56+s19+$0x0] =	vst.idx.msk $0xffff, v48  }
0x20f: {  	v62 =	vor.u32 v45, v13;
	v54 =	vor.u32 s22, v2;
	v25 =	vld.idx.msk [tilespmem:v25+s2+$0x0], $0xffff;
	[tilespmem:v57+s18+$0x0] =	vst.idx.msk $0xffff, v27  }
0x210: {  	v2 =	vld [tilespmem:$0x1FD40]  }
0x211: {  	v36 =	vor.u32 v22, v0  }
0x212: {  	v58 =	vor.u32 v16, v4  }
0x213: {  	v53 =	vor.u32 v60, v15;
	v32 =	vld [tilespmem:$0x1FE70];
	[tilespmem:v52+s18+$0x0] =	vst.idx.msk $0xffff, v29  }
0x214: {  	v44 =	vld.idx.msk [tilespmem:v62+s2+$0x0], $0xffff;
	v48 =	vor.u32 v39, v7;
	[tilespmem:v54+s19+$0x0] =	vst.idx.msk $0xffff, v25  }
0x215: {  	v55 =	vor.u32 s23, v47;
	v21 =	vor.u32 v12, v3;
	v57 =	vor.u32 s26, v2;
	v2 =	vld [tilespmem:$0x1FED0]  }
0x216: {  	v49 =	vld.idx.msk [tilespmem:v36+s11+$0x0], $0xffff;
	v27 =	vor.u32 v45, v11  }
0x217: {  	v62 =	vld.idx.msk [tilespmem:v58+s2+$0x0], $0xffff  }
0x218: {  	v53 =	vld.idx.msk [tilespmem:v53+s11+$0x0], $0xffff  }
0x219: {  	v48 =	vld.idx.msk [tilespmem:v48+s11+$0x0], $0xffff  }
0x21a: {  	v21 =	vld.idx.msk [tilespmem:v21+s2+$0x0], $0xffff;
	[tilespmem:v55+s19+$0x0] =	vst.idx.msk $0xffff, v44;
	v52 =	vor.u32 s21, v2  }
0x21b: {  	[tilespmem:v56+s18+$0x0] =	vst.idx.msk $0xffff, v49;
	v27 =	vld.idx.msk [tilespmem:v27+s11+$0x0], $0xffff  }
0x21c: {  	v29 =	vor.u32 v16, v41;
	v19 =	vld [tilespmem:$0x1FE00];
	[tilespmem:v57+s19+$0x0] =	vst.idx.msk $0xffff, v62  }
0x21d: {  	v44 =	vor.u32 v12, v5;
	v12 =	vld [tilespmem:$0x1FE60]  }
0x21e: {  	v36 =	vor.u32 v32, v1;
	[tilespmem:v23+s18+$0x0] =	vst.idx.msk $0xffff, v53  }
0x21f: {  	[tilespmem:v52+s19+$0x0] =	vst.idx.msk $0xffff, v21  }
0x220: {  	v25 =	vor.u32 v6, v17;
	v2 =	vld [tilespmem:$0x1FD70];
	[tilespmem:v54+s18+$0x0] =	vst.idx.msk $0xffff, v48  }
0x221: {  	v49 =	vor.u32 v19, v9;
	v23 =	vld.idx.msk [tilespmem:v29+s11+$0x0], $0xffff;
	[tilespmem:v55+s18+$0x0] =	vst.idx.msk $0xffff, v27  }
0x222: {  	v56 =	vor.u32 s20, v12;
	v12 =	vld [tilespmem:$0x1FD00]  }
0x223: {  	v51 =	vld.idx.msk [tilespmem:v36+s2+$0x0], $0xffff  }
0x224: {  	v44 =	vld.idx.msk [tilespmem:v44+s11+$0x0], $0xffff  }
0x225: {  	v62 =	vor.u32 v61, v13;
	v25 =	vld.idx.msk [tilespmem:v25+s2+$0x0], $0xffff;
	v21 =	vor.u32 s24, v2  }
0x226: {  	v49 =	vld.idx.msk [tilespmem:v49+s2+$0x0], $0xffff  }
0x227: {  	v29 =	vor.u32 v32, v0;
	v32 =	vld [tilespmem:$0x1FFD0];
	[tilespmem:v57+s18+$0x0] =	vst.idx.msk $0xffff, v23;
	v54 =	vor.u32 s22, v12  }
0x228: {  	[tilespmem:v56+s19+$0x0] =	vst.idx.msk $0xffff, v51  }
0x229: {  	[tilespmem:v52+s18+$0x0] =	vst.idx.msk $0xffff, v44  }
0x22a: {  	v50 =	vld.idx.msk [tilespmem:v62+s2+$0x0], $0xffff;
	[tilespmem:v21+s19+$0x0] =	vst.idx.msk $0xffff, v25  }
0x22b: {  	v62 =	vor.u32 v19, v7;
	v19 =	vld [tilespmem:$0x1FC60]  }
0x22c: {  	v47 =	vld [tilespmem:$0x1FD50];
	[tilespmem:v54+s19+$0x0] =	vst.idx.msk $0xffff, v49  }
0x22d: {  	v55 =	vor.u32 s23, v8;
	v8 =	vld [tilespmem:$0x1FF00];
	_ =	sdelay $0x1  }
0x22e: {  	v36 =	vor.u32 v24, v4  }
0x22f: {  	v58 =	vor.u32 v6, v15  }
0x230: {  	v27 =	vor.u32 v32, v3  }
0x231: {  	v57 =	vor.u32 s21, v8;
	v8 =	vld [tilespmem:s25+$0x0]  }
0x232: {  	v29 =	vld.idx.msk [tilespmem:v29+s11+$0x0], $0xffff  }
0x233: {  	v23 =	vor.u32 v61, v11;
	v25 =	vld.idx.msk [tilespmem:v36+s2+$0x0], $0xffff  }
0x234: {  	v48 =	vld.idx.msk [tilespmem:v58+s11+$0x0], $0xffff;
	v36 =	vor.u32 v19, v1;
	v52 =	vor.u32 s26, v47  }
0x235: {  	v27 =	vld.idx.msk [tilespmem:v27+s2+$0x0], $0xffff  }
0x236: {  	v49 =	vor.u32 v24, v41;
	v51 =	vld.idx.msk [tilespmem:v62+s11+$0x0], $0xffff;
	[tilespmem:$0x1FC50] =	vst v8  }
0x237: {  	[tilespmem:v55+s19+$0x0] =	vst.idx.msk $0xffff, v50  }
0x238: {  	v62 =	vmov v59;
	[tilespmem:v56+s18+$0x0] =	vst.idx.msk $0xffff, v29;
	v59 =	vld.idx.msk [tilespmem:v23+s11+$0x0], $0xffff  }
0x239: {  	v53 =	vor.u32 v42, v17;
	[tilespmem:v52+s19+$0x0] =	vst.idx.msk $0xffff, v25;
	v29 =	vld.idx.msk [tilespmem:v36+s2+$0x0], $0xffff  }
0x23a: {  	v2 =	vmov v42;
	v42 =	vmov v6;
	v6 =	vld [tilespmem:$0x1FC40]  }
0x23b: {  	[tilespmem:v21+s18+$0x0] =	vst.idx.msk $0xffff, v48;
	v48 =	vld.idx.msk [tilespmem:v49+s11+$0x0], $0xffff  }
0x23c: {  	v50 =	vor.u32 v32, v5;
	v36 =	vld [tilespmem:$0x1FFB0];
	[tilespmem:v57+s19+$0x0] =	vst.idx.msk $0xffff, v27  }
0x23d: {  	v8 =	vld [tilespmem:$0x1FD80]  }
0x23e: {  	v58 =	vld.idx.msk [tilespmem:v53+s2+$0x0], $0xffff;
	[tilespmem:v54+s18+$0x0] =	vst.idx.msk $0xffff, v51  }
0x23f: {  	v44 =	vor.u32 s20, v28;
	v23 =	vor.u32 v30, v9;
	v25 =	vld [tilespmem:$0x1FCB0];
	[tilespmem:v55+s18+$0x0] =	vst.idx.msk $0xffff, v59  }
0x240: {  	v53 =	vor.u32 v2, v15;
	v2 =	vld [tilespmem:$0x1FD10]  }
0x241: {  	v50 =	vld.idx.msk [tilespmem:v50+s11+$0x0], $0xffff  }
0x242: {  	v27 =	vor.u32 v19, v0;
	v6 =	vmul.f32 $2.880000000e+02, v6;
	v32 =	vor.u32 s24, v8;
	_ =	sdelay $0x1  }
0x243: {  	v54 =	vld.idx.msk [tilespmem:v23+s2+$0x0], $0xffff;
	[tilespmem:v44+s19+$0x0] =	vst.idx.msk $0xffff, v29;
	v6 =	vtrunc.f32 v6  }
0x244: {  	v21 =	vor.u32 v36, v13;
	v24 =	vcvt.f32.s32 v6;
	v6 =	vld [tilespmem:$0x1FFA0];
	[tilespmem:v52+s18+$0x0] =	vst.idx.msk $0xffff, v48;
	v56 =	vor.u32 s22, v2  }
0x245: {  	v2 =	vld [tilespmem:$0x1FC50];
	[tilespmem:v57+s18+$0x0] =	vst.idx.msk $0xffff, v50  }
0x246: {  	v49 =	vld.idx.msk [tilespmem:v27+s11+$0x0], $0xffff;
	[tilespmem:v32+s19+$0x0] =	vst.idx.msk $0xffff, v58  }
0x247: {  	v51 =	vor.u32 v25, v4;
	v27 =	vld [tilespmem:$0x1FD60]  }
0x248: {  	v55 =	vor.u32 v46, v3  }
0x249: {  	v12 =	vmovc v37;
	v37 =	vor.u32 v30, v7;
	v8 =	vlaneseq.u32;
	v19 =	vshll.u32 v24, $0x5;
	v21 =	vld.idx.msk [tilespmem:v21+s2+$0x0], $0xffff;
	[tilespmem:v56+s19+$0x0] =	vst.idx.msk $0xffff, v54  }
0x24a: {  	v59 =	vor.u32 v8, v19;
	v24 =	vor.u32 s23, v6;
	v48 =	vmul.f32 $7.000000000e+00, v2;
	v2 =	vld [tilespmem:$0x1FE10]  }
0x24b: {  	v50 =	vor.u32 v38, v1;
	v53 =	vld.idx.msk [tilespmem:v53+s11+$0x0], $0xffff  }
0x24c: {  	v52 =	vor.u32 v36, v11;
	v51 =	vld.idx.msk [tilespmem:v51+s2+$0x0], $0xffff;
	v57 =	vor.u32 s26, v27  }
0x24d: {  	v55 =	vld.idx.msk [tilespmem:v55+s2+$0x0], $0xffff;
	v48 =	vtrunc.f32 v48  }
0x24e: {  	v58 =	vor.u32 v14, v17;
	[tilespmem:v44+s18+$0x0] =	vst.idx.msk $0xffff, v49;
	v27 =	vld.idx.msk [tilespmem:v37+s11+$0x0], $0xffff;
	v48 =	vcvt.f32.s32 v48  }
0x24f: {  	s29 =	sadd.s32 $0x10, s25;
	s25 =	simm.s32 $0xC00;
	v54 =	vor.u32 v25, v41;
	v59 =	vld.idx.msk [tilespmem:v59+s2+$0x0], $0xffff;
	[tilespmem:v24+s19+$0x0] =	vst.idx.msk $0xffff, v21;
	v29 =	vor.u32 s21, v2  }
0x250: {  	v28 =	vmov v30;
	v50 =	vld.idx.msk [tilespmem:v50+s2+$0x0], $0xffff;
	[tilespmem:v32+s18+$0x0] =	vst.idx.msk $0xffff, v53;
	v21 =	vshll.u32 v48, $0x5;
	v48 =	vor.u32 s25, v63  }
0x251: {  	v30 =	vmov v36;
	v36 =	vmov v24;
	v25 =	vor.u32 v46, v5;
	v49 =	vld.idx.msk [tilespmem:v52+s11+$0x0], $0xffff;
	[tilespmem:v57+s19+$0x0] =	vst.idx.msk $0xffff, v51  }
0x252: {  	v2 =	vld [tilespmem:$0x1FCF0]  }
0x253: {  	v58 =	vld.idx.msk [tilespmem:v58+s2+$0x0], $0xffff;
	[tilespmem:v56+s18+$0x0] =	vst.idx.msk $0xffff, v27  }
0x254: {  	v54 =	vld.idx.msk [tilespmem:v54+s11+$0x0], $0xffff;
	[tilespmem:v29+s19+$0x0] =	vst.idx.msk $0xffff, v55  }
0x255: {  	v37 =	vmov v46;
	v32 =	vor.u32 s24, v40;
	v52 =	vor.u32 v20, v9;
	v46 =	vld [tilespmem:$0x1FCC0];
	[tilespmem:v48+s19+$0x0] =	vst.idx.msk $0xffff, v59  }
0x256: {  	v51 =	vor.u32 v8, v21;
	v44 =	vld.idx.msk [tilespmem:v25+s11+$0x0], $0xffff;
	[tilespmem:v36+s18+$0x0] =	vst.idx.msk $0xffff, v49  }
0x257: {  	v53 =	vor.u32 v31, v13;
	v8 =	vor.u32 s20, v2;
	v2 =	vld [tilespmem:$0x1FD20];
	_ =	sdelay $0x1  }
0x258: {  	v55 =	vor.u32 v38, v0;
	[tilespmem:v57+s18+$0x0] =	vst.idx.msk $0xffff, v54  }
0x259: {  	v52 =	vld.idx.msk [tilespmem:v52+s2+$0x0], $0xffff;
	[tilespmem:v32+s19+$0x0] =	vst.idx.msk $0xffff, v58  }
0x25a: {  	v59 =	vor.u32 v14, v15;
	v51 =	vld.idx.msk [tilespmem:v51+s11+$0x0], $0xffff;
	[tilespmem:v29+s18+$0x0] =	vst.idx.msk $0xffff, v44  }
0x25b: {  	v36 =	vor.u32 v33, v19;
	v53 =	vld.idx.msk [tilespmem:v53+s2+$0x0], $0xffff;
	v25 =	vor.u32 s22, v2;
	[tilespmem:v8+s19+$0x0] =	vst.idx.msk $0xffff, v50  }
0x25c: {  	v57 =	vor.u32 s23, v43;
	v2 =	vld [tilespmem:$0x1FD90]  }
0x25d: {  	v56 =	vor.u32 v46, v4;
	v55 =	vld.idx.msk [tilespmem:v55+s11+$0x0], $0xffff;
	_ =	sdelay $0x1  }
0x25e: {  	v59 =	vld.idx.msk [tilespmem:v59+s11+$0x0], $0xffff;
	[tilespmem:v48+s18+$0x0] =	vst.idx.msk $0xffff, v51  }
0x25f: {  	v50 =	vor.u32 v20, v7;
	v20 =	vld.idx.msk [tilespmem:v36+s2+$0x0], $0xffff;
	[tilespmem:v25+s19+$0x0] =	vst.idx.msk $0xffff, v52  }
0x260: {  	v27 =	vor.u32 s26, v2;
	v2 =	vld [tilespmem:$0x1FE20];
	[tilespmem:v57+s19+$0x0] =	vst.idx.msk $0xffff, v53  }
0x261: {  	v40 =	vor.u32 v34, v3;
	v56 =	vld.idx.msk [tilespmem:v56+s2+$0x0], $0xffff;
	[tilespmem:v8+s18+$0x0] =	vst.idx.msk $0xffff, v55  }
0x262: {  	v58 =	vor.u32 v31, v11;
	v36 =	vld [tilespmem:$0x1FF20];
	_ =	sdelay $0x1  }
0x263: {  	v44 =	vor.u32 v10, v1  }
0x264: {  	v43 =	vor.u32 v35, v17;
	v50 =	vld.idx.msk [tilespmem:v50+s11+$0x0], $0xffff  }
0x265: {  	v14 =	vld.idx.msk [tilespmem:v40+s2+$0x0], $0xffff;
	v40 =	vor.u32 v46, v41;
	[tilespmem:v32+s18+$0x0] =	vst.idx.msk $0xffff, v59;
	v51 =	vor.u32 s21, v2  }
0x266: {  	v55 =	vld.idx.msk [tilespmem:v58+s11+$0x0], $0xffff;
	[tilespmem:v27+s19+$0x0] =	vst.idx.msk $0xffff, v56;
	v8 =	vor.u32 s25, v36  }
0x267: {  	v34 =	vor.u32 v34, v5;
	v2 =	vld [tilespmem:$0x1FDC0]  }
0x268: {  	v54 =	vld.idx.msk [tilespmem:v44+s2+$0x0], $0xffff  }
0x269: {  	v31 =	vld.idx.msk [tilespmem:v43+s2+$0x0], $0xffff;
	[tilespmem:v25+s18+$0x0] =	vst.idx.msk $0xffff, v50  }
0x26a: {  	v52 =	vld.idx.msk [tilespmem:v40+s11+$0x0], $0xffff;
	[tilespmem:v51+s19+$0x0] =	vst.idx.msk $0xffff, v14  }
0x26b: {  	v48 =	vor.u32 s24, v18;
	v43 =	vmov v18;
	v18 =	vld [tilespmem:$0x1FCD0];
	[tilespmem:v8+s19+$0x0] =	vst.idx.msk $0xffff, v20  }
0x26c: {  	v56 =	vor.u32 v33, v21;
	v49 =	vor.u32 s20, v2;
	v50 =	vld.idx.msk [tilespmem:v34+s11+$0x0], $0xffff;
	[tilespmem:v57+s18+$0x0] =	vst.idx.msk $0xffff, v55  }
0x26d: {  	v58 =	vor.u32 v26, v9;
	v2 =	vld [tilespmem:$0x1FD30];
	_ =	sdelay $0x1  }
0x26e: {  	v46 =	vor.u32 v12, v13;
	[tilespmem:v27+s18+$0x0] =	vst.idx.msk $0xffff, v52  }
0x26f: {  	v25 =	vor.u32 v35, v15;
	[tilespmem:v48+s19+$0x0] =	vst.idx.msk $0xffff, v31  }
0x270: {  	v29 =	vor.u32 v10, v0;
	v56 =	vld.idx.msk [tilespmem:v56+s11+$0x0], $0xffff;
	[tilespmem:v49+s19+$0x0] =	vst.idx.msk $0xffff, v54  }
0x271: {  	v58 =	vld.idx.msk [tilespmem:v58+s2+$0x0], $0xffff;
	v40 =	vor.u32 v18, v4;
	[tilespmem:v51+s18+$0x0] =	vst.idx.msk $0xffff, v50;
	v57 =	vor.u32 s22, v2  }
0x272: {  	v2 =	vld [tilespmem:$0x1FDA0]  }
0x273: {  	v10 =	vld.idx.msk [tilespmem:v46+s2+$0x0], $0xffff  }
0x274: {  	v52 =	vor.u32 s23, v62;
	v59 =	vld.idx.msk [tilespmem:v25+s11+$0x0], $0xffff  }
0x275: {  	v32 =	vmov v35;
	v35 =	vor.u32 v26, v7;
	v29 =	vld.idx.msk [tilespmem:v29+s11+$0x0], $0xffff;
	[tilespmem:v8+s18+$0x0] =	vst.idx.msk $0xffff, v56  }
0x276: {  	v53 =	vld.idx.msk [tilespmem:v40+s2+$0x0], $0xffff;
	[tilespmem:v57+s19+$0x0] =	vst.idx.msk $0xffff, v58  }
0x277: {  	v34 =	vor.u32 v22, v3;
	v51 =	vor.u32 s26, v2;
	v2 =	vld [tilespmem:$0x1FE40];
	_ =	sdelay $0x1  }
0x278: {  	[tilespmem:v52+s19+$0x0] =	vst.idx.msk $0xffff, v10  }
0x279: {  	v54 =	vld.idx.msk [tilespmem:v35+s11+$0x0], $0xffff;
	[tilespmem:v49+s18+$0x0] =	vst.idx.msk $0xffff, v29  }
0x27a: {  	v24 =	vmov v38;
	v38 =	vmov v33;
	v33 =	vld [tilespmem:$0x1FFC0];
	[tilespmem:v48+s18+$0x0] =	vst.idx.msk $0xffff, v59  }
0x27b: {  	v44 =	vor.u32 v12, v11;
	v12 =	vld.idx.msk [tilespmem:v34+s2+$0x0], $0xffff;
	[tilespmem:v51+s19+$0x0] =	vst.idx.msk $0xffff, v53;
	v8 =	vor.u32 s21, v2  }
0x27c: {  	v2 =	vld [tilespmem:$0x1FDD0];
	_ =	sdelay $0x1  }
0x27d: {  	v27 =	vor.u32 v60, v19  }
0x27e: {  	v25 =	vor.u32 v22, v5;
	v22 =	vld [tilespmem:$0x1FEF0];
	[tilespmem:v57+s18+$0x0] =	vst.idx.msk $0xffff, v54  }
0x27f: {  	v40 =	vor.u32 v45, v17;
	[tilespmem:v8+s19+$0x0] =	vst.idx.msk $0xffff, v12  }
0x280: {  	v59 =	vor.u32 s20, v2;
	v2 =	vld [tilespmem:$0x1FF60];
	_ =	sdelay $0x1  }
0x281: {  	v58 =	vor.u32 v18, v41;
	v18 =	vld.idx.msk [tilespmem:v27+s2+$0x0], $0xffff  }
0x282: {  	v62 =	vor.u32 v39, v1;
	v44 =	vld.idx.msk [tilespmem:v44+s11+$0x0], $0xffff;
	v29 =	vor.u32 s25, v33  }
0x283: {  	v20 =	vld.idx.msk [tilespmem:v40+s2+$0x0], $0xffff  }
0x284: {  	v40 =	vmov v2;
	v14 =	vor.u32 s24, v2;
	v2 =	vld [tilespmem:$0x1FCE0];
	_ =	sdelay $0x2  }
0x285: {  	v31 =	vld.idx.msk [tilespmem:v62+s2+$0x0], $0xffff;
	[tilespmem:v29+s19+$0x0] =	vst.idx.msk $0xffff, v18  }
0x286: {  	v58 =	vld.idx.msk [tilespmem:v58+s11+$0x0], $0xffff;
	[tilespmem:v52+s18+$0x0] =	vst.idx.msk $0xffff, v44  }
0x287: {  	v57 =	vor.u32 v2, v4;
	v4 =	vld [tilespmem:$0x1FD40];
	_ =	sdelay $0x2  }
0x288: {  	v49 =	vor.u32 v16, v9;
	v10 =	vld [tilespmem:$0x1FE70];
	[tilespmem:v59+s19+$0x0] =	vst.idx.msk $0xffff, v31  }
0x289: {  	v46 =	vor.u32 v60, v21;
	v34 =	vld.idx.msk [tilespmem:v25+s11+$0x0], $0xffff;
	[tilespmem:v51+s18+$0x0] =	vst.idx.msk $0xffff, v58  }
0x28a: {  	v50 =	vor.u32 s22, v4;
	v4 =	vld [tilespmem:$0x1FED0]  }
0x28b: {  	v27 =	vor.u32 v39, v0  }
0x28c: {  	v62 =	vor.u32 v22, v13  }
0x28d: {  	v56 =	vld.idx.msk [tilespmem:v49+s2+$0x0], $0xffff;
	v25 =	vor.u32 v45, v15;
	[tilespmem:v14+s19+$0x0] =	vst.idx.msk $0xffff, v20  }
0x28e: {  	v26 =	vld.idx.msk [tilespmem:v46+s11+$0x0], $0xffff;
	[tilespmem:v8+s18+$0x0] =	vst.idx.msk $0xffff, v34  }
0x28f: {  	v55 =	vor.u32 s23, v4;
	v4 =	vld [tilespmem:$0x1FDB0]  }
0x290: {  	v46 =	vld.idx.msk [tilespmem:v27+s11+$0x0], $0xffff  }
0x291: {  	v39 =	vor.u32 v16, v7;
	v18 =	vld.idx.msk [tilespmem:v62+s2+$0x0], $0xffff  }
0x292: {  	v16 =	vld.idx.msk [tilespmem:v25+s11+$0x0], $0xffff  }
0x293: {  	v8 =	vld [tilespmem:$0x1FE00];
	[tilespmem:v50+s19+$0x0] =	vst.idx.msk $0xffff, v56  }
0x294: {  	v57 =	vld.idx.msk [tilespmem:v57+s2+$0x0], $0xffff;
	[tilespmem:v29+s18+$0x0] =	vst.idx.msk $0xffff, v26;
	v27 =	vor.u32 s26, v4  }
0x295: {  	v53 =	vor.u32 v2, v41;
	v2 =	vld [tilespmem:$0x1FE60];
	[tilespmem:v59+s18+$0x0] =	vst.idx.msk $0xffff, v46  }
0x296: {  	v56 =	vld.idx.msk [tilespmem:v39+s11+$0x0], $0xffff;
	[tilespmem:v55+s19+$0x0] =	vst.idx.msk $0xffff, v18  }
0x297: {  	v35 =	vor.u32 v10, v3;
	v39 =	vld [tilespmem:$0x1FD70]  }
0x298: {  	v12 =	vmov v45;
	v45 =	vor.u32 v42, v19;
	v62 =	vor.u32 v22, v11;
	v22 =	vld [tilespmem:$0x1FDF0];
	[tilespmem:v14+s18+$0x0] =	vst.idx.msk $0xffff, v16  }
0x299: {  	[tilespmem:v27+s19+$0x0] =	vst.idx.msk $0xffff, v57  }
0x29a: {  	v29 =	vor.u32 s21, v2;
	v2 =	vld [tilespmem:$0x1FFD0];
	_ =	sdelay $0x1  }
0x29b: {  	v20 =	vld.idx.msk [tilespmem:v35+s2+$0x0], $0xffff;
	v25 =	vor.u32 v8, v1  }
0x29c: {  	v51 =	vld.idx.msk [tilespmem:v45+s2+$0x0], $0xffff  }
0x29d: {  	v34 =	vor.u32 v61, v17;
	v45 =	vld.idx.msk [tilespmem:v62+s11+$0x0], $0xffff;
	v44 =	vor.u32 s25, v39  }
0x29e: {  	v35 =	vor.u32 v10, v5;
	v16 =	vmov v2;
	v10 =	vor.u32 v2, v13;
	v2 =	vld [tilespmem:$0x1FD00]  }
0x29f: {  	v23 =	vld [tilespmem:s29+$0xFFFFFE00]  }
0x2a0: {  	v4 =	vld.idx.msk [tilespmem:v25+s2+$0x0], $0xffff;
	[tilespmem:v29+s19+$0x0] =	vst.idx.msk $0xffff, v20  }
0x2a1: {  	v46 =	vor.u32 v22, v9;
	v49 =	vld.idx.msk [tilespmem:v53+s11+$0x0], $0xffff;
	[tilespmem:v50+s18+$0x0] =	vst.idx.msk $0xffff, v56  }
0x2a2: {  	v62 =	vor.u32 v42, v21;
	v53 =	vld.idx.msk [tilespmem:v34+s2+$0x0], $0xffff;
	[tilespmem:v44+s19+$0x0] =	vst.idx.msk $0xffff, v51  }
0x2a3: {  	[tilespmem:v55+s18+$0x0] =	vst.idx.msk $0xffff, v45;
	v52 =	vld.idx.msk [tilespmem:v35+s11+$0x0], $0xffff;
	v25 =	vor.u32 s20, v2  }
0x2a4: {  	v58 =	vor.u32 v8, v0;
	v8 =	vld [tilespmem:$0x1FC60]  }
0x2a5: {  	v2 =	vld [tilespmem:$0x1FF80]  }
0x2a6: {  	v54 =	vld.idx.msk [tilespmem:v46+s2+$0x0], $0xffff  }
0x2a7: {  	v51 =	vld.idx.msk [tilespmem:v62+s11+$0x0], $0xffff  }
0x2a8: {  	v48 =	vor.u32 s22, v47;
	v31 =	vmov v61;
	v55 =	vld.idx.msk [tilespmem:v10+s2+$0x0], $0xffff;
	[tilespmem:v25+s19+$0x0] =	vst.idx.msk $0xffff, v4  }
0x2a9: {  	v41 =	vmovc v42;
	v18 =	vmovc v30;
	v59 =	vor.u32 v22, v7;
	v22 =	vmov v6;
	v6 =	vlaneseq.u32;
	v35 =	vld [tilespmem:$0x1FF30]  }
0x2aa: {  	s28 =	simm.s32 $0xE00;
	s30 =	simm.s32 $0x1000;
	s26 =	sor.u32 s5, s17;
	v56 =	vor.u32 v61, v15;
	v45 =	vmovc v60;
	v57 =	vor.u32 v8, v3;
	v14 =	vmovc v2;
	v50 =	vor.u32 s24, v2;
	v30 =	vld [tilespmem:$0x1FD80]  }
.LBB2_3:
0x2ab: {  	v4 =	vld [tilespmem:$0x1FF00];
	_ =	sdelay $0x2  }
0x2ac: {  	v58 =	vld.idx.msk [tilespmem:v58+s11+$0x0], $0xffff;
	[tilespmem:v27+s18+$0x0] =	vst.idx.msk $0xffff, v49  }
0x2ad: {  	v49 =	vld [tilespmem:s29+$0x0]  }
0x2ae: {  	[tilespmem:v50+s19+$0x0] =	vst.idx.msk $0xffff, v53;
	v61 =	vor.u32 s23, v4;
	v4 =	vld [tilespmem:$0x1FF10]  }
0x2af: {  	v60 =	vor.u32 v35, v19;
	v53 =	vld.idx.msk [tilespmem:v56+s11+$0x0], $0xffff;
	[tilespmem:v29+s18+$0x0] =	vst.idx.msk $0xffff, v52  }
0x2b0: {  	v27 =	vor.u32 v16, v11;
	v52 =	vld.idx.msk [tilespmem:v57+s2+$0x0], $0xffff;
	[tilespmem:v48+s19+$0x0] =	vst.idx.msk $0xffff, v54  }
0x2b1: {  	v2 =	vld [tilespmem:$0x1FD10];
	v29 =	vor.u32 v28, v1;
	[tilespmem:v44+s18+$0x0] =	vst.idx.msk $0xffff, v51  }
0x2b2: {  	v54 =	vld.idx.msk [tilespmem:v59+s11+$0x0], $0xffff  }
0x2b3: {  	v51 =	vor.u32 s21, v4;
	v4 =	vld [tilespmem:$0x1FCB0]  }
0x2b4: {  	v23 =	vmul.f32 $2.880000000e+02, v23;
	v62 =	vor.u32 v18, v17;
	v56 =	vld.idx.msk [tilespmem:v60+s2+$0x0], $0xffff;
	[tilespmem:v61+s19+$0x0] =	vst.idx.msk $0xffff, v55  }
0x2b5: {  	v34 =	vor.u32 v8, v5;
	v59 =	vld.idx.msk [tilespmem:v27+s11+$0x0], $0xffff;
	[tilespmem:v25+s18+$0x0] =	vst.idx.msk $0xffff, v58  }
0x2b6: {  	s29 =	sadd.s32 $0x10, s29;
	v23 =	vtrunc.f32 v23;
	v57 =	vor.u32 s25, v30;
	v29 =	vld.idx.msk [tilespmem:v29+s2+$0x0], $0xffff  }
0x2b7: {  	v27 =	vcvt.f32.s32 v23;
	v58 =	vor.u32 v35, v21;
	v23 =	vld [tilespmem:s29+$0xFFFFFE00]  }
0x2b8: {  	[tilespmem:v50+s18+$0x0] =	vst.idx.msk $0xffff, v53;
	v53 =	vor.u32 s20, v2;
	v2 =	vld [tilespmem:$0x1FD60];
	v25 =	vor.u32 v4, v9  }
0x2b9: {  	v44 =	vld.idx.msk [tilespmem:v62+s2+$0x0], $0xffff;
	[tilespmem:v51+s19+$0x0] =	vst.idx.msk $0xffff, v52  }
0x2ba: {  	v55 =	vld.idx.msk [tilespmem:v34+s11+$0x0], $0xffff;
	[tilespmem:v48+s18+$0x0] =	vst.idx.msk $0xffff, v54  }
0x2bb: {  	v20 =	vld [tilespmem:$0x1FE90];
	v50 =	vor.u32 v37, v13;
	[tilespmem:v57+s19+$0x0] =	vst.idx.msk $0xffff, v56  }
0x2bc: {  	v34 =	vmul.f32 $7.000000000e+00, v49;
	v56 =	vld.idx.msk [tilespmem:v58+s11+$0x0], $0xffff  }
0x2bd: {  	v46 =	vor.u32 v28, v0;
	v27 =	vshll.u32 v27, $0x5;
	v54 =	vld.idx.msk [tilespmem:v25+s2+$0x0], $0xffff  }
0x2be: {  	v62 =	vor.u32 s24, v22;
	v47 =	vor.u32 v6, v27;
	v25 =	vtrunc.f32 v34;
	v34 =	vld [tilespmem:$0x1FEE0]  }
0x2bf: {  	v49 =	vor.u32 v18, v15;
	[tilespmem:v61+s18+$0x0] =	vst.idx.msk $0xffff, v59;
	v59 =	vor.u32 s22, v2;
	v2 =	vld [tilespmem:$0x1FE10]  }
0x2c0: {  	v48 =	vld.idx.msk [tilespmem:v50+s2+$0x0], $0xffff  }
0x2c1: {  	v58 =	vor.u32 v24, v3;
	[tilespmem:v53+s19+$0x0] =	vst.idx.msk $0xffff, v29;
	v29 =	vor.u32 v4, v7;
	v4 =	vld [tilespmem:$0x1FCF0]  }
0x2c2: {  	v52 =	vld.idx.msk [tilespmem:v46+s11+$0x0], $0xffff  }
0x2c3: {  	v60 =	vld.idx.msk [tilespmem:v47+s2+$0x0], $0xffff;
	[tilespmem:v62+s19+$0x0] =	vst.idx.msk $0xffff, v44  }
0x2c4: {  	v49 =	vld.idx.msk [tilespmem:v49+s11+$0x0], $0xffff  }
0x2c5: {  	[tilespmem:v51+s18+$0x0] =	vst.idx.msk $0xffff, v55;
	v50 =	vor.u32 v34, v19;
	v61 =	vor.u32 s23, v2;
	v2 =	vld [tilespmem:$0x1FC90]  }
0x2c6: {  	v25 =	vcvt.f32.s32 v25;
	v44 =	vor.u32 v37, v11;
	v58 =	vld.idx.msk [tilespmem:v58+s2+$0x0], $0xffff;
	[tilespmem:v59+s19+$0x0] =	vst.idx.msk $0xffff, v54  }
0x2c7: {  	[tilespmem:v57+s18+$0x0] =	vst.idx.msk $0xffff, v56;
	v56 =	vor.u32 s21, v4;
	v4 =	vld [tilespmem:$0x1FEC0]  }
0x2c8: {  	v8 =	vmov v63;
	v63 =	vor.u32 s28, v63;
	v47 =	vld [tilespmem:$0x1FCC0];
	v25 =	vshll.u32 v25, $0x5  }
0x2c9: {  	v55 =	vor.u32 v6, v25;
	v29 =	vld.idx.msk [tilespmem:v29+s11+$0x0], $0xffff  }
0x2ca: {  	v51 =	vor.u32 v2, v1;
	v50 =	vld.idx.msk [tilespmem:v50+s2+$0x0], $0xffff;
	[tilespmem:v61+s19+$0x0] =	vst.idx.msk $0xffff, v48  }
0x2cb: {  	v54 =	vor.u32 v20, v17;
	v44 =	vld.idx.msk [tilespmem:v44+s11+$0x0], $0xffff  }
0x2cc: {  	v57 =	vor.u32 s25, v4;
	[tilespmem:v53+s18+$0x0] =	vst.idx.msk $0xffff, v52;
	v4 =	vld [tilespmem:$0x1FD20]  }
0x2cd: {  	v46 =	vor.u32 v34, v21;
	v34 =	vld [tilespmem:$0x1FE30];
	v48 =	vor.u32 v24, v5;
	[tilespmem:v63+s19+$0x0] =	vst.idx.msk $0xffff, v60  }
0x2ce: {  	v55 =	vld.idx.msk [tilespmem:v55+s11+$0x0], $0xffff  }
0x2cf: {  	v42 =	vor.u32 v47, v9;
	v51 =	vld.idx.msk [tilespmem:v51+s2+$0x0], $0xffff;
	[tilespmem:v62+s18+$0x0] =	vst.idx.msk $0xffff, v49  }
0x2d0: {  	v54 =	vld.idx.msk [tilespmem:v54+s2+$0x0], $0xffff  }
0x2d1: {  	v60 =	vor.u32 s20, v4;
	[tilespmem:v56+s19+$0x0] =	vst.idx.msk $0xffff, v58;
	v4 =	vld [tilespmem:$0x1FD90]  }
0x2d2: {  	v48 =	vld.idx.msk [tilespmem:v48+s11+$0x0], $0xffff;
	[tilespmem:v59+s18+$0x0] =	vst.idx.msk $0xffff, v29  }
0x2d3: {  	v58 =	vor.u32 v2, v0;
	v2 =	vld [tilespmem:$0x1FE80];
	[tilespmem:v57+s19+$0x0] =	vst.idx.msk $0xffff, v50  }
0x2d4: {  	v49 =	vor.u32 v34, v13;
	v50 =	vld.idx.msk [tilespmem:v42+s2+$0x0], $0xffff  }
0x2d5: {  	v42 =	vld [tilespmem:$0x1FC70]  }
0x2d6: {  	v26 =	vld [tilespmem:$0x1FEB0]  }
0x2d7: {  	v53 =	vor.u32 s22, v4;
	v4 =	vld [tilespmem:$0x1FE20]  }
0x2d8: {  	v62 =	vor.u32 v38, v27;
	v52 =	vld.idx.msk [tilespmem:v46+s11+$0x0], $0xffff;
	[tilespmem:v61+s18+$0x0] =	vst.idx.msk $0xffff, v44;
	v2 =	vor.u32 s24, v2  }
0x2d9: {  	v29 =	vor.u32 v20, v15;
	v49 =	vld.idx.msk [tilespmem:v49+s2+$0x0], $0xffff;
	[tilespmem:v60+s19+$0x0] =	vst.idx.msk $0xffff, v51  }
0x2da: {  	[tilespmem:v63+s18+$0x0] =	vst.idx.msk $0xffff, v55;
	v63 =	vld [tilespmem:$0x1FDC0];
	v44 =	vor.u32 v42, v3  }
0x2db: {  	v58 =	vld.idx.msk [tilespmem:v58+s11+$0x0], $0xffff  }
0x2dc: {  	v51 =	vor.u32 v47, v7;
	v59 =	vor.u32 s23, v4;
	v4 =	vld [tilespmem:$0x1FCA0]  }
0x2dd: {  	v55 =	vor.u32 v32, v19;
	v61 =	vld.idx.msk [tilespmem:v62+s2+$0x0], $0xffff;
	[tilespmem:v2+s19+$0x0] =	vst.idx.msk $0xffff, v54  }
0x2de: {  	v54 =	vor.u32 v34, v11;
	v29 =	vld.idx.msk [tilespmem:v29+s11+$0x0], $0xffff;
	[tilespmem:v56+s18+$0x0] =	vst.idx.msk $0xffff, v48  }
0x2df: {  	v62 =	vor.u32 s28, v36;
	v44 =	vld.idx.msk [tilespmem:v44+s2+$0x0], $0xffff;
	[tilespmem:v53+s19+$0x0] =	vst.idx.msk $0xffff, v50  }
0x2e0: {  	v47 =	vld [tilespmem:$0x1FCD0];
	v56 =	vor.u32 v38, v25;
	[tilespmem:v57+s18+$0x0] =	vst.idx.msk $0xffff, v52  }
0x2e1: {  	v48 =	vor.u32 v4, v1;
	v51 =	vld.idx.msk [tilespmem:v51+s11+$0x0], $0xffff  }
0x2e2: {  	v50 =	vor.u32 v26, v17;
	v55 =	vld.idx.msk [tilespmem:v55+s2+$0x0], $0xffff;
	[tilespmem:v59+s19+$0x0] =	vst.idx.msk $0xffff, v49  }
0x2e3: {  	v52 =	vor.u32 s21, v63;
	v54 =	vld.idx.msk [tilespmem:v54+s11+$0x0], $0xffff;
	[tilespmem:v60+s18+$0x0] =	vst.idx.msk $0xffff, v58  }
0x2e4: {  	v49 =	vor.u32 v42, v5;
	v42 =	vld [tilespmem:$0x1FE50];
	[tilespmem:v62+s19+$0x0] =	vst.idx.msk $0xffff, v61  }
0x2e5: {  	v56 =	vld.idx.msk [tilespmem:v56+s11+$0x0], $0xffff  }
0x2e6: {  	v48 =	vld.idx.msk [tilespmem:v48+s2+$0x0], $0xffff;
	[tilespmem:v2+s18+$0x0] =	vst.idx.msk $0xffff, v29  }
0x2e7: {  	v50 =	vld.idx.msk [tilespmem:v50+s2+$0x0], $0xffff  }
0x2e8: {  	v57 =	vor.u32 s25, v43;
	[tilespmem:v52+s19+$0x0] =	vst.idx.msk $0xffff, v44;
	v44 =	vor.u32 v4, v0;
	v4 =	vld [tilespmem:$0x1FEA0]  }
0x2e9: {  	v34 =	vor.u32 v32, v21;
	v29 =	vld [tilespmem:$0x1FD30];
	_ =	sdelay $0x2  }
0x2ea: {  	v58 =	vor.u32 v47, v9;
	v49 =	vld.idx.msk [tilespmem:v49+s11+$0x0], $0xffff;
	[tilespmem:v53+s18+$0x0] =	vst.idx.msk $0xffff, v51  }
0x2eb: {  	[tilespmem:v57+s19+$0x0] =	vst.idx.msk $0xffff, v55;
	v63 =	vor.u32 s24, v4;
	v4 =	vld [tilespmem:$0x1FDA0]  }
0x2ec: {  	v2 =	vor.u32 v42, v13;
	v55 =	vld.idx.msk [tilespmem:v34+s11+$0x0], $0xffff;
	v29 =	vor.u32 s20, v29  }
0x2ed: {  	v34 =	vld [tilespmem:$0x1FC80];
	_ =	sdelay $0x1  }
0x2ee: {  	v61 =	vor.u32 v45, v27;
	v53 =	vld.idx.msk [tilespmem:v58+s2+$0x0], $0xffff  }
0x2ef: {  	[tilespmem:v59+s18+$0x0] =	vst.idx.msk $0xffff, v54;
	v58 =	vor.u32 s22, v4;
	v4 =	vld [tilespmem:$0x1FE40]  }
0x2f0: {  	v51 =	vor.u32 v26, v15;
	v2 =	vld.idx.msk [tilespmem:v2+s2+$0x0], $0xffff;
	[tilespmem:v29+s19+$0x0] =	vst.idx.msk $0xffff, v48  }
0x2f1: {  	v54 =	vor.u32 v34, v3;
	[tilespmem:v62+s18+$0x0] =	vst.idx.msk $0xffff, v56;
	v62 =	vld [tilespmem:$0x1FDE0]  }
0x2f2: {  	v44 =	vld.idx.msk [tilespmem:v44+s11+$0x0], $0xffff  }
0x2f3: {  	v48 =	vor.u32 v47, v7;
	v60 =	vld.idx.msk [tilespmem:v61+s2+$0x0], $0xffff  }
0x2f4: {  	[tilespmem:v63+s19+$0x0] =	vst.idx.msk $0xffff, v50;
	v59 =	vor.u32 s23, v4;
	v4 =	vld [tilespmem:$0x1FDD0]  }
0x2f5: {  	v56 =	vor.u32 v12, v19;
	v51 =	vld.idx.msk [tilespmem:v51+s11+$0x0], $0xffff;
	[tilespmem:v52+s18+$0x0] =	vst.idx.msk $0xffff, v49  }
0x2f6: {  	v54 =	vld.idx.msk [tilespmem:v54+s2+$0x0], $0xffff;
	[tilespmem:v58+s19+$0x0] =	vst.idx.msk $0xffff, v53  }
0x2f7: {  	v47 =	vor.u32 v42, v11;
	v42 =	vld [tilespmem:$0x1FEF0];
	[tilespmem:v57+s18+$0x0] =	vst.idx.msk $0xffff, v55  }
0x2f8: {  	v48 =	vld.idx.msk [tilespmem:v48+s11+$0x0], $0xffff  }
0x2f9: {  	v61 =	vor.u32 s28, v33;
	v55 =	vor.u32 s21, v4;
	v4 =	vld [tilespmem:$0x1FD40]  }
0x2fa: {  	v49 =	vor.u32 v62, v1;
	v56 =	vld.idx.msk [tilespmem:v56+s2+$0x0], $0xffff  }
0x2fb: {  	v52 =	vor.u32 v45, v25;
	[tilespmem:v59+s19+$0x0] =	vst.idx.msk $0xffff, v2;
	v2 =	vor.u32 v34, v5;
	v34 =	vld [tilespmem:$0x1FE70]  }
0x2fc: {  	v53 =	vor.u32 v42, v17;
	v50 =	vld.idx.msk [tilespmem:v47+s11+$0x0], $0xffff  }
0x2fd: {  	[tilespmem:v29+s18+$0x0] =	vst.idx.msk $0xffff, v44;
	v47 =	vld [tilespmem:$0x1FCE0]  }
0x2fe: {  	[tilespmem:v61+s19+$0x0] =	vst.idx.msk $0xffff, v60;
	v60 =	vor.u32 s20, v4;
	v4 =	vld [tilespmem:$0x1FED0]  }
0x2ff: {  	v49 =	vld.idx.msk [tilespmem:v49+s2+$0x0], $0xffff  }
0x300: {  	v57 =	vor.u32 s25, v40;
	v52 =	vld.idx.msk [tilespmem:v52+s11+$0x0], $0xffff;
	[tilespmem:v63+s18+$0x0] =	vst.idx.msk $0xffff, v51  }
0x301: {  	v44 =	vor.u32 v12, v21;
	v53 =	vld.idx.msk [tilespmem:v53+s2+$0x0], $0xffff;
	[tilespmem:v55+s19+$0x0] =	vst.idx.msk $0xffff, v54  }
0x302: {  	v29 =	vor.u32 v47, v9;
	v2 =	vld.idx.msk [tilespmem:v2+s11+$0x0], $0xffff  }
0x303: {  	v9 =	vmovc v1;
	v1 =	vmov v3;
	v3 =	vmov v13;
	v63 =	vor.u32 s24, v4;
	v4 =	vld [tilespmem:$0x1FDB0]  }
0x304: {  	[tilespmem:v58+s18+$0x0] =	vst.idx.msk $0xffff, v48;
	v48 =	vor.u32 v42, v15;
	v42 =	vld [tilespmem:$0x1FE00];
	v51 =	vor.u32 v34, v3  }
0x305: {  	[tilespmem:v57+s19+$0x0] =	vst.idx.msk $0xffff, v56  }
0x306: {  	v58 =	vld.idx.msk [tilespmem:v44+s11+$0x0], $0xffff  }
0x307: {  	v54 =	vor.u32 v62, v0;
	v13 =	vmovc v17;
	v17 =	vmov v19;
	v19 =	vmov v27;
	v56 =	vld.idx.msk [tilespmem:v29+s2+$0x0], $0xffff  }
0x308: {  	v46 =	vor.u32 v41, v19;
	[tilespmem:v59+s18+$0x0] =	vst.idx.msk $0xffff, v50;
	v27 =	vor.u32 s22, v4;
	v4 =	vld [tilespmem:$0x1FE60]  }
0x309: {  	v50 =	vor.u32 v42, v1;
	v51 =	vld.idx.msk [tilespmem:v51+s2+$0x0], $0xffff  }
0x30a: {  	[tilespmem:v60+s19+$0x0] =	vst.idx.msk $0xffff, v49;
	v49 =	vor.u32 v47, v7;
	v7 =	vmovc v0;
	v0 =	vmov v5;
	v5 =	vmov v11  }
0x30b: {  	[tilespmem:v61+s18+$0x0] =	vst.idx.msk $0xffff, v52;
	v61 =	vor.u32 v34, v5;
	v34 =	vld [tilespmem:$0x1FDF0]  }
0x30c: {  	v54 =	vld.idx.msk [tilespmem:v54+s11+$0x0], $0xffff;
	s22 =	smov.u32 s20;
	s20 =	smov.u32 s21;
	s21 =	smov.u32 s23  }
0x30d: {  	v52 =	vor.u32 v31, v17;
	v59 =	vld.idx.msk [tilespmem:v46+s2+$0x0], $0xffff;
	[tilespmem:v63+s19+$0x0] =	vst.idx.msk $0xffff, v53;
	v29 =	vor.u32 s21, v4  }
0x30e: {  	s23 =	smov.u32 s24;
	s24 =	smov.u32 s25;
	s25 =	smov.u32 s28;
	v48 =	vld.idx.msk [tilespmem:v48+s11+$0x0], $0xffff;
	[tilespmem:v55+s18+$0x0] =	vst.idx.msk $0xffff, v2  }
0x30f: {  	v44 =	vor.u32 s25, v39;
	v47 =	vld.idx.msk [tilespmem:v50+s2+$0x0], $0xffff;
	[tilespmem:v27+s19+$0x0] =	vst.idx.msk $0xffff, v56  }
0x310: {  	v11 =	vmovc v15;
	v15 =	vmov v21;
	v21 =	vmov v25;
	v25 =	vld [tilespmem:$0x1FD00];
	v2 =	vor.u32 v34, v9;
	[tilespmem:v57+s18+$0x0] =	vst.idx.msk $0xffff, v58  }
0x311: {  	v46 =	vor.u32 v41, v21;
	v49 =	vld.idx.msk [tilespmem:v49+s11+$0x0], $0xffff  }
0x312: {  	v53 =	vld.idx.msk [tilespmem:v52+s2+$0x0], $0xffff;
	[tilespmem:v29+s19+$0x0] =	vst.idx.msk $0xffff, v51  }
0x313: {  	v52 =	vld.idx.msk [tilespmem:v61+s11+$0x0], $0xffff;
	[tilespmem:v60+s18+$0x0] =	vst.idx.msk $0xffff, v54  }
0x314: {  	[tilespmem:v44+s19+$0x0] =	vst.idx.msk $0xffff, v59  }
0x315: {  	v54 =	vld.idx.msk [tilespmem:v2+s2+$0x0], $0xffff  }
0x316: {  	v51 =	vld.idx.msk [tilespmem:v46+s11+$0x0], $0xffff  }
0x317: {  	[tilespmem:v63+s18+$0x0] =	vst.idx.msk $0xffff, v48;
	v63 =	vmov v8;
	v8 =	vld [tilespmem:$0x1FC60]  }
0x318: {  	p0 =	sne.s32 s30, $0x3E00;
	v25 =	vor.u32 s20, v25;
	v4 =	vor.u32 v16, v13;
	v2 =	vld [tilespmem:$0x1FD50]  }
.Ltmp0:
0x319: {  	_ = 	snop;
	(pc) =	sbr.rel @p0 .LBB2_3-.Ltmp0, $3  }
0x31a: {  	_ =	sdelay $0x1  }
0x31b: {  	v56 =	vor.u32 v31, v15;
	v58 =	vor.u32 v42, v0;
	v59 =	vor.u32 v34, v7  }
0x31c: {  	s28 =	smov.u32 s30;
	s30 =	sadd.s32 $0x200, s30;
	v50 =	vor.u32 s24, v14;
	v55 =	vld.idx.msk [tilespmem:v4+s2+$0x0], $0xffff;
	[tilespmem:v25+s19+$0x0] =	vst.idx.msk $0xffff, v47;
	v57 =	vor.u32 v8, v3;
	v48 =	vor.u32 s22, v2  }
0x31d: {  	_ =	sdelay $0x3  }
0x31e: {  	v20 =	vld [tilespmem:$0x1FF00];
	[tilespmem:v50+s19+$0x0] =	vst.idx.msk $0xffff, v53  }
0x31f: {  	[tilespmem:v29+s18+$0x0] =	vst.idx.msk $0xffff, v52  }
0x320: {  	[tilespmem:v48+s19+$0x0] =	vst.idx.msk $0xffff, v54  }
0x321: {  	v26 =	vmov v28;
	v29 =	vor.u32 v28, v1;
	v28 =	vld [tilespmem:$0x1FF10];
	_ =	sdelay $0x1  }
0x322: {  	v4 =	vor.u32 s23, v20  }
0x323: {  	v58 =	vld.idx.msk [tilespmem:v58+s11+$0x0], $0xffff  }
0x324: {  	v56 =	vld.idx.msk [tilespmem:v56+s11+$0x0], $0xffff  }
0x325: {  	v52 =	vld.idx.msk [tilespmem:v57+s2+$0x0], $0xffff;
	v57 =	vor.u32 s21, v28  }
0x326: {  	[tilespmem:v44+s18+$0x0] =	vst.idx.msk $0xffff, v51  }
0x327: {  	[tilespmem:v4+s19+$0x0] =	vst.idx.msk $0xffff, v55  }
0x328: {  	v42 =	vmov v35;
	v2 =	vor.u32 v35, v19;
	v35 =	vld [tilespmem:$0x1FCB0];
	[tilespmem:v25+s18+$0x0] =	vst.idx.msk $0xffff, v58  }
0x329: {  	v23 =	vmul.f32 $2.880000000e+02, v23;
	[tilespmem:v50+s18+$0x0] =	vst.idx.msk $0xffff, v56  }
0x32a: {  	v60 =	vld [tilespmem:s29+$0x0];
	v61 =	vor.u32 v16, v11;
	[tilespmem:v57+s19+$0x0] =	vst.idx.msk $0xffff, v52  }
0x32b: {  	v47 =	vmov v18;
	v54 =	vor.u32 v18, v17;
	v23 =	vtrunc.f32 v23;
	v18 =	vld [tilespmem:$0x1FD10]  }
0x32c: {  	v62 =	vor.u32 v8, v5;
	v23 =	vcvt.f32.s32 v23;
	_ =	sdelay $0x1  }
0x32d: {  	v10 =	vshll.u32 v23, $0x5  }
0x32e: {  	v25 =	vld.idx.msk [tilespmem:v61+s11+$0x0], $0xffff;
	v50 =	vor.u32 v6, v10;
	v61 =	vmul.f32 $7.000000000e+00, v60  }
0x32f: {  	v29 =	vld.idx.msk [tilespmem:v29+s2+$0x0], $0xffff;
	v23 =	vor.u32 s20, v18  }
0x330: {  	v51 =	vld.idx.msk [tilespmem:v62+s11+$0x0], $0xffff;
	v62 =	vtrunc.f32 v61  }
0x331: {  	v52 =	vld.idx.msk [tilespmem:v54+s2+$0x0], $0xffff;
	v54 =	vcvt.f32.s32 v62;
	_ =	sdelay $0x1  }
0x332: {  	v34 =	vmov v16;
	v62 =	vor.u32 s28, v63;
	[tilespmem:v4+s18+$0x0] =	vst.idx.msk $0xffff, v25;
	v4 =	vld.idx.msk [tilespmem:v50+s2+$0x0], $0xffff;
	v16 =	vshll.u32 v54, $0x5  }
0x333: {  	[tilespmem:v23+s19+$0x0] =	vst.idx.msk $0xffff, v29;
	v29 =	vor.u32 v6, v16;
	_ =	sdelay $0x3  }
0x334: {  	[tilespmem:v62+s19+$0x0] =	vst.idx.msk $0xffff, v4  }
0x335: {  	v4 =	vld.idx.msk [tilespmem:v29+s11+$0x0], $0xffff  }
0x336: {  	v29 =	vor.u32 v38, v10;
	_ =	sdelay $0x3  }
0x337: {  	[tilespmem:v62+s18+$0x0] =	vst.idx.msk $0xffff, v4  }
0x338: {  	v4 =	vld.idx.msk [tilespmem:v29+s2+$0x0], $0xffff;
	v29 =	vor.u32 s28, v36  }
0x339: {  	v50 =	vor.u32 v38, v16;
	_ =	sdelay $0x1  }
0x33a: {  	v44 =	vld.idx.msk [tilespmem:v59+s11+$0x0], $0xffff;
	_ =	sdelay $0x1  }
0x33b: {  	[tilespmem:v29+s19+$0x0] =	vst.idx.msk $0xffff, v4  }
0x33c: {  	v4 =	vld.idx.msk [tilespmem:v50+s11+$0x0], $0xffff  }
0x33d: {  	[tilespmem:v57+s18+$0x0] =	vst.idx.msk $0xffff, v51;
	v51 =	vor.u32 v45, v10  }
0x33e: {  	[tilespmem:v48+s18+$0x0] =	vst.idx.msk $0xffff, v44;
	v48 =	vor.u32 s24, v22;
	_ =	sdelay $0x2  }
0x33f: {  	[tilespmem:v29+s18+$0x0] =	vst.idx.msk $0xffff, v4  }
0x340: {  	v29 =	vor.u32 s28, v33;
	v4 =	vld.idx.msk [tilespmem:v51+s2+$0x0], $0xffff  }
0x341: {  	v2 =	vld.idx.msk [tilespmem:v2+s2+$0x0], $0xffff;
	v55 =	vor.u32 s25, v30;
	[tilespmem:v48+s19+$0x0] =	vst.idx.msk $0xffff, v52;
	v52 =	vor.u32 v45, v16  }
0x342: {  	v53 =	vor.u32 v42, v21;
	_ =	sdelay $0x2  }
0x343: {  	[tilespmem:v29+s19+$0x0] =	vst.idx.msk $0xffff, v4  }
0x344: {  	[tilespmem:v55+s19+$0x0] =	vst.idx.msk $0xffff, v2;
	v4 =	vld.idx.msk [tilespmem:v52+s11+$0x0], $0xffff  }
0x345: {  	[tilespmem:v27+s18+$0x0] =	vst.idx.msk $0xffff, v49;
	v27 =	vld.idx.msk [tilespmem:v53+s11+$0x0], $0xffff;
	v53 =	vor.u32 v41, v10;
	_ =	sdelay $0x3  }
0x346: {  	[tilespmem:v29+s18+$0x0] =	vst.idx.msk $0xffff, v4  }
0x347: {  	v29 =	vor.u32 s28, v39;
	v4 =	vld.idx.msk [tilespmem:v53+s2+$0x0], $0xffff  }
0x348: {  	v54 =	vor.u32 v41, v16  }
0x349: {  	v59 =	vor.u32 v35, v9;
	_ =	sdelay $0x2  }
0x34a: {  	[tilespmem:v29+s19+$0x0] =	vst.idx.msk $0xffff, v4  }
0x34b: {  	v4 =	vld.idx.msk [tilespmem:v54+s11+$0x0], $0xffff  }
0x34c: {  	v56 =	vld.idx.msk [tilespmem:v59+s2+$0x0], $0xffff;
	v59 =	vor.u32 v42, v10;
	_ =	sdelay $0x3  }
0x34d: {  	v46 =	vmov v30;
	[tilespmem:v29+s18+$0x0] =	vst.idx.msk $0xffff, v4  }
0x34e: {  	v29 =	vor.u32 s28, v46;
	v4 =	vld.idx.msk [tilespmem:v59+s2+$0x0], $0xffff;
	_ =	sdelay $0x1  }
0x34f: {  	v60 =	vor.u32 v47, v15;
	_ =	sdelay $0x1  }
0x350: {  	v58 =	vor.u32 v37, v13  }
0x351: {  	v44 =	vor.u32 v26, v0;
	[tilespmem:v29+s19+$0x0] =	vst.idx.msk $0xffff, v4  }
0x352: {  	v6 =	vld [tilespmem:$0x1FEE0]  }
0x353: {  	v2 =	vld.idx.msk [tilespmem:v60+s11+$0x0], $0xffff;
	v60 =	vor.u32 v42, v16;
	_ =	sdelay $0x1  }
0x354: {  	v25 =	vld.idx.msk [tilespmem:v58+s2+$0x0], $0xffff  }
0x355: {  	v61 =	vor.u32 v24, v3;
	v58 =	vld.idx.msk [tilespmem:v44+s11+$0x0], $0xffff;
	[tilespmem:v55+s18+$0x0] =	vst.idx.msk $0xffff, v27  }
0x356: {  	v62 =	vld [tilespmem:$0x1FEC0];
	v4 =	vor.u32 v6, v19  }
0x357: {  	v44 =	vld.idx.msk [tilespmem:v60+s11+$0x0], $0xffff;
	_ =	sdelay $0x2  }
0x358: {  	v57 =	vld.idx.msk [tilespmem:v61+s2+$0x0], $0xffff  }
0x359: {  	v61 =	vor.u32 v6, v10;
	v27 =	vor.u32 s25, v62;
	v4 =	vld.idx.msk [tilespmem:v4+s2+$0x0], $0xffff  }
0x35a: {  	[tilespmem:v29+s18+$0x0] =	vst.idx.msk $0xffff, v44;
	v29 =	vor.u32 v6, v21;
	_ =	sdelay $0x3  }
0x35b: {  	v36 =	vor.u32 s28, v62;
	v44 =	vld.idx.msk [tilespmem:v61+s2+$0x0], $0xffff;
	[tilespmem:v27+s19+$0x0] =	vst.idx.msk $0xffff, v4  }
0x35c: {  	v30 =	vmov v22;
	v22 =	vmov v38;
	v38 =	vor.u32 v6, v16;
	v4 =	vld.idx.msk [tilespmem:v29+s11+$0x0], $0xffff  }
0x35d: {  	v29 =	vor.u32 v32, v19;
	_ =	sdelay $0x2  }
0x35e: {  	[tilespmem:v36+s19+$0x0] =	vst.idx.msk $0xffff, v44  }
0x35f: {  	v44 =	vld.idx.msk [tilespmem:v38+s11+$0x0], $0xffff;
	[tilespmem:v27+s18+$0x0] =	vst.idx.msk $0xffff, v4  }
0x360: {  	v39 =	vor.u32 v32, v10;
	v27 =	vor.u32 s25, v43;
	v4 =	vld.idx.msk [tilespmem:v29+s2+$0x0], $0xffff  }
0x361: {  	v29 =	vor.u32 v32, v21;
	_ =	sdelay $0x2  }
0x362: {  	[tilespmem:v36+s18+$0x0] =	vst.idx.msk $0xffff, v44  }
0x363: {  	v33 =	vmov v41;
	v41 =	vor.u32 s28, v43;
	v44 =	vld.idx.msk [tilespmem:v39+s2+$0x0], $0xffff;
	[tilespmem:v27+s19+$0x0] =	vst.idx.msk $0xffff, v4  }
0x364: {  	v46 =	vor.u32 v32, v16;
	v4 =	vld.idx.msk [tilespmem:v29+s11+$0x0], $0xffff  }
0x365: {  	v29 =	vor.u32 v12, v19;
	_ =	sdelay $0x2  }
0x366: {  	[tilespmem:v41+s19+$0x0] =	vst.idx.msk $0xffff, v44  }
0x367: {  	v44 =	vld.idx.msk [tilespmem:v46+s11+$0x0], $0xffff;
	[tilespmem:v27+s18+$0x0] =	vst.idx.msk $0xffff, v4  }
0x368: {  	v52 =	vor.u32 v12, v10;
	v27 =	vor.u32 s25, v40;
	v4 =	vld.idx.msk [tilespmem:v29+s2+$0x0], $0xffff  }
0x369: {  	v29 =	vor.u32 v12, v21;
	_ =	sdelay $0x2  }
0x36a: {  	[tilespmem:v41+s18+$0x0] =	vst.idx.msk $0xffff, v44  }
0x36b: {  	v53 =	vor.u32 s28, v40;
	v44 =	vld.idx.msk [tilespmem:v52+s2+$0x0], $0xffff;
	[tilespmem:v27+s19+$0x0] =	vst.idx.msk $0xffff, v4  }
0x36c: {  	v54 =	vor.u32 v12, v16;
	v4 =	vld.idx.msk [tilespmem:v29+s11+$0x0], $0xffff  }
0x36d: {  	v29 =	vor.u32 v31, v19;
	_ =	sdelay $0x2  }
0x36e: {  	[tilespmem:v53+s19+$0x0] =	vst.idx.msk $0xffff, v44  }
0x36f: {  	v44 =	vld.idx.msk [tilespmem:v54+s11+$0x0], $0xffff;
	[tilespmem:v27+s18+$0x0] =	vst.idx.msk $0xffff, v4  }
0x370: {  	v55 =	vor.u32 v31, v10;
	v27 =	vor.u32 s25, v14;
	v4 =	vld.idx.msk [tilespmem:v29+s2+$0x0], $0xffff  }
0x371: {  	v29 =	vor.u32 v31, v21;
	_ =	sdelay $0x2  }
0x372: {  	[tilespmem:v53+s18+$0x0] =	vst.idx.msk $0xffff, v44  }
0x373: {  	v59 =	vor.u32 s28, v14;
	v44 =	vld.idx.msk [tilespmem:v55+s2+$0x0], $0xffff;
	[tilespmem:v27+s19+$0x0] =	vst.idx.msk $0xffff, v4  }
0x374: {  	v60 =	vor.u32 v31, v16;
	v4 =	vld.idx.msk [tilespmem:v29+s11+$0x0], $0xffff  }
0x375: {  	v29 =	vor.u32 v47, v19;
	_ =	sdelay $0x2  }
0x376: {  	[tilespmem:v59+s19+$0x0] =	vst.idx.msk $0xffff, v44  }
0x377: {  	v44 =	vld.idx.msk [tilespmem:v60+s11+$0x0], $0xffff;
	[tilespmem:v27+s18+$0x0] =	vst.idx.msk $0xffff, v4  }
0x378: {  	v27 =	vor.u32 s25, v30;
	v4 =	vld.idx.msk [tilespmem:v29+s2+$0x0], $0xffff;
	_ =	sdelay $0x3  }
0x379: {  	v61 =	vor.u32 v47, v10;
	[tilespmem:v59+s18+$0x0] =	vst.idx.msk $0xffff, v44  }
0x37a: {  	[tilespmem:v27+s19+$0x0] =	vst.idx.msk $0xffff, v4  }
0x37b: {  	v38 =	vld [tilespmem:$0x1FE90];
	_ =	sdelay $0x2  }
0x37c: {  	v62 =	vor.u32 s28, v30;
	v29 =	vor.u32 v47, v21;
	v44 =	vld.idx.msk [tilespmem:v61+s2+$0x0], $0xffff  }
0x37d: {  	v32 =	vor.u32 v47, v16  }
0x37e: {  	v4 =	vor.u32 v38, v17;
	_ =	sdelay $0x2  }
0x37f: {  	v29 =	vld.idx.msk [tilespmem:v29+s11+$0x0], $0xffff;
	[tilespmem:v62+s19+$0x0] =	vst.idx.msk $0xffff, v44  }
0x380: {  	[tilespmem:v48+s18+$0x0] =	vst.idx.msk $0xffff, v2;
	v50 =	vld.idx.msk [tilespmem:v32+s11+$0x0], $0xffff  }
0x381: {  	v2 =	vld.idx.msk [tilespmem:v4+s2+$0x0], $0xffff  }
0x382: {  	v6 =	vld [tilespmem:$0x1FE80]  }
0x383: {  	v40 =	vor.u32 v38, v19;
	_ =	sdelay $0x3  }
0x384: {  	v41 =	vor.u32 v38, v10;
	[tilespmem:v27+s18+$0x0] =	vst.idx.msk $0xffff, v29;
	v4 =	vor.u32 s24, v6  }
0x385: {  	v27 =	vor.u32 v38, v15;
	v29 =	vld.idx.msk [tilespmem:v40+s2+$0x0], $0xffff;
	v54 =	vor.u32 s25, v6;
	_ =	sdelay $0x2  }
0x386: {  	[tilespmem:v62+s18+$0x0] =	vst.idx.msk $0xffff, v50  }
0x387: {  	v49 =	vld.idx.msk [tilespmem:v41+s2+$0x0], $0xffff;
	v59 =	vor.u32 s28, v6;
	[tilespmem:v4+s19+$0x0] =	vst.idx.msk $0xffff, v2  }
0x388: {  	v55 =	vor.u32 v38, v21;
	[tilespmem:v54+s19+$0x0] =	vst.idx.msk $0xffff, v29;
	v2 =	vld.idx.msk [tilespmem:v27+s11+$0x0], $0xffff  }
0x389: {  	v14 =	vld [tilespmem:$0x1FEB0];
	_ =	sdelay $0x2  }
0x38a: {  	[tilespmem:v59+s19+$0x0] =	vst.idx.msk $0xffff, v49  }
0x38b: {  	v60 =	vor.u32 v38, v16;
	v29 =	vld.idx.msk [tilespmem:v55+s11+$0x0], $0xffff;
	[tilespmem:v4+s18+$0x0] =	vst.idx.msk $0xffff, v2  }
0x38c: {  	v27 =	vor.u32 v14, v17;
	v6 =	vld [tilespmem:$0x1FEA0]  }
0x38d: {  	v61 =	vor.u32 v14, v19;
	_ =	sdelay $0x2  }
0x38e: {  	v49 =	vld.idx.msk [tilespmem:v60+s11+$0x0], $0xffff  }
0x38f: {  	v62 =	vor.u32 v14, v10;
	[tilespmem:v54+s18+$0x0] =	vst.idx.msk $0xffff, v29;
	v2 =	vld.idx.msk [tilespmem:v27+s2+$0x0], $0xffff;
	v4 =	vor.u32 s24, v6  }
0x390: {  	v27 =	vor.u32 v14, v15;
	v29 =	vld.idx.msk [tilespmem:v61+s2+$0x0], $0xffff;
	v32 =	vor.u32 s25, v6;
	_ =	sdelay $0x2  }
0x391: {  	[tilespmem:v59+s18+$0x0] =	vst.idx.msk $0xffff, v49  }
0x392: {  	v49 =	vld.idx.msk [tilespmem:v62+s2+$0x0], $0xffff;
	v39 =	vor.u32 s28, v6;
	[tilespmem:v4+s19+$0x0] =	vst.idx.msk $0xffff, v2  }
0x393: {  	v36 =	vor.u32 v14, v21;
	[tilespmem:v32+s19+$0x0] =	vst.idx.msk $0xffff, v29;
	v2 =	vld.idx.msk [tilespmem:v27+s11+$0x0], $0xffff  }
0x394: {  	v42 =	vld [tilespmem:$0x1FEF0]  }
0x395: {  	v47 =	vor.u32 v14, v16;
	_ =	sdelay $0x1  }
0x396: {  	[tilespmem:v39+s19+$0x0] =	vst.idx.msk $0xffff, v49  }
0x397: {  	v29 =	vld.idx.msk [tilespmem:v36+s11+$0x0], $0xffff;
	[tilespmem:v4+s18+$0x0] =	vst.idx.msk $0xffff, v2  }
0x398: {  	v27 =	vor.u32 v42, v17;
	v6 =	vld [tilespmem:$0x1FED0]  }
0x399: {  	v49 =	vld.idx.msk [tilespmem:v47+s11+$0x0], $0xffff;
	v54 =	vor.u32 v42, v19  }
0x39a: {  	v55 =	vor.u32 v42, v10;
	_ =	sdelay $0x2  }
0x39b: {  	[tilespmem:v32+s18+$0x0] =	vst.idx.msk $0xffff, v29;
	v2 =	vld.idx.msk [tilespmem:v27+s2+$0x0], $0xffff;
	v4 =	vor.u32 s24, v6  }
0x39c: {  	[tilespmem:v39+s18+$0x0] =	vst.idx.msk $0xffff, v49;
	v27 =	vor.u32 v42, v15;
	v29 =	vld.idx.msk [tilespmem:v54+s2+$0x0], $0xffff;
	v59 =	vor.u32 s25, v6  }
0x39d: {  	v60 =	vor.u32 v42, v21;
	v49 =	vld.idx.msk [tilespmem:v55+s2+$0x0], $0xffff;
	v61 =	vor.u32 s28, v6  }
0x39e: {  	v62 =	vor.u32 v42, v16;
	_ =	sdelay $0x1  }
0x39f: {  	[tilespmem:v4+s19+$0x0] =	vst.idx.msk $0xffff, v2  }
0x3a0: {  	[tilespmem:v59+s19+$0x0] =	vst.idx.msk $0xffff, v29;
	v2 =	vld.idx.msk [tilespmem:v27+s11+$0x0], $0xffff  }
0x3a1: {  	[tilespmem:v61+s19+$0x0] =	vst.idx.msk $0xffff, v49;
	v27 =	vor.u32 v34, v17;
	v29 =	vld.idx.msk [tilespmem:v60+s11+$0x0], $0xffff  }
0x3a2: {  	v32 =	vor.u32 v34, v19;
	v49 =	vld.idx.msk [tilespmem:v62+s11+$0x0], $0xffff  }
0x3a3: {  	v36 =	vor.u32 v34, v10;
	_ =	sdelay $0x1  }
0x3a4: {  	[tilespmem:v4+s18+$0x0] =	vst.idx.msk $0xffff, v2  }
0x3a5: {  	v4 =	vor.u32 s24, v20;
	[tilespmem:v59+s18+$0x0] =	vst.idx.msk $0xffff, v29;
	v2 =	vld.idx.msk [tilespmem:v27+s2+$0x0], $0xffff  }
0x3a6: {  	v39 =	vor.u32 s25, v20;
	[tilespmem:v61+s18+$0x0] =	vst.idx.msk $0xffff, v49;
	v29 =	vld.idx.msk [tilespmem:v32+s2+$0x0], $0xffff  }
0x3a7: {  	v41 =	vor.u32 s28, v20;
	v49 =	vld.idx.msk [tilespmem:v36+s2+$0x0], $0xffff;
	_ =	sdelay $0x2  }
0x3a8: {  	v27 =	vor.u32 v34, v15;
	[tilespmem:v4+s19+$0x0] =	vst.idx.msk $0xffff, v2  }
0x3a9: {  	v40 =	vor.u32 v34, v21;
	[tilespmem:v39+s19+$0x0] =	vst.idx.msk $0xffff, v29  }
0x3aa: {  	v59 =	vor.u32 v34, v16;
	[tilespmem:v41+s19+$0x0] =	vst.idx.msk $0xffff, v49  }
0x3ab: {  	v6 =	vld [tilespmem:$0x1FE10];
	_ =	sdelay $0x1  }
0x3ac: {  	v2 =	vld.idx.msk [tilespmem:v27+s11+$0x0], $0xffff  }
0x3ad: {  	v27 =	vor.u32 v37, v17;
	v29 =	vld.idx.msk [tilespmem:v40+s11+$0x0], $0xffff  }
0x3ae: {  	v60 =	vor.u32 v37, v19;
	v49 =	vld.idx.msk [tilespmem:v59+s11+$0x0], $0xffff  }
0x3af: {  	v61 =	vor.u32 v37, v10;
	v62 =	vor.u32 s23, v6  }
0x3b0: {  	v36 =	vor.u32 v37, v11  }
0x3b1: {  	[tilespmem:v4+s18+$0x0] =	vst.idx.msk $0xffff, v2  }
0x3b2: {  	v4 =	vor.u32 s24, v6;
	[tilespmem:v39+s18+$0x0] =	vst.idx.msk $0xffff, v29;
	v2 =	vld.idx.msk [tilespmem:v27+s2+$0x0], $0xffff  }
0x3b3: {  	v39 =	vor.u32 s25, v6;
	[tilespmem:v41+s18+$0x0] =	vst.idx.msk $0xffff, v49;
	v29 =	vld.idx.msk [tilespmem:v60+s2+$0x0], $0xffff  }
0x3b4: {  	v41 =	vor.u32 s28, v6;
	v49 =	vld.idx.msk [tilespmem:v61+s2+$0x0], $0xffff;
	[tilespmem:v62+s19+$0x0] =	vst.idx.msk $0xffff, v25  }
0x3b5: {  	v45 =	vld.idx.msk [tilespmem:v36+s11+$0x0], $0xffff  }
0x3b6: {  	v34 =	vld [tilespmem:$0x1FE30]  }
0x3b7: {  	[tilespmem:v4+s19+$0x0] =	vst.idx.msk $0xffff, v2  }
0x3b8: {  	v27 =	vor.u32 v37, v15;
	[tilespmem:v39+s19+$0x0] =	vst.idx.msk $0xffff, v29  }
0x3b9: {  	v40 =	vor.u32 v37, v21;
	[tilespmem:v41+s19+$0x0] =	vst.idx.msk $0xffff, v49  }
0x3ba: {  	v25 =	vor.u32 v37, v16;
	[tilespmem:v62+s18+$0x0] =	vst.idx.msk $0xffff, v45  }
0x3bb: {  	v46 =	vor.u32 v34, v13;
	v20 =	vld [tilespmem:$0x1FE20];
	_ =	sdelay $0x1  }
0x3bc: {  	v2 =	vld.idx.msk [tilespmem:v27+s11+$0x0], $0xffff  }
0x3bd: {  	v29 =	vld.idx.msk [tilespmem:v40+s11+$0x0], $0xffff;
	v27 =	vor.u32 v34, v17  }
0x3be: {  	v25 =	vld.idx.msk [tilespmem:v25+s11+$0x0], $0xffff;
	v47 =	vor.u32 v34, v19  }
0x3bf: {  	v59 =	vor.u32 v34, v10;
	v51 =	vld.idx.msk [tilespmem:v46+s2+$0x0], $0xffff;
	v60 =	vor.u32 s23, v20  }
0x3c0: {  	v61 =	vor.u32 v34, v11  }
0x3c1: {  	[tilespmem:v4+s18+$0x0] =	vst.idx.msk $0xffff, v2  }
0x3c2: {  	[tilespmem:v39+s18+$0x0] =	vst.idx.msk $0xffff, v29;
	v2 =	vld.idx.msk [tilespmem:v27+s2+$0x0], $0xffff;
	v4 =	vor.u32 s24, v20  }
0x3c3: {  	[tilespmem:v41+s18+$0x0] =	vst.idx.msk $0xffff, v25;
	v29 =	vld.idx.msk [tilespmem:v47+s2+$0x0], $0xffff;
	v62 =	vor.u32 s25, v20  }
0x3c4: {  	v32 =	vld.idx.msk [tilespmem:v59+s2+$0x0], $0xffff;
	v36 =	vor.u32 s28, v20;
	[tilespmem:v60+s19+$0x0] =	vst.idx.msk $0xffff, v51  }
0x3c5: {  	v51 =	vld.idx.msk [tilespmem:v61+s11+$0x0], $0xffff  }
0x3c6: {  	v6 =	vld [tilespmem:$0x1FE50]  }
0x3c7: {  	[tilespmem:v4+s19+$0x0] =	vst.idx.msk $0xffff, v2  }
0x3c8: {  	v27 =	vor.u32 v34, v15;
	[tilespmem:v62+s19+$0x0] =	vst.idx.msk $0xffff, v29  }
0x3c9: {  	v25 =	vor.u32 v34, v21;
	[tilespmem:v36+s19+$0x0] =	vst.idx.msk $0xffff, v32  }
0x3ca: {  	v39 =	vor.u32 v34, v16;
	[tilespmem:v60+s18+$0x0] =	vst.idx.msk $0xffff, v51  }
0x3cb: {  	v40 =	vor.u32 v6, v13;
	v12 =	vld [tilespmem:$0x1FE40];
	_ =	sdelay $0x1  }
0x3cc: {  	v2 =	vld.idx.msk [tilespmem:v27+s11+$0x0], $0xffff  }
0x3cd: {  	v25 =	vld.idx.msk [tilespmem:v25+s11+$0x0], $0xffff;
	v27 =	vor.u32 v6, v17  }
0x3ce: {  	v48 =	vld.idx.msk [tilespmem:v39+s11+$0x0], $0xffff;
	v29 =	vor.u32 v6, v19  }
0x3cf: {  	v41 =	vor.u32 v6, v10;
	v51 =	vld.idx.msk [tilespmem:v40+s2+$0x0], $0xffff;
	v59 =	vor.u32 s23, v12  }
0x3d0: {  	v60 =	vor.u32 v6, v11  }
0x3d1: {  	[tilespmem:v4+s18+$0x0] =	vst.idx.msk $0xffff, v2  }
0x3d2: {  	[tilespmem:v62+s18+$0x0] =	vst.idx.msk $0xffff, v25;
	v2 =	vld.idx.msk [tilespmem:v27+s2+$0x0], $0xffff;
	v4 =	vor.u32 s24, v12  }
0x3d3: {  	[tilespmem:v36+s18+$0x0] =	vst.idx.msk $0xffff, v48;
	v27 =	vld.idx.msk [tilespmem:v29+s2+$0x0], $0xffff;
	v29 =	vor.u32 s25, v12  }
0x3d4: {  	v48 =	vld.idx.msk [tilespmem:v41+s2+$0x0], $0xffff;
	v62 =	vor.u32 s28, v12;
	[tilespmem:v59+s19+$0x0] =	vst.idx.msk $0xffff, v51  }
0x3d5: {  	v51 =	vld.idx.msk [tilespmem:v60+s11+$0x0], $0xffff  }
0x3d6: {  	v39 =	vld [tilespmem:$0x1FE70]  }
0x3d7: {  	[tilespmem:v4+s19+$0x0] =	vst.idx.msk $0xffff, v2  }
0x3d8: {  	v25 =	vor.u32 v6, v15;
	[tilespmem:v29+s19+$0x0] =	vst.idx.msk $0xffff, v27  }
0x3d9: {  	v61 =	vor.u32 v6, v21;
	[tilespmem:v62+s19+$0x0] =	vst.idx.msk $0xffff, v48  }
0x3da: {  	v32 =	vor.u32 v6, v16;
	[tilespmem:v59+s18+$0x0] =	vst.idx.msk $0xffff, v51  }
0x3db: {  	v40 =	vor.u32 v39, v13;
	v6 =	vld [tilespmem:$0x1FE60];
	_ =	sdelay $0x1  }
0x3dc: {  	v2 =	vld.idx.msk [tilespmem:v25+s11+$0x0], $0xffff  }
0x3dd: {  	v27 =	vld.idx.msk [tilespmem:v61+s11+$0x0], $0xffff;
	v25 =	vor.u32 v39, v17  }
0x3de: {  	v48 =	vld.idx.msk [tilespmem:v32+s11+$0x0], $0xffff;
	v41 =	vor.u32 v39, v19  }
0x3df: {  	v59 =	vor.u32 v39, v10;
	v51 =	vld.idx.msk [tilespmem:v40+s2+$0x0], $0xffff;
	v60 =	vor.u32 s23, v6  }
0x3e0: {  	v61 =	vor.u32 v39, v11  }
0x3e1: {  	[tilespmem:v4+s18+$0x0] =	vst.idx.msk $0xffff, v2  }
0x3e2: {  	[tilespmem:v29+s18+$0x0] =	vst.idx.msk $0xffff, v27;
	v2 =	vld.idx.msk [tilespmem:v25+s2+$0x0], $0xffff;
	v4 =	vor.u32 s24, v6  }
0x3e3: {  	[tilespmem:v62+s18+$0x0] =	vst.idx.msk $0xffff, v48;
	v25 =	vor.u32 v39, v15;
	v27 =	vld.idx.msk [tilespmem:v41+s2+$0x0], $0xffff;
	v29 =	vor.u32 s25, v6  }
0x3e4: {  	v62 =	vor.u32 v39, v21;
	v48 =	vld.idx.msk [tilespmem:v59+s2+$0x0], $0xffff;
	v32 =	vor.u32 s28, v6;
	[tilespmem:v60+s19+$0x0] =	vst.idx.msk $0xffff, v51  }
0x3e5: {  	v36 =	vor.u32 v39, v16;
	v51 =	vld.idx.msk [tilespmem:v61+s11+$0x0], $0xffff  }
0x3e6: {  	v40 =	vor.u32 v8, v13  }
0x3e7: {  	[tilespmem:v4+s19+$0x0] =	vst.idx.msk $0xffff, v2  }
0x3e8: {  	[tilespmem:v29+s19+$0x0] =	vst.idx.msk $0xffff, v27;
	v2 =	vld.idx.msk [tilespmem:v25+s11+$0x0], $0xffff  }
0x3e9: {  	[tilespmem:v32+s19+$0x0] =	vst.idx.msk $0xffff, v48;
	v27 =	vld.idx.msk [tilespmem:v62+s11+$0x0], $0xffff  }
0x3ea: {  	v48 =	vld.idx.msk [tilespmem:v36+s11+$0x0], $0xffff;
	[tilespmem:v60+s18+$0x0] =	vst.idx.msk $0xffff, v51  }
0x3eb: {  	v52 =	vor.u32 s23, v28;
	v25 =	vor.u32 v8, v17;
	v51 =	vld.idx.msk [tilespmem:v40+s2+$0x0], $0xffff;
	_ =	sdelay $0x1  }
0x3ec: {  	[tilespmem:v4+s18+$0x0] =	vst.idx.msk $0xffff, v2  }
0x3ed: {  	v41 =	vor.u32 v8, v19;
	[tilespmem:v29+s18+$0x0] =	vst.idx.msk $0xffff, v27  }
0x3ee: {  	v59 =	vor.u32 v8, v10;
	[tilespmem:v32+s18+$0x0] =	vst.idx.msk $0xffff, v48  }
0x3ef: {  	v60 =	vor.u32 v8, v11;
	v2 =	vld.idx.msk [tilespmem:v25+s2+$0x0], $0xffff;
	[tilespmem:v52+s19+$0x0] =	vst.idx.msk $0xffff, v51  }
0x3f0: {  	v4 =	vor.u32 s24, v28;
	v12 =	vld [tilespmem:$0x1FCF0]  }
0x3f1: {  	v25 =	vor.u32 v8, v15  }
0x3f2: {  	v29 =	vor.u32 s25, v28;
	v27 =	vld.idx.msk [tilespmem:v41+s2+$0x0], $0xffff  }
0x3f3: {  	v61 =	vor.u32 v8, v21;
	v62 =	vor.u32 s28, v28;
	v48 =	vld.idx.msk [tilespmem:v59+s2+$0x0], $0xffff  }
0x3f4: {  	v32 =	vor.u32 v8, v16;
	v51 =	vld.idx.msk [tilespmem:v60+s11+$0x0], $0xffff  }
0x3f5: {  	v40 =	vor.u32 v24, v13;
	[tilespmem:v4+s19+$0x0] =	vst.idx.msk $0xffff, v2;
	v36 =	vor.u32 s21, v12  }
0x3f6: {  	v41 =	vor.u32 v24, v5;
	v25 =	vld.idx.msk [tilespmem:v25+s11+$0x0], $0xffff  }
0x3f7: {  	[tilespmem:v29+s19+$0x0] =	vst.idx.msk $0xffff, v27  }
0x3f8: {  	[tilespmem:v62+s19+$0x0] =	vst.idx.msk $0xffff, v48;
	v44 =	vld.idx.msk [tilespmem:v61+s11+$0x0], $0xffff  }
0x3f9: {  	v50 =	vld.idx.msk [tilespmem:v32+s11+$0x0], $0xffff;
	[tilespmem:v52+s18+$0x0] =	vst.idx.msk $0xffff, v51  }
0x3fa: {  	v27 =	vor.u32 v24, v17;
	v54 =	vor.u32 s23, v12;
	v52 =	vld.idx.msk [tilespmem:v40+s2+$0x0], $0xffff;
	[tilespmem:v36+s19+$0x0] =	vst.idx.msk $0xffff, v57  }
0x3fb: {  	v59 =	vor.u32 v24, v19;
	[tilespmem:v4+s18+$0x0] =	vst.idx.msk $0xffff, v25;
	v2 =	vld.idx.msk [tilespmem:v41+s11+$0x0], $0xffff  }
0x3fc: {  	v6 =	vld [tilespmem:$0x1FC70]  }
0x3fd: {  	v60 =	vor.u32 v24, v10;
	[tilespmem:v29+s18+$0x0] =	vst.idx.msk $0xffff, v44  }
0x3fe: {  	[tilespmem:v62+s18+$0x0] =	vst.idx.msk $0xffff, v50  }
0x3ff: {  	v61 =	vor.u32 v24, v11;
	v25 =	vld.idx.msk [tilespmem:v27+s2+$0x0], $0xffff;
	v27 =	vor.u32 s24, v12;
	[tilespmem:v54+s19+$0x0] =	vst.idx.msk $0xffff, v52  }
0x400: {  	v29 =	vor.u32 v24, v15;
	v44 =	vld.idx.msk [tilespmem:v59+s2+$0x0], $0xffff;
	[tilespmem:v36+s18+$0x0] =	vst.idx.msk $0xffff, v2  }
0x401: {  	v48 =	vor.u32 s25, v12;
	v4 =	vor.u32 v6, v3;
	v57 =	vld [tilespmem:$0x1FDC0]  }
0x402: {  	v51 =	vor.u32 s28, v12;
	v62 =	vor.u32 v24, v21;
	v50 =	vld.idx.msk [tilespmem:v60+s2+$0x0], $0xffff  }
0x403: {  	v32 =	vor.u32 v24, v16  }
0x404: {  	v36 =	vld.idx.msk [tilespmem:v61+s11+$0x0], $0xffff;
	[tilespmem:v27+s19+$0x0] =	vst.idx.msk $0xffff, v25  }
0x405: {  	v29 =	vld.idx.msk [tilespmem:v29+s11+$0x0], $0xffff  }
0x406: {  	v60 =	vor.u32 v6, v13;
	[tilespmem:v48+s19+$0x0] =	vst.idx.msk $0xffff, v44;
	v4 =	vld.idx.msk [tilespmem:v4+s2+$0x0], $0xffff;
	v59 =	vor.u32 s21, v57  }
0x407: {  	[tilespmem:v51+s19+$0x0] =	vst.idx.msk $0xffff, v50;
	v49 =	vld.idx.msk [tilespmem:v62+s11+$0x0], $0xffff  }
0x408: {  	v25 =	vor.u32 v6, v5;
	v52 =	vld.idx.msk [tilespmem:v32+s11+$0x0], $0xffff  }
0x409: {  	v62 =	vor.u32 v6, v19;
	[tilespmem:v54+s18+$0x0] =	vst.idx.msk $0xffff, v36  }
0x40a: {  	[tilespmem:v27+s18+$0x0] =	vst.idx.msk $0xffff, v29  }
0x40b: {  	v61 =	vor.u32 v6, v17;
	[tilespmem:v59+s19+$0x0] =	vst.idx.msk $0xffff, v4;
	v4 =	vld.idx.msk [tilespmem:v60+s2+$0x0], $0xffff  }
0x40c: {  	v54 =	vor.u32 s23, v57;
	v12 =	vld [tilespmem:$0x1FC80];
	[tilespmem:v48+s18+$0x0] =	vst.idx.msk $0xffff, v49  }
0x40d: {  	v32 =	vor.u32 v6, v10;
	v25 =	vld.idx.msk [tilespmem:v25+s11+$0x0], $0xffff;
	[tilespmem:v51+s18+$0x0] =	vst.idx.msk $0xffff, v52  }
0x40e: {  	[tilespmem:v23+s18+$0x0] =	vst.idx.msk $0xffff, v58;
	v50 =	vld.idx.msk [tilespmem:v62+s2+$0x0], $0xffff  }
0x40f: {  	v62 =	vld [tilespmem:$0x1FD60]  }
0x410: {  	v36 =	vor.u32 s24, v57;
	v27 =	vor.u32 v6, v11;
	v44 =	vld.idx.msk [tilespmem:v61+s2+$0x0], $0xffff  }
0x411: {  	v40 =	vor.u32 v6, v15;
	v51 =	vor.u32 s25, v57;
	[tilespmem:v54+s19+$0x0] =	vst.idx.msk $0xffff, v4  }
0x412: {  	v23 =	vor.u32 v6, v21;
	v2 =	vld.idx.msk [tilespmem:v32+s2+$0x0], $0xffff;
	[tilespmem:v59+s18+$0x0] =	vst.idx.msk $0xffff, v25  }
0x413: {  	v52 =	vor.u32 s28, v57;
	v29 =	vor.u32 v12, v3;
	v45 =	vld [tilespmem:$0x1FDD0]  }
0x414: {  	v4 =	vor.u32 v6, v16;
	v55 =	vor.u32 s22, v62  }
0x415: {  	v25 =	vor.u32 v35, v7;
	v27 =	vld.idx.msk [tilespmem:v27+s11+$0x0], $0xffff;
	[tilespmem:v36+s19+$0x0] =	vst.idx.msk $0xffff, v44  }
0x416: {  	[tilespmem:v51+s19+$0x0] =	vst.idx.msk $0xffff, v50;
	v49 =	vld.idx.msk [tilespmem:v40+s11+$0x0], $0xffff  }
0x417: {  	v23 =	vld.idx.msk [tilespmem:v23+s11+$0x0], $0xffff  }
0x418: {  	[tilespmem:v52+s19+$0x0] =	vst.idx.msk $0xffff, v2;
	v29 =	vld.idx.msk [tilespmem:v29+s2+$0x0], $0xffff;
	v53 =	vor.u32 s21, v45  }
0x419: {  	v4 =	vld.idx.msk [tilespmem:v4+s11+$0x0], $0xffff;
	[tilespmem:v55+s19+$0x0] =	vst.idx.msk $0xffff, v56  }
0x41a: {  	v41 =	vor.u32 v12, v13;
	[tilespmem:v54+s18+$0x0] =	vst.idx.msk $0xffff, v27;
	v25 =	vld.idx.msk [tilespmem:v25+s11+$0x0], $0xffff  }
0x41b: {  	v60 =	vor.u32 v12, v5;
	v57 =	vld [tilespmem:$0x1FC90]  }
0x41c: {  	[tilespmem:v36+s18+$0x0] =	vst.idx.msk $0xffff, v49  }
0x41d: {  	v61 =	vor.u32 v12, v17;
	[tilespmem:v53+s19+$0x0] =	vst.idx.msk $0xffff, v29  }
0x41e: {  	v32 =	vor.u32 v12, v19;
	v36 =	vld [tilespmem:$0x1FE00];
	[tilespmem:v51+s18+$0x0] =	vst.idx.msk $0xffff, v23  }
0x41f: {  	v27 =	vor.u32 v12, v10;
	v29 =	vld.idx.msk [tilespmem:v41+s2+$0x0], $0xffff;
	v41 =	vor.u32 s23, v45;
	[tilespmem:v52+s18+$0x0] =	vst.idx.msk $0xffff, v4  }
0x420: {  	v40 =	vor.u32 v57, v1;
	v50 =	vld.idx.msk [tilespmem:v60+s11+$0x0], $0xffff;
	[tilespmem:v55+s18+$0x0] =	vst.idx.msk $0xffff, v25  }
0x421: {  	v58 =	vld [tilespmem:$0x1FD20]  }
0x422: {  	v46 =	vor.u32 v12, v11;
	v2 =	vld.idx.msk [tilespmem:v61+s2+$0x0], $0xffff;
	v23 =	vor.u32 s24, v45  }
0x423: {  	v60 =	vor.u32 v12, v15;
	v4 =	vor.u32 s25, v45;
	v56 =	vld.idx.msk [tilespmem:v32+s2+$0x0], $0xffff  }
0x424: {  	v25 =	vor.u32 v12, v21;
	v52 =	vor.u32 s28, v45;
	v27 =	vld.idx.msk [tilespmem:v27+s2+$0x0], $0xffff;
	[tilespmem:v41+s19+$0x0] =	vst.idx.msk $0xffff, v29  }
0x425: {  	v29 =	vor.u32 v12, v16;
	v54 =	vld.idx.msk [tilespmem:v40+s2+$0x0], $0xffff;
	[tilespmem:v53+s18+$0x0] =	vst.idx.msk $0xffff, v50  }
0x426: {  	v47 =	vor.u32 v36, v3;
	v55 =	vor.u32 s20, v58;
	v6 =	vld [tilespmem:$0x1FD00]  }
0x427: {  	v61 =	vor.u32 v57, v0;
	v48 =	vld.idx.msk [tilespmem:v46+s11+$0x0], $0xffff;
	[tilespmem:v23+s19+$0x0] =	vst.idx.msk $0xffff, v2  }
0x428: {  	[tilespmem:v4+s19+$0x0] =	vst.idx.msk $0xffff, v56;
	v51 =	vld.idx.msk [tilespmem:v60+s11+$0x0], $0xffff  }
0x429: {  	[tilespmem:v52+s19+$0x0] =	vst.idx.msk $0xffff, v27;
	v25 =	vld.idx.msk [tilespmem:v25+s11+$0x0], $0xffff  }
0x42a: {  	v29 =	vld.idx.msk [tilespmem:v29+s11+$0x0], $0xffff  }
0x42b: {  	v49 =	vld.idx.msk [tilespmem:v47+s2+$0x0], $0xffff;
	v53 =	vor.u32 s21, v6;
	[tilespmem:v55+s19+$0x0] =	vst.idx.msk $0xffff, v54  }
0x42c: {  	v2 =	vor.u32 v36, v13;
	[tilespmem:v41+s18+$0x0] =	vst.idx.msk $0xffff, v48;
	v50 =	vld.idx.msk [tilespmem:v61+s11+$0x0], $0xffff  }
0x42d: {  	v60 =	vld [tilespmem:$0x1FCC0];
	[tilespmem:v23+s18+$0x0] =	vst.idx.msk $0xffff, v51  }
0x42e: {  	v56 =	vor.u32 v36, v5;
	[tilespmem:v4+s18+$0x0] =	vst.idx.msk $0xffff, v25  }
0x42f: {  	v27 =	vor.u32 v36, v17;
	[tilespmem:v52+s18+$0x0] =	vst.idx.msk $0xffff, v29  }
0x430: {  	v32 =	vor.u32 v36, v19;
	[tilespmem:v53+s19+$0x0] =	vst.idx.msk $0xffff, v49  }
0x431: {  	v40 =	vor.u32 v36, v10;
	v2 =	vld.idx.msk [tilespmem:v2+s2+$0x0], $0xffff;
	[tilespmem:v55+s18+$0x0] =	vst.idx.msk $0xffff, v50  }
0x432: {  	v49 =	vor.u32 s23, v6;
	v41 =	vor.u32 v60, v9;
	v61 =	vld [tilespmem:$0x1FD90]  }
0x433: {  	v23 =	vor.u32 v36, v11;
	v56 =	vld.idx.msk [tilespmem:v56+s11+$0x0], $0xffff  }
0x434: {  	v59 =	vor.u32 v26, v3;
	v4 =	vor.u32 s24, v6;
	v27 =	vld.idx.msk [tilespmem:v27+s2+$0x0], $0xffff  }
0x435: {  	v25 =	vor.u32 v36, v15;
	v54 =	vld.idx.msk [tilespmem:v32+s2+$0x0], $0xffff;
	v29 =	vor.u32 s25, v6  }
0x436: {  	v52 =	vor.u32 s28, v6;
	v44 =	vld.idx.msk [tilespmem:v40+s2+$0x0], $0xffff;
	v50 =	vor.u32 v36, v21  }
0x437: {  	v32 =	vor.u32 v36, v16;
	[tilespmem:v49+s19+$0x0] =	vst.idx.msk $0xffff, v2;
	v48 =	vld.idx.msk [tilespmem:v41+s2+$0x0], $0xffff;
	v55 =	vor.u32 s22, v61  }
0x438: {  	v36 =	vor.u32 v60, v7;
	[tilespmem:v53+s18+$0x0] =	vst.idx.msk $0xffff, v56;
	v23 =	vld.idx.msk [tilespmem:v23+s11+$0x0], $0xffff  }
0x439: {  	[tilespmem:v4+s19+$0x0] =	vst.idx.msk $0xffff, v27;
	v56 =	vor.u32 s21, v18;
	v51 =	vld.idx.msk [tilespmem:v59+s2+$0x0], $0xffff  }
0x43a: {  	[tilespmem:v29+s19+$0x0] =	vst.idx.msk $0xffff, v54;
	v25 =	vld.idx.msk [tilespmem:v25+s11+$0x0], $0xffff  }
0x43b: {  	[tilespmem:v52+s19+$0x0] =	vst.idx.msk $0xffff, v44;
	v50 =	vld.idx.msk [tilespmem:v50+s11+$0x0], $0xffff  }
0x43c: {  	v27 =	vor.u32 v26, v13;
	v2 =	vld.idx.msk [tilespmem:v32+s11+$0x0], $0xffff;
	[tilespmem:v55+s19+$0x0] =	vst.idx.msk $0xffff, v48  }
0x43d: {  	v59 =	vor.u32 v26, v19;
	[tilespmem:v49+s18+$0x0] =	vst.idx.msk $0xffff, v23;
	v53 =	vld.idx.msk [tilespmem:v36+s11+$0x0], $0xffff  }
0x43e: {  	v6 =	vld [tilespmem:$0x1FCA0];
	[tilespmem:v56+s19+$0x0] =	vst.idx.msk $0xffff, v51  }
0x43f: {  	v40 =	vor.u32 v26, v5;
	[tilespmem:v4+s18+$0x0] =	vst.idx.msk $0xffff, v25  }
0x440: {  	v41 =	vor.u32 v26, v17;
	[tilespmem:v29+s18+$0x0] =	vst.idx.msk $0xffff, v50  }
0x441: {  	v27 =	vld.idx.msk [tilespmem:v27+s2+$0x0], $0xffff;
	[tilespmem:v52+s18+$0x0] =	vst.idx.msk $0xffff, v2  }
0x442: {  	v23 =	vor.u32 v26, v10;
	v48 =	vld.idx.msk [tilespmem:v59+s2+$0x0], $0xffff;
	[tilespmem:v55+s18+$0x0] =	vst.idx.msk $0xffff, v53  }
0x443: {  	v51 =	vor.u32 s23, v18;
	v32 =	vor.u32 v6, v1;
	v59 =	vld [tilespmem:$0x1FD30]  }
0x444: {  	v4 =	vor.u32 v26, v11;
	v54 =	vld.idx.msk [tilespmem:v40+s11+$0x0], $0xffff  }
0x445: {  	v25 =	vor.u32 v57, v3;
	v29 =	vor.u32 s24, v18;
	v44 =	vld.idx.msk [tilespmem:v41+s2+$0x0], $0xffff  }
0x446: {  	v36 =	vor.u32 v26, v15;
	v2 =	vor.u32 s25, v18  }
0x447: {  	v40 =	vor.u32 v26, v21;
	v23 =	vld.idx.msk [tilespmem:v23+s2+$0x0], $0xffff;
	v53 =	vor.u32 s28, v18  }
0x448: {  	[tilespmem:v51+s19+$0x0] =	vst.idx.msk $0xffff, v27;
	v27 =	vor.u32 v26, v16;
	v49 =	vld.idx.msk [tilespmem:v32+s2+$0x0], $0xffff;
	v55 =	vor.u32 s20, v59  }
0x449: {  	v41 =	vor.u32 v6, v0;
	[tilespmem:v56+s18+$0x0] =	vst.idx.msk $0xffff, v54;
	v4 =	vld.idx.msk [tilespmem:v4+s11+$0x0], $0xffff  }
0x44a: {  	v56 =	vor.u32 s21, v58;
	[tilespmem:v29+s19+$0x0] =	vst.idx.msk $0xffff, v44;
	v25 =	vld.idx.msk [tilespmem:v25+s2+$0x0], $0xffff  }
0x44b: {  	[tilespmem:v2+s19+$0x0] =	vst.idx.msk $0xffff, v48;
	v50 =	vld.idx.msk [tilespmem:v36+s11+$0x0], $0xffff  }
0x44c: {  	v52 =	vld.idx.msk [tilespmem:v40+s11+$0x0], $0xffff;
	[tilespmem:v53+s19+$0x0] =	vst.idx.msk $0xffff, v23  }
0x44d: {  	v44 =	vor.u32 v57, v13;
	v27 =	vld.idx.msk [tilespmem:v27+s11+$0x0], $0xffff;
	[tilespmem:v55+s19+$0x0] =	vst.idx.msk $0xffff, v49  }
0x44e: {  	v32 =	vor.u32 v57, v5;
	[tilespmem:v51+s18+$0x0] =	vst.idx.msk $0xffff, v4;
	v54 =	vld.idx.msk [tilespmem:v41+s11+$0x0], $0xffff  }
0x44f: {  	v41 =	vld [tilespmem:$0x1FCD0];
	[tilespmem:v56+s19+$0x0] =	vst.idx.msk $0xffff, v25  }
0x450: {  	v23 =	vor.u32 v57, v17;
	[tilespmem:v29+s18+$0x0] =	vst.idx.msk $0xffff, v50  }
0x451: {  	v36 =	vor.u32 v57, v19;
	[tilespmem:v2+s18+$0x0] =	vst.idx.msk $0xffff, v52  }
0x452: {  	v4 =	vor.u32 v57, v10;
	v25 =	vld.idx.msk [tilespmem:v44+s2+$0x0], $0xffff;
	v44 =	vor.u32 s23, v58;
	[tilespmem:v53+s18+$0x0] =	vst.idx.msk $0xffff, v27  }
0x453: {  	v29 =	vor.u32 v57, v11;
	v2 =	vor.u32 s24, v58;
	v48 =	vld.idx.msk [tilespmem:v32+s11+$0x0], $0xffff;
	[tilespmem:v55+s18+$0x0] =	vst.idx.msk $0xffff, v54  }
0x454: {  	v27 =	vor.u32 s25, v58;
	v40 =	vor.u32 v41, v9;
	v54 =	vor.u32 s28, v58;
	v58 =	vld [tilespmem:$0x1FDA0]  }
0x455: {  	v23 =	vld.idx.msk [tilespmem:v23+s2+$0x0], $0xffff  }
0x456: {  	v49 =	vld.idx.msk [tilespmem:v36+s2+$0x0], $0xffff  }
0x457: {  	v4 =	vld.idx.msk [tilespmem:v4+s2+$0x0], $0xffff;
	[tilespmem:v44+s19+$0x0] =	vst.idx.msk $0xffff, v25  }
0x458: {  	v29 =	vld.idx.msk [tilespmem:v29+s11+$0x0], $0xffff  }
0x459: {  	[tilespmem:v56+s18+$0x0] =	vst.idx.msk $0xffff, v48;
	v51 =	vld.idx.msk [tilespmem:v40+s2+$0x0], $0xffff;
	v55 =	vor.u32 s22, v58  }
0x45a: {  	[tilespmem:v2+s19+$0x0] =	vst.idx.msk $0xffff, v23  }
0x45b: {  	v47 =	vor.u32 v6, v3;
	[tilespmem:v27+s19+$0x0] =	vst.idx.msk $0xffff, v49  }
0x45c: {  	v32 =	vor.u32 v57, v15;
	[tilespmem:v54+s19+$0x0] =	vst.idx.msk $0xffff, v4  }
0x45d: {  	v36 =	vor.u32 v57, v21;
	[tilespmem:v44+s18+$0x0] =	vst.idx.msk $0xffff, v29  }
0x45e: {  	v25 =	vor.u32 v57, v16;
	[tilespmem:v55+s19+$0x0] =	vst.idx.msk $0xffff, v51  }
0x45f: {  	v43 =	vor.u32 v41, v7;
	v12 =	vld [tilespmem:$0x1FDE0]  }
0x460: {  	v56 =	vor.u32 s21, v59;
	v23 =	vor.u32 v6, v13;
	v50 =	vld.idx.msk [tilespmem:v47+s2+$0x0], $0xffff  }
0x461: {  	v52 =	vld.idx.msk [tilespmem:v32+s11+$0x0], $0xffff;
	v40 =	vor.u32 v6, v5  }
0x462: {  	v32 =	vld.idx.msk [tilespmem:v36+s11+$0x0], $0xffff  }
0x463: {  	v25 =	vld.idx.msk [tilespmem:v25+s11+$0x0], $0xffff  }
0x464: {  	v48 =	vld.idx.msk [tilespmem:v43+s11+$0x0], $0xffff;
	v57 =	vor.u32 v12, v1  }
0x465: {  	v23 =	vld.idx.msk [tilespmem:v23+s2+$0x0], $0xffff;
	[tilespmem:v56+s19+$0x0] =	vst.idx.msk $0xffff, v50;
	v50 =	vor.u32 s23, v59  }
0x466: {  	v4 =	vor.u32 v6, v17;
	[tilespmem:v2+s18+$0x0] =	vst.idx.msk $0xffff, v52;
	v40 =	vld.idx.msk [tilespmem:v40+s11+$0x0], $0xffff  }
0x467: {  	v53 =	vld [tilespmem:$0x1FCE0];
	[tilespmem:v27+s18+$0x0] =	vst.idx.msk $0xffff, v32  }
0x468: {  	v36 =	vor.u32 v6, v19;
	[tilespmem:v54+s18+$0x0] =	vst.idx.msk $0xffff, v25  }
0x469: {  	v29 =	vor.u32 v6, v10;
	[tilespmem:v55+s18+$0x0] =	vst.idx.msk $0xffff, v48;
	v44 =	vld.idx.msk [tilespmem:v57+s2+$0x0], $0xffff  }
0x46a: {  	v57 =	vld [tilespmem:$0x1FD40];
	[tilespmem:v50+s19+$0x0] =	vst.idx.msk $0xffff, v23  }
0x46b: {  	v49 =	vor.u32 v6, v11;
	v4 =	vld.idx.msk [tilespmem:v4+s2+$0x0], $0xffff;
	[tilespmem:v56+s18+$0x0] =	vst.idx.msk $0xffff, v40  }
0x46c: {  	v27 =	vor.u32 s24, v59;
	v9 =	vor.u32 v53, v9;
	v56 =	vld [tilespmem:$0x1FDB0]  }
0x46d: {  	v32 =	vor.u32 v6, v15;
	v25 =	vor.u32 s25, v59;
	v51 =	vld.idx.msk [tilespmem:v36+s2+$0x0], $0xffff  }
0x46e: {  	v47 =	vor.u32 s28, v59;
	v36 =	vor.u32 v6, v21;
	v29 =	vld.idx.msk [tilespmem:v29+s2+$0x0], $0xffff  }
0x46f: {  	v23 =	vor.u32 v6, v16;
	v54 =	vor.u32 s20, v57  }
0x470: {  	v40 =	vor.u32 v12, v0;
	v49 =	vld.idx.msk [tilespmem:v49+s11+$0x0], $0xffff  }
0x471: {  	v9 =	vld.idx.msk [tilespmem:v9+s2+$0x0], $0xffff;
	[tilespmem:v27+s19+$0x0] =	vst.idx.msk $0xffff, v4;
	v4 =	vor.u32 v12, v3;
	v55 =	vor.u32 s22, v56  }
0x472: {  	v59 =	vor.u32 v12, v13;
	[tilespmem:v25+s19+$0x0] =	vst.idx.msk $0xffff, v51;
	v52 =	vld.idx.msk [tilespmem:v32+s11+$0x0], $0xffff  }
0x473: {  	[tilespmem:v47+s19+$0x0] =	vst.idx.msk $0xffff, v29;
	v48 =	vld.idx.msk [tilespmem:v36+s11+$0x0], $0xffff  }
0x474: {  	v29 =	vor.u32 v12, v17;
	v23 =	vld.idx.msk [tilespmem:v23+s11+$0x0], $0xffff;
	[tilespmem:v54+s19+$0x0] =	vst.idx.msk $0xffff, v44  }
0x475: {  	v32 =	vor.u32 v12, v19;
	[tilespmem:v50+s18+$0x0] =	vst.idx.msk $0xffff, v49;
	v2 =	vld.idx.msk [tilespmem:v40+s11+$0x0], $0xffff  }
0x476: {  	v36 =	vor.u32 v12, v10;
	v4 =	vld.idx.msk [tilespmem:v4+s2+$0x0], $0xffff;
	[tilespmem:v55+s19+$0x0] =	vst.idx.msk $0xffff, v9;
	v9 =	vor.u32 s21, v57  }
0x477: {  	v7 =	vor.u32 v53, v7;
	[tilespmem:v27+s18+$0x0] =	vst.idx.msk $0xffff, v52;
	v50 =	vld.idx.msk [tilespmem:v59+s2+$0x0], $0xffff;
	v40 =	vor.u32 s23, v57  }
0x478: {  	[tilespmem:v25+s18+$0x0] =	vst.idx.msk $0xffff, v48  }
0x479: {  	v48 =	vor.u32 s24, v57;
	v29 =	vld.idx.msk [tilespmem:v29+s2+$0x0], $0xffff;
	[tilespmem:v47+s18+$0x0] =	vst.idx.msk $0xffff, v23  }
0x47a: {  	v52 =	vor.u32 s25, v57;
	v44 =	vld.idx.msk [tilespmem:v32+s2+$0x0], $0xffff;
	[tilespmem:v54+s18+$0x0] =	vst.idx.msk $0xffff, v2  }
0x47b: {  	v46 =	vor.u32 s28, v57;
	v49 =	vld.idx.msk [tilespmem:v36+s2+$0x0], $0xffff;
	[tilespmem:v9+s19+$0x0] =	vst.idx.msk $0xffff, v4  }
0x47c: {  	v27 =	vor.u32 v12, v5;
	v7 =	vld.idx.msk [tilespmem:v7+s11+$0x0], $0xffff;
	[tilespmem:v40+s19+$0x0] =	vst.idx.msk $0xffff, v50  }
0x47d: {  	v30 =	vld [tilespmem:$0x1FDF0]  }
0x47e: {  	v25 =	vor.u32 v12, v11;
	[tilespmem:v48+s19+$0x0] =	vst.idx.msk $0xffff, v29  }
0x47f: {  	v23 =	vor.u32 v12, v15;
	[tilespmem:v52+s19+$0x0] =	vst.idx.msk $0xffff, v44  }
0x480: {  	v54 =	vor.u32 v12, v21;
	[tilespmem:v46+s19+$0x0] =	vst.idx.msk $0xffff, v49  }
0x481: {  	v4 =	vor.u32 v12, v16;
	v27 =	vld.idx.msk [tilespmem:v27+s11+$0x0], $0xffff;
	[tilespmem:v55+s18+$0x0] =	vst.idx.msk $0xffff, v7  }
0x482: {  	v6 =	vld [tilespmem:$0x1FD50];
	v59 =	vor.u32 v30, v1  }
0x483: {  	v25 =	vld.idx.msk [tilespmem:v25+s11+$0x0], $0xffff;
	v29 =	vor.u32 v30, v3  }
0x484: {  	v23 =	vld.idx.msk [tilespmem:v23+s11+$0x0], $0xffff;
	v32 =	vor.u32 v30, v13  }
0x485: {  	v2 =	vld.idx.msk [tilespmem:v54+s11+$0x0], $0xffff;
	v36 =	vor.u32 v30, v17  }
0x486: {  	v4 =	vld.idx.msk [tilespmem:v4+s11+$0x0], $0xffff;
	v7 =	vor.u32 v30, v19  }
0x487: {  	[tilespmem:v9+s18+$0x0] =	vst.idx.msk $0xffff, v27;
	v9 =	vor.u32 v30, v10;
	v54 =	vor.u32 s20, v6;
	v50 =	vld.idx.msk [tilespmem:v59+s2+$0x0], $0xffff  }
0x488: {  	v27 =	vor.u32 v30, v0;
	[tilespmem:v40+s18+$0x0] =	vst.idx.msk $0xffff, v25;
	v25 =	vor.u32 s21, v6;
	v29 =	vld.idx.msk [tilespmem:v29+s2+$0x0], $0xffff  }
0x489: {  	v40 =	vor.u32 v30, v5;
	[tilespmem:v48+s18+$0x0] =	vst.idx.msk $0xffff, v23;
	v23 =	vor.u32 s23, v6;
	v44 =	vld.idx.msk [tilespmem:v32+s2+$0x0], $0xffff  }
0x48a: {  	v57 =	vor.u32 v30, v11;
	[tilespmem:v52+s18+$0x0] =	vst.idx.msk $0xffff, v2;
	v2 =	vor.u32 s24, v6;
	v49 =	vld.idx.msk [tilespmem:v36+s2+$0x0], $0xffff  }
0x48b: {  	[tilespmem:v46+s18+$0x0] =	vst.idx.msk $0xffff, v4;
	v4 =	vor.u32 s25, v6;
	v59 =	vor.u32 v30, v15;
	v7 =	vld.idx.msk [tilespmem:v7+s2+$0x0], $0xffff  }
0x48c: {  	v6 =	vor.u32 s28, v6;
	v32 =	vor.u32 v30, v21;
	v9 =	vld.idx.msk [tilespmem:v9+s2+$0x0], $0xffff;
	[tilespmem:v54+s19+$0x0] =	vst.idx.msk $0xffff, v50  }
0x48d: {  	[tilespmem:v25+s19+$0x0] =	vst.idx.msk $0xffff, v29;
	v29 =	vor.u32 v30, v16;
	v27 =	vld.idx.msk [tilespmem:v27+s11+$0x0], $0xffff  }
0x48e: {  	v36 =	vor.u32 v35, v1;
	[tilespmem:v23+s19+$0x0] =	vst.idx.msk $0xffff, v44;
	v51 =	vld.idx.msk [tilespmem:v40+s11+$0x0], $0xffff  }
0x48f: {  	[tilespmem:v2+s19+$0x0] =	vst.idx.msk $0xffff, v49;
	v40 =	vor.u32 v35, v3;
	v48 =	vld.idx.msk [tilespmem:v57+s11+$0x0], $0xffff  }
0x490: {  	[tilespmem:v4+s19+$0x0] =	vst.idx.msk $0xffff, v7;
	v7 =	vor.u32 v35, v13;
	v52 =	vld.idx.msk [tilespmem:v59+s11+$0x0], $0xffff  }
0x491: {  	[tilespmem:v6+s19+$0x0] =	vst.idx.msk $0xffff, v9;
	v9 =	vor.u32 v35, v17;
	v50 =	vld.idx.msk [tilespmem:v32+s11+$0x0], $0xffff  }
0x492: {  	v29 =	vld.idx.msk [tilespmem:v29+s11+$0x0], $0xffff;
	[tilespmem:v54+s18+$0x0] =	vst.idx.msk $0xffff, v27;
	v27 =	vor.u32 v35, v19  }
0x493: {  	v54 =	vor.u32 s20, v62;
	[tilespmem:v25+s18+$0x0] =	vst.idx.msk $0xffff, v51;
	v25 =	vor.u32 v35, v10;
	v44 =	vld.idx.msk [tilespmem:v36+s2+$0x0], $0xffff  }
0x494: {  	v57 =	vor.u32 v35, v0;
	[tilespmem:v23+s18+$0x0] =	vst.idx.msk $0xffff, v48;
	v23 =	vor.u32 s21, v62;
	v49 =	vld.idx.msk [tilespmem:v40+s2+$0x0], $0xffff  }
0x495: {  	v59 =	vor.u32 v35, v5;
	[tilespmem:v2+s18+$0x0] =	vst.idx.msk $0xffff, v52;
	v2 =	vor.u32 s23, v62;
	v7 =	vld.idx.msk [tilespmem:v7+s2+$0x0], $0xffff  }
0x496: {  	v32 =	vor.u32 v35, v11;
	[tilespmem:v4+s18+$0x0] =	vst.idx.msk $0xffff, v50;
	v4 =	vor.u32 s24, v62;
	v9 =	vld.idx.msk [tilespmem:v9+s2+$0x0], $0xffff  }
0x497: {  	v36 =	vor.u32 v35, v15;
	[tilespmem:v6+s18+$0x0] =	vst.idx.msk $0xffff, v29;
	v29 =	vor.u32 s25, v62;
	v27 =	vld.idx.msk [tilespmem:v27+s2+$0x0], $0xffff  }
0x498: {  	v40 =	vor.u32 v35, v21;
	v6 =	vor.u32 s28, v62;
	v25 =	vld.idx.msk [tilespmem:v25+s2+$0x0], $0xffff;
	[tilespmem:v54+s19+$0x0] =	vst.idx.msk $0xffff, v44  }
0x499: {  	[tilespmem:v23+s19+$0x0] =	vst.idx.msk $0xffff, v49;
	v51 =	vld.idx.msk [tilespmem:v57+s11+$0x0], $0xffff;
	v57 =	vor.u32 v35, v16  }
0x49a: {  	[tilespmem:v2+s19+$0x0] =	vst.idx.msk $0xffff, v7;
	v7 =	vor.u32 v60, v1;
	v48 =	vld.idx.msk [tilespmem:v59+s11+$0x0], $0xffff  }
0x49b: {  	[tilespmem:v4+s19+$0x0] =	vst.idx.msk $0xffff, v9;
	v9 =	vor.u32 v60, v3;
	v52 =	vld.idx.msk [tilespmem:v32+s11+$0x0], $0xffff  }
0x49c: {  	v50 =	vld.idx.msk [tilespmem:v36+s11+$0x0], $0xffff;
	[tilespmem:v29+s19+$0x0] =	vst.idx.msk $0xffff, v27;
	v27 =	vor.u32 v60, v13  }
0x49d: {  	[tilespmem:v6+s19+$0x0] =	vst.idx.msk $0xffff, v25;
	v25 =	vor.u32 v60, v17;
	v44 =	vld.idx.msk [tilespmem:v40+s11+$0x0], $0xffff  }
0x49e: {  	v59 =	vor.u32 v60, v19;
	[tilespmem:v54+s18+$0x0] =	vst.idx.msk $0xffff, v51;
	v49 =	vld.idx.msk [tilespmem:v57+s11+$0x0], $0xffff  }
0x49f: {  	v62 =	vor.u32 s20, v61;
	[tilespmem:v23+s18+$0x0] =	vst.idx.msk $0xffff, v48;
	v23 =	vor.u32 v60, v10;
	v7 =	vld.idx.msk [tilespmem:v7+s2+$0x0], $0xffff  }
0x4a0: {  	v32 =	vor.u32 v60, v0;
	v35 =	vor.u32 s21, v61;
	[tilespmem:v2+s18+$0x0] =	vst.idx.msk $0xffff, v52;
	v9 =	vld.idx.msk [tilespmem:v9+s2+$0x0], $0xffff  }
0x4a1: {  	v36 =	vor.u32 v60, v5;
	[tilespmem:v4+s18+$0x0] =	vst.idx.msk $0xffff, v50;
	v4 =	vor.u32 s23, v61;
	v27 =	vld.idx.msk [tilespmem:v27+s2+$0x0], $0xffff  }
0x4a2: {  	v40 =	vor.u32 v60, v11;
	v25 =	vld.idx.msk [tilespmem:v25+s2+$0x0], $0xffff;
	[tilespmem:v29+s18+$0x0] =	vst.idx.msk $0xffff, v44;
	v29 =	vor.u32 s24, v61  }
0x4a3: {  	v57 =	vor.u32 v60, v15;
	v51 =	vld.idx.msk [tilespmem:v59+s2+$0x0], $0xffff;
	[tilespmem:v6+s18+$0x0] =	vst.idx.msk $0xffff, v49;
	v59 =	vor.u32 s25, v61  }
0x4a4: {  	v6 =	vor.u32 s28, v61;
	[tilespmem:v62+s19+$0x0] =	vst.idx.msk $0xffff, v7;
	v7 =	vor.u32 v60, v21;
	v23 =	vld.idx.msk [tilespmem:v23+s2+$0x0], $0xffff  }
0x4a5: {  	[tilespmem:v35+s19+$0x0] =	vst.idx.msk $0xffff, v9;
	v9 =	vor.u32 v60, v16;
	v48 =	vld.idx.msk [tilespmem:v32+s11+$0x0], $0xffff  }
0x4a6: {  	v52 =	vld.idx.msk [tilespmem:v36+s11+$0x0], $0xffff;
	[tilespmem:v4+s19+$0x0] =	vst.idx.msk $0xffff, v27;
	v27 =	vor.u32 v41, v1  }
0x4a7: {  	[tilespmem:v29+s19+$0x0] =	vst.idx.msk $0xffff, v25;
	v25 =	vor.u32 v41, v3;
	v50 =	vld.idx.msk [tilespmem:v40+s11+$0x0], $0xffff  }
0x4a8: {  	v60 =	vor.u32 v41, v13;
	[tilespmem:v59+s19+$0x0] =	vst.idx.msk $0xffff, v51;
	v44 =	vld.idx.msk [tilespmem:v57+s11+$0x0], $0xffff  }
0x4a9: {  	[tilespmem:v6+s19+$0x0] =	vst.idx.msk $0xffff, v23;
	v23 =	vor.u32 v41, v17;
	v7 =	vld.idx.msk [tilespmem:v7+s11+$0x0], $0xffff  }
0x4aa: {  	v61 =	vor.u32 v41, v19;
	[tilespmem:v62+s18+$0x0] =	vst.idx.msk $0xffff, v48;
	v9 =	vld.idx.msk [tilespmem:v9+s11+$0x0], $0xffff  }
0x4ab: {  	v32 =	vor.u32 v41, v10;
	v62 =	vor.u32 s20, v58;
	[tilespmem:v35+s18+$0x0] =	vst.idx.msk $0xffff, v52;
	v27 =	vld.idx.msk [tilespmem:v27+s2+$0x0], $0xffff  }
0x4ac: {  	v35 =	vor.u32 v41, v0;
	v25 =	vld.idx.msk [tilespmem:v25+s2+$0x0], $0xffff;
	[tilespmem:v4+s18+$0x0] =	vst.idx.msk $0xffff, v50;
	v4 =	vor.u32 s21, v58  }
0x4ad: {  	v36 =	vor.u32 v41, v5;
	v51 =	vld.idx.msk [tilespmem:v60+s2+$0x0], $0xffff;
	[tilespmem:v29+s18+$0x0] =	vst.idx.msk $0xffff, v44;
	v29 =	vor.u32 s23, v58  }
0x4ae: {  	v40 =	vor.u32 v41, v11;
	v23 =	vld.idx.msk [tilespmem:v23+s2+$0x0], $0xffff;
	[tilespmem:v59+s18+$0x0] =	vst.idx.msk $0xffff, v7;
	v7 =	vor.u32 s24, v58  }
0x4af: {  	v47 =	vor.u32 v41, v15;
	v48 =	vld.idx.msk [tilespmem:v61+s2+$0x0], $0xffff;
	[tilespmem:v6+s18+$0x0] =	vst.idx.msk $0xffff, v9;
	v9 =	vor.u32 s25, v58  }
0x4b0: {  	v6 =	vor.u32 s28, v58;
	[tilespmem:v62+s19+$0x0] =	vst.idx.msk $0xffff, v27;
	v27 =	vor.u32 v41, v21;
	v2 =	vld.idx.msk [tilespmem:v32+s2+$0x0], $0xffff  }
0x4b1: {  	v52 =	vld.idx.msk [tilespmem:v35+s11+$0x0], $0xffff;
	[tilespmem:v4+s19+$0x0] =	vst.idx.msk $0xffff, v25;
	v25 =	vor.u32 v41, v16  }
0x4b2: {  	v55 =	vor.u32 v53, v1;
	[tilespmem:v29+s19+$0x0] =	vst.idx.msk $0xffff, v51;
	v50 =	vld.idx.msk [tilespmem:v36+s11+$0x0], $0xffff  }
0x4b3: {  	v3 =	vor.u32 v53, v3;
	[tilespmem:v7+s19+$0x0] =	vst.idx.msk $0xffff, v23;
	v23 =	vld.idx.msk [tilespmem:v40+s11+$0x0], $0xffff  }
0x4b4: {  	v13 =	vor.u32 v53, v13;
	[tilespmem:v9+s19+$0x0] =	vst.idx.msk $0xffff, v48;
	v57 =	vld.idx.msk [tilespmem:v47+s11+$0x0], $0xffff  }
0x4b5: {  	v58 =	vor.u32 v53, v17;
	[tilespmem:v6+s19+$0x0] =	vst.idx.msk $0xffff, v2;
	v17 =	vld.idx.msk [tilespmem:v27+s11+$0x0], $0xffff  }
0x4b6: {  	v19 =	vor.u32 v53, v19;
	[tilespmem:v62+s18+$0x0] =	vst.idx.msk $0xffff, v52;
	v25 =	vld.idx.msk [tilespmem:v25+s11+$0x0], $0xffff  }
0x4b7: {  	v27 =	vor.u32 v53, v10;
	[tilespmem:v4+s18+$0x0] =	vst.idx.msk $0xffff, v50;
	v1 =	vld.idx.msk [tilespmem:v55+s2+$0x0], $0xffff;
	v4 =	vor.u32 s20, v56  }
0x4b8: {  	v59 =	vor.u32 v53, v0;
	[tilespmem:v29+s18+$0x0] =	vst.idx.msk $0xffff, v23;
	v3 =	vld.idx.msk [tilespmem:v3+s2+$0x0], $0xffff;
	v23 =	vor.u32 s21, v56  }
0x4b9: {  	v5 =	vor.u32 v53, v5;
	[tilespmem:v7+s18+$0x0] =	vst.idx.msk $0xffff, v57;
	v7 =	vld.idx.msk [tilespmem:v13+s2+$0x0], $0xffff;
	v13 =	vor.u32 s23, v56  }
0x4ba: {  	[tilespmem:v9+s18+$0x0] =	vst.idx.msk $0xffff, v17;
	v9 =	vor.u32 v53, v11;
	v2 =	vld.idx.msk [tilespmem:v58+s2+$0x0], $0xffff;
	v11 =	vor.u32 s24, v56  }
0x4bb: {  	v15 =	vor.u32 v53, v15;
	[tilespmem:v6+s18+$0x0] =	vst.idx.msk $0xffff, v25;
	v17 =	vld.idx.msk [tilespmem:v19+s2+$0x0], $0xffff;
	v19 =	vor.u32 s25, v56  }
0x4bc: {  	v60 =	vor.u32 v53, v21;
	v25 =	vor.u32 s28, v56;
	[tilespmem:v4+s19+$0x0] =	vst.idx.msk $0xffff, v1;
	v21 =	vld.idx.msk [tilespmem:v27+s2+$0x0], $0xffff  }
0x4bd: {  	[tilespmem:v23+s19+$0x0] =	vst.idx.msk $0xffff, v3;
	v0 =	vld.idx.msk [tilespmem:v59+s11+$0x0], $0xffff;
	v3 =	vor.u32 v53, v16  }
0x4be: {  	[tilespmem:v13+s19+$0x0] =	vst.idx.msk $0xffff, v7;
	v5 =	vld.idx.msk [tilespmem:v5+s11+$0x0], $0xffff  }
0x4bf: {  	[tilespmem:v11+s19+$0x0] =	vst.idx.msk $0xffff, v2;
	v61 =	vld.idx.msk [tilespmem:v9+s11+$0x0], $0xffff  }
0x4c0: {  	[tilespmem:v19+s19+$0x0] =	vst.idx.msk $0xffff, v17;
	v7 =	vld.idx.msk [tilespmem:v15+s11+$0x0], $0xffff  }
0x4c1: {  	[tilespmem:v25+s19+$0x0] =	vst.idx.msk $0xffff, v21;
	v1 =	vld.idx.msk [tilespmem:v60+s11+$0x0], $0xffff  }
0x4c2: {  	[tilespmem:v4+s18+$0x0] =	vst.idx.msk $0xffff, v0;
	v62 =	vld.idx.msk [tilespmem:v3+s11+$0x0], $0xffff  }
0x4c3: {  	[tilespmem:v23+s18+$0x0] =	vst.idx.msk $0xffff, v5  }
0x4c4: {  	[tilespmem:v13+s18+$0x0] =	vst.idx.msk $0xffff, v61  }
0x4c5: {  	[tilespmem:v11+s18+$0x0] =	vst.idx.msk $0xffff, v7  }
0x4c6: {  	[tilespmem:v19+s18+$0x0] =	vst.idx.msk $0xffff, v1  }
0x4c7: {  	[tilespmem:v25+s18+$0x0] =	vst.idx.msk $0xffff, v62  }
0x4c8: {  	v18 =	vld [tilespmem:$0x1FF20]  }
0x4c9: {  	v60 =	vld [tilespmem:$0x1FFE0]  }
0x4ca: {  	v5 =	vld [tilespmem:$0x1FFC0]  }
0x4cb: {  	v7 =	vld [tilespmem:$0x1FD70]  }
0x4cc: {  	v9 =	vld [tilespmem:$0x1FF30]  }
0x4cd: {  	v11 =	vld [tilespmem:$0x1FD80]  }
0x4ce: {  	v31 =	vld [tilespmem:$0x1FEE0]  }
0x4cf: {  	v6 =	vmov v33;
	v33 =	vld [tilespmem:$0x1FEC0]  }
0x4d0: {  	v54 =	vld [tilespmem:$0x1FF50]  }
0x4d1: {  	v15 =	vld [tilespmem:$0x1FF40]  }
0x4d2: {  	s30 =	sand.u32 $0x1, s17;
	v57 =	vld [tilespmem:$0x1FF70]  }
0x4d3: {  	s31 =	sshll.u32 s26, $0xB;
	p0 =	seq.s32 s30, $0x1;
	v21 =	vld [tilespmem:$0x1FF60]  }
0x4d4: {  	s20 =	simm.s32 @p0 $0x0;
	s21 =	simm.s32 @p0 $0xE4E0;
	s18 =	sadd.s32 s7, s31;
	v61 =	vld [tilespmem:$0x1FF90]  }
0x4d5: {  	[hbm4b:s18+s20] =	stream.linear.scatter @p0 [tilespmem:s21], [sflag:$0x2], $0x4000, $0x38;
	v35 =	vld [tilespmem:$0x1FF80]  }
0x4d6: {  	s19 =	sadd.s32 s1, s31;
	s21 =	simm.s32 @p0 $0x164E0;
	v17 =	vld [tilespmem:$0x1FFB0]  }
0x4d7: {  	v19 =	vld [tilespmem:$0x1FFA0];
	[hbm4b:s19+s20] =	stream.linear.scatter @p0 [tilespmem:s21], [sflag:$0x2], $0x4000, $0x38  }
0x4d8: {  	v25 =	vld [tilespmem:$0x1FE80];
	s20 =	simm.s32 @!p0 $0x0;
	s21 =	simm.s32 @!p0 $0xA4E0  }
0x4d9: {  	v29 =	vld [tilespmem:$0x1FEA0];
	[hbm4b:s18+s20] =	stream.linear.scatter @!p0 [tilespmem:s21], [sflag:$0x1], $0x4000, $0x38  }
0x4da: {  	s17 =	sadd.s32 $0x1, s17;
	v49 =	vld [tilespmem:$0x1FED0];
	s18 =	simm.s32 @!p0 $0x124E0  }
0x4db: {  	v50 =	vld [tilespmem:$0x1FFD0];
	[hbm4b:s19+s20] =	stream.linear.scatter @!p0 [tilespmem:s18], [sflag:$0x1], $0x4000, $0x38  }
0x4dc: {  	v51 =	vld [tilespmem:$0x1FF00];
	p0 =	sne.s32 s17, $0x20  }
.Ltmp1:
0x4dd: {  	v44 =	vld [tilespmem:$0x1FE10];
	(pc) =	sbr.rel @p0 .LBB2_2-.Ltmp1, $4  }
0x4de: {  	v48 =	vmov v42;
	v42 =	vld [tilespmem:$0x1FE50]  }
0x4df: {  	v40 =	vld [tilespmem:$0x1FE40]  }
0x4e0: {  	v46 =	vmov v20;
	v47 =	vlaneseq.u32;
	v55 =	vmov v34;
	v34 =	vld [tilespmem:$0x1FE60]  }
0x4e1: {  	s16 =	sadd.s32 $0x400, s16;
	v52 =	vmovc v37;
	v58 =	vmovc v38;
	v38 =	vmov v24;
	v53 =	vmov v8;
	v62 =	vmov v39;
	v28 =	vld [tilespmem:$0x1FF10]  }
0x4e2: {  	_ =	swait.ge [sflag:s13], $0x4000  }
0x4e3: {  	[sflag:s13] =	ssyncset.done $0x0  }
0x4e4: {  	[sflag:s13] =	ssyncadd.s32 $0xFFFFC000  }
0x4e5: {  	_ =	swait.ge [sflag:s13], $0x4000  }
0x4e6: {  	[sflag:s13] =	ssyncset.done $0x0  }
0x4e7: {  	s15 =	sadd.s32 $0x1, s15;
	[sflag:s13] =	ssyncadd.s32 $0xFFFFC000  }
0x4e8: {  	p0 =	sne.s32 s15, s9;
	_ =	swait.ge [sflag:s14], $0x4000  }
.Ltmp2:
0x4e9: {  	[sflag:s14] =	ssyncset.done $0x0;
	(pc) =	sbr.rel @p0 .LBB2_1-.Ltmp2, $4  }
0x4ea: {  	[sflag:s14] =	ssyncadd.s32 $0xFFFFC000  }
0x4eb: {  	_ =	swait.ge [sflag:s14], $0x4000  }
0x4ec: {  	[sflag:s14] =	ssyncset.done $0x0  }
0x4ed: {  	[sflag:s14] =	ssyncadd.s32 $0xFFFFC000  }
0x4ee: {  	_ =	sfence.sel $0x180000  }
0x4ef: {  	[bflag:$0x0] =	sbarrier.arrive $0xFFFF  }
0x4f0: {  	p0 =	sne.s32 s3, $0x0;
	_ =	strace $0x90000047  }
0x4f1: {  	s0 =	sadd.s32 @!p0 $0x100000, s0;
	[bflag:$0x2] =	sbarrier.arrive $0xFFFF  }
0x4f2: {  	[sflag:s0] =	ssyncadd.tile.s32 @!p0 $0x1;
	_ =	shalt  }
.Lfunc_end2:
_tile_overlayer_lowered:
.L_overlay_start_2:
0x4f3: {  	(tag) =	ssettag $0x2  }
0x4f4: {  	s0 =	rddreg [dreg:$0x0];
	s2 =	stileid.u32  }
0x4f5: {  	s1 =	rddreg [dreg:$0x1];
	p0 =	sne.s32 s2, $0x0  }
0x4f6: {  	s3 =	rddreg [dreg:$0x2];
	[bflag:$0x3] =	sbarrier.arrive $0xFFFF;
	s2 =	simm.s32 @!p0 $0x1C03  }
0x4f7: {  	[timem:s3], [sflag:s2] =	dma.local @!p0 [hbm:s0], s1  }
0x4f8: {  	s0 =	simm.s32 @!p0 $0x3  }
0x4f9: {  	_ =	swait.ge @!p0 [sflag:s0], s1  }
0x4fa: {  	s1 =	ssub.s32 @!p0 $0x0, s1;
	[sflag:s0] =	ssyncset.done @!p0 $0x0  }
0x4fb: {  	[sflag:s0] =	ssyncadd.s32 @!p0 s1  }
0x4fc: {  	[bflag:$0x3] =	sbarrier.arrive $0xFFFF  }
0x4fd: {  	_ =	shalt  }

// kernel: sparse-core-data-format-call.1.cloned.1.call-start
scs
called_computation.1_lowered:
.L_overlay_start_0:
0x0: {  	s2 =	sld [smem:$0x3FD9]  }
0x1: {  	s3 =	sld [smem:$0x3FFE];
	_ =	sdelay $0x1  }
0x2: {  	s1 =	srdreg.scid  }
0x3: {  	s0 =	sand.u32 $0x1, s1  }
0x4: {  	s15 =	sshll.u32 s0, $0xA;
	s2 =	sadd.s32 s3, s2  }
0x5: {  	s2 =	sadd.s32 s2, s15  }
0x6: {  	[smem:$0x3FC5] =	sst s2  }
0x7: {  	_ = 	snop  }
0x8: {  	s2 =	sld [smem:$0x3FD0];
	_ =	sdelay $0x2  }
0x9: {  	s16 =	simm.s32 $0xB;
	s4 =	simm.s32 $0x10  }
0xa: {  	[smem:s4], [sflag:s16] =	dma.local [hbm:s2], $0x1  }
0xb: {  	_ =	swait.eq [sflag:s16], $0x1  }
0xc: {  	[sflag:s16] =	ssyncset.done $0x0  }
0xd: {  	[sflag:s16] =	ssyncadd.s32 $0xFFFFFFFF  }
0xe: {  	s17 =	sld [smem:$0x11];
	(tm) =	ssettm $0x1  }
0xf: {  	s18 =	sld [smem:$0x3FFB];
	_ =	sdelay $0x3  }
0x10: {  	_ =	strace s18  }
0x11: {  	s3 =	sld [smem:$0x3FFC];
	_ =	sdelay $0x3  }
0x12: {  	_ =	strace s3  }
0x13: {  	s3 =	sld [smem:$0x3FFD];
	_ =	sdelay $0x3  }
0x14: {  	_ =	strace s3  }
0x15: {  	_ =	strace $0x8FFFFFFF  }
0x16: {  	s19 =	sld [smem:$0x3FDB];
	_ =	sdelay $0x1  }
0x17: {  	s20 =	simm.s32 $_scs_section_size  }
0x18: {  	s5 =	simm.s32 $_size__tile_overlayer_lowered;
	s6 =	simm.s32 $_tile_overlayer_lowered  }
0x19: {  	s23 =	simm.s32 $0x1BFF;
	s22 =	sshll.u32 s6, $0x1;
	s3 =	sadd.s32 s20, s19  }
0x1a: {  	s7 =	simm.s32 $0x0;
	s21 =	sshll.u32 s5, $0x1;
	s5 =	sadd.s32 s22, s3  }
0x1b: {  	[timem:s7], [sflag:s23] =	dma.local [hbm:s5], s21  }
0x1c: {  	_ =	swait.ge [sflag:s23], s21  }
0x1d: {  	s4 =	ssub.s32 $0x0, s21;
	[sflag:s23] =	ssyncset.done $0x0  }
0x1e: {  	[sflag:s23] =	ssyncadd.s32 s4;
	_ =	sdelay $0x1  }
0x1f: {  	s24 =	simm.s32 $0x1B8B  }
0x20: {  	_ =	swait.ge [sflag:s24], $0x1  }
0x21: {  	[sflag:s24] =	ssyncset.done $0x0  }
0x22: {  	s26 =	simm.s32 $0x1B8E;
	s25 =	sld [smem:$0x3FFE];
	[sflag:s24] =	ssyncadd.s32 $0xFFFFFFFF  }
0x23: {  	s27 =	simm.s32 $execute0_lowered;
	[smem:$0x3FD2] =	sst s26  }
0x24: {  	s5 =	sshll.u32 s27, $0x1;
	_ =	strace $0x80000049;
	[dreg:$0x1] =	wrdreg $0xFFFFFFFF  }
0x25: {  	s28 =	simm.s32 $_size_execute0_lowered;
	s3 =	sadd.s32 s3, s5;
	[dreg:$0x0] =	wrdreg $0x0  }
0x26: {  	s5 =	sshll.u32 s28, $0x1;
	[dreg:$0x2] =	wrdreg s3  }
0x27: {  	[dreg:$0x3] =	wrdreg s5  }
0x28: {  	[dreg:$0x4] =	wrdreg $0xC0  }
0x29: {  	_ =	task [dreg:s7], $0x5FFFF  }
0x2a: {  	[dreg:$0x1] =	wrdreg $0xFFFFFFFF  }
0x2b: {  	[dreg:$0x0] =	wrdreg $0x60  }
0x2c: {  	[dreg:$0x2] =	wrdreg s17  }
0x2d: {  	[dreg:$0x3] =	wrdreg s25  }
0x2e: {  	[dreg:$0x4] =	wrdreg $0x9  }
0x2f: {  	_ =	task.clear_ibuf [dreg:s7], $0x5FFFF;
	_ =	strace $0x90000049  }
0x30: {  	s29 =	simm.s32 $0x9;
	_ =	strace $0x8000004B  }
0x31: {  	_ =	swait.ge [sflag:s29], $0x1  }
0x32: {  	[sflag:s29] =	ssyncadd.s32 $0xFFFFFFFF  }
0x33: {  	_ =	strace $0x9000004B  }
0x34: {  	_ =	sfence  }
0x35: {  	s30 =	sld [smem:$0x0];
	_ =	sdelay $0x2  }
0x36: {  	s31 =	sshll.u32 s1, $0xD;
	s1 =	sshrl.u32 s1, $0x2  }
0x37: {  	s3 =	sand.u32 $0x4000, s31;
	s1 =	sadd.s32 s1, s30  }
0x38: {  	s0 =	sor.u32 s3, s0;
	s1 =	sshll.u32 s1, $0x11  }
0x39: {  	s0 =	sor.u32 s1, s0  }
0x3a: {  	s0 =	sadd.s32 $0x8F2B, s0  }
0x3b: {  	[sflag:s0] =	ssyncadd.remote.s32 $0x1  }
0x3c: {  	_ =	sfence.sel $0xFFFF  }
0x3d: {  	[dreg:$0x0] =	wrdreg $0xFFFFFFFF;
	(pc) =	sbr.abs _section_cstart, $3  }
0x3e: {  	[dreg:$0x1] =	wrdreg $0xFFFFFFFF  }
0x3f: {  	_ =	task.clear_ibuf [dreg:s7], $0x2FFFF;
	_ =	strace $0x9FFFFFFF  }
0x40: {  	(tm) =	ssettm $0x7FFFFFFF  }
0x41: {  	_ =	shalt  }
tec
execute0_lowered:
.L_overlay_start_1:
0x0: {  	(tag) =	ssettag $0x1  }
0x1: {  	s2 =	rddreg [dreg:$0x0];
	s0 =	stileid.u32  }
0x2: {  	s1 =	srdreg.scid;
	s7 =	rddreg [dreg:$0x1];
	s31 =	simm.s32 $0x2  }
0x3: {  	s14 =	simm.s32 $0x0;
	s13 =	simm.s32 $0x0;
	s12 =	simm.s32 $0x0  }
0x4: {  	s3 =	sshll.u32 s0, $0x7;
	s4 =	sshll.u32 s0, $0x4;
	s1 =	sshll.u32 s1, $0x8  }
0x5: {  	s3 =	sand.u32 $0x380, s3;
	s4 =	sor.u32 s4, s1;
	s1 =	rddreg [dreg:$0x2]  }
0x6: {  	_ =	strace $0x8000004A;
	s4 =	sand.u32 $0x180, s4;
	s5 =	ssub.s32 $0x400, s3  }
0x7: {  	s6 =	sand.u32 $0x380, s5;
	s8 =	ssub.s32 $0x4000, s4;
	s10 =	sshrl.u32 s5, $0xA  }
0x8: {  	p0 =	sne.s32 s6, $0x0;
	s6 =	simm.s32 $0x1;
	s9 =	sand.u32 $0x180, s8  }
0x9: {  	s6 =	simm.s32 @!p0 $0x0;
	p0 =	sne.s32 s9, $0x0;
	s9 =	simm.s32 $0x1  }
.Ltmp0:
0xa: {  	s8 =	sshrl.u32 s8, $0x9;
	s9 =	simm.s32 @!p0 $0x0;
	(pc) =	sbr.rel .LBB1_1-.Ltmp0, $4  }
0xb: {  	s5 =	simm.s32 $0x1;
	s6 =	sadd.s32 s6, s10;
	s8 =	sadd.s32 s9, s8  }
0xc: {  	s7 =	sadd.s32 $0x202200, s7;
	[sflag:s5] =	ssyncpa.u1 $0x0;
	s6 =	smul.u32 s6, s8  }
0xd: {  	s11 =	smov.u32 s3;
	[sflag:s31] =	ssyncpa.u1 $0x0;
	p0 =	por $0x0, $0x0  }
0xe: {  	s10 =	smov.u32 s4;
	s9 =	simm.s32 $0x2000;
	s8 =	sadd.s32 $0x1, s6  }
.LBB1_4:
0xf: {  	v5 =	vld [tilespmem:s18+$0xFFFFFFD0];
	[tilespmem:s17+$0x2040 ss:$0x81] =	vst.msk $0xffff, v1  }
0x10: {  	v58 =	vld [tilespmem:s18+$0xFFFFFFE0];
	[tilespmem:s17+$0x2850 ss:$0x81] =	vst.msk $0xffff, v2  }
0x11: {  	s19 =	sshra.s32 s19, $0x2;
	v59 =	vld [tilespmem:s18+$0xFFFFFFF0];
	[tilespmem:s17+$0x3060 ss:$0x81] =	vst.msk $0xffff, v3  }
0x12: {  	v60 =	vld [tilespmem:s18+$0x0];
	[tilespmem:s17+$0x0 ss:$0x81] =	vst.msk $0xffff, v0;
	s16 =	sadd.s32 s19, s16  }
0x13: {  	v61 =	vld [tilespmem:s18+$0x10];
	[tilespmem:s16+$0x3870 ss:$0x81] =	vst.msk $0xffff, v4  }
0x14: {  	v62 =	vld [tilespmem:s18+$0x20];
	s26 =	sshll.u32 s14, $0xA;
	s27 =	sshll.u32 s13, $0x3;
	[tilespmem:s16+$0x810 ss:$0x81] =	vst.msk $0xffff, v5  }
0x15: {  	v63 =	vld [tilespmem:s18+$0xFFFFFFC0];
	s29 =	sshll.u32 s14, $0x7;
	s17 =	sand.u32 $0xFFE000, s26;
	s28 =	sand.u32 $0xFFFC00, s27;
	[tilespmem:s16+$0x1020 ss:$0x81] =	vst.msk $0xffff, v58  }
0x16: {  	s30 =	sand.u32 $0x78, s13;
	s14 =	sand.u32 $0x380, s29;
	s17 =	sadd.s32 s28, s17;
	[tilespmem:s16+$0x1830 ss:$0x81] =	vst.msk $0xffff, v59  }
0x17: {  	s14 =	sor.u32 s30, s14;
	s17 =	sand.u32 $0xFFFC00, s17;
	[tilespmem:s16+$0x2040 ss:$0x81] =	vst.msk $0xffff, v60  }
0x18: {  	s31 =	sand.u32 $0x7, s13;
	s14 =	sor.u32 s17, s14;
	[tilespmem:s16+$0x2850 ss:$0x81] =	vst.msk $0xffff, v61  }
0x19: {  	s13 =	sshll.u32 s31, $0x12;
	[tilespmem:s16+$0x3060 ss:$0x81] =	vst.msk $0xffff, v62;
	s14 =	sshrl.u32 s14, $0x3  }
0x1a: {  	s13 =	sor.u32 $0x400, s13;
	[tilespmem:s16+$0x0 ss:$0x81] =	vst.msk $0xffff, v63;
	s14 =	sadd.s32 s7, s14  }
0x1b: {  	[hbm4b:s14+s13] =	stream.strided.scatter [tilespmem:s15], [sflag:$0x2], $0x4000, s9, s13, $0x20;
	[tilespmem:$0x10100] =	vst v63  }
.LBB1_5:
0x1c: {  	s15 =	sadd.s32 $0x200, s10  }
0x1d: {  	s13 =	sadd.s32 $0x400, s11;
	s17 =	smov.u32 s11;
	p2 =	sgt.s32 s15, $0x3FFF  }
0x1e: {  	s17 =	smov.u32 @p2 s13  }
0x1f: {  	s15 =	smov.u32 @p2 s4;
	p2 =	sgt.s32 s17, $0x3FF  }
0x20: {  	s17 =	smov.u32 @p2 s3;
	p2 =	sne.s32 s12, s8  }
.Ltmp1:
0x21: {  	p1 =	slt.u32 s12, $0x2;
	(pc) =	sbr.rel @!p2 .LBB1_6-.Ltmp1, $4  }
0x22: {  	s16 =	simm.s32 @!p1 $0x2  }
0x23: {  	s14 =	smov.u32 s10;
	p0 =	por !p0, !p0;
	_ =	swait.ge @!p1 [sflag:s16], $0x4000  }
0x24: {  	s13 =	smov.u32 s11;
	[sflag:s16] =	ssyncset.done @!p1 $0x0;
	s10 =	smov.u32 s15  }
0x25: {  	s12 =	sadd.s32 $0x1, s12;
	[sflag:s16] =	ssyncadd.s32 @!p1 $0xFFFFC000;
	s11 =	smov.u32 s17  }
.LBB1_1:
0x26: {  	p1 =	sge.u32 s12, s6;
	s31 =	sadd.s32 $0xFFFFFFFF, s12  }
0x27: {  	s15 =	sand.u32 @!p1 $0x78, s10;
	s16 =	sshll.u32 @!p1 s11, $0xE;
	s17 =	sshll.u32 @!p1 s11, $0x7  }
0x28: {  	s18 =	sshll.u32 @!p1 s10, $0x3;
	s16 =	sand.u32 @!p1 $0xFE0000, s16;
	s17 =	sand.u32 @!p1 $0x380, s17  }
0x29: {  	s16 =	sadd.s32 @!p1 s16, s18;
	s18 =	sand.u32 @!p1 $0x3C00, s18;
	s15 =	sor.u32 @!p1 s17, s15  }
0x2a: {  	s17 =	sxor.u32 @!p1 $0xFFFFFFFF, s12;
	s16 =	sand.u32 @!p1 $0xFFC000, s16;
	s15 =	sor.u32 @!p1 s18, s15  }
0x2b: {  	s17 =	sshll.u32 @!p1 s17, $0xE;
	s15 =	sor.u32 @!p1 s16, s15;
	s16 =	sand.u32 @!p1 $0x7, s10  }
0x2c: {  	s18 =	simm.s32 @!p1 $0x20000;
	s15 =	sshrl.u32 @!p1 s15, $0x3;
	s16 =	sshll.u32 @!p1 s16, $0x12  }
0x2d: {  	s17 =	sand.u32 @!p1 $0x4000, s17;
	s15 =	sadd.s32 @!p1 s2, s15;
	s16 =	sor.u32 @!p1 $0x400, s16  }
0x2e: {  	[tilespmem:s17], [sflag:$0x1] =	stream.strided.gather @!p1 [hbm4b:s15+s16], $0x4000, s18, s16, $0x38;
	[tilespmem:$0x10100] =	vst v63  }
0x2f: {  	p1 =	sge.u32 s31, s6  }
.Ltmp2:
0x30: {  	_ = 	snop;
	(pc) =	sbr.rel @p1 .LBB1_5-.Ltmp2, $1  }
0x31: {  	_ =	sdelay $0x3  }
0x32: {  	s15 =	simm.s32 $0x1  }
0x33: {  	_ =	swait.ge [sflag:s5], $0x4000;
	s15 =	simm.s32 @!p0 $0x0  }
0x34: {  	[sflag:s5] =	ssyncset.done $0x0;
	s16 =	sshll.u32 s15, $0xE  }
0x35: {  	[sflag:s5] =	ssyncadd.s32 $0xFFFFC000;
	s18 =	sor.u32 $0x40, s16  }
0x36: {  	s15 =	smul.u32 $0x10200, s15;
	v0 =	vld [tilespmem:s18+$0x30]  }
0x37: {  	v3 =	vld [tilespmem:s18+$0xFFFFFFD0]  }
0x38: {  	s15 =	sshrl.u32 s15, $0x2;
	v4 =	vld [tilespmem:s18+$0xFFFFFFE0]  }
0x39: {  	v5 =	vld [tilespmem:s18+$0xFFFFFFF0];
	s16 =	sor.u32 $0x8000, s15  }
0x3a: {  	s31 =	sand.u32 $0x1, s12;
	v1 =	vld [tilespmem:s18+$0x0];
	s17 =	sadd.s32 $0x0, s16  }
0x3b: {  	v2 =	vld [tilespmem:s18+$0x10];
	s15 =	smul.u32 $0x10200, s31;
	[tilespmem:s17+$0x3870 ss:$0x81] =	vst.msk $0xffff, v0  }
0x3c: {  	[tilespmem:s17+$0x810 ss:$0x81] =	vst.msk $0xffff, v3;
	v3 =	vld [tilespmem:s18+$0x20]  }
0x3d: {  	s15 =	sshrl.u32 s15, $0x2;
	v0 =	vld [tilespmem:s18+$0xFFFFFFC0];
	[tilespmem:s17+$0x1020 ss:$0x81] =	vst.msk $0xffff, v4;
	s18 =	sadd.s32 $0x80, s18  }
0x3e: {  	s19 =	simm.s32 $0x4;
	s20 =	simm.s32 $0x8;
	s15 =	sor.u32 $0x8000, s15;
	[tilespmem:s17+$0x1830 ss:$0x81] =	vst.msk $0xffff, v5;
	v4 =	vld [tilespmem:s18+$0x30]  }
.LBB1_3:
0x3f: {  	p1 =	sne.s32 s20, $0x1FC;
	v5 =	vld [tilespmem:s18+$0xFFFFFFD0];
	[tilespmem:s17+$0x2040 ss:$0x81] =	vst.msk $0xffff, v1  }
0x40: {  	v6 =	vld [tilespmem:s18+$0xFFFFFFE0];
	[tilespmem:s17+$0x2850 ss:$0x81] =	vst.msk $0xffff, v2  }
0x41: {  	s21 =	sshra.s32 s19, $0x2;
	s19 =	smov.u32 s20;
	v7 =	vld [tilespmem:s18+$0xFFFFFFF0];
	[tilespmem:s17+$0x3060 ss:$0x81] =	vst.msk $0xffff, v3  }
.Ltmp3:
0x42: {  	v1 =	vld [tilespmem:s18+$0x0];
	[tilespmem:s17+$0x0 ss:$0x81] =	vst.msk $0xffff, v0;
	s17 =	sadd.s32 s21, s16;
	(pc) =	sbr.rel @p1 .LBB1_3-.Ltmp3, $4  }
0x43: {  	v2 =	vld [tilespmem:s18+$0x10];
	[tilespmem:s17+$0x3870 ss:$0x81] =	vst.msk $0xffff, v4  }
0x44: {  	[tilespmem:s17+$0x810 ss:$0x81] =	vst.msk $0xffff, v5;
	v3 =	vld [tilespmem:s18+$0x20]  }
0x45: {  	v0 =	vld [tilespmem:s18+$0xFFFFFFC0];
	[tilespmem:s17+$0x1020 ss:$0x81] =	vst.msk $0xffff, v6;
	s18 =	sadd.s32 $0x80, s18  }
0x46: {  	s20 =	sadd.s32 $0x4, s20;
	v4 =	vld [tilespmem:s18+$0x30];
	[tilespmem:s17+$0x1830 ss:$0x81] =	vst.msk $0xffff, v7  }
.Ltmp4:
0x47: {  	_ = 	snop;
	(pc) =	sbr.rel .LBB1_4-.Ltmp4, $1  }
0x48: {  	_ =	sdelay $0x3  }
.LBB1_6:
0x49: {  	_ =	sfence.sel $0x180000  }
0x4a: {  	s2 =	simm.s32 $0x1;
	[bflag:$0x0] =	sbarrier.arrive $0xFFFF  }
0x4b: {  	s31 =	simm.s32 $0x2;
	[sflag:s2] =	ssyncpa.u1 $0x1  }
0x4c: {  	[sflag:s31] =	ssyncpa.u1 $0x1  }
0x4d: {  	p0 =	sne.s32 s0, $0x0;
	_ =	strace $0x9000004A  }
0x4e: {  	s0 =	sadd.s32 @!p0 $0x100000, s1;
	[bflag:$0x2] =	sbarrier.arrive $0xFFFF  }
0x4f: {  	[sflag:s0] =	ssyncadd.tile.s32 @!p0 $0x1;
	_ =	shalt  }
.Lfunc_end1:
_tile_overlayer_lowered:
.L_overlay_start_2:
0x50: {  	(tag) =	ssettag $0x2  }
0x51: {  	s0 =	rddreg [dreg:$0x0];
	s2 =	stileid.u32  }
0x52: {  	s1 =	rddreg [dreg:$0x1];
	p0 =	sne.s32 s2, $0x0  }
0x53: {  	s3 =	rddreg [dreg:$0x2];
	[bflag:$0x3] =	sbarrier.arrive $0xFFFF;
	s2 =	simm.s32 @!p0 $0x1C01  }
0x54: {  	[timem:s3], [sflag:s2] =	dma.local @!p0 [hbm:s0], s1  }
0x55: {  	s0 =	simm.s32 @!p0 $0x1  }
0x56: {  	_ =	swait.ge @!p0 [sflag:s0], s1  }
0x57: {  	s1 =	ssub.s32 @!p0 $0x0, s1;
	[sflag:s0] =	ssyncset.done @!p0 $0x0  }
0x58: {  	[sflag:s0] =	ssyncadd.s32 @!p0 s1  }
0x59: {  	[bflag:$0x3] =	sbarrier.arrive $0xFFFF  }
0x5a: {  	_ =	shalt  }

// kernel: sparse-core-data-format-call.2.cloned.1.call-start
scs
called_computation.2_lowered:
.L_overlay_start_0:
0x0: {  	s2 =	sld [smem:$0x3FD9]  }
0x1: {  	s3 =	sld [smem:$0x3FFE];
	_ =	sdelay $0x1  }
0x2: {  	s1 =	srdreg.scid  }
0x3: {  	s0 =	sand.u32 $0x1, s1  }
0x4: {  	s16 =	sshll.u32 s0, $0xA;
	s2 =	sadd.s32 s3, s2  }
0x5: {  	s2 =	sadd.s32 s2, s16  }
0x6: {  	[smem:$0x3FC5] =	sst s2  }
0x7: {  	_ = 	snop  }
0x8: {  	s2 =	sld [smem:$0x3FD0];
	_ =	sdelay $0x2  }
0x9: {  	s17 =	simm.s32 $0xB;
	s4 =	simm.s32 $0x10  }
0xa: {  	[smem:s4], [sflag:s17] =	dma.local [hbm:s2], $0x1  }
0xb: {  	_ =	swait.eq [sflag:s17], $0x1  }
0xc: {  	[sflag:s17] =	ssyncset.done $0x0  }
0xd: {  	[sflag:s17] =	ssyncadd.s32 $0xFFFFFFFF  }
0xe: {  	s18 =	sld [smem:$0x10];
	(tm) =	ssettm $0x1  }
0xf: {  	s19 =	sld [smem:$0x3FFB];
	_ =	sdelay $0x3  }
0x10: {  	_ =	strace s19  }
0x11: {  	s2 =	sld [smem:$0x3FFC];
	_ =	sdelay $0x3  }
0x12: {  	_ =	strace s2  }
0x13: {  	s2 =	sld [smem:$0x3FFD];
	_ =	sdelay $0x3  }
0x14: {  	_ =	strace s2  }
0x15: {  	_ =	strace $0x8FFFFFFF  }
0x16: {  	s20 =	sld [smem:$0x3FDB];
	_ =	sdelay $0x1  }
0x17: {  	s21 =	simm.s32 $_scs_section_size  }
0x18: {  	s5 =	simm.s32 $_size__tile_overlayer_lowered;
	s6 =	simm.s32 $_tile_overlayer_lowered  }
0x19: {  	s7 =	simm.s32 $0x1BFF;
	s22 =	sshll.u32 s6, $0x1;
	s4 =	sadd.s32 s21, s20  }
0x1a: {  	s23 =	simm.s32 $0x0;
	s5 =	sshll.u32 s5, $0x1;
	s6 =	sadd.s32 s22, s4  }
0x1b: {  	[timem:s23], [sflag:s7] =	dma.local [hbm:s6], s5  }
0x1c: {  	_ =	swait.ge [sflag:s7], s5  }
0x1d: {  	s5 =	ssub.s32 $0x0, s5;
	[sflag:s7] =	ssyncset.done $0x0  }
0x1e: {  	[sflag:s7] =	ssyncadd.s32 s5;
	_ =	sdelay $0x1  }
0x1f: {  	s24 =	simm.s32 $0x1B8B  }
0x20: {  	_ =	swait.ge [sflag:s24], $0x1  }
0x21: {  	[sflag:s24] =	ssyncset.done $0x0  }
0x22: {  	[sflag:s24] =	ssyncadd.s32 $0xFFFFFFFF  }
0x23: {  	s5 =	sld [smem:$0x0]  }
0x24: {  	s6 =	sand.u32 $0xFFFFFFFE, s1  }
0x25: {  	p0 =	sne.s32 s1, s6  }
0x26: {  	s6 =	sshll.u32 @p0 s6, $0xE  }
0x27: {  	s6 =	sadd.s32 @p0 $0x11B8D, s6;
	s7 =	sshll.u32 @p0 s5, $0x11  }
0x28: {  	s6 =	sor.u32 @p0 s7, s6  }
0x29: {  	[sflag:s6] =	ssyncadd.remote.s32 @p0 $0x1;
	_ =	sdelay $0x1  }
0x2a: {  	s6 =	simm.s32 @p0 $0x1B8D  }
0x2b: {  	_ =	swait.eq @p0 [sflag:s6], $0x1  }
0x2c: {  	[sflag:s6] =	ssyncadd.s32 @p0 $0xFFFFFFFF  }
0x2d: {  	s7 =	sshll.u32 @!p0 s1, $0xE  }
0x2e: {  	s7 =	sor.u32 @!p0 $0x4000, s7;
	s6 =	simm.s32 @!p0 $0x1B8D  }
0x2f: {  	s5 =	sshll.u32 @!p0 s5, $0x11;
	s7 =	sadd.s32 @!p0 $0x11B8D, s7;
	_ =	swait.eq @!p0 [sflag:s6], $0x1  }
0x30: {  	s5 =	sor.u32 @!p0 s5, s7;
	[sflag:s6] =	ssyncadd.s32 @!p0 $0xFFFFFFFF  }
0x31: {  	s26 =	simm.s32 $0x1B8E;
	s25 =	sld [smem:$0x3FFE];
	[sflag:s5] =	ssyncadd.remote.s32 @!p0 $0x1  }
0x32: {  	s27 =	simm.s32 $execute0_lowered;
	[smem:$0x3FD2] =	sst s26  }
0x33: {  	s6 =	sshll.u32 s27, $0x1;
	_ =	strace $0x80000052;
	[dreg:$0x1] =	wrdreg $0xFFFFFFFF  }
0x34: {  	s28 =	simm.s32 $_size_execute0_lowered;
	s4 =	sadd.s32 s4, s6;
	[dreg:$0x0] =	wrdreg $0x0  }
0x35: {  	s6 =	sshll.u32 s28, $0x1;
	[dreg:$0x2] =	wrdreg s4  }
0x36: {  	[dreg:$0x3] =	wrdreg s6  }
0x37: {  	[dreg:$0x4] =	wrdreg $0xC0  }
0x38: {  	_ =	task [dreg:s23], $0x5FFFF  }
0x39: {  	[dreg:$0x1] =	wrdreg $0xFFFFFFFF  }
0x3a: {  	[dreg:$0x0] =	wrdreg $0x60  }
0x3b: {  	[dreg:$0x2] =	wrdreg s25  }
0x3c: {  	[dreg:$0x3] =	wrdreg s18  }
0x3d: {  	[dreg:$0x4] =	wrdreg $0xA  }
0x3e: {  	_ =	task.clear_ibuf [dreg:s23], $0x5FFFF;
	_ =	strace $0x90000052  }
0x3f: {  	s29 =	simm.s32 $0xA;
	_ =	strace $0x80000054  }
0x40: {  	_ =	swait.ge [sflag:s29], $0x1  }
0x41: {  	[sflag:s29] =	ssyncadd.s32 $0xFFFFFFFF  }
0x42: {  	_ =	strace $0x90000054  }
0x43: {  	_ =	sfence  }
0x44: {  	s30 =	sld [smem:$0x0];
	_ =	sdelay $0x2  }
0x45: {  	s31 =	sshll.u32 s1, $0xD;
	s1 =	sshrl.u32 s1, $0x2  }
0x46: {  	s4 =	sand.u32 $0x4000, s31;
	s1 =	sadd.s32 s1, s30  }
0x47: {  	s0 =	sor.u32 s4, s0;
	s1 =	sshll.u32 s1, $0x11  }
0x48: {  	s0 =	sor.u32 s1, s0  }
0x49: {  	s0 =	sadd.s32 $0x8F2B, s0  }
0x4a: {  	[sflag:s0] =	ssyncadd.remote.s32 $0x1  }
0x4b: {  	_ =	sfence.sel $0xFFFF  }
0x4c: {  	[dreg:$0x0] =	wrdreg $0xFFFFFFFF;
	(pc) =	sbr.abs _section_cstart, $3  }
0x4d: {  	[dreg:$0x1] =	wrdreg $0xFFFFFFFF  }
0x4e: {  	_ =	task.clear_ibuf [dreg:s23], $0x2FFFF;
	_ =	strace $0x9FFFFFFF  }
0x4f: {  	(tm) =	ssettm $0x7FFFFFFF  }
tec
execute0_lowered:
.L_overlay_start_1:
0x0: {  	(tag) =	ssettag $0x1  }
0x1: {  	s4 =	rddreg [dreg:$0x0]  }
0x2: {  	s0 =	stileid.u32;
	s2 =	rddreg [dreg:$0x1]  }
0x3: {  	s1 =	rddreg [dreg:$0x2];
	_ =	strace $0x80000053;
	s5 =	srdreg.scid  }
0x4: {  	s31 =	simm.s32 $0x2;
	s14 =	simm.s32 $0x0;
	s9 =	simm.s32 $0x4000  }
0x5: {  	s16 =	simm.s32 $0x0;
	s15 =	simm.s32 $0x0;
	s3 =	sshll.u32 s0, $0x7  }
0x6: {  	s10 =	simm.s32 $0x0;
	s5 =	sshll.u32 s5, $0x4;
	s3 =	sand.u32 $0x180, s3  }
0x7: {  	s13 =	simm.s32 $0x0;
	s5 =	sand.u32 $0x10, s5;
	s6 =	ssub.s32 $0x200, s3  }
0x8: {  	s4 =	sadd.s32 $0x1A00, s4;
	s5 =	sor.u32 s0, s5;
	s7 =	sand.u32 $0x180, s6  }
.Ltmp0:
0x9: {  	p0 =	sne.s32 s7, $0x0;
	s7 =	simm.s32 $0x1;
	(pc) =	sbr.rel .LBB1_1-.Ltmp0, $4  }
0xa: {  	s12 =	smov.u32 s3;
	s8 =	sshrl.u32 s6, $0x9;
	s7 =	simm.s32 @!p0 $0x0  }
0xb: {  	s5 =	sshrl.u32 s5, $0x2;
	s6 =	simm.s32 $0x1;
	s7 =	sadd.s32 s7, s8  }
0xc: {  	[sflag:s6] =	ssyncpa.u1 $0x0;
	s11 =	smov.u32 s5;
	s7 =	sshll.u32 s7, $0x5  }
0xd: {  	[sflag:s31] =	ssyncpa.u1 $0x0;
	p0 =	por $0x0, $0x0;
	s8 =	sor.u32 $0x1, s7  }
.LBB1_4:
0xe: {  	v5 =	vld [tilespmem:s19+$0xFFFFFFD0];
	[tilespmem:s20+$0x2040 ss:$0x81] =	vst.msk $0xffff, v1  }
0xf: {  	v58 =	vld [tilespmem:s19+$0xFFFFFFE0];
	[tilespmem:s20+$0x2850 ss:$0x81] =	vst.msk $0xffff, v2  }
0x10: {  	s21 =	sshra.s32 s21, $0x2;
	v59 =	vld [tilespmem:s19+$0xFFFFFFF0];
	[tilespmem:s20+$0x3060 ss:$0x81] =	vst.msk $0xffff, v3  }
0x11: {  	v60 =	vld [tilespmem:s19+$0x0];
	[tilespmem:s20+$0x0 ss:$0x81] =	vst.msk $0xffff, v0;
	s18 =	sadd.s32 s21, s18  }
0x12: {  	v61 =	vld [tilespmem:s19+$0x10];
	s25 =	sshll.u32 s16, $0x9;
	[tilespmem:s18+$0x3870 ss:$0x81] =	vst.msk $0xffff, v4  }
0x13: {  	s26 =	sshll.u32 s15, $0x3;
	v62 =	vld [tilespmem:s19+$0x20];
	s27 =	sshll.u32 s16, $0x7;
	s30 =	sand.u32 $0x78, s15;
	[tilespmem:s18+$0x810 ss:$0x81] =	vst.msk $0xffff, v5  }
0x14: {  	v63 =	vld [tilespmem:s19+$0xFFFFFFC0];
	s14 =	sshll.u32 s14, $0xB;
	s20 =	sand.u32 $0x3000, s25;
	s21 =	sand.u32 $0x3C00, s26;
	[tilespmem:s18+$0x1020 ss:$0x81] =	vst.msk $0xffff, v58  }
0x15: {  	s29 =	sand.u32 $0x200, s27;
	s16 =	sand.u32 $0x180, s27;
	s28 =	sadd.s32 s21, s20;
	[tilespmem:s18+$0x1830 ss:$0x81] =	vst.msk $0xffff, v59  }
0x16: {  	s31 =	sand.u32 $0x7, s15;
	s16 =	sor.u32 s30, s16;
	s19 =	sor.u32 s29, s28;
	[tilespmem:s18+$0x2040 ss:$0x81] =	vst.msk $0xffff, v60  }
0x17: {  	s14 =	sadd.s32 s2, s14;
	s16 =	sshrl.u32 s16, $0x3;
	s19 =	sshrl.u32 s19, $0x3;
	[tilespmem:s18+$0x2850 ss:$0x81] =	vst.msk $0xffff, v61  }
0x18: {  	s15 =	sshll.u32 s31, $0x12;
	s14 =	sadd.s32 s16, s14;
	[tilespmem:s18+$0x3060 ss:$0x81] =	vst.msk $0xffff, v62;
	s19 =	sand.u32 $0x7C0, s19  }
0x19: {  	s15 =	sor.u32 $0x80, s15;
	[tilespmem:s18+$0x0 ss:$0x81] =	vst.msk $0xffff, v63;
	s14 =	sadd.s32 s19, s14  }
0x1a: {  	[hbm4b:s14+s15] =	stream.strided.scatter [tilespmem:s17], [sflag:$0x2], $0x4000, s9, s15, $0x20;
	[tilespmem:$0x10100] =	vst v63  }
.LBB1_5:
0x1b: {  	s17 =	sadd.s32 $0x80, s10  }
0x1c: {  	s14 =	sadd.s32 $0x8, s11;
	s18 =	smov.u32 s11;
	p2 =	sgt.s32 s17, $0x3FF  }
0x1d: {  	s18 =	smov.u32 @p2 s14  }
0x1e: {  	s20 =	smov.u32 s12;
	s14 =	sadd.s32 $0x200, s12;
	p3 =	sgt.s32 s18, $0x1F  }
0x1f: {  	s20 =	smov.u32 @p3 s14  }
0x20: {  	s17 =	simm.s32 @p2 $0x0;
	p2 =	sgt.s32 s20, $0x1FF  }
0x21: {  	p1 =	slt.u32 s13, $0x2;
	s20 =	smov.u32 @p2 s3;
	p2 =	sne.s32 s13, s8  }
.Ltmp1:
0x22: {  	s19 =	simm.s32 @!p1 $0x2;
	(pc) =	sbr.rel @!p2 .LBB1_6-.Ltmp1, $4  }
0x23: {  	s16 =	smov.u32 s11;
	s15 =	smov.u32 s12;
	_ =	swait.ge @!p1 [sflag:s19], $0x4000  }
0x24: {  	p0 =	por !p0, !p0;
	[sflag:s19] =	ssyncset.done @!p1 $0x0;
	s18 =	smov.u32 @p3 s5  }
0x25: {  	s14 =	smov.u32 s10;
	[sflag:s19] =	ssyncadd.s32 @!p1 $0xFFFFC000;
	s10 =	smov.u32 s17  }
0x26: {  	s11 =	smov.u32 s18;
	s13 =	sadd.s32 $0x1, s13;
	s12 =	smov.u32 s20  }
.LBB1_1:
0x27: {  	p1 =	sge.u32 s13, s7  }
0x28: {  	s31 =	sadd.s32 $0xFFFFFFFF, s13;
	s17 =	sshll.u32 @!p1 s11, $0x7  }
0x29: {  	s18 =	sxor.u32 @!p1 $0xFFFFFFFF, s13;
	s19 =	sand.u32 @!p1 $0x78, s10;
	s20 =	sand.u32 @!p1 $0x380, s17  }
0x2a: {  	s18 =	sshll.u32 @!p1 s18, $0xE;
	s19 =	sor.u32 @!p1 s19, s20;
	s20 =	sshll.u32 @!p1 s12, $0xC  }
0x2b: {  	s17 =	sand.u32 @!p1 $0xC00, s17;
	s19 =	sshrl.u32 @!p1 s19, $0x3;
	s20 =	sadd.s32 @!p1 s4, s20  }
0x2c: {  	s17 =	sadd.s32 @!p1 s10, s17;
	s19 =	sadd.s32 @!p1 s19, s20;
	s20 =	sand.u32 @!p1 $0x7, s10  }
0x2d: {  	s18 =	sand.u32 @!p1 $0x4000, s18;
	s17 =	sand.u32 @!p1 $0xF80, s17;
	s20 =	sshll.u32 @!p1 s20, $0x12  }
0x2e: {  	s17 =	sadd.s32 @!p1 s17, s19;
	s19 =	sor.u32 @!p1 $0x80, s20;
	s20 =	simm.s32 @!p1 $0x8000  }
0x2f: {  	[tilespmem:s18], [sflag:$0x1] =	stream.strided.gather @!p1 [hbm4b:s17+s19], $0x4000, s20, s19, $0x38;
	[tilespmem:$0x10100] =	vst v63  }
0x30: {  	p1 =	sge.u32 s31, s7  }
.Ltmp2:
0x31: {  	_ = 	snop;
	(pc) =	sbr.rel @p1 .LBB1_5-.Ltmp2, $1  }
0x32: {  	_ =	sdelay $0x3  }
0x33: {  	s17 =	simm.s32 $0x1  }
0x34: {  	_ =	swait.ge [sflag:s6], $0x4000;
	s17 =	simm.s32 @!p0 $0x0  }
0x35: {  	[sflag:s6] =	ssyncset.done $0x0;
	s18 =	sshll.u32 s17, $0xE  }
0x36: {  	[sflag:s6] =	ssyncadd.s32 $0xFFFFC000;
	s19 =	sor.u32 $0x40, s18  }
0x37: {  	s17 =	smul.u32 $0x10200, s17;
	v0 =	vld [tilespmem:s19+$0x30]  }
0x38: {  	v3 =	vld [tilespmem:s19+$0xFFFFFFD0]  }
0x39: {  	s17 =	sshrl.u32 s17, $0x2;
	v4 =	vld [tilespmem:s19+$0xFFFFFFE0]  }
0x3a: {  	v5 =	vld [tilespmem:s19+$0xFFFFFFF0];
	s18 =	sor.u32 $0x8000, s17  }
0x3b: {  	s31 =	sand.u32 $0x1, s13;
	v1 =	vld [tilespmem:s19+$0x0];
	s20 =	sadd.s32 $0x0, s18  }
0x3c: {  	v2 =	vld [tilespmem:s19+$0x10];
	s17 =	smul.u32 $0x10200, s31;
	[tilespmem:s20+$0x3870 ss:$0x81] =	vst.msk $0xffff, v0  }
0x3d: {  	[tilespmem:s20+$0x810 ss:$0x81] =	vst.msk $0xffff, v3;
	v3 =	vld [tilespmem:s19+$0x20]  }
0x3e: {  	s17 =	sshrl.u32 s17, $0x2;
	v0 =	vld [tilespmem:s19+$0xFFFFFFC0];
	[tilespmem:s20+$0x1020 ss:$0x81] =	vst.msk $0xffff, v4;
	s19 =	sadd.s32 $0x80, s19  }
0x3f: {  	s21 =	simm.s32 $0x4;
	s22 =	simm.s32 $0x8;
	s17 =	sor.u32 $0x8000, s17;
	[tilespmem:s20+$0x1830 ss:$0x81] =	vst.msk $0xffff, v5;
	v4 =	vld [tilespmem:s19+$0x30]  }
.LBB1_3:
0x40: {  	p1 =	sne.s32 s22, $0x1FC;
	v5 =	vld [tilespmem:s19+$0xFFFFFFD0];
	[tilespmem:s20+$0x2040 ss:$0x81] =	vst.msk $0xffff, v1  }
0x41: {  	v6 =	vld [tilespmem:s19+$0xFFFFFFE0];
	[tilespmem:s20+$0x2850 ss:$0x81] =	vst.msk $0xffff, v2  }
0x42: {  	s23 =	sshra.s32 s21, $0x2;
	s21 =	smov.u32 s22;
	v7 =	vld [tilespmem:s19+$0xFFFFFFF0];
	[tilespmem:s20+$0x3060 ss:$0x81] =	vst.msk $0xffff, v3  }
.Ltmp3:
0x43: {  	v1 =	vld [tilespmem:s19+$0x0];
	[tilespmem:s20+$0x0 ss:$0x81] =	vst.msk $0xffff, v0;
	s20 =	sadd.s32 s23, s18;
	(pc) =	sbr.rel @p1 .LBB1_3-.Ltmp3, $4  }
0x44: {  	v2 =	vld [tilespmem:s19+$0x10];
	[tilespmem:s20+$0x3870 ss:$0x81] =	vst.msk $0xffff, v4  }
0x45: {  	[tilespmem:s20+$0x810 ss:$0x81] =	vst.msk $0xffff, v5;
	v3 =	vld [tilespmem:s19+$0x20]  }
0x46: {  	v0 =	vld [tilespmem:s19+$0xFFFFFFC0];
	[tilespmem:s20+$0x1020 ss:$0x81] =	vst.msk $0xffff, v6;
	s19 =	sadd.s32 $0x80, s19  }
0x47: {  	s22 =	sadd.s32 $0x4, s22;
	v4 =	vld [tilespmem:s19+$0x30];
	[tilespmem:s20+$0x1830 ss:$0x81] =	vst.msk $0xffff, v7  }
.Ltmp4:
0x48: {  	_ = 	snop;
	(pc) =	sbr.rel .LBB1_4-.Ltmp4, $1  }
0x49: {  	_ =	sdelay $0x3  }
.LBB1_6:
0x4a: {  	_ =	sfence.sel $0x180000  }
0x4b: {  	s2 =	simm.s32 $0x1;
	[bflag:$0x0] =	sbarrier.arrive $0xFFFF  }
0x4c: {  	s31 =	simm.s32 $0x2;
	[sflag:s2] =	ssyncpa.u1 $0x1  }
0x4d: {  	[sflag:s31] =	ssyncpa.u1 $0x1  }
0x4e: {  	p0 =	sne.s32 s0, $0x0;
	_ =	strace $0x90000053  }
0x4f: {  	s0 =	sadd.s32 @!p0 $0x100000, s1;
	[bflag:$0x2] =	sbarrier.arrive $0xFFFF  }
0x50: {  	[sflag:s0] =	ssyncadd.tile.s32 @!p0 $0x1;
	_ =	shalt  }
.Lfunc_end1:
_tile_overlayer_lowered:
.L_overlay_start_2:
0x51: {  	(tag) =	ssettag $0x2  }
0x52: {  	s0 =	rddreg [dreg:$0x0];
	s2 =	stileid.u32  }
0x53: {  	s1 =	rddreg [dreg:$0x1];
	p0 =	sne.s32 s2, $0x0  }
0x54: {  	s3 =	rddreg [dreg:$0x2];
	[bflag:$0x3] =	sbarrier.arrive $0xFFFF;
	s2 =	simm.s32 @!p0 $0x1C01  }
0x55: {  	[timem:s3], [sflag:s2] =	dma.local @!p0 [hbm:s0], s1  }
0x56: {  	s0 =	simm.s32 @!p0 $0x1  }
0x57: {  	_ =	swait.ge @!p0 [sflag:s0], s1  }
0x58: {  	s1 =	ssub.s32 @!p0 $0x0, s1;
	[sflag:s0] =	ssyncset.done @!p0 $0x0  }
0x59: {  	[sflag:s0] =	ssyncadd.s32 @!p0 s1  }
0x5a: {  	[bflag:$0x3] =	sbarrier.arrive $0xFFFF  }
0x5b: {  	_ =	shalt  }

// kernel: sparse-core-data-format-call.3.cloned.1.call-start
scs
called_computation.3_lowered:
.L_overlay_start_0:
0x0: {  	s2 =	sld [smem:$0x3FD9]  }
0x1: {  	s3 =	sld [smem:$0x3FFE];
	_ =	sdelay $0x1  }
0x2: {  	s1 =	srdreg.scid  }
0x3: {  	s0 =	sand.u32 $0x1, s1  }
0x4: {  	s16 =	sshll.u32 s0, $0xA;
	s2 =	sadd.s32 s3, s2  }
0x5: {  	s2 =	sadd.s32 s2, s16  }
0x6: {  	[smem:$0x3FC5] =	sst s2  }
0x7: {  	_ = 	snop  }
0x8: {  	s2 =	sld [smem:$0x3FD0];
	_ =	sdelay $0x2  }
0x9: {  	s17 =	simm.s32 $0xB;
	s4 =	simm.s32 $0x10  }
0xa: {  	[smem:s4], [sflag:s17] =	dma.local [hbm:s2], $0x1  }
0xb: {  	_ =	swait.eq [sflag:s17], $0x1  }
0xc: {  	[sflag:s17] =	ssyncset.done $0x0  }
0xd: {  	[sflag:s17] =	ssyncadd.s32 $0xFFFFFFFF  }
0xe: {  	s18 =	sld [smem:$0x10];
	(tm) =	ssettm $0x1  }
0xf: {  	s19 =	sld [smem:$0x3FFB];
	_ =	sdelay $0x3  }
0x10: {  	_ =	strace s19  }
0x11: {  	s2 =	sld [smem:$0x3FFC];
	_ =	sdelay $0x3  }
0x12: {  	_ =	strace s2  }
0x13: {  	s2 =	sld [smem:$0x3FFD];
	_ =	sdelay $0x3  }
0x14: {  	_ =	strace s2  }
0x15: {  	_ =	strace $0x8FFFFFFF  }
0x16: {  	s20 =	sld [smem:$0x3FDB];
	_ =	sdelay $0x1  }
0x17: {  	s21 =	simm.s32 $_scs_section_size  }
0x18: {  	s5 =	simm.s32 $_size__tile_overlayer_lowered;
	s6 =	simm.s32 $_tile_overlayer_lowered  }
0x19: {  	s7 =	simm.s32 $0x1BFF;
	s22 =	sshll.u32 s6, $0x1;
	s4 =	sadd.s32 s21, s20  }
0x1a: {  	s23 =	simm.s32 $0x0;
	s5 =	sshll.u32 s5, $0x1;
	s6 =	sadd.s32 s22, s4  }
0x1b: {  	[timem:s23], [sflag:s7] =	dma.local [hbm:s6], s5  }
0x1c: {  	_ =	swait.ge [sflag:s7], s5  }
0x1d: {  	s5 =	ssub.s32 $0x0, s5;
	[sflag:s7] =	ssyncset.done $0x0  }
0x1e: {  	[sflag:s7] =	ssyncadd.s32 s5;
	_ =	sdelay $0x1  }
0x1f: {  	s24 =	simm.s32 $0x1B8B  }
0x20: {  	_ =	swait.ge [sflag:s24], $0x1  }
0x21: {  	[sflag:s24] =	ssyncset.done $0x0  }
0x22: {  	[sflag:s24] =	ssyncadd.s32 $0xFFFFFFFF  }
0x23: {  	s5 =	sld [smem:$0x0]  }
0x24: {  	s6 =	sand.u32 $0xFFFFFFFE, s1  }
0x25: {  	p0 =	sne.s32 s1, s6  }
0x26: {  	s6 =	sshll.u32 @p0 s6, $0xE  }
0x27: {  	s6 =	sadd.s32 @p0 $0x11B8D, s6;
	s7 =	sshll.u32 @p0 s5, $0x11  }
0x28: {  	s6 =	sor.u32 @p0 s7, s6  }
0x29: {  	[sflag:s6] =	ssyncadd.remote.s32 @p0 $0x1;
	_ =	sdelay $0x1  }
0x2a: {  	s6 =	simm.s32 @p0 $0x1B8D  }
0x2b: {  	_ =	swait.eq @p0 [sflag:s6], $0x1  }
0x2c: {  	[sflag:s6] =	ssyncadd.s32 @p0 $0xFFFFFFFF  }
0x2d: {  	s7 =	sshll.u32 @!p0 s1, $0xE  }
0x2e: {  	s7 =	sor.u32 @!p0 $0x4000, s7;
	s6 =	simm.s32 @!p0 $0x1B8D  }
0x2f: {  	s5 =	sshll.u32 @!p0 s5, $0x11;
	s7 =	sadd.s32 @!p0 $0x11B8D, s7;
	_ =	swait.eq @!p0 [sflag:s6], $0x1  }
0x30: {  	s5 =	sor.u32 @!p0 s5, s7;
	[sflag:s6] =	ssyncadd.s32 @!p0 $0xFFFFFFFF  }
0x31: {  	s26 =	simm.s32 $0x1B8E;
	s25 =	sld [smem:$0x3FFE];
	[sflag:s5] =	ssyncadd.remote.s32 @!p0 $0x1  }
0x32: {  	s27 =	simm.s32 $execute0_lowered;
	[smem:$0x3FD2] =	sst s26  }
0x33: {  	s6 =	sshll.u32 s27, $0x1;
	_ =	strace $0x8000004C;
	[dreg:$0x1] =	wrdreg $0xFFFFFFFF  }
0x34: {  	s28 =	simm.s32 $_size_execute0_lowered;
	s4 =	sadd.s32 s4, s6;
	[dreg:$0x0] =	wrdreg $0x0  }
0x35: {  	s6 =	sshll.u32 s28, $0x1;
	[dreg:$0x2] =	wrdreg s4  }
0x36: {  	[dreg:$0x3] =	wrdreg s6  }
0x37: {  	[dreg:$0x4] =	wrdreg $0xC0  }
0x38: {  	_ =	task [dreg:s23], $0x5FFFF  }
0x39: {  	[dreg:$0x1] =	wrdreg $0xFFFFFFFF  }
0x3a: {  	[dreg:$0x0] =	wrdreg $0x60  }
0x3b: {  	[dreg:$0x2] =	wrdreg s18  }
0x3c: {  	[dreg:$0x3] =	wrdreg s25  }
0x3d: {  	[dreg:$0x4] =	wrdreg $0xA  }
0x3e: {  	_ =	task.clear_ibuf [dreg:s23], $0x5FFFF;
	_ =	strace $0x9000004C  }
0x3f: {  	s29 =	simm.s32 $0xA;
	_ =	strace $0x8000004E  }
0x40: {  	_ =	swait.ge [sflag:s29], $0x1  }
0x41: {  	[sflag:s29] =	ssyncadd.s32 $0xFFFFFFFF  }
0x42: {  	_ =	strace $0x9000004E  }
0x43: {  	_ =	sfence  }
0x44: {  	s30 =	sld [smem:$0x0];
	_ =	sdelay $0x2  }
0x45: {  	s31 =	sshll.u32 s1, $0xD;
	s1 =	sshrl.u32 s1, $0x2  }
0x46: {  	s4 =	sand.u32 $0x4000, s31;
	s1 =	sadd.s32 s1, s30  }
0x47: {  	s0 =	sor.u32 s4, s0;
	s1 =	sshll.u32 s1, $0x11  }
0x48: {  	s0 =	sor.u32 s1, s0  }
0x49: {  	s0 =	sadd.s32 $0x8F2B, s0  }
0x4a: {  	[sflag:s0] =	ssyncadd.remote.s32 $0x1  }
0x4b: {  	_ =	sfence.sel $0xFFFF  }
0x4c: {  	[dreg:$0x0] =	wrdreg $0xFFFFFFFF;
	(pc) =	sbr.abs _section_cstart, $3  }
0x4d: {  	[dreg:$0x1] =	wrdreg $0xFFFFFFFF  }
0x4e: {  	_ =	task.clear_ibuf [dreg:s23], $0x2FFFF;
	_ =	strace $0x9FFFFFFF  }
0x4f: {  	(tm) =	ssettm $0x7FFFFFFF  }
tec
execute0_lowered:
.L_overlay_start_1:
0x0: {  	(tag) =	ssettag $0x1  }
0x1: {  	s2 =	rddreg [dreg:$0x0];
	s0 =	stileid.u32  }
0x2: {  	s1 =	srdreg.scid;
	s7 =	rddreg [dreg:$0x1];
	s31 =	simm.s32 $0x2  }
0x3: {  	s14 =	simm.s32 $0x0;
	s13 =	simm.s32 $0x0;
	s12 =	simm.s32 $0x0  }
0x4: {  	s3 =	sshll.u32 s0, $0x7;
	s4 =	sshll.u32 s0, $0x4;
	s1 =	sshll.u32 s1, $0x8  }
0x5: {  	s3 =	sand.u32 $0x380, s3;
	s4 =	sor.u32 s4, s1;
	s1 =	rddreg [dreg:$0x2]  }
0x6: {  	_ =	strace $0x8000004D;
	s4 =	sand.u32 $0x180, s4;
	s5 =	ssub.s32 $0x400, s3  }
0x7: {  	s6 =	sand.u32 $0x380, s5;
	s8 =	ssub.s32 $0x4000, s4;
	s10 =	sshrl.u32 s5, $0xA  }
0x8: {  	p0 =	sne.s32 s6, $0x0;
	s6 =	simm.s32 $0x1;
	s9 =	sand.u32 $0x180, s8  }
0x9: {  	s6 =	simm.s32 @!p0 $0x0;
	p0 =	sne.s32 s9, $0x0;
	s9 =	simm.s32 $0x1  }
.Ltmp0:
0xa: {  	s8 =	sshrl.u32 s8, $0x9;
	s9 =	simm.s32 @!p0 $0x0;
	(pc) =	sbr.rel .LBB1_1-.Ltmp0, $4  }
0xb: {  	s5 =	simm.s32 $0x1;
	s6 =	sadd.s32 s6, s10;
	s8 =	sadd.s32 s9, s8  }
0xc: {  	s7 =	sadd.s32 $0x1A00, s7;
	[sflag:s5] =	ssyncpa.u1 $0x0;
	s6 =	smul.u32 s6, s8  }
0xd: {  	s11 =	smov.u32 s3;
	[sflag:s31] =	ssyncpa.u1 $0x0;
	p0 =	por $0x0, $0x0  }
0xe: {  	s10 =	smov.u32 s4;
	s9 =	simm.s32 $0x2000;
	s8 =	sadd.s32 $0x1, s6  }
.LBB1_4:
0xf: {  	v5 =	vld [tilespmem:s18+$0xFFFFFFD0];
	[tilespmem:s17+$0x2040 ss:$0x81] =	vst.msk $0xffff, v1  }
0x10: {  	v58 =	vld [tilespmem:s18+$0xFFFFFFE0];
	[tilespmem:s17+$0x2850 ss:$0x81] =	vst.msk $0xffff, v2  }
0x11: {  	s19 =	sshra.s32 s19, $0x2;
	v59 =	vld [tilespmem:s18+$0xFFFFFFF0];
	[tilespmem:s17+$0x3060 ss:$0x81] =	vst.msk $0xffff, v3  }
0x12: {  	v60 =	vld [tilespmem:s18+$0x0];
	[tilespmem:s17+$0x0 ss:$0x81] =	vst.msk $0xffff, v0;
	s16 =	sadd.s32 s19, s16  }
0x13: {  	v61 =	vld [tilespmem:s18+$0x10];
	[tilespmem:s16+$0x3870 ss:$0x81] =	vst.msk $0xffff, v4  }
0x14: {  	v62 =	vld [tilespmem:s18+$0x20];
	s26 =	sshll.u32 s14, $0xA;
	s27 =	sshll.u32 s13, $0x3;
	[tilespmem:s16+$0x810 ss:$0x81] =	vst.msk $0xffff, v5  }
0x15: {  	v63 =	vld [tilespmem:s18+$0xFFFFFFC0];
	s29 =	sshll.u32 s14, $0x7;
	s17 =	sand.u32 $0xFFE000, s26;
	s28 =	sand.u32 $0xFFFC00, s27;
	[tilespmem:s16+$0x1020 ss:$0x81] =	vst.msk $0xffff, v58  }
0x16: {  	s30 =	sand.u32 $0x78, s13;
	s14 =	sand.u32 $0x380, s29;
	s17 =	sadd.s32 s28, s17;
	[tilespmem:s16+$0x1830 ss:$0x81] =	vst.msk $0xffff, v59  }
0x17: {  	s14 =	sor.u32 s30, s14;
	s17 =	sand.u32 $0xFFFC00, s17;
	[tilespmem:s16+$0x2040 ss:$0x81] =	vst.msk $0xffff, v60  }
0x18: {  	s31 =	sand.u32 $0x7, s13;
	s14 =	sor.u32 s17, s14;
	[tilespmem:s16+$0x2850 ss:$0x81] =	vst.msk $0xffff, v61  }
0x19: {  	s13 =	sshll.u32 s31, $0x12;
	[tilespmem:s16+$0x3060 ss:$0x81] =	vst.msk $0xffff, v62;
	s14 =	sshrl.u32 s14, $0x3  }
0x1a: {  	s13 =	sor.u32 $0x400, s13;
	[tilespmem:s16+$0x0 ss:$0x81] =	vst.msk $0xffff, v63;
	s14 =	sadd.s32 s7, s14  }
0x1b: {  	[hbm4b:s14+s13] =	stream.strided.scatter [tilespmem:s15], [sflag:$0x2], $0x4000, s9, s13, $0x20;
	[tilespmem:$0x10100] =	vst v63  }
.LBB1_5:
0x1c: {  	s15 =	sadd.s32 $0x200, s10  }
0x1d: {  	s13 =	sadd.s32 $0x400, s11;
	s17 =	smov.u32 s11;
	p2 =	sgt.s32 s15, $0x3FFF  }
0x1e: {  	s17 =	smov.u32 @p2 s13  }
0x1f: {  	s15 =	smov.u32 @p2 s4;
	p2 =	sgt.s32 s17, $0x3FF  }
0x20: {  	s17 =	smov.u32 @p2 s3;
	p2 =	sne.s32 s12, s8  }
.Ltmp1:
0x21: {  	p1 =	slt.u32 s12, $0x2;
	(pc) =	sbr.rel @!p2 .LBB1_6-.Ltmp1, $4  }
0x22: {  	s16 =	simm.s32 @!p1 $0x2  }
0x23: {  	s14 =	smov.u32 s10;
	p0 =	por !p0, !p0;
	_ =	swait.ge @!p1 [sflag:s16], $0x4000  }
0x24: {  	s13 =	smov.u32 s11;
	[sflag:s16] =	ssyncset.done @!p1 $0x0;
	s10 =	smov.u32 s15  }
0x25: {  	s12 =	sadd.s32 $0x1, s12;
	[sflag:s16] =	ssyncadd.s32 @!p1 $0xFFFFC000;
	s11 =	smov.u32 s17  }
.LBB1_1:
0x26: {  	p1 =	sge.u32 s12, s6;
	s31 =	sadd.s32 $0xFFFFFFFF, s12  }
0x27: {  	s15 =	sand.u32 @!p1 $0x78, s10;
	s16 =	sshll.u32 @!p1 s11, $0xE;
	s17 =	sshll.u32 @!p1 s11, $0x7  }
0x28: {  	s18 =	sshll.u32 @!p1 s10, $0x3;
	s16 =	sand.u32 @!p1 $0xFE0000, s16;
	s17 =	sand.u32 @!p1 $0x380, s17  }
0x29: {  	s16 =	sadd.s32 @!p1 s16, s18;
	s18 =	sand.u32 @!p1 $0x3C00, s18;
	s15 =	sor.u32 @!p1 s17, s15  }
0x2a: {  	s17 =	sxor.u32 @!p1 $0xFFFFFFFF, s12;
	s16 =	sand.u32 @!p1 $0xFFC000, s16;
	s15 =	sor.u32 @!p1 s18, s15  }
0x2b: {  	s17 =	sshll.u32 @!p1 s17, $0xE;
	s15 =	sor.u32 @!p1 s16, s15;
	s16 =	sand.u32 @!p1 $0x7, s10  }
0x2c: {  	s18 =	simm.s32 @!p1 $0x20000;
	s15 =	sshrl.u32 @!p1 s15, $0x3;
	s16 =	sshll.u32 @!p1 s16, $0x12  }
0x2d: {  	s17 =	sand.u32 @!p1 $0x4000, s17;
	s15 =	sadd.s32 @!p1 s2, s15;
	s16 =	sor.u32 @!p1 $0x400, s16  }
0x2e: {  	[tilespmem:s17], [sflag:$0x1] =	stream.strided.gather @!p1 [hbm4b:s15+s16], $0x4000, s18, s16, $0x38;
	[tilespmem:$0x10100] =	vst v63  }
0x2f: {  	p1 =	sge.u32 s31, s6  }
.Ltmp2:
0x30: {  	_ = 	snop;
	(pc) =	sbr.rel @p1 .LBB1_5-.Ltmp2, $1  }
0x31: {  	_ =	sdelay $0x3  }
0x32: {  	s15 =	simm.s32 $0x1  }
0x33: {  	_ =	swait.ge [sflag:s5], $0x4000;
	s15 =	simm.s32 @!p0 $0x0  }
0x34: {  	[sflag:s5] =	ssyncset.done $0x0;
	s16 =	sshll.u32 s15, $0xE  }
0x35: {  	[sflag:s5] =	ssyncadd.s32 $0xFFFFC000;
	s18 =	sor.u32 $0x40, s16  }
0x36: {  	s15 =	smul.u32 $0x10200, s15;
	v0 =	vld [tilespmem:s18+$0x30]  }
0x37: {  	v3 =	vld [tilespmem:s18+$0xFFFFFFD0]  }
0x38: {  	s15 =	sshrl.u32 s15, $0x2;
	v4 =	vld [tilespmem:s18+$0xFFFFFFE0]  }
0x39: {  	v5 =	vld [tilespmem:s18+$0xFFFFFFF0];
	s16 =	sor.u32 $0x8000, s15  }
0x3a: {  	s31 =	sand.u32 $0x1, s12;
	v1 =	vld [tilespmem:s18+$0x0];
	s17 =	sadd.s32 $0x0, s16  }
0x3b: {  	v2 =	vld [tilespmem:s18+$0x10];
	s15 =	smul.u32 $0x10200, s31;
	[tilespmem:s17+$0x3870 ss:$0x81] =	vst.msk $0xffff, v0  }
0x3c: {  	[tilespmem:s17+$0x810 ss:$0x81] =	vst.msk $0xffff, v3;
	v3 =	vld [tilespmem:s18+$0x20]  }
0x3d: {  	s15 =	sshrl.u32 s15, $0x2;
	v0 =	vld [tilespmem:s18+$0xFFFFFFC0];
	[tilespmem:s17+$0x1020 ss:$0x81] =	vst.msk $0xffff, v4;
	s18 =	sadd.s32 $0x80, s18  }
0x3e: {  	s19 =	simm.s32 $0x4;
	s20 =	simm.s32 $0x8;
	s15 =	sor.u32 $0x8000, s15;
	[tilespmem:s17+$0x1830 ss:$0x81] =	vst.msk $0xffff, v5;
	v4 =	vld [tilespmem:s18+$0x30]  }
.LBB1_3:
0x3f: {  	p1 =	sne.s32 s20, $0x1FC;
	v5 =	vld [tilespmem:s18+$0xFFFFFFD0];
	[tilespmem:s17+$0x2040 ss:$0x81] =	vst.msk $0xffff, v1  }
0x40: {  	v6 =	vld [tilespmem:s18+$0xFFFFFFE0];
	[tilespmem:s17+$0x2850 ss:$0x81] =	vst.msk $0xffff, v2  }
0x41: {  	s21 =	sshra.s32 s19, $0x2;
	s19 =	smov.u32 s20;
	v7 =	vld [tilespmem:s18+$0xFFFFFFF0];
	[tilespmem:s17+$0x3060 ss:$0x81] =	vst.msk $0xffff, v3  }
.Ltmp3:
0x42: {  	v1 =	vld [tilespmem:s18+$0x0];
	[tilespmem:s17+$0x0 ss:$0x81] =	vst.msk $0xffff, v0;
	s17 =	sadd.s32 s21, s16;
	(pc) =	sbr.rel @p1 .LBB1_3-.Ltmp3, $4  }
0x43: {  	v2 =	vld [tilespmem:s18+$0x10];
	[tilespmem:s17+$0x3870 ss:$0x81] =	vst.msk $0xffff, v4  }
0x44: {  	[tilespmem:s17+$0x810 ss:$0x81] =	vst.msk $0xffff, v5;
	v3 =	vld [tilespmem:s18+$0x20]  }
0x45: {  	v0 =	vld [tilespmem:s18+$0xFFFFFFC0];
	[tilespmem:s17+$0x1020 ss:$0x81] =	vst.msk $0xffff, v6;
	s18 =	sadd.s32 $0x80, s18  }
0x46: {  	s20 =	sadd.s32 $0x4, s20;
	v4 =	vld [tilespmem:s18+$0x30];
	[tilespmem:s17+$0x1830 ss:$0x81] =	vst.msk $0xffff, v7  }
.Ltmp4:
0x47: {  	_ = 	snop;
	(pc) =	sbr.rel .LBB1_4-.Ltmp4, $1  }
0x48: {  	_ =	sdelay $0x3  }
.LBB1_6:
0x49: {  	_ =	sfence.sel $0x180000  }
0x4a: {  	s2 =	simm.s32 $0x1;
	[bflag:$0x0] =	sbarrier.arrive $0xFFFF  }
0x4b: {  	s31 =	simm.s32 $0x2;
	[sflag:s2] =	ssyncpa.u1 $0x1  }
0x4c: {  	[sflag:s31] =	ssyncpa.u1 $0x1  }
0x4d: {  	p0 =	sne.s32 s0, $0x0;
	_ =	strace $0x9000004D  }
0x4e: {  	s0 =	sadd.s32 @!p0 $0x100000, s1;
	[bflag:$0x2] =	sbarrier.arrive $0xFFFF  }
0x4f: {  	[sflag:s0] =	ssyncadd.tile.s32 @!p0 $0x1;
	_ =	shalt  }
.Lfunc_end1:
_tile_overlayer_lowered:
.L_overlay_start_2:
0x50: {  	(tag) =	ssettag $0x2  }
0x51: {  	s0 =	rddreg [dreg:$0x0];
	s2 =	stileid.u32  }
0x52: {  	s1 =	rddreg [dreg:$0x1];
	p0 =	sne.s32 s2, $0x0  }
0x53: {  	s3 =	rddreg [dreg:$0x2];
	[bflag:$0x3] =	sbarrier.arrive $0xFFFF;
	s2 =	simm.s32 @!p0 $0x1C01  }
0x54: {  	[timem:s3], [sflag:s2] =	dma.local @!p0 [hbm:s0], s1  }
0x55: {  	s0 =	simm.s32 @!p0 $0x1  }
0x56: {  	_ =	swait.ge @!p0 [sflag:s0], s1  }
0x57: {  	s1 =	ssub.s32 @!p0 $0x0, s1;
	[sflag:s0] =	ssyncset.done @!p0 $0x0  }
0x58: {  	[sflag:s0] =	ssyncadd.s32 @!p0 s1  }
0x59: {  	[bflag:$0x3] =	sbarrier.arrive $0xFFFF  }
0x5a: {  	_ =	shalt  }

// kernel: sparse-core-data-format-call.cloned.1.call-start
scs
called_computation_lowered:
.L_overlay_start_0:
0x0: {  	s2 =	sld [smem:$0x3FD9]  }
0x1: {  	s3 =	sld [smem:$0x3FFE];
	_ =	sdelay $0x1  }
0x2: {  	s1 =	srdreg.scid  }
0x3: {  	s0 =	sand.u32 $0x1, s1  }
0x4: {  	s16 =	sshll.u32 s0, $0xA;
	s2 =	sadd.s32 s3, s2  }
0x5: {  	s2 =	sadd.s32 s2, s16  }
0x6: {  	[smem:$0x3FC5] =	sst s2  }
0x7: {  	_ = 	snop  }
0x8: {  	s2 =	sld [smem:$0x3FD0];
	_ =	sdelay $0x2  }
0x9: {  	s17 =	simm.s32 $0xB;
	s4 =	simm.s32 $0x10  }
0xa: {  	[smem:s4], [sflag:s17] =	dma.local [hbm:s2], $0x1  }
0xb: {  	_ =	swait.eq [sflag:s17], $0x1  }
0xc: {  	[sflag:s17] =	ssyncset.done $0x0  }
0xd: {  	[sflag:s17] =	ssyncadd.s32 $0xFFFFFFFF  }
0xe: {  	s18 =	sld [smem:$0x11];
	(tm) =	ssettm $0x1  }
0xf: {  	s19 =	sld [smem:$0x3FFB];
	_ =	sdelay $0x3  }
0x10: {  	_ =	strace s19  }
0x11: {  	s2 =	sld [smem:$0x3FFC];
	_ =	sdelay $0x3  }
0x12: {  	_ =	strace s2  }
0x13: {  	s2 =	sld [smem:$0x3FFD];
	_ =	sdelay $0x3  }
0x14: {  	_ =	strace s2  }
0x15: {  	_ =	strace $0x8FFFFFFF  }
0x16: {  	s20 =	sld [smem:$0x3FDB];
	_ =	sdelay $0x1  }
0x17: {  	s21 =	simm.s32 $_scs_section_size  }
0x18: {  	s5 =	simm.s32 $_size__tile_overlayer_lowered;
	s6 =	simm.s32 $_tile_overlayer_lowered  }
0x19: {  	s7 =	simm.s32 $0x1BFF;
	s22 =	sshll.u32 s6, $0x1;
	s4 =	sadd.s32 s21, s20  }
0x1a: {  	s23 =	simm.s32 $0x0;
	s5 =	sshll.u32 s5, $0x1;
	s6 =	sadd.s32 s22, s4  }
0x1b: {  	[timem:s23], [sflag:s7] =	dma.local [hbm:s6], s5  }
0x1c: {  	_ =	swait.ge [sflag:s7], s5  }
0x1d: {  	s5 =	ssub.s32 $0x0, s5;
	[sflag:s7] =	ssyncset.done $0x0  }
0x1e: {  	[sflag:s7] =	ssyncadd.s32 s5;
	_ =	sdelay $0x1  }
0x1f: {  	s24 =	simm.s32 $0x1B8B  }
0x20: {  	_ =	swait.ge [sflag:s24], $0x1  }
0x21: {  	[sflag:s24] =	ssyncset.done $0x0  }
0x22: {  	[sflag:s24] =	ssyncadd.s32 $0xFFFFFFFF  }
0x23: {  	s5 =	sld [smem:$0x0]  }
0x24: {  	s6 =	sand.u32 $0xFFFFFFFE, s1  }
0x25: {  	p0 =	sne.s32 s1, s6  }
0x26: {  	s6 =	sshll.u32 @p0 s6, $0xE  }
0x27: {  	s6 =	sadd.s32 @p0 $0x11B8D, s6;
	s7 =	sshll.u32 @p0 s5, $0x11  }
0x28: {  	s6 =	sor.u32 @p0 s7, s6  }
0x29: {  	[sflag:s6] =	ssyncadd.remote.s32 @p0 $0x1;
	_ =	sdelay $0x1  }
0x2a: {  	s6 =	simm.s32 @p0 $0x1B8D  }
0x2b: {  	_ =	swait.eq @p0 [sflag:s6], $0x1  }
0x2c: {  	[sflag:s6] =	ssyncadd.s32 @p0 $0xFFFFFFFF  }
0x2d: {  	s7 =	sshll.u32 @!p0 s1, $0xE  }
0x2e: {  	s7 =	sor.u32 @!p0 $0x4000, s7;
	s6 =	simm.s32 @!p0 $0x1B8D  }
0x2f: {  	s5 =	sshll.u32 @!p0 s5, $0x11;
	s7 =	sadd.s32 @!p0 $0x11B8D, s7;
	_ =	swait.eq @!p0 [sflag:s6], $0x1  }
0x30: {  	s5 =	sor.u32 @!p0 s5, s7;
	[sflag:s6] =	ssyncadd.s32 @!p0 $0xFFFFFFFF  }
0x31: {  	s26 =	simm.s32 $0x1B8E;
	s25 =	sld [smem:$0x3FFE];
	[sflag:s5] =	ssyncadd.remote.s32 @!p0 $0x1  }
0x32: {  	s27 =	simm.s32 $execute0_lowered;
	[smem:$0x3FD2] =	sst s26  }
0x33: {  	s6 =	sshll.u32 s27, $0x1;
	_ =	strace $0x8000004F;
	[dreg:$0x1] =	wrdreg $0xFFFFFFFF  }
0x34: {  	s28 =	simm.s32 $_size_execute0_lowered;
	s4 =	sadd.s32 s4, s6;
	[dreg:$0x0] =	wrdreg $0x0  }
0x35: {  	s6 =	sshll.u32 s28, $0x1;
	[dreg:$0x2] =	wrdreg s4  }
0x36: {  	[dreg:$0x3] =	wrdreg s6  }
0x37: {  	[dreg:$0x4] =	wrdreg $0xC0  }
0x38: {  	_ =	task [dreg:s23], $0x5FFFF  }
0x39: {  	[dreg:$0x1] =	wrdreg $0xFFFFFFFF  }
0x3a: {  	[dreg:$0x0] =	wrdreg $0x60  }
0x3b: {  	[dreg:$0x2] =	wrdreg s25  }
0x3c: {  	[dreg:$0x3] =	wrdreg s18  }
0x3d: {  	[dreg:$0x4] =	wrdreg $0x9  }
0x3e: {  	_ =	task.clear_ibuf [dreg:s23], $0x5FFFF;
	_ =	strace $0x9000004F  }
0x3f: {  	s29 =	simm.s32 $0x9;
	_ =	strace $0x80000051  }
0x40: {  	_ =	swait.ge [sflag:s29], $0x1  }
0x41: {  	[sflag:s29] =	ssyncadd.s32 $0xFFFFFFFF  }
0x42: {  	_ =	strace $0x90000051  }
0x43: {  	_ =	sfence  }
0x44: {  	s30 =	sld [smem:$0x0];
	_ =	sdelay $0x2  }
0x45: {  	s31 =	sshll.u32 s1, $0xD;
	s1 =	sshrl.u32 s1, $0x2  }
0x46: {  	s4 =	sand.u32 $0x4000, s31;
	s1 =	sadd.s32 s1, s30  }
0x47: {  	s0 =	sor.u32 s4, s0;
	s1 =	sshll.u32 s1, $0x11  }
0x48: {  	s0 =	sor.u32 s1, s0  }
0x49: {  	s0 =	sadd.s32 $0x8F2B, s0  }
0x4a: {  	[sflag:s0] =	ssyncadd.remote.s32 $0x1  }
0x4b: {  	_ =	sfence.sel $0xFFFF  }
0x4c: {  	[dreg:$0x0] =	wrdreg $0xFFFFFFFF;
	(pc) =	sbr.abs _section_cstart, $3  }
0x4d: {  	[dreg:$0x1] =	wrdreg $0xFFFFFFFF  }
0x4e: {  	_ =	task.clear_ibuf [dreg:s23], $0x2FFFF;
	_ =	strace $0x9FFFFFFF  }
0x4f: {  	(tm) =	ssettm $0x7FFFFFFF  }
tec
execute0_lowered:
.L_overlay_start_1:
0x0: {  	(tag) =	ssettag $0x1  }
0x1: {  	s4 =	rddreg [dreg:$0x0]  }
0x2: {  	s0 =	stileid.u32;
	s2 =	rddreg [dreg:$0x1]  }
0x3: {  	s1 =	rddreg [dreg:$0x2];
	_ =	strace $0x80000050;
	s5 =	srdreg.scid  }
0x4: {  	s31 =	simm.s32 $0x2;
	s14 =	simm.s32 $0x0;
	s9 =	simm.s32 $0x4000  }
0x5: {  	s16 =	simm.s32 $0x0;
	s15 =	simm.s32 $0x0;
	s3 =	sshll.u32 s0, $0x7  }
0x6: {  	s10 =	simm.s32 $0x0;
	s5 =	sshll.u32 s5, $0x4;
	s3 =	sand.u32 $0x180, s3  }
0x7: {  	s13 =	simm.s32 $0x0;
	s5 =	sand.u32 $0x10, s5;
	s6 =	ssub.s32 $0x200, s3  }
0x8: {  	s4 =	sadd.s32 $0x202200, s4;
	s5 =	sor.u32 s0, s5;
	s7 =	sand.u32 $0x180, s6  }
.Ltmp0:
0x9: {  	p0 =	sne.s32 s7, $0x0;
	s7 =	simm.s32 $0x1;
	(pc) =	sbr.rel .LBB1_1-.Ltmp0, $4  }
0xa: {  	s12 =	smov.u32 s3;
	s8 =	sshrl.u32 s6, $0x9;
	s7 =	simm.s32 @!p0 $0x0  }
0xb: {  	s5 =	sshrl.u32 s5, $0x2;
	s6 =	simm.s32 $0x1;
	s7 =	sadd.s32 s7, s8  }
0xc: {  	[sflag:s6] =	ssyncpa.u1 $0x0;
	s11 =	smov.u32 s5;
	s7 =	sshll.u32 s7, $0x5  }
0xd: {  	[sflag:s31] =	ssyncpa.u1 $0x0;
	p0 =	por $0x0, $0x0;
	s8 =	sor.u32 $0x1, s7  }
.LBB1_4:
0xe: {  	v5 =	vld [tilespmem:s19+$0xFFFFFFD0];
	[tilespmem:s20+$0x2040 ss:$0x81] =	vst.msk $0xffff, v1  }
0xf: {  	v58 =	vld [tilespmem:s19+$0xFFFFFFE0];
	[tilespmem:s20+$0x2850 ss:$0x81] =	vst.msk $0xffff, v2  }
0x10: {  	s21 =	sshra.s32 s21, $0x2;
	v59 =	vld [tilespmem:s19+$0xFFFFFFF0];
	[tilespmem:s20+$0x3060 ss:$0x81] =	vst.msk $0xffff, v3  }
0x11: {  	v60 =	vld [tilespmem:s19+$0x0];
	[tilespmem:s20+$0x0 ss:$0x81] =	vst.msk $0xffff, v0;
	s18 =	sadd.s32 s21, s18  }
0x12: {  	v61 =	vld [tilespmem:s19+$0x10];
	s25 =	sshll.u32 s16, $0x9;
	[tilespmem:s18+$0x3870 ss:$0x81] =	vst.msk $0xffff, v4  }
0x13: {  	s26 =	sshll.u32 s15, $0x3;
	v62 =	vld [tilespmem:s19+$0x20];
	s27 =	sshll.u32 s16, $0x7;
	s30 =	sand.u32 $0x78, s15;
	[tilespmem:s18+$0x810 ss:$0x81] =	vst.msk $0xffff, v5  }
0x14: {  	v63 =	vld [tilespmem:s19+$0xFFFFFFC0];
	s14 =	sshll.u32 s14, $0xB;
	s20 =	sand.u32 $0x3000, s25;
	s21 =	sand.u32 $0x3C00, s26;
	[tilespmem:s18+$0x1020 ss:$0x81] =	vst.msk $0xffff, v58  }
0x15: {  	s29 =	sand.u32 $0x200, s27;
	s16 =	sand.u32 $0x180, s27;
	s28 =	sadd.s32 s21, s20;
	[tilespmem:s18+$0x1830 ss:$0x81] =	vst.msk $0xffff, v59  }
0x16: {  	s31 =	sand.u32 $0x7, s15;
	s16 =	sor.u32 s30, s16;
	s19 =	sor.u32 s29, s28;
	[tilespmem:s18+$0x2040 ss:$0x81] =	vst.msk $0xffff, v60  }
0x17: {  	s14 =	sadd.s32 s2, s14;
	s16 =	sshrl.u32 s16, $0x3;
	s19 =	sshrl.u32 s19, $0x3;
	[tilespmem:s18+$0x2850 ss:$0x81] =	vst.msk $0xffff, v61  }
0x18: {  	s15 =	sshll.u32 s31, $0x12;
	s14 =	sadd.s32 s16, s14;
	[tilespmem:s18+$0x3060 ss:$0x81] =	vst.msk $0xffff, v62;
	s19 =	sand.u32 $0x7C0, s19  }
0x19: {  	s15 =	sor.u32 $0x80, s15;
	[tilespmem:s18+$0x0 ss:$0x81] =	vst.msk $0xffff, v63;
	s14 =	sadd.s32 s19, s14  }
0x1a: {  	[hbm4b:s14+s15] =	stream.strided.scatter [tilespmem:s17], [sflag:$0x2], $0x4000, s9, s15, $0x20;
	[tilespmem:$0x10100] =	vst v63  }
.LBB1_5:
0x1b: {  	s17 =	sadd.s32 $0x80, s10  }
0x1c: {  	s14 =	sadd.s32 $0x8, s11;
	s18 =	smov.u32 s11;
	p2 =	sgt.s32 s17, $0x3FF  }
0x1d: {  	s18 =	smov.u32 @p2 s14  }
0x1e: {  	s20 =	smov.u32 s12;
	s14 =	sadd.s32 $0x200, s12;
	p3 =	sgt.s32 s18, $0x1F  }
0x1f: {  	s20 =	smov.u32 @p3 s14  }
0x20: {  	s17 =	simm.s32 @p2 $0x0;
	p2 =	sgt.s32 s20, $0x1FF  }
0x21: {  	p1 =	slt.u32 s13, $0x2;
	s20 =	smov.u32 @p2 s3;
	p2 =	sne.s32 s13, s8  }
.Ltmp1:
0x22: {  	s19 =	simm.s32 @!p1 $0x2;
	(pc) =	sbr.rel @!p2 .LBB1_6-.Ltmp1, $4  }
0x23: {  	s16 =	smov.u32 s11;
	s15 =	smov.u32 s12;
	_ =	swait.ge @!p1 [sflag:s19], $0x4000  }
0x24: {  	p0 =	por !p0, !p0;
	[sflag:s19] =	ssyncset.done @!p1 $0x0;
	s18 =	smov.u32 @p3 s5  }
0x25: {  	s14 =	smov.u32 s10;
	[sflag:s19] =	ssyncadd.s32 @!p1 $0xFFFFC000;
	s10 =	smov.u32 s17  }
0x26: {  	s11 =	smov.u32 s18;
	s13 =	sadd.s32 $0x1, s13;
	s12 =	smov.u32 s20  }
.LBB1_1:
0x27: {  	p1 =	sge.u32 s13, s7  }
0x28: {  	s31 =	sadd.s32 $0xFFFFFFFF, s13;
	s17 =	sshll.u32 @!p1 s11, $0x7  }
0x29: {  	s18 =	sxor.u32 @!p1 $0xFFFFFFFF, s13;
	s19 =	sand.u32 @!p1 $0x78, s10;
	s20 =	sand.u32 @!p1 $0x380, s17  }
0x2a: {  	s18 =	sshll.u32 @!p1 s18, $0xE;
	s19 =	sor.u32 @!p1 s19, s20;
	s20 =	sshll.u32 @!p1 s12, $0xC  }
0x2b: {  	s17 =	sand.u32 @!p1 $0xC00, s17;
	s19 =	sshrl.u32 @!p1 s19, $0x3;
	s20 =	sadd.s32 @!p1 s4, s20  }
0x2c: {  	s17 =	sadd.s32 @!p1 s10, s17;
	s19 =	sadd.s32 @!p1 s19, s20;
	s20 =	sand.u32 @!p1 $0x7, s10  }
0x2d: {  	s18 =	sand.u32 @!p1 $0x4000, s18;
	s17 =	sand.u32 @!p1 $0xF80, s17;
	s20 =	sshll.u32 @!p1 s20, $0x12  }
0x2e: {  	s17 =	sadd.s32 @!p1 s17, s19;
	s19 =	sor.u32 @!p1 $0x80, s20;
	s20 =	simm.s32 @!p1 $0x8000  }
0x2f: {  	[tilespmem:s18], [sflag:$0x1] =	stream.strided.gather @!p1 [hbm4b:s17+s19], $0x4000, s20, s19, $0x38;
	[tilespmem:$0x10100] =	vst v63  }
0x30: {  	p1 =	sge.u32 s31, s7  }
.Ltmp2:
0x31: {  	_ = 	snop;
	(pc) =	sbr.rel @p1 .LBB1_5-.Ltmp2, $1  }
0x32: {  	_ =	sdelay $0x3  }
0x33: {  	s17 =	simm.s32 $0x1  }
0x34: {  	_ =	swait.ge [sflag:s6], $0x4000;
	s17 =	simm.s32 @!p0 $0x0  }
0x35: {  	[sflag:s6] =	ssyncset.done $0x0;
	s18 =	sshll.u32 s17, $0xE  }
0x36: {  	[sflag:s6] =	ssyncadd.s32 $0xFFFFC000;
	s19 =	sor.u32 $0x40, s18  }
0x37: {  	s17 =	smul.u32 $0x10200, s17;
	v0 =	vld [tilespmem:s19+$0x30]  }
0x38: {  	v3 =	vld [tilespmem:s19+$0xFFFFFFD0]  }
0x39: {  	s17 =	sshrl.u32 s17, $0x2;
	v4 =	vld [tilespmem:s19+$0xFFFFFFE0]  }
0x3a: {  	v5 =	vld [tilespmem:s19+$0xFFFFFFF0];
	s18 =	sor.u32 $0x8000, s17  }
0x3b: {  	s31 =	sand.u32 $0x1, s13;
	v1 =	vld [tilespmem:s19+$0x0];
	s20 =	sadd.s32 $0x0, s18  }
0x3c: {  	v2 =	vld [tilespmem:s19+$0x10];
	s17 =	smul.u32 $0x10200, s31;
	[tilespmem:s20+$0x3870 ss:$0x81] =	vst.msk $0xffff, v0  }
0x3d: {  	[tilespmem:s20+$0x810 ss:$0x81] =	vst.msk $0xffff, v3;
	v3 =	vld [tilespmem:s19+$0x20]  }
0x3e: {  	s17 =	sshrl.u32 s17, $0x2;
	v0 =	vld [tilespmem:s19+$0xFFFFFFC0];
	[tilespmem:s20+$0x1020 ss:$0x81] =	vst.msk $0xffff, v4;
	s19 =	sadd.s32 $0x80, s19  }
0x3f: {  	s21 =	simm.s32 $0x4;
	s22 =	simm.s32 $0x8;
	s17 =	sor.u32 $0x8000, s17;
	[tilespmem:s20+$0x1830 ss:$0x81] =	vst.msk $0xffff, v5;
	v4 =	vld [tilespmem:s19+$0x30]  }
.LBB1_3:
0x40: {  	p1 =	sne.s32 s22, $0x1FC;
	v5 =	vld [tilespmem:s19+$0xFFFFFFD0];
	[tilespmem:s20+$0x2040 ss:$0x81] =	vst.msk $0xffff, v1  }
0x41: {  	v6 =	vld [tilespmem:s19+$0xFFFFFFE0];
	[tilespmem:s20+$0x2850 ss:$0x81] =	vst.msk $0xffff, v2  }
0x42: {  	s23 =	sshra.s32 s21, $0x2;
	s21 =	smov.u32 s22;
	v7 =	vld [tilespmem:s19+$0xFFFFFFF0];
	[tilespmem:s20+$0x3060 ss:$0x81] =	vst.msk $0xffff, v3  }
.Ltmp3:
0x43: {  	v1 =	vld [tilespmem:s19+$0x0];
	[tilespmem:s20+$0x0 ss:$0x81] =	vst.msk $0xffff, v0;
	s20 =	sadd.s32 s23, s18;
	(pc) =	sbr.rel @p1 .LBB1_3-.Ltmp3, $4  }
0x44: {  	v2 =	vld [tilespmem:s19+$0x10];
	[tilespmem:s20+$0x3870 ss:$0x81] =	vst.msk $0xffff, v4  }
0x45: {  	[tilespmem:s20+$0x810 ss:$0x81] =	vst.msk $0xffff, v5;
	v3 =	vld [tilespmem:s19+$0x20]  }
0x46: {  	v0 =	vld [tilespmem:s19+$0xFFFFFFC0];
	[tilespmem:s20+$0x1020 ss:$0x81] =	vst.msk $0xffff, v6;
	s19 =	sadd.s32 $0x80, s19  }
0x47: {  	s22 =	sadd.s32 $0x4, s22;
	v4 =	vld [tilespmem:s19+$0x30];
	[tilespmem:s20+$0x1830 ss:$0x81] =	vst.msk $0xffff, v7  }
.Ltmp4:
0x48: {  	_ = 	snop;
	(pc) =	sbr.rel .LBB1_4-.Ltmp4, $1  }
0x49: {  	_ =	sdelay $0x3  }
.LBB1_6:
0x4a: {  	_ =	sfence.sel $0x180000  }
0x4b: {  	s2 =	simm.s32 $0x1;
	[bflag:$0x0] =	sbarrier.arrive $0xFFFF  }
0x4c: {  	s31 =	simm.s32 $0x2;
	[sflag:s2] =	ssyncpa.u1 $0x1  }
0x4d: {  	[sflag:s31] =	ssyncpa.u1 $0x1  }
0x4e: {  	p0 =	sne.s32 s0, $0x0;
	_ =	strace $0x90000050  }
0x4f: {  	s0 =	sadd.s32 @!p0 $0x100000, s1;
	[bflag:$0x2] =	sbarrier.arrive $0xFFFF  }
0x50: {  	[sflag:s0] =	ssyncadd.tile.s32 @!p0 $0x1;
	_ =	shalt  }
.Lfunc_end1:
_tile_overlayer_lowered:
.L_overlay_start_2:
0x51: {  	(tag) =	ssettag $0x2  }
0x52: {  	s0 =	rddreg [dreg:$0x0];
	s2 =	stileid.u32  }
0x53: {  	s1 =	rddreg [dreg:$0x1];
	p0 =	sne.s32 s2, $0x0  }
0x54: {  	s3 =	rddreg [dreg:$0x2];
	[bflag:$0x3] =	sbarrier.arrive $0xFFFF;
	s2 =	simm.s32 @!p0 $0x1C01  }
0x55: {  	[timem:s3], [sflag:s2] =	dma.local @!p0 [hbm:s0], s1  }
0x56: {  	s0 =	simm.s32 @!p0 $0x1  }
0x57: {  	_ =	swait.ge @!p0 [sflag:s0], s1  }
0x58: {  	s1 =	ssub.s32 @!p0 $0x0, s1;
	[sflag:s0] =	ssyncset.done @!p0 $0x0  }
0x59: {  	[sflag:s0] =	ssyncadd.s32 @!p0 s1  }
0x5a: {  	[bflag:$0x3] =	sbarrier.arrive $0xFFFF  }
0x5b: {  	_ =	shalt  }

</sc_bundles>
